<compile_context>
chip_gen: v7x
topology: tpu7x:2x2x1
jax: 0.10.2.dev20260603
libtpu: 0.0.44.dev20260713+nightly
codegen_flags: <defaults>
</compile_context>

<pallas_src>
import functools

import jax
import jax.numpy as jnp
from jax import lax
from jax.experimental import pallas as pl
from jax.experimental.pallas import tpu as pltpu
from jax.experimental.pallas import tpu_sc as plsc

N = 100000
E = 1600000
F_IN = 10
HID = 32
F_OUT = 10

NC, NS = 2, 16
NW = NC * NS
NPAD = 102400
NROW = NPAD // 128
CHUNK = 128
E_PAD = 1605632
ROWS = E_PAD // CHUNK
EPW = E_PAD // NW
CPW = EPW // CHUNK
G = 4
NGROUP = CPW // G
SROWS = 49
NSTAGE = CPW // SROWS
RPT = NPAD // NS

RB = 4096
NBLK = NPAD // RB

_mesh = plsc.VectorSubcoreMesh(core_axis_name="c", subcore_axis_name="s")


def _deg_body(dst_hbm, z_hbm, hists_hbm, hist, pbuf):
    c = lax.axis_index("c")
    s = lax.axis_index("s")
    wid = c * NS + s
    pltpu.sync_copy(z_hbm, hist)
    ones = jnp.ones((16,), jnp.float32)

    def stage_body(j, carry):
        row0 = wid * CPW + j * SROWS
        pltpu.sync_copy(dst_hbm.at[pl.ds(row0, SROWS)], pbuf)

        def inner(r, carry2):
            for k in range(8):
                idx = pbuf[r, pl.ds(k * 16, 16)]
                plsc.addupdate_scatter(hist, [idx], ones)
            return carry2

        return lax.fori_loop(0, SROWS, inner, carry)

    lax.fori_loop(0, NSTAGE, stage_body, 0)
    pltpu.sync_copy(hist, hists_hbm.at[wid])


_deg_call = functools.partial(
    pl.kernel,
    out_type=jax.ShapeDtypeStruct((NW, NPAD), jnp.float32),
    mesh=_mesh,
    compiler_params=pltpu.CompilerParams(
        needs_layout_passes=False, use_tc_tiling_on_sc=False),
    scratch_types=[
        pltpu.VMEM((NPAD,), jnp.float32),
        pltpu.VMEM((SROWS, CHUNK), jnp.int32),
    ],
)(_deg_body)


def _agg_body(src_hbm, dst_hbm, table_hbm, z16_hbm, out_hbm,
              sidx, didx, rows, acc, gsem, ssem):
    c = lax.axis_index("c")
    s = lax.axis_index("s")
    wid = c * NS + s
    pltpu.sync_copy(z16_hbm.at[pl.ds(s * RPT, RPT)],
                    acc.at[pl.ds(s * RPT, RPT)])
    plsc.subcore_barrier()

    base = wid * CPW
    pltpu.sync_copy(src_hbm.at[pl.ds(base, G)], sidx.at[0])
    pltpu.sync_copy(dst_hbm.at[pl.ds(base, G)], didx.at[0])
    for g in range(G):
        pltpu.async_copy(table_hbm.at[sidx.at[0, g]], rows.at[0, g],
                         gsem.at[0])

    def group(grp, carry):
        cur = lax.rem(grp, 2)
        nxt = 1 - cur

        @pl.when(grp > 0)
        def _drain_prev_scatters():
            for g in range(G):
                pltpu.make_async_copy(rows.at[nxt, g],
                                      acc.at[didx.at[nxt, g]], ssem).wait()

        @pl.when(grp < NGROUP - 1)
        def _prefetch():
            row0 = base + (grp + 1) * G
            pltpu.sync_copy(src_hbm.at[pl.ds(row0, G)], sidx.at[nxt])
            pltpu.sync_copy(dst_hbm.at[pl.ds(row0, G)], didx.at[nxt])
            for g in range(G):
                pltpu.async_copy(table_hbm.at[sidx.at[nxt, g]],
                                 rows.at[nxt, g], gsem.at[nxt])

        for g in range(G):
            pltpu.make_async_copy(table_hbm.at[sidx.at[cur, g]],
                                  rows.at[cur, g], gsem.at[cur]).wait()
            pltpu.async_copy(rows.at[cur, g], acc.at[didx.at[cur, g]],
                             ssem, add=True)
        return carry

    lax.fori_loop(0, NGROUP, group, 0)
    last = lax.rem(NGROUP - 1, 2)
    for g in range(G):
        pltpu.make_async_copy(rows.at[last, g],
                              acc.at[didx.at[last, g]], ssem).wait()
    plsc.subcore_barrier()
    pltpu.sync_copy(acc.at[pl.ds(s * RPT, RPT)],
                    out_hbm.at[c, pl.ds(s * RPT, RPT)])


_agg_call = functools.partial(
    pl.kernel,
    out_type=jax.ShapeDtypeStruct((NC, NPAD, 16), jnp.float32),
    mesh=_mesh,
    compiler_params=pltpu.CompilerParams(use_tc_tiling_on_sc=False),
    scratch_types=[
        pltpu.VMEM((2, G, CHUNK), jnp.int32),
        pltpu.VMEM((2, G, CHUNK), jnp.int32),
        pltpu.VMEM((2, G, CHUNK, 16), jnp.float32),
        pltpu.VMEM_SHARED((NPAD, 16), jnp.float32),
        pltpu.SemaphoreType.DMA((2,)),
        pltpu.SemaphoreType.DMA,
    ],
)(_agg_body)


def _expand_body(dinv_hbm, dd16_hbm, dd32a_hbm, dd32b_hbm, dbuf, d16, d32):
    c = lax.axis_index("c")
    s = lax.axis_index("s")
    wid = c * NS + s
    npt = NPAD // NW
    half = npt // 2

    for hf in range(2):
        base = wid * npt + hf * half
        pltpu.sync_copy(dinv_hbm.at[pl.ds(base, half)], dbuf)

        def node16(i, carry):
            for j in range(16):
                k = i * 16 + j
                bb = plsc.load_gather(dbuf, [jnp.full((16,), k, jnp.int32)])
                d16[k] = bb
                r = k // 8
                jj = j % 8
                if jj < 4:
                    d32[0, r, pl.ds(jj * 32, 16)] = bb
                    d32[0, r, pl.ds(jj * 32 + 16, 16)] = bb
                else:
                    d32[1, r, pl.ds((jj - 4) * 32, 16)] = bb
                    d32[1, r, pl.ds((jj - 4) * 32 + 16, 16)] = bb
            return carry

        lax.fori_loop(0, half // 16, node16, 0)
        pltpu.sync_copy(d16, dd16_hbm.at[pl.ds(base, half)])
        pltpu.sync_copy(d32.at[0], dd32a_hbm.at[pl.ds(base // 8, half // 8)])
        pltpu.sync_copy(d32.at[1], dd32b_hbm.at[pl.ds(base // 8, half // 8)])


_expand_call = functools.partial(
    pl.kernel,
    out_type=(jax.ShapeDtypeStruct((NPAD, 16), jnp.float32),
              jax.ShapeDtypeStruct((NROW * 16, 128), jnp.float32),
              jax.ShapeDtypeStruct((NROW * 16, 128), jnp.float32)),
    mesh=_mesh,
    compiler_params=pltpu.CompilerParams(
        needs_layout_passes=False, use_tc_tiling_on_sc=False),
    scratch_types=[
        pltpu.VMEM((NPAD // NW // 2,), jnp.float32),
        pltpu.VMEM((NPAD // NW // 2, 16), jnp.float32),
        pltpu.VMEM((2, NPAD // NW // 16, 128), jnp.float32),
    ],
)(_expand_body)


def _prescale_body(hists_ref, featt_ref, pre1_ref, dinv_ref):
    deg = jnp.sum(hists_ref[...], axis=0, keepdims=True) + 1.0
    dinvr = lax.rsqrt(deg)
    dinv_ref[...] = dinvr
    dcol = dinvr.T
    f = featt_ref[...].T
    pre1_ref[...] = jnp.concatenate(
        [f * dcol, jnp.zeros((RB, 16 - F_IN), jnp.float32)], axis=1)


_prescale_call = pl.pallas_call(
    _prescale_body,
    grid=(NBLK,),
    in_specs=[
        pl.BlockSpec((NW, RB), lambda i: (0, i)),
        pl.BlockSpec((F_IN, RB), lambda i: (0, i)),
    ],
    out_specs=[
        pl.BlockSpec((RB, 16), lambda i: (i, 0)),
        pl.BlockSpec((1, RB), lambda i: (0, i)),
    ],
    out_shape=[
        jax.ShapeDtypeStruct((NPAD, 16), jnp.float32),
        jax.ShapeDtypeStruct((1, NPAD), jnp.float32),
    ],
)


DB = RB // 8


def _mid_body(aggp_ref, pre1_ref, dd32a_ref, dd32b_ref, dd16_ref,
              wb1_ref, b1t_ref, wb2_ref, pre2_ref):
    a = aggp_ref[0] + aggp_ref[1] + pre1_ref[...]
    t = jnp.dot(a, wb1_ref[...], preferred_element_type=jnp.float32)
    b1t = b1t_ref[...]
    ha = jnp.maximum(t[:, :128] * dd32a_ref[...] + b1t[:, :128], 0.0)
    hb = jnp.maximum(t[:, 128:] * dd32b_ref[...] + b1t[:, 128:], 0.0)
    h = jnp.concatenate([ha, hb], axis=1)
    hw = jnp.dot(h, wb2_ref[...], preferred_element_type=jnp.float32)
    pre2_ref[...] = hw * dd16_ref[...]


_mid_call = pl.pallas_call(
    _mid_body,
    grid=(NBLK,),
    in_specs=[
        pl.BlockSpec((NC, DB, 128), lambda i: (0, i, 0)),
        pl.BlockSpec((DB, 128), lambda i: (i, 0)),
        pl.BlockSpec((DB, 128), lambda i: (i, 0)),
        pl.BlockSpec((DB, 128), lambda i: (i, 0)),
        pl.BlockSpec((DB, 128), lambda i: (i, 0)),
        pl.BlockSpec((128, 256), lambda i: (0, 0)),
        pl.BlockSpec((1, 256), lambda i: (0, 0)),
        pl.BlockSpec((256, 128), lambda i: (0, 0)),
    ],
    out_specs=pl.BlockSpec((DB, 128), lambda i: (i, 0)),
    out_shape=jax.ShapeDtypeStruct((NROW * 16, 128), jnp.float32),
)


def _final_body(aggp_ref, pre2_ref, dd16_ref, b2t_ref, out_ref):
    a = aggp_ref[0] + aggp_ref[1] + pre2_ref[...]
    out_ref[...] = a * dd16_ref[...] + b2t_ref[...]


_final_call = pl.pallas_call(
    _final_body,
    grid=(NBLK,),
    in_specs=[
        pl.BlockSpec((NC, DB, 128), lambda i: (0, i, 0)),
        pl.BlockSpec((DB, 128), lambda i: (i, 0)),
        pl.BlockSpec((DB, 128), lambda i: (i, 0)),
        pl.BlockSpec((1, 128), lambda i: (0, 0)),
    ],
    out_specs=pl.BlockSpec((DB, 128), lambda i: (i, 0)),
    out_shape=jax.ShapeDtypeStruct((NROW * 16, 128), jnp.float32),
)


def _outt_body(o_ref, out_ref):
    out_ref[...] = o_ref[...][:, :F_OUT].T


_outt_call = pl.pallas_call(
    _outt_body,
    grid=(NBLK,),
    in_specs=[pl.BlockSpec((RB, 16), lambda i: (i, 0))],
    out_specs=pl.BlockSpec((F_OUT, RB), lambda i: (0, i)),
    out_shape=jax.ShapeDtypeStruct((F_OUT, N), jnp.float32),
)


def kernel(features, edge_index, W1, b1, W2, b2):
    padv = jnp.full((E_PAD - E,), N, jnp.int32)
    e32 = edge_index.astype(jnp.int32)
    src2d = jnp.concatenate([e32[0], padv]).reshape(ROWS, CHUNK)
    dst2d = jnp.concatenate([e32[1], padv]).reshape(ROWS, CHUNK)
    z1 = jnp.zeros((NPAD,), jnp.float32)
    z16 = jnp.zeros((NPAD, 16), jnp.float32)
    feat_t = features.T
    w1p = jnp.pad(W1, ((0, 16 - F_IN), (0, 0)))
    w2p = jnp.pad(W2, ((0, 0), (0, 16 - F_OUT)))
    wb1 = jnp.kron(jnp.eye(8, dtype=jnp.float32), w1p)
    wb2 = jnp.kron(jnp.eye(8, dtype=jnp.float32), w2p)
    b1t = jnp.tile(b1, 8).reshape(1, 256)
    b2t = jnp.tile(jnp.pad(b2, (0, 16 - F_OUT)), 8).reshape(1, 128)

    hists = _deg_call(dst2d, z1)
    pre1, dinv = _prescale_call(hists, feat_t)
    dd16, dd32a, dd32b = _expand_call(dinv.reshape(NPAD))
    dd16d = dd16.reshape(NROW * 16, 128)
    pre1_lin = pre1.reshape(NPAD * 16)
    agg1p = _agg_call(src2d, dst2d, pre1_lin.reshape(NPAD, 16), z16)
    pre2d = _mid_call(agg1p.reshape(NC, NROW * 16, 128),
                      pre1_lin.reshape(NROW * 16, 128),
                      dd32a, dd32b, dd16d, wb1, b1t, wb2)
    agg2p = _agg_call(src2d, dst2d, pre2d.reshape(NPAD, 16), z16)
    outd = _final_call(agg2p.reshape(NC, NROW * 16, 128),
                       pre2d, dd16d, b2t)
    out_t = _outt_call(outd.reshape(NPAD, 16))
    return out_t.T

# --- scband reference (transcript-rebuilt; emitter-appended) ---
"""Pipeline reference for scband-gnnmodel-18193481466190 (READ-ONLY COPY).

The authoritative reference and input builder live on the scoring server;
editing this copy changes nothing except your own understanding.
"""

import jax, jax.numpy as jnp
import numpy as np

N_NODES = 100000
N_EDGES = 1600000
IN_FEATS = 10
HIDDEN = 32
NUM_CLASSES = 10


def setup_inputs(seed: int = 0) -> dict:
    key = jax.random.key(seed)
    k1, k2, k3, k4, k5, k6 = jax.random.split(key, 6)
    features = jax.random.normal(k1, (N_NODES, IN_FEATS), dtype=jnp.float32)
    edge_index = jax.random.randint(k2, (2, N_EDGES), 0, N_NODES, dtype=jnp.int64)
    # GCN layer 1 params (Glorot-style scale)
    W1 = jax.random.normal(k3, (IN_FEATS, HIDDEN), dtype=jnp.float32) * (1.0 / np.sqrt(IN_FEATS))
    b1 = jnp.zeros((HIDDEN,), dtype=jnp.float32)
    # GCN layer 2 params
    W2 = jax.random.normal(k4, (HIDDEN, NUM_CLASSES), dtype=jnp.float32) * (1.0 / np.sqrt(HIDDEN))
    b2 = jnp.zeros((NUM_CLASSES,), dtype=jnp.float32)
    return {"features": features, "edge_index": edge_index, "W1": W1, "b1": b1, "W2": W2, "b2": b2}


def _gcn_conv(x, src, dst, dinv_sqrt, W, b, n_nodes):
    # h = D^{-1/2} A_hat D^{-1/2} X W + b   (A_hat includes self-loops)
    xw = x @ W
    msg = jnp.take(xw, src, axis=0) * dinv_sqrt[src][:, None]
    agg = jnp.zeros((n_nodes, xw.shape[1]), dtype=xw.dtype).at[dst].add(msg)
    return agg * dinv_sqrt[:, None] + b


def reference(features, edge_index, W1, b1, W2, b2):
    n_nodes = features.shape[0]
    loop = jnp.arange(n_nodes, dtype=edge_index.dtype)
    src = jnp.concatenate([edge_index[0], loop])
    dst = jnp.concatenate([edge_index[1], loop])
    deg = jnp.zeros((n_nodes,), dtype=jnp.float32).at[dst].add(1.0)
    dinv_sqrt = jnp.where(deg > 0, 1.0 / jnp.sqrt(deg), 0.0)
    h = _gcn_conv(features, src, dst, dinv_sqrt, W1, b1, n_nodes)
    h = jax.nn.relu(h)
    h = _gcn_conv(h, src, dst, dinv_sqrt, W2, b2, n_nodes)
    return h

if __name__ == "__main__":
    import jax
    _d = setup_inputs()
    print(jax.jit(kernel)(*tuple(_d.values())))

</pallas_src>

<mosaic_0001>
#map = affine_map<(d0, d1) -> (0, 0)>
#map1 = affine_map<(d0, d1) -> (0, 0, 0)>
module attributes {stable_mosaic.version = 14 : i64} {
  func.func @_agg_body(%arg0: i32, %arg1: i32, %arg2: memref<12544x128xi32, #tpu.memory_space<hbm>>, %arg3: memref<12544x128xi32, #tpu.memory_space<hbm>>, %arg4: memref<102400x16xf32, #tpu.memory_space<hbm>>, %arg5: memref<102400x16xf32, #tpu.memory_space<hbm>>, %arg6: memref<2x102400x16xf32, #tpu.memory_space<hbm>>, %arg7: memref<2x4x128xi32, #tpu.memory_space<vmem>>, %arg8: memref<2x4x128xi32, #tpu.memory_space<vmem>>, %arg9: memref<2x4x128x16xf32, #tpu.memory_space<vmem>>, %arg10: memref<102400x16xf32, #tpu.memory_space<vmem_shared>>, %arg11: memref<2x!tpu.dma_semaphore, #tpu.memory_space<semaphore_mem>>, %arg12: memref<!tpu.dma_semaphore, #tpu.memory_space<semaphore_mem>>) attributes {dimension_semantics = [#tpu.dimension_semantics<core_parallel>, #tpu.dimension_semantics<subcore_parallel>], iteration_bounds = array<i64: 2, 16>, scalar_prefetch = 0 : i64, scratch_operands = 6 : i64, tpu.core_type = #tpu.core_type<sc_vector_subcore>, window_params = [{transform_indices = #map}, {transform_indices = #map}, {transform_indices = #map}, {transform_indices = #map}, {transform_indices = #map1}]} {
    %mul3A = arith.constant 16 : i32
    %mul3A_0 = arith.muli %arg0, %mul3A : i32
    %add3A = arith.addi %mul3A_0, %arg1 : i32
    %mul3A_1 = arith.constant 6400 : i32
    %mul3A_2 = arith.muli %arg1, %mul3A_1 : i32
    %mul3A_3 = arith.constant 6400 : i32
    %mul3A_4 = arith.muli %arg1, %mul3A_3 : i32
    "tpu.region"() ({
      %run_scoped3A_134 = tpu.sem_alloc : memref<!tpu.dma_semaphore, #tpu.memory_space<semaphore_mem>>
      %dma_start3A_135 = arith.constant 0 : i32
      %dma_start3A_136 = tpu.memref_slice %arg10[%mul3A_4, %dma_start3A_135] : memref<102400x16xf32, #tpu.memory_space<vmem_shared>> -> memref<6400x16xf32, #tpu.memory_space<vmem_shared>>
      %dma_start3A_137 = arith.constant 0 : i32
      %dma_start3A_138 = tpu.memref_slice %arg5[%mul3A_2, %dma_start3A_137] : memref<102400x16xf32, #tpu.memory_space<hbm>> -> memref<6400x16xf32, #tpu.memory_space<hbm>>
      tpu.enqueue_dma source(%dma_start3A_138 : memref<6400x16xf32, #tpu.memory_space<hbm>>) target(%dma_start3A_136 : memref<6400x16xf32, #tpu.memory_space<vmem_shared>>) target_semaphore(%run_scoped3A_134 : memref<!tpu.dma_semaphore, #tpu.memory_space<semaphore_mem>>)
      %dma_wait3A_139 = arith.constant 0 : i32
      %dma_wait3A_140 = tpu.memref_slice %arg10[%mul3A_4, %dma_wait3A_139] : memref<102400x16xf32, #tpu.memory_space<vmem_shared>> -> memref<6400x16xf32, #tpu.memory_space<vmem_shared>>
      %dma_wait3A_141 = arith.constant 0 : i32
      %dma_wait3A_142 = tpu.memref_slice %arg5[%mul3A_2, %dma_wait3A_141] : memref<102400x16xf32, #tpu.memory_space<hbm>> -> memref<6400x16xf32, #tpu.memory_space<hbm>>
      tpu.wait_dma2 semaphore(%run_scoped3A_134 : memref<!tpu.dma_semaphore, #tpu.memory_space<semaphore_mem>>) src(%dma_wait3A_142 : memref<6400x16xf32, #tpu.memory_space<hbm>>) dst(%dma_wait3A_140 : memref<6400x16xf32, #tpu.memory_space<vmem_shared>>)
      tpu.yield
    }) : () -> ()
    %barrier3A = arith.constant 0 : index
    tpu.barrier barrier_id(%barrier3A)
    %mul3A_5 = arith.constant 392 : i32
    %mul3A_6 = arith.muli %add3A, %mul3A_5 : i32
    %run_scoped3A = arith.constant 0 : i32
    "tpu.region"() ({
      %run_scoped3A_134 = tpu.sem_alloc : memref<!tpu.dma_semaphore, #tpu.memory_space<semaphore_mem>>
      %dma_start3A_135 = arith.constant 0 : i32
      %dma_start3A_136 = arith.constant 0 : i32
      %dma_start3A_137 = tpu.memref_slice %arg7[%run_scoped3A, %dma_start3A_135, %dma_start3A_136] : memref<2x4x128xi32, #tpu.memory_space<vmem>> -> memref<1x4x128xi32, #tpu.memory_space<vmem>>
      %dma_start3A_138 = tpu.memref_squeeze %dma_start3A_137 : memref<1x4x128xi32, #tpu.memory_space<vmem>> -> memref<4x128xi32, #tpu.memory_space<vmem>>
      %dma_start3A_139 = arith.constant 0 : i32
      %dma_start3A_140 = tpu.memref_slice %arg2[%mul3A_6, %dma_start3A_139] : memref<12544x128xi32, #tpu.memory_space<hbm>> -> memref<4x128xi32, #tpu.memory_space<hbm>>
      %dma_start3A_141 = arith.constant 0 : i32
      %dma_start3A_142 = arith.constant 0 : i32
      %dma_start3A_143 = tpu.memref_slice %arg7[%run_scoped3A, %dma_start3A_141, %dma_start3A_142] : memref<2x4x128xi32, #tpu.memory_space<vmem>> -> memref<1x4x128xi32, #tpu.memory_space<vmem>>
      %dma_start3A_144 = tpu.memref_squeeze %dma_start3A_143 : memref<1x4x128xi32, #tpu.memory_space<vmem>> -> memref<4x128xi32, #tpu.memory_space<vmem>>
      %dma_start3A_145 = arith.constant 0 : i32
      %dma_start3A_146 = tpu.memref_slice %arg2[%mul3A_6, %dma_start3A_145] : memref<12544x128xi32, #tpu.memory_space<hbm>> -> memref<4x128xi32, #tpu.memory_space<hbm>>
      tpu.enqueue_dma source(%dma_start3A_146 : memref<4x128xi32, #tpu.memory_space<hbm>>) target(%dma_start3A_144 : memref<4x128xi32, #tpu.memory_space<vmem>>) target_semaphore(%run_scoped3A_134 : memref<!tpu.dma_semaphore, #tpu.memory_space<semaphore_mem>>)
      %dma_wait3A_147 = arith.constant 0 : i32
      %dma_wait3A_148 = arith.constant 0 : i32
      %dma_wait3A_149 = tpu.memref_slice %arg7[%run_scoped3A, %dma_wait3A_147, %dma_wait3A_148] : memref<2x4x128xi32, #tpu.memory_space<vmem>> -> memref<1x4x128xi32, #tpu.memory_space<vmem>>
      %dma_wait3A_150 = tpu.memref_squeeze %dma_wait3A_149 : memref<1x4x128xi32, #tpu.memory_space<vmem>> -> memref<4x128xi32, #tpu.memory_space<vmem>>
      %dma_wait3A_151 = arith.constant 0 : i32
      %dma_wait3A_152 = tpu.memref_slice %arg2[%mul3A_6, %dma_wait3A_151] : memref<12544x128xi32, #tpu.memory_space<hbm>> -> memref<4x128xi32, #tpu.memory_space<hbm>>
      %dma_wait3A_153 = arith.constant 0 : i32
      %dma_wait3A_154 = arith.constant 0 : i32
      %dma_wait3A_155 = tpu.memref_slice %arg7[%run_scoped3A, %dma_wait3A_153, %dma_wait3A_154] : memref<2x4x128xi32, #tpu.memory_space<vmem>> -> memref<1x4x128xi32, #tpu.memory_space<vmem>>
      %dma_wait3A_156 = tpu.memref_squeeze %dma_wait3A_155 : memref<1x4x128xi32, #tpu.memory_space<vmem>> -> memref<4x128xi32, #tpu.memory_space<vmem>>
      %dma_wait3A_157 = arith.constant 0 : i32
      %dma_wait3A_158 = tpu.memref_slice %arg2[%mul3A_6, %dma_wait3A_157] : memref<12544x128xi32, #tpu.memory_space<hbm>> -> memref<4x128xi32, #tpu.memory_space<hbm>>
      tpu.wait_dma2 semaphore(%run_scoped3A_134 : memref<!tpu.dma_semaphore, #tpu.memory_space<semaphore_mem>>) src(%dma_wait3A_158 : memref<4x128xi32, #tpu.memory_space<hbm>>) dst(%dma_wait3A_156 : memref<4x128xi32, #tpu.memory_space<vmem>>)
      tpu.yield
    }) : () -> ()
    %run_scoped3A_7 = arith.constant 0 : i32
    "tpu.region"() ({
      %run_scoped3A_134 = tpu.sem_alloc : memref<!tpu.dma_semaphore, #tpu.memory_space<semaphore_mem>>
      %dma_start3A_135 = arith.constant 0 : i32
      %dma_start3A_136 = arith.constant 0 : i32
      %dma_start3A_137 = tpu.memref_slice %arg8[%run_scoped3A_7, %dma_start3A_135, %dma_start3A_136] : memref<2x4x128xi32, #tpu.memory_space<vmem>> -> memref<1x4x128xi32, #tpu.memory_space<vmem>>
      %dma_start3A_138 = tpu.memref_squeeze %dma_start3A_137 : memref<1x4x128xi32, #tpu.memory_space<vmem>> -> memref<4x128xi32, #tpu.memory_space<vmem>>
      %dma_start3A_139 = arith.constant 0 : i32
      %dma_start3A_140 = tpu.memref_slice %arg3[%mul3A_6, %dma_start3A_139] : memref<12544x128xi32, #tpu.memory_space<hbm>> -> memref<4x128xi32, #tpu.memory_space<hbm>>
      %dma_start3A_141 = arith.constant 0 : i32
      %dma_start3A_142 = arith.constant 0 : i32
      %dma_start3A_143 = tpu.memref_slice %arg8[%run_scoped3A_7, %dma_start3A_141, %dma_start3A_142] : memref<2x4x128xi32, #tpu.memory_space<vmem>> -> memref<1x4x128xi32, #tpu.memory_space<vmem>>
      %dma_start3A_144 = tpu.memref_squeeze %dma_start3A_143 : memref<1x4x128xi32, #tpu.memory_space<vmem>> -> memref<4x128xi32, #tpu.memory_space<vmem>>
      %dma_start3A_145 = arith.constant 0 : i32
      %dma_start3A_146 = tpu.memref_slice %arg3[%mul3A_6, %dma_start3A_145] : memref<12544x128xi32, #tpu.memory_space<hbm>> -> memref<4x128xi32, #tpu.memory_space<hbm>>
      tpu.enqueue_dma source(%dma_start3A_146 : memref<4x128xi32, #tpu.memory_space<hbm>>) target(%dma_start3A_144 : memref<4x128xi32, #tpu.memory_space<vmem>>) target_semaphore(%run_scoped3A_134 : memref<!tpu.dma_semaphore, #tpu.memory_space<semaphore_mem>>)
      %dma_wait3A_147 = arith.constant 0 : i32
      %dma_wait3A_148 = arith.constant 0 : i32
      %dma_wait3A_149 = tpu.memref_slice %arg8[%run_scoped3A_7, %dma_wait3A_147, %dma_wait3A_148] : memref<2x4x128xi32, #tpu.memory_space<vmem>> -> memref<1x4x128xi32, #tpu.memory_space<vmem>>
      %dma_wait3A_150 = tpu.memref_squeeze %dma_wait3A_149 : memref<1x4x128xi32, #tpu.memory_space<vmem>> -> memref<4x128xi32, #tpu.memory_space<vmem>>
      %dma_wait3A_151 = arith.constant 0 : i32
      %dma_wait3A_152 = tpu.memref_slice %arg3[%mul3A_6, %dma_wait3A_151] : memref<12544x128xi32, #tpu.memory_space<hbm>> -> memref<4x128xi32, #tpu.memory_space<hbm>>
      %dma_wait3A_153 = arith.constant 0 : i32
      %dma_wait3A_154 = arith.constant 0 : i32
      %dma_wait3A_155 = tpu.memref_slice %arg8[%run_scoped3A_7, %dma_wait3A_153, %dma_wait3A_154] : memref<2x4x128xi32, #tpu.memory_space<vmem>> -> memref<1x4x128xi32, #tpu.memory_space<vmem>>
      %dma_wait3A_156 = tpu.memref_squeeze %dma_wait3A_155 : memref<1x4x128xi32, #tpu.memory_space<vmem>> -> memref<4x128xi32, #tpu.memory_space<vmem>>
      %dma_wait3A_157 = arith.constant 0 : i32
      %dma_wait3A_158 = tpu.memref_slice %arg3[%mul3A_6, %dma_wait3A_157] : memref<12544x128xi32, #tpu.memory_space<hbm>> -> memref<4x128xi32, #tpu.memory_space<hbm>>
      tpu.wait_dma2 semaphore(%run_scoped3A_134 : memref<!tpu.dma_semaphore, #tpu.memory_space<semaphore_mem>>) src(%dma_wait3A_158 : memref<4x128xi32, #tpu.memory_space<hbm>>) dst(%dma_wait3A_156 : memref<4x128xi32, #tpu.memory_space<vmem>>)
      tpu.yield
    }) : () -> ()
    %dma_start3A = arith.constant 0 : i32
    %dma_start3A_8 = arith.constant 0 : i32
    %dma_start3A_9 = arith.constant 0 : i32
    %dma_start3A_10 = arith.constant 0 : i32
    %dma_start3A_11 = arith.constant 0 : i32
    %dma_start3A_12 = arith.constant 0 : i32
    %dma_start3A_13 = arith.constant 0 : i32
    %dma_start3A_14 = tpu.memref_slice %arg9[%dma_start3A_9, %dma_start3A_10, %dma_start3A_12, %dma_start3A_13] : memref<2x4x128x16xf32, #tpu.memory_space<vmem>> -> memref<1x1x128x16xf32, #tpu.memory_space<vmem>>
    %dma_start3A_15 = tpu.memref_squeeze %dma_start3A_14 : memref<1x1x128x16xf32, #tpu.memory_space<vmem>> -> memref<128x16xf32, #tpu.memory_space<vmem>>
    %dma_start3A_16 = arith.constant 0 : i32
    %dma_start3A_17 = tpu.memref_slice %arg7[%dma_start3A, %dma_start3A_8, %dma_start3A_16] : memref<2x4x128xi32, #tpu.memory_space<vmem>> -> memref<1x1x128xi32, #tpu.memory_space<vmem>>
    %dma_start3A_18 = tpu.memref_squeeze %dma_start3A_17 : memref<1x1x128xi32, #tpu.memory_space<vmem>> -> memref<128xi32, #tpu.memory_space<vmem>>
    %dma_start3A_19 = arith.constant 0 : i32
    %dma_start3A_20 = arith.constant 0 : i32
    %dma_start3A_21 = tpu.memref_slice %arg4[%dma_start3A_19, %dma_start3A_20] : memref<102400x16xf32, #tpu.memory_space<hbm>> -> memref<102400x16xf32, #tpu.memory_space<hbm>>
    %dma_start3A_22 = tpu.memref_slice %arg11[%dma_start3A_11] : memref<2x!tpu.dma_semaphore, #tpu.memory_space<semaphore_mem>> -> memref<1x!tpu.dma_semaphore, #tpu.memory_space<semaphore_mem>>
    %dma_start3A_23 = tpu.memref_squeeze %dma_start3A_22 : memref<1x!tpu.dma_semaphore, #tpu.memory_space<semaphore_mem>> -> memref<!tpu.dma_semaphore, #tpu.memory_space<semaphore_mem>>
    tpu.enqueue_indirect_dma source(%dma_start3A_21 : memref<102400x16xf32, #tpu.memory_space<hbm>>) target(%dma_start3A_15 : memref<128x16xf32, #tpu.memory_space<vmem>>) offsets(%dma_start3A_18 : memref<128xi32, #tpu.memory_space<vmem>>) semaphore(%dma_start3A_23 : memref<!tpu.dma_semaphore, #tpu.memory_space<semaphore_mem>>)
    %dma_start3A_24 = arith.constant 0 : i32
    %dma_start3A_25 = arith.constant 1 : i32
    %dma_start3A_26 = arith.constant 0 : i32
    %dma_start3A_27 = arith.constant 1 : i32
    %dma_start3A_28 = arith.constant 0 : i32
    %dma_start3A_29 = arith.constant 0 : i32
    %dma_start3A_30 = arith.constant 0 : i32
    %dma_start3A_31 = tpu.memref_slice %arg9[%dma_start3A_26, %dma_start3A_27, %dma_start3A_29, %dma_start3A_30] : memref<2x4x128x16xf32, #tpu.memory_space<vmem>> -> memref<1x1x128x16xf32, #tpu.memory_space<vmem>>
    %dma_start3A_32 = tpu.memref_squeeze %dma_start3A_31 : memref<1x1x128x16xf32, #tpu.memory_space<vmem>> -> memref<128x16xf32, #tpu.memory_space<vmem>>
    %dma_start3A_33 = arith.constant 0 : i32
    %dma_start3A_34 = tpu.memref_slice %arg7[%dma_start3A_24, %dma_start3A_25, %dma_start3A_33] : memref<2x4x128xi32, #tpu.memory_space<vmem>> -> memref<1x1x128xi32, #tpu.memory_space<vmem>>
    %dma_start3A_35 = tpu.memref_squeeze %dma_start3A_34 : memref<1x1x128xi32, #tpu.memory_space<vmem>> -> memref<128xi32, #tpu.memory_space<vmem>>
    %dma_start3A_36 = arith.constant 0 : i32
    %dma_start3A_37 = arith.constant 0 : i32
    %dma_start3A_38 = tpu.memref_slice %arg4[%dma_start3A_36, %dma_start3A_37] : memref<102400x16xf32, #tpu.memory_space<hbm>> -> memref<102400x16xf32, #tpu.memory_space<hbm>>
    %dma_start3A_39 = tpu.memref_slice %arg11[%dma_start3A_28] : memref<2x!tpu.dma_semaphore, #tpu.memory_space<semaphore_mem>> -> memref<1x!tpu.dma_semaphore, #tpu.memory_space<semaphore_mem>>
    %dma_start3A_40 = tpu.memref_squeeze %dma_start3A_39 : memref<1x!tpu.dma_semaphore, #tpu.memory_space<semaphore_mem>> -> memref<!tpu.dma_semaphore, #tpu.memory_space<semaphore_mem>>
    tpu.enqueue_indirect_dma source(%dma_start3A_38 : memref<102400x16xf32, #tpu.memory_space<hbm>>) target(%dma_start3A_32 : memref<128x16xf32, #tpu.memory_space<vmem>>) offsets(%dma_start3A_35 : memref<128xi32, #tpu.memory_space<vmem>>) semaphore(%dma_start3A_40 : memref<!tpu.dma_semaphore, #tpu.memory_space<semaphore_mem>>)
    %dma_start3A_41 = arith.constant 0 : i32
    %dma_start3A_42 = arith.constant 2 : i32
    %dma_start3A_43 = arith.constant 0 : i32
    %dma_start3A_44 = arith.constant 2 : i32
    %dma_start3A_45 = arith.constant 0 : i32
    %dma_start3A_46 = arith.constant 0 : i32
    %dma_start3A_47 = arith.constant 0 : i32
    %dma_start3A_48 = tpu.memref_slice %arg9[%dma_start3A_43, %dma_start3A_44, %dma_start3A_46, %dma_start3A_47] : memref<2x4x128x16xf32, #tpu.memory_space<vmem>> -> memref<1x1x128x16xf32, #tpu.memory_space<vmem>>
    %dma_start3A_49 = tpu.memref_squeeze %dma_start3A_48 : memref<1x1x128x16xf32, #tpu.memory_space<vmem>> -> memref<128x16xf32, #tpu.memory_space<vmem>>
    %dma_start3A_50 = arith.constant 0 : i32
    %dma_start3A_51 = tpu.memref_slice %arg7[%dma_start3A_41, %dma_start3A_42, %dma_start3A_50] : memref<2x4x128xi32, #tpu.memory_space<vmem>> -> memref<1x1x128xi32, #tpu.memory_space<vmem>>
    %dma_start3A_52 = tpu.memref_squeeze %dma_start3A_51 : memref<1x1x128xi32, #tpu.memory_space<vmem>> -> memref<128xi32, #tpu.memory_space<vmem>>
    %dma_start3A_53 = arith.constant 0 : i32
    %dma_start3A_54 = arith.constant 0 : i32
    %dma_start3A_55 = tpu.memref_slice %arg4[%dma_start3A_53, %dma_start3A_54] : memref<102400x16xf32, #tpu.memory_space<hbm>> -> memref<102400x16xf32, #tpu.memory_space<hbm>>
    %dma_start3A_56 = tpu.memref_slice %arg11[%dma_start3A_45] : memref<2x!tpu.dma_semaphore, #tpu.memory_space<semaphore_mem>> -> memref<1x!tpu.dma_semaphore, #tpu.memory_space<semaphore_mem>>
    %dma_start3A_57 = tpu.memref_squeeze %dma_start3A_56 : memref<1x!tpu.dma_semaphore, #tpu.memory_space<semaphore_mem>> -> memref<!tpu.dma_semaphore, #tpu.memory_space<semaphore_mem>>
    tpu.enqueue_indirect_dma source(%dma_start3A_55 : memref<102400x16xf32, #tpu.memory_space<hbm>>) target(%dma_start3A_49 : memref<128x16xf32, #tpu.memory_space<vmem>>) offsets(%dma_start3A_52 : memref<128xi32, #tpu.memory_space<vmem>>) semaphore(%dma_start3A_57 : memref<!tpu.dma_semaphore, #tpu.memory_space<semaphore_mem>>)
    %dma_start3A_58 = arith.constant 0 : i32
    %dma_start3A_59 = arith.constant 3 : i32
    %dma_start3A_60 = arith.constant 0 : i32
    %dma_start3A_61 = arith.constant 3 : i32
    %dma_start3A_62 = arith.constant 0 : i32
    %dma_start3A_63 = arith.constant 0 : i32
    %dma_start3A_64 = arith.constant 0 : i32
    %dma_start3A_65 = tpu.memref_slice %arg9[%dma_start3A_60, %dma_start3A_61, %dma_start3A_63, %dma_start3A_64] : memref<2x4x128x16xf32, #tpu.memory_space<vmem>> -> memref<1x1x128x16xf32, #tpu.memory_space<vmem>>
    %dma_start3A_66 = tpu.memref_squeeze %dma_start3A_65 : memref<1x1x128x16xf32, #tpu.memory_space<vmem>> -> memref<128x16xf32, #tpu.memory_space<vmem>>
    %dma_start3A_67 = arith.constant 0 : i32
    %dma_start3A_68 = tpu.memref_slice %arg7[%dma_start3A_58, %dma_start3A_59, %dma_start3A_67] : memref<2x4x128xi32, #tpu.memory_space<vmem>> -> memref<1x1x128xi32, #tpu.memory_space<vmem>>
    %dma_start3A_69 = tpu.memref_squeeze %dma_start3A_68 : memref<1x1x128xi32, #tpu.memory_space<vmem>> -> memref<128xi32, #tpu.memory_space<vmem>>
    %dma_start3A_70 = arith.constant 0 : i32
    %dma_start3A_71 = arith.constant 0 : i32
    %dma_start3A_72 = tpu.memref_slice %arg4[%dma_start3A_70, %dma_start3A_71] : memref<102400x16xf32, #tpu.memory_space<hbm>> -> memref<102400x16xf32, #tpu.memory_space<hbm>>
    %dma_start3A_73 = tpu.memref_slice %arg11[%dma_start3A_62] : memref<2x!tpu.dma_semaphore, #tpu.memory_space<semaphore_mem>> -> memref<1x!tpu.dma_semaphore, #tpu.memory_space<semaphore_mem>>
    %dma_start3A_74 = tpu.memref_squeeze %dma_start3A_73 : memref<1x!tpu.dma_semaphore, #tpu.memory_space<semaphore_mem>> -> memref<!tpu.dma_semaphore, #tpu.memory_space<semaphore_mem>>
    tpu.enqueue_indirect_dma source(%dma_start3A_72 : memref<102400x16xf32, #tpu.memory_space<hbm>>) target(%dma_start3A_66 : memref<128x16xf32, #tpu.memory_space<vmem>>) offsets(%dma_start3A_69 : memref<128xi32, #tpu.memory_space<vmem>>) semaphore(%dma_start3A_74 : memref<!tpu.dma_semaphore, #tpu.memory_space<semaphore_mem>>)
    %scan3A = arith.constant 0 : i32
    %scan3A_75 = arith.constant 0 : i32
    %scan3A_76 = arith.constant 98 : i32
    %scan3A_77 = arith.addi %scan3A_75, %scan3A_76 : i32
    %scan3A_78 = arith.constant 1 : i32
    scf.for %scan3A_134 = %scan3A_75 to %scan3A_77 step %scan3A_78  : i32 {
      %rem3A_135 = arith.constant 2 : i32
      %rem3A_136 = arith.remsi %scan3A_134, %rem3A_135 : i32
      %sub3A = arith.constant 1 : i32
      %sub3A_137 = arith.subi %sub3A, %rem3A_136 : i32
      %gt3A = arith.constant 0 : i32
      %gt3A_138 = arith.cmpi sgt, %scan3A_134, %gt3A : i32
      %convert_element_type3A = arith.extui %gt3A_138 : i1 to i32
      %cond3A = arith.constant 0 : i32
      %cond3A_139 = arith.cmpi ne, %convert_element_type3A, %cond3A : i32
      scf.if %cond3A_139 {
        %dma_wait3A_248 = arith.constant 0 : i32
        %dma_wait3A_249 = arith.constant 0 : i32
        %dma_wait3A_250 = arith.constant 0 : i32
        %dma_wait3A_251 = arith.constant 0 : i32
        %dma_wait3A_252 = tpu.memref_slice %arg9[%sub3A_137, %dma_wait3A_248, %dma_wait3A_250, %dma_wait3A_251] : memref<2x4x128x16xf32, #tpu.memory_space<vmem>> -> memref<1x1x128x16xf32, #tpu.memory_space<vmem>>
        %dma_wait3A_253 = tpu.memref_squeeze %dma_wait3A_252 : memref<1x1x128x16xf32, #tpu.memory_space<vmem>> -> memref<128x16xf32, #tpu.memory_space<vmem>>
        %dma_wait3A_254 = arith.constant 0 : i32
        %dma_wait3A_255 = tpu.memref_slice %arg8[%sub3A_137, %dma_wait3A_249, %dma_wait3A_254] : memref<2x4x128xi32, #tpu.memory_space<vmem>> -> memref<1x1x128xi32, #tpu.memory_space<vmem>>
        %dma_wait3A_256 = tpu.memref_squeeze %dma_wait3A_255 : memref<1x1x128xi32, #tpu.memory_space<vmem>> -> memref<128xi32, #tpu.memory_space<vmem>>
        %dma_wait3A_257 = arith.constant 0 : i32
        %dma_wait3A_258 = arith.constant 0 : i32
        %dma_wait3A_259 = tpu.memref_slice %arg10[%dma_wait3A_257, %dma_wait3A_258] : memref<102400x16xf32, #tpu.memory_space<vmem_shared>> -> memref<102400x16xf32, #tpu.memory_space<vmem_shared>>
        tpu.wait_indirect_dma semaphore(%arg12 : memref<!tpu.dma_semaphore, #tpu.memory_space<semaphore_mem>>) src(%dma_wait3A_253 : memref<128x16xf32, #tpu.memory_space<vmem>>) dst(%dma_wait3A_259 : memref<102400x16xf32, #tpu.memory_space<vmem_shared>>)
        %dma_wait3A_260 = arith.constant 1 : i32
        %dma_wait3A_261 = arith.constant 1 : i32
        %dma_wait3A_262 = arith.constant 0 : i32
        %dma_wait3A_263 = arith.constant 0 : i32
        %dma_wait3A_264 = tpu.memref_slice %arg9[%sub3A_137, %dma_wait3A_260, %dma_wait3A_262, %dma_wait3A_263] : memref<2x4x128x16xf32, #tpu.memory_space<vmem>> -> memref<1x1x128x16xf32, #tpu.memory_space<vmem>>
        %dma_wait3A_265 = tpu.memref_squeeze %dma_wait3A_264 : memref<1x1x128x16xf32, #tpu.memory_space<vmem>> -> memref<128x16xf32, #tpu.memory_space<vmem>>
        %dma_wait3A_266 = arith.constant 0 : i32
        %dma_wait3A_267 = tpu.memref_slice %arg8[%sub3A_137, %dma_wait3A_261, %dma_wait3A_266] : memref<2x4x128xi32, #tpu.memory_space<vmem>> -> memref<1x1x128xi32, #tpu.memory_space<vmem>>
        %dma_wait3A_268 = tpu.memref_squeeze %dma_wait3A_267 : memref<1x1x128xi32, #tpu.memory_space<vmem>> -> memref<128xi32, #tpu.memory_space<vmem>>
        %dma_wait3A_269 = arith.constant 0 : i32
        %dma_wait3A_270 = arith.constant 0 : i32
        %dma_wait3A_271 = tpu.memref_slice %arg10[%dma_wait3A_269, %dma_wait3A_270] : memref<102400x16xf32, #tpu.memory_space<vmem_shared>> -> memref<102400x16xf32, #tpu.memory_space<vmem_shared>>
        tpu.wait_indirect_dma semaphore(%arg12 : memref<!tpu.dma_semaphore, #tpu.memory_space<semaphore_mem>>) src(%dma_wait3A_265 : memref<128x16xf32, #tpu.memory_space<vmem>>) dst(%dma_wait3A_271 : memref<102400x16xf32, #tpu.memory_space<vmem_shared>>)
        %dma_wait3A_272 = arith.constant 2 : i32
        %dma_wait3A_273 = arith.constant 2 : i32
        %dma_wait3A_274 = arith.constant 0 : i32
        %dma_wait3A_275 = arith.constant 0 : i32
        %dma_wait3A_276 = tpu.memref_slice %arg9[%sub3A_137, %dma_wait3A_272, %dma_wait3A_274, %dma_wait3A_275] : memref<2x4x128x16xf32, #tpu.memory_space<vmem>> -> memref<1x1x128x16xf32, #tpu.memory_space<vmem>>
        %dma_wait3A_277 = tpu.memref_squeeze %dma_wait3A_276 : memref<1x1x128x16xf32, #tpu.memory_space<vmem>> -> memref<128x16xf32, #tpu.memory_space<vmem>>
        %dma_wait3A_278 = arith.constant 0 : i32
        %dma_wait3A_279 = tpu.memref_slice %arg8[%sub3A_137, %dma_wait3A_273, %dma_wait3A_278] : memref<2x4x128xi32, #tpu.memory_space<vmem>> -> memref<1x1x128xi32, #tpu.memory_space<vmem>>
        %dma_wait3A_280 = tpu.memref_squeeze %dma_wait3A_279 : memref<1x1x128xi32, #tpu.memory_space<vmem>> -> memref<128xi32, #tpu.memory_space<vmem>>
        %dma_wait3A_281 = arith.constant 0 : i32
        %dma_wait3A_282 = arith.constant 0 : i32
        %dma_wait3A_283 = tpu.memref_slice %arg10[%dma_wait3A_281, %dma_wait3A_282] : memref<102400x16xf32, #tpu.memory_space<vmem_shared>> -> memref<102400x16xf32, #tpu.memory_space<vmem_shared>>
        tpu.wait_indirect_dma semaphore(%arg12 : memref<!tpu.dma_semaphore, #tpu.memory_space<semaphore_mem>>) src(%dma_wait3A_277 : memref<128x16xf32, #tpu.memory_space<vmem>>) dst(%dma_wait3A_283 : memref<102400x16xf32, #tpu.memory_space<vmem_shared>>)
        %dma_wait3A_284 = arith.constant 3 : i32
        %dma_wait3A_285 = arith.constant 3 : i32
        %dma_wait3A_286 = arith.constant 0 : i32
        %dma_wait3A_287 = arith.constant 0 : i32
        %dma_wait3A_288 = tpu.memref_slice %arg9[%sub3A_137, %dma_wait3A_284, %dma_wait3A_286, %dma_wait3A_287] : memref<2x4x128x16xf32, #tpu.memory_space<vmem>> -> memref<1x1x128x16xf32, #tpu.memory_space<vmem>>
        %dma_wait3A_289 = tpu.memref_squeeze %dma_wait3A_288 : memref<1x1x128x16xf32, #tpu.memory_space<vmem>> -> memref<128x16xf32, #tpu.memory_space<vmem>>
        %dma_wait3A_290 = arith.constant 0 : i32
        %dma_wait3A_291 = tpu.memref_slice %arg8[%sub3A_137, %dma_wait3A_285, %dma_wait3A_290] : memref<2x4x128xi32, #tpu.memory_space<vmem>> -> memref<1x1x128xi32, #tpu.memory_space<vmem>>
        %dma_wait3A_292 = tpu.memref_squeeze %dma_wait3A_291 : memref<1x1x128xi32, #tpu.memory_space<vmem>> -> memref<128xi32, #tpu.memory_space<vmem>>
        %dma_wait3A_293 = arith.constant 0 : i32
        %dma_wait3A_294 = arith.constant 0 : i32
        %dma_wait3A_295 = tpu.memref_slice %arg10[%dma_wait3A_293, %dma_wait3A_294] : memref<102400x16xf32, #tpu.memory_space<vmem_shared>> -> memref<102400x16xf32, #tpu.memory_space<vmem_shared>>
        tpu.wait_indirect_dma semaphore(%arg12 : memref<!tpu.dma_semaphore, #tpu.memory_space<semaphore_mem>>) src(%dma_wait3A_289 : memref<128x16xf32, #tpu.memory_space<vmem>>) dst(%dma_wait3A_295 : memref<102400x16xf32, #tpu.memory_space<vmem_shared>>)
      } else {
      }
      %lt3A = arith.constant 97 : i32
      %lt3A_140 = arith.cmpi slt, %scan3A_134, %lt3A : i32
      %convert_element_type3A_141 = arith.extui %lt3A_140 : i1 to i32
      %cond3A_142 = arith.constant 0 : i32
      %cond3A_143 = arith.cmpi ne, %convert_element_type3A_141, %cond3A_142 : i32
      scf.if %cond3A_143 {
        %add3A_248 = arith.constant 1 : i32
        %add3A_249 = arith.addi %scan3A_134, %add3A_248 : i32
        %mul3A_250 = arith.constant 4 : i32
        %mul3A_251 = arith.muli %add3A_249, %mul3A_250 : i32
        %add3A_252 = arith.addi %mul3A_6, %mul3A_251 : i32
        "tpu.region"() ({
          %run_scoped3A_309 = tpu.sem_alloc : memref<!tpu.dma_semaphore, #tpu.memory_space<semaphore_mem>>
          %dma_start3A_310 = arith.constant 0 : i32
          %dma_start3A_311 = arith.constant 0 : i32
          %dma_start3A_312 = tpu.memref_slice %arg7[%sub3A_137, %dma_start3A_310, %dma_start3A_311] : memref<2x4x128xi32, #tpu.memory_space<vmem>> -> memref<1x4x128xi32, #tpu.memory_space<vmem>>
          %dma_start3A_313 = tpu.memref_squeeze %dma_start3A_312 : memref<1x4x128xi32, #tpu.memory_space<vmem>> -> memref<4x128xi32, #tpu.memory_space<vmem>>
          %dma_start3A_314 = arith.constant 0 : i32
          %dma_start3A_315 = tpu.memref_slice %arg2[%add3A_252, %dma_start3A_314] : memref<12544x128xi32, #tpu.memory_space<hbm>> -> memref<4x128xi32, #tpu.memory_space<hbm>>
          %dma_start3A_316 = arith.constant 0 : i32
          %dma_start3A_317 = arith.constant 0 : i32
          %dma_start3A_318 = tpu.memref_slice %arg7[%sub3A_137, %dma_start3A_316, %dma_start3A_317] : memref<2x4x128xi32, #tpu.memory_space<vmem>> -> memref<1x4x128xi32, #tpu.memory_space<vmem>>
          %dma_start3A_319 = tpu.memref_squeeze %dma_start3A_318 : memref<1x4x128xi32, #tpu.memory_space<vmem>> -> memref<4x128xi32, #tpu.memory_space<vmem>>
          %dma_start3A_320 = arith.constant 0 : i32
          %dma_start3A_321 = tpu.memref_slice %arg2[%add3A_252, %dma_start3A_320] : memref<12544x128xi32, #tpu.memory_space<hbm>> -> memref<4x128xi32, #tpu.memory_space<hbm>>
          tpu.enqueue_dma source(%dma_start3A_321 : memref<4x128xi32, #tpu.memory_space<hbm>>) target(%dma_start3A_319 : memref<4x128xi32, #tpu.memory_space<vmem>>) target_semaphore(%run_scoped3A_309 : memref<!tpu.dma_semaphore, #tpu.memory_space<semaphore_mem>>)
          %dma_wait3A_322 = arith.constant 0 : i32
          %dma_wait3A_323 = arith.constant 0 : i32
          %dma_wait3A_324 = tpu.memref_slice %arg7[%sub3A_137, %dma_wait3A_322, %dma_wait3A_323] : memref<2x4x128xi32, #tpu.memory_space<vmem>> -> memref<1x4x128xi32, #tpu.memory_space<vmem>>
          %dma_wait3A_325 = tpu.memref_squeeze %dma_wait3A_324 : memref<1x4x128xi32, #tpu.memory_space<vmem>> -> memref<4x128xi32, #tpu.memory_space<vmem>>
          %dma_wait3A_326 = arith.constant 0 : i32
          %dma_wait3A_327 = tpu.memref_slice %arg2[%add3A_252, %dma_wait3A_326] : memref<12544x128xi32, #tpu.memory_space<hbm>> -> memref<4x128xi32, #tpu.memory_space<hbm>>
          %dma_wait3A_328 = arith.constant 0 : i32
          %dma_wait3A_329 = arith.constant 0 : i32
          %dma_wait3A_330 = tpu.memref_slice %arg7[%sub3A_137, %dma_wait3A_328, %dma_wait3A_329] : memref<2x4x128xi32, #tpu.memory_space<vmem>> -> memref<1x4x128xi32, #tpu.memory_space<vmem>>
          %dma_wait3A_331 = tpu.memref_squeeze %dma_wait3A_330 : memref<1x4x128xi32, #tpu.memory_space<vmem>> -> memref<4x128xi32, #tpu.memory_space<vmem>>
          %dma_wait3A_332 = arith.constant 0 : i32
          %dma_wait3A_333 = tpu.memref_slice %arg2[%add3A_252, %dma_wait3A_332] : memref<12544x128xi32, #tpu.memory_space<hbm>> -> memref<4x128xi32, #tpu.memory_space<hbm>>
          tpu.wait_dma2 semaphore(%run_scoped3A_309 : memref<!tpu.dma_semaphore, #tpu.memory_space<semaphore_mem>>) src(%dma_wait3A_333 : memref<4x128xi32, #tpu.memory_space<hbm>>) dst(%dma_wait3A_331 : memref<4x128xi32, #tpu.memory_space<vmem>>)
          tpu.yield
        }) : () -> ()
        "tpu.region"() ({
          %run_scoped3A_309 = tpu.sem_alloc : memref<!tpu.dma_semaphore, #tpu.memory_space<semaphore_mem>>
          %dma_start3A_310 = arith.constant 0 : i32
          %dma_start3A_311 = arith.constant 0 : i32
          %dma_start3A_312 = tpu.memref_slice %arg8[%sub3A_137, %dma_start3A_310, %dma_start3A_311] : memref<2x4x128xi32, #tpu.memory_space<vmem>> -> memref<1x4x128xi32, #tpu.memory_space<vmem>>
          %dma_start3A_313 = tpu.memref_squeeze %dma_start3A_312 : memref<1x4x128xi32, #tpu.memory_space<vmem>> -> memref<4x128xi32, #tpu.memory_space<vmem>>
          %dma_start3A_314 = arith.constant 0 : i32
          %dma_start3A_315 = tpu.memref_slice %arg3[%add3A_252, %dma_start3A_314] : memref<12544x128xi32, #tpu.memory_space<hbm>> -> memref<4x128xi32, #tpu.memory_space<hbm>>
          %dma_start3A_316 = arith.constant 0 : i32
          %dma_start3A_317 = arith.constant 0 : i32
          %dma_start3A_318 = tpu.memref_slice %arg8[%sub3A_137, %dma_start3A_316, %dma_start3A_317] : memref<2x4x128xi32, #tpu.memory_space<vmem>> -> memref<1x4x128xi32, #tpu.memory_space<vmem>>
          %dma_start3A_319 = tpu.memref_squeeze %dma_start3A_318 : memref<1x4x128xi32, #tpu.memory_space<vmem>> -> memref<4x128xi32, #tpu.memory_space<vmem>>
          %dma_start3A_320 = arith.constant 0 : i32
          %dma_start3A_321 = tpu.memref_slice %arg3[%add3A_252, %dma_start3A_320] : memref<12544x128xi32, #tpu.memory_space<hbm>> -> memref<4x128xi32, #tpu.memory_space<hbm>>
          tpu.enqueue_dma source(%dma_start3A_321 : memref<4x128xi32, #tpu.memory_space<hbm>>) target(%dma_start3A_319 : memref<4x128xi32, #tpu.memory_space<vmem>>) target_semaphore(%run_scoped3A_309 : memref<!tpu.dma_semaphore, #tpu.memory_space<semaphore_mem>>)
          %dma_wait3A_322 = arith.constant 0 : i32
          %dma_wait3A_323 = arith.constant 0 : i32
          %dma_wait3A_324 = tpu.memref_slice %arg8[%sub3A_137, %dma_wait3A_322, %dma_wait3A_323] : memref<2x4x128xi32, #tpu.memory_space<vmem>> -> memref<1x4x128xi32, #tpu.memory_space<vmem>>
          %dma_wait3A_325 = tpu.memref_squeeze %dma_wait3A_324 : memref<1x4x128xi32, #tpu.memory_space<vmem>> -> memref<4x128xi32, #tpu.memory_space<vmem>>
          %dma_wait3A_326 = arith.constant 0 : i32
          %dma_wait3A_327 = tpu.memref_slice %arg3[%add3A_252, %dma_wait3A_326] : memref<12544x128xi32, #tpu.memory_space<hbm>> -> memref<4x128xi32, #tpu.memory_space<hbm>>
          %dma_wait3A_328 = arith.constant 0 : i32
          %dma_wait3A_329 = arith.constant 0 : i32
          %dma_wait3A_330 = tpu.memref_slice %arg8[%sub3A_137, %dma_wait3A_328, %dma_wait3A_329] : memref<2x4x128xi32, #tpu.memory_space<vmem>> -> memref<1x4x128xi32, #tpu.memory_space<vmem>>
          %dma_wait3A_331 = tpu.memref_squeeze %dma_wait3A_330 : memref<1x4x128xi32, #tpu.memory_space<vmem>> -> memref<4x128xi32, #tpu.memory_space<vmem>>
          %dma_wait3A_332 = arith.constant 0 : i32
          %dma_wait3A_333 = tpu.memref_slice %arg3[%add3A_252, %dma_wait3A_332] : memref<12544x128xi32, #tpu.memory_space<hbm>> -> memref<4x128xi32, #tpu.memory_space<hbm>>
          tpu.wait_dma2 semaphore(%run_scoped3A_309 : memref<!tpu.dma_semaphore, #tpu.memory_space<semaphore_mem>>) src(%dma_wait3A_333 : memref<4x128xi32, #tpu.memory_space<hbm>>) dst(%dma_wait3A_331 : memref<4x128xi32, #tpu.memory_space<vmem>>)
          tpu.yield
        }) : () -> ()
        %dma_start3A_253 = arith.constant 0 : i32
        %dma_start3A_254 = arith.constant 0 : i32
        %dma_start3A_255 = arith.constant 0 : i32
        %dma_start3A_256 = arith.constant 0 : i32
        %dma_start3A_257 = tpu.memref_slice %arg9[%sub3A_137, %dma_start3A_254, %dma_start3A_255, %dma_start3A_256] : memref<2x4x128x16xf32, #tpu.memory_space<vmem>> -> memref<1x1x128x16xf32, #tpu.memory_space<vmem>>
        %dma_start3A_258 = tpu.memref_squeeze %dma_start3A_257 : memref<1x1x128x16xf32, #tpu.memory_space<vmem>> -> memref<128x16xf32, #tpu.memory_space<vmem>>
        %dma_start3A_259 = arith.constant 0 : i32
        %dma_start3A_260 = tpu.memref_slice %arg7[%sub3A_137, %dma_start3A_253, %dma_start3A_259] : memref<2x4x128xi32, #tpu.memory_space<vmem>> -> memref<1x1x128xi32, #tpu.memory_space<vmem>>
        %dma_start3A_261 = tpu.memref_squeeze %dma_start3A_260 : memref<1x1x128xi32, #tpu.memory_space<vmem>> -> memref<128xi32, #tpu.memory_space<vmem>>
        %dma_start3A_262 = arith.constant 0 : i32
        %dma_start3A_263 = arith.constant 0 : i32
        %dma_start3A_264 = tpu.memref_slice %arg4[%dma_start3A_262, %dma_start3A_263] : memref<102400x16xf32, #tpu.memory_space<hbm>> -> memref<102400x16xf32, #tpu.memory_space<hbm>>
        %dma_start3A_265 = tpu.memref_slice %arg11[%sub3A_137] : memref<2x!tpu.dma_semaphore, #tpu.memory_space<semaphore_mem>> -> memref<1x!tpu.dma_semaphore, #tpu.memory_space<semaphore_mem>>
        %dma_start3A_266 = tpu.memref_squeeze %dma_start3A_265 : memref<1x!tpu.dma_semaphore, #tpu.memory_space<semaphore_mem>> -> memref<!tpu.dma_semaphore, #tpu.memory_space<semaphore_mem>>
        tpu.enqueue_indirect_dma source(%dma_start3A_264 : memref<102400x16xf32, #tpu.memory_space<hbm>>) target(%dma_start3A_258 : memref<128x16xf32, #tpu.memory_space<vmem>>) offsets(%dma_start3A_261 : memref<128xi32, #tpu.memory_space<vmem>>) semaphore(%dma_start3A_266 : memref<!tpu.dma_semaphore, #tpu.memory_space<semaphore_mem>>)
        %dma_start3A_267 = arith.constant 1 : i32
        %dma_start3A_268 = arith.constant 1 : i32
        %dma_start3A_269 = arith.constant 0 : i32
        %dma_start3A_270 = arith.constant 0 : i32
        %dma_start3A_271 = tpu.memref_slice %arg9[%sub3A_137, %dma_start3A_268, %dma_start3A_269, %dma_start3A_270] : memref<2x4x128x16xf32, #tpu.memory_space<vmem>> -> memref<1x1x128x16xf32, #tpu.memory_space<vmem>>
        %dma_start3A_272 = tpu.memref_squeeze %dma_start3A_271 : memref<1x1x128x16xf32, #tpu.memory_space<vmem>> -> memref<128x16xf32, #tpu.memory_space<vmem>>
        %dma_start3A_273 = arith.constant 0 : i32
        %dma_start3A_274 = tpu.memref_slice %arg7[%sub3A_137, %dma_start3A_267, %dma_start3A_273] : memref<2x4x128xi32, #tpu.memory_space<vmem>> -> memref<1x1x128xi32, #tpu.memory_space<vmem>>
        %dma_start3A_275 = tpu.memref_squeeze %dma_start3A_274 : memref<1x1x128xi32, #tpu.memory_space<vmem>> -> memref<128xi32, #tpu.memory_space<vmem>>
        %dma_start3A_276 = arith.constant 0 : i32
        %dma_start3A_277 = arith.constant 0 : i32
        %dma_start3A_278 = tpu.memref_slice %arg4[%dma_start3A_276, %dma_start3A_277] : memref<102400x16xf32, #tpu.memory_space<hbm>> -> memref<102400x16xf32, #tpu.memory_space<hbm>>
        %dma_start3A_279 = tpu.memref_slice %arg11[%sub3A_137] : memref<2x!tpu.dma_semaphore, #tpu.memory_space<semaphore_mem>> -> memref<1x!tpu.dma_semaphore, #tpu.memory_space<semaphore_mem>>
        %dma_start3A_280 = tpu.memref_squeeze %dma_start3A_279 : memref<1x!tpu.dma_semaphore, #tpu.memory_space<semaphore_mem>> -> memref<!tpu.dma_semaphore, #tpu.memory_space<semaphore_mem>>
        tpu.enqueue_indirect_dma source(%dma_start3A_278 : memref<102400x16xf32, #tpu.memory_space<hbm>>) target(%dma_start3A_272 : memref<128x16xf32, #tpu.memory_space<vmem>>) offsets(%dma_start3A_275 : memref<128xi32, #tpu.memory_space<vmem>>) semaphore(%dma_start3A_280 : memref<!tpu.dma_semaphore, #tpu.memory_space<semaphore_mem>>)
        %dma_start3A_281 = arith.constant 2 : i32
        %dma_start3A_282 = arith.constant 2 : i32
        %dma_start3A_283 = arith.constant 0 : i32
        %dma_start3A_284 = arith.constant 0 : i32
        %dma_start3A_285 = tpu.memref_slice %arg9[%sub3A_137, %dma_start3A_282, %dma_start3A_283, %dma_start3A_284] : memref<2x4x128x16xf32, #tpu.memory_space<vmem>> -> memref<1x1x128x16xf32, #tpu.memory_space<vmem>>
        %dma_start3A_286 = tpu.memref_squeeze %dma_start3A_285 : memref<1x1x128x16xf32, #tpu.memory_space<vmem>> -> memref<128x16xf32, #tpu.memory_space<vmem>>
        %dma_start3A_287 = arith.constant 0 : i32
        %dma_start3A_288 = tpu.memref_slice %arg7[%sub3A_137, %dma_start3A_281, %dma_start3A_287] : memref<2x4x128xi32, #tpu.memory_space<vmem>> -> memref<1x1x128xi32, #tpu.memory_space<vmem>>
        %dma_start3A_289 = tpu.memref_squeeze %dma_start3A_288 : memref<1x1x128xi32, #tpu.memory_space<vmem>> -> memref<128xi32, #tpu.memory_space<vmem>>
        %dma_start3A_290 = arith.constant 0 : i32
        %dma_start3A_291 = arith.constant 0 : i32
        %dma_start3A_292 = tpu.memref_slice %arg4[%dma_start3A_290, %dma_start3A_291] : memref<102400x16xf32, #tpu.memory_space<hbm>> -> memref<102400x16xf32, #tpu.memory_space<hbm>>
        %dma_start3A_293 = tpu.memref_slice %arg11[%sub3A_137] : memref<2x!tpu.dma_semaphore, #tpu.memory_space<semaphore_mem>> -> memref<1x!tpu.dma_semaphore, #tpu.memory_space<semaphore_mem>>
        %dma_start3A_294 = tpu.memref_squeeze %dma_start3A_293 : memref<1x!tpu.dma_semaphore, #tpu.memory_space<semaphore_mem>> -> memref<!tpu.dma_semaphore, #tpu.memory_space<semaphore_mem>>
        tpu.enqueue_indirect_dma source(%dma_start3A_292 : memref<102400x16xf32, #tpu.memory_space<hbm>>) target(%dma_start3A_286 : memref<128x16xf32, #tpu.memory_space<vmem>>) offsets(%dma_start3A_289 : memref<128xi32, #tpu.memory_space<vmem>>) semaphore(%dma_start3A_294 : memref<!tpu.dma_semaphore, #tpu.memory_space<semaphore_mem>>)
        %dma_start3A_295 = arith.constant 3 : i32
        %dma_start3A_296 = arith.constant 3 : i32
        %dma_start3A_297 = arith.constant 0 : i32
        %dma_start3A_298 = arith.constant 0 : i32
        %dma_start3A_299 = tpu.memref_slice %arg9[%sub3A_137, %dma_start3A_296, %dma_start3A_297, %dma_start3A_298] : memref<2x4x128x16xf32, #tpu.memory_space<vmem>> -> memref<1x1x128x16xf32, #tpu.memory_space<vmem>>
        %dma_start3A_300 = tpu.memref_squeeze %dma_start3A_299 : memref<1x1x128x16xf32, #tpu.memory_space<vmem>> -> memref<128x16xf32, #tpu.memory_space<vmem>>
        %dma_start3A_301 = arith.constant 0 : i32
        %dma_start3A_302 = tpu.memref_slice %arg7[%sub3A_137, %dma_start3A_295, %dma_start3A_301] : memref<2x4x128xi32, #tpu.memory_space<vmem>> -> memref<1x1x128xi32, #tpu.memory_space<vmem>>
        %dma_start3A_303 = tpu.memref_squeeze %dma_start3A_302 : memref<1x1x128xi32, #tpu.memory_space<vmem>> -> memref<128xi32, #tpu.memory_space<vmem>>
        %dma_start3A_304 = arith.constant 0 : i32
        %dma_start3A_305 = arith.constant 0 : i32
        %dma_start3A_306 = tpu.memref_slice %arg4[%dma_start3A_304, %dma_start3A_305] : memref<102400x16xf32, #tpu.memory_space<hbm>> -> memref<102400x16xf32, #tpu.memory_space<hbm>>
        %dma_start3A_307 = tpu.memref_slice %arg11[%sub3A_137] : memref<2x!tpu.dma_semaphore, #tpu.memory_space<semaphore_mem>> -> memref<1x!tpu.dma_semaphore, #tpu.memory_space<semaphore_mem>>
        %dma_start3A_308 = tpu.memref_squeeze %dma_start3A_307 : memref<1x!tpu.dma_semaphore, #tpu.memory_space<semaphore_mem>> -> memref<!tpu.dma_semaphore, #tpu.memory_space<semaphore_mem>>
        tpu.enqueue_indirect_dma source(%dma_start3A_306 : memref<102400x16xf32, #tpu.memory_space<hbm>>) target(%dma_start3A_300 : memref<128x16xf32, #tpu.memory_space<vmem>>) offsets(%dma_start3A_303 : memref<128xi32, #tpu.memory_space<vmem>>) semaphore(%dma_start3A_308 : memref<!tpu.dma_semaphore, #tpu.memory_space<semaphore_mem>>)
      } else {
      }
      %dma_wait3A_144 = arith.constant 0 : i32
      %dma_wait3A_145 = arith.constant 0 : i32
      %dma_wait3A_146 = arith.constant 0 : i32
      %dma_wait3A_147 = arith.constant 0 : i32
      %dma_wait3A_148 = tpu.memref_slice %arg9[%rem3A_136, %dma_wait3A_145, %dma_wait3A_146, %dma_wait3A_147] : memref<2x4x128x16xf32, #tpu.memory_space<vmem>> -> memref<1x1x128x16xf32, #tpu.memory_space<vmem>>
      %dma_wait3A_149 = tpu.memref_squeeze %dma_wait3A_148 : memref<1x1x128x16xf32, #tpu.memory_space<vmem>> -> memref<128x16xf32, #tpu.memory_space<vmem>>
      %dma_wait3A_150 = arith.constant 0 : i32
      %dma_wait3A_151 = tpu.memref_slice %arg7[%rem3A_136, %dma_wait3A_144, %dma_wait3A_150] : memref<2x4x128xi32, #tpu.memory_space<vmem>> -> memref<1x1x128xi32, #tpu.memory_space<vmem>>
      %dma_wait3A_152 = tpu.memref_squeeze %dma_wait3A_151 : memref<1x1x128xi32, #tpu.memory_space<vmem>> -> memref<128xi32, #tpu.memory_space<vmem>>
      %dma_wait3A_153 = arith.constant 0 : i32
      %dma_wait3A_154 = arith.constant 0 : i32
      %dma_wait3A_155 = tpu.memref_slice %arg4[%dma_wait3A_153, %dma_wait3A_154] : memref<102400x16xf32, #tpu.memory_space<hbm>> -> memref<102400x16xf32, #tpu.memory_space<hbm>>
      %dma_wait3A_156 = tpu.memref_slice %arg11[%rem3A_136] : memref<2x!tpu.dma_semaphore, #tpu.memory_space<semaphore_mem>> -> memref<1x!tpu.dma_semaphore, #tpu.memory_space<semaphore_mem>>
      %dma_wait3A_157 = tpu.memref_squeeze %dma_wait3A_156 : memref<1x!tpu.dma_semaphore, #tpu.memory_space<semaphore_mem>> -> memref<!tpu.dma_semaphore, #tpu.memory_space<semaphore_mem>>
      tpu.wait_indirect_dma semaphore(%dma_wait3A_157 : memref<!tpu.dma_semaphore, #tpu.memory_space<semaphore_mem>>) src(%dma_wait3A_155 : memref<102400x16xf32, #tpu.memory_space<hbm>>) dst(%dma_wait3A_149 : memref<128x16xf32, #tpu.memory_space<vmem>>)
      %dma_start3A_158 = arith.constant 0 : i32
      %dma_start3A_159 = arith.constant 0 : i32
      %dma_start3A_160 = arith.constant 0 : i32
      %dma_start3A_161 = arith.constant 0 : i32
      %dma_start3A_162 = tpu.memref_slice %arg9[%rem3A_136, %dma_start3A_158, %dma_start3A_160, %dma_start3A_161] : memref<2x4x128x16xf32, #tpu.memory_space<vmem>> -> memref<1x1x128x16xf32, #tpu.memory_space<vmem>>
      %dma_start3A_163 = tpu.memref_squeeze %dma_start3A_162 : memref<1x1x128x16xf32, #tpu.memory_space<vmem>> -> memref<128x16xf32, #tpu.memory_space<vmem>>
      %dma_start3A_164 = arith.constant 0 : i32
      %dma_start3A_165 = tpu.memref_slice %arg8[%rem3A_136, %dma_start3A_159, %dma_start3A_164] : memref<2x4x128xi32, #tpu.memory_space<vmem>> -> memref<1x1x128xi32, #tpu.memory_space<vmem>>
      %dma_start3A_166 = tpu.memref_squeeze %dma_start3A_165 : memref<1x1x128xi32, #tpu.memory_space<vmem>> -> memref<128xi32, #tpu.memory_space<vmem>>
      %dma_start3A_167 = arith.constant 0 : i32
      %dma_start3A_168 = arith.constant 0 : i32
      %dma_start3A_169 = tpu.memref_slice %arg10[%dma_start3A_167, %dma_start3A_168] : memref<102400x16xf32, #tpu.memory_space<vmem_shared>> -> memref<102400x16xf32, #tpu.memory_space<vmem_shared>>
      tpu.enqueue_indirect_dma source(%dma_start3A_163 : memref<128x16xf32, #tpu.memory_space<vmem>>) target(%dma_start3A_169 : memref<102400x16xf32, #tpu.memory_space<vmem_shared>>) offsets(%dma_start3A_166 : memref<128xi32, #tpu.memory_space<vmem>>) semaphore(%arg12 : memref<!tpu.dma_semaphore, #tpu.memory_space<semaphore_mem>>) {add = true}
      %dma_wait3A_170 = arith.constant 1 : i32
      %dma_wait3A_171 = arith.constant 1 : i32
      %dma_wait3A_172 = arith.constant 0 : i32
      %dma_wait3A_173 = arith.constant 0 : i32
      %dma_wait3A_174 = tpu.memref_slice %arg9[%rem3A_136, %dma_wait3A_171, %dma_wait3A_172, %dma_wait3A_173] : memref<2x4x128x16xf32, #tpu.memory_space<vmem>> -> memref<1x1x128x16xf32, #tpu.memory_space<vmem>>
      %dma_wait3A_175 = tpu.memref_squeeze %dma_wait3A_174 : memref<1x1x128x16xf32, #tpu.memory_space<vmem>> -> memref<128x16xf32, #tpu.memory_space<vmem>>
      %dma_wait3A_176 = arith.constant 0 : i32
      %dma_wait3A_177 = tpu.memref_slice %arg7[%rem3A_136, %dma_wait3A_170, %dma_wait3A_176] : memref<2x4x128xi32, #tpu.memory_space<vmem>> -> memref<1x1x128xi32, #tpu.memory_space<vmem>>
      %dma_wait3A_178 = tpu.memref_squeeze %dma_wait3A_177 : memref<1x1x128xi32, #tpu.memory_space<vmem>> -> memref<128xi32, #tpu.memory_space<vmem>>
      %dma_wait3A_179 = arith.constant 0 : i32
      %dma_wait3A_180 = arith.constant 0 : i32
      %dma_wait3A_181 = tpu.memref_slice %arg4[%dma_wait3A_179, %dma_wait3A_180] : memref<102400x16xf32, #tpu.memory_space<hbm>> -> memref<102400x16xf32, #tpu.memory_space<hbm>>
      %dma_wait3A_182 = tpu.memref_slice %arg11[%rem3A_136] : memref<2x!tpu.dma_semaphore, #tpu.memory_space<semaphore_mem>> -> memref<1x!tpu.dma_semaphore, #tpu.memory_space<semaphore_mem>>
      %dma_wait3A_183 = tpu.memref_squeeze %dma_wait3A_182 : memref<1x!tpu.dma_semaphore, #tpu.memory_space<semaphore_mem>> -> memref<!tpu.dma_semaphore, #tpu.memory_space<semaphore_mem>>
      tpu.wait_indirect_dma semaphore(%dma_wait3A_183 : memref<!tpu.dma_semaphore, #tpu.memory_space<semaphore_mem>>) src(%dma_wait3A_181 : memref<102400x16xf32, #tpu.memory_space<hbm>>) dst(%dma_wait3A_175 : memref<128x16xf32, #tpu.memory_space<vmem>>)
      %dma_start3A_184 = arith.constant 1 : i32
      %dma_start3A_185 = arith.constant 1 : i32
      %dma_start3A_186 = arith.constant 0 : i32
      %dma_start3A_187 = arith.constant 0 : i32
      %dma_start3A_188 = tpu.memref_slice %arg9[%rem3A_136, %dma_start3A_184, %dma_start3A_186, %dma_start3A_187] : memref<2x4x128x16xf32, #tpu.memory_space<vmem>> -> memref<1x1x128x16xf32, #tpu.memory_space<vmem>>
      %dma_start3A_189 = tpu.memref_squeeze %dma_start3A_188 : memref<1x1x128x16xf32, #tpu.memory_space<vmem>> -> memref<128x16xf32, #tpu.memory_space<vmem>>
      %dma_start3A_190 = arith.constant 0 : i32
      %dma_start3A_191 = tpu.memref_slice %arg8[%rem3A_136, %dma_start3A_185, %dma_start3A_190] : memref<2x4x128xi32, #tpu.memory_space<vmem>> -> memref<1x1x128xi32, #tpu.memory_space<vmem>>
      %dma_start3A_192 = tpu.memref_squeeze %dma_start3A_191 : memref<1x1x128xi32, #tpu.memory_space<vmem>> -> memref<128xi32, #tpu.memory_space<vmem>>
      %dma_start3A_193 = arith.constant 0 : i32
      %dma_start3A_194 = arith.constant 0 : i32
      %dma_start3A_195 = tpu.memref_slice %arg10[%dma_start3A_193, %dma_start3A_194] : memref<102400x16xf32, #tpu.memory_space<vmem_shared>> -> memref<102400x16xf32, #tpu.memory_space<vmem_shared>>
      tpu.enqueue_indirect_dma source(%dma_start3A_189 : memref<128x16xf32, #tpu.memory_space<vmem>>) target(%dma_start3A_195 : memref<102400x16xf32, #tpu.memory_space<vmem_shared>>) offsets(%dma_start3A_192 : memref<128xi32, #tpu.memory_space<vmem>>) semaphore(%arg12 : memref<!tpu.dma_semaphore, #tpu.memory_space<semaphore_mem>>) {add = true}
      %dma_wait3A_196 = arith.constant 2 : i32
      %dma_wait3A_197 = arith.constant 2 : i32
      %dma_wait3A_198 = arith.constant 0 : i32
      %dma_wait3A_199 = arith.constant 0 : i32
      %dma_wait3A_200 = tpu.memref_slice %arg9[%rem3A_136, %dma_wait3A_197, %dma_wait3A_198, %dma_wait3A_199] : memref<2x4x128x16xf32, #tpu.memory_space<vmem>> -> memref<1x1x128x16xf32, #tpu.memory_space<vmem>>
      %dma_wait3A_201 = tpu.memref_squeeze %dma_wait3A_200 : memref<1x1x128x16xf32, #tpu.memory_space<vmem>> -> memref<128x16xf32, #tpu.memory_space<vmem>>
      %dma_wait3A_202 = arith.constant 0 : i32
      %dma_wait3A_203 = tpu.memref_slice %arg7[%rem3A_136, %dma_wait3A_196, %dma_wait3A_202] : memref<2x4x128xi32, #tpu.memory_space<vmem>> -> memref<1x1x128xi32, #tpu.memory_space<vmem>>
      %dma_wait3A_204 = tpu.memref_squeeze %dma_wait3A_203 : memref<1x1x128xi32, #tpu.memory_space<vmem>> -> memref<128xi32, #tpu.memory_space<vmem>>
      %dma_wait3A_205 = arith.constant 0 : i32
      %dma_wait3A_206 = arith.constant 0 : i32
      %dma_wait3A_207 = tpu.memref_slice %arg4[%dma_wait3A_205, %dma_wait3A_206] : memref<102400x16xf32, #tpu.memory_space<hbm>> -> memref<102400x16xf32, #tpu.memory_space<hbm>>
      %dma_wait3A_208 = tpu.memref_slice %arg11[%rem3A_136] : memref<2x!tpu.dma_semaphore, #tpu.memory_space<semaphore_mem>> -> memref<1x!tpu.dma_semaphore, #tpu.memory_space<semaphore_mem>>
      %dma_wait3A_209 = tpu.memref_squeeze %dma_wait3A_208 : memref<1x!tpu.dma_semaphore, #tpu.memory_space<semaphore_mem>> -> memref<!tpu.dma_semaphore, #tpu.memory_space<semaphore_mem>>
      tpu.wait_indirect_dma semaphore(%dma_wait3A_209 : memref<!tpu.dma_semaphore, #tpu.memory_space<semaphore_mem>>) src(%dma_wait3A_207 : memref<102400x16xf32, #tpu.memory_space<hbm>>) dst(%dma_wait3A_201 : memref<128x16xf32, #tpu.memory_space<vmem>>)
      %dma_start3A_210 = arith.constant 2 : i32
      %dma_start3A_211 = arith.constant 2 : i32
      %dma_start3A_212 = arith.constant 0 : i32
      %dma_start3A_213 = arith.constant 0 : i32
      %dma_start3A_214 = tpu.memref_slice %arg9[%rem3A_136, %dma_start3A_210, %dma_start3A_212, %dma_start3A_213] : memref<2x4x128x16xf32, #tpu.memory_space<vmem>> -> memref<1x1x128x16xf32, #tpu.memory_space<vmem>>
      %dma_start3A_215 = tpu.memref_squeeze %dma_start3A_214 : memref<1x1x128x16xf32, #tpu.memory_space<vmem>> -> memref<128x16xf32, #tpu.memory_space<vmem>>
      %dma_start3A_216 = arith.constant 0 : i32
      %dma_start3A_217 = tpu.memref_slice %arg8[%rem3A_136, %dma_start3A_211, %dma_start3A_216] : memref<2x4x128xi32, #tpu.memory_space<vmem>> -> memref<1x1x128xi32, #tpu.memory_space<vmem>>
      %dma_start3A_218 = tpu.memref_squeeze %dma_start3A_217 : memref<1x1x128xi32, #tpu.memory_space<vmem>> -> memref<128xi32, #tpu.memory_space<vmem>>
      %dma_start3A_219 = arith.constant 0 : i32
      %dma_start3A_220 = arith.constant 0 : i32
      %dma_start3A_221 = tpu.memref_slice %arg10[%dma_start3A_219, %dma_start3A_220] : memref<102400x16xf32, #tpu.memory_space<vmem_shared>> -> memref<102400x16xf32, #tpu.memory_space<vmem_shared>>
      tpu.enqueue_indirect_dma source(%dma_start3A_215 : memref<128x16xf32, #tpu.memory_space<vmem>>) target(%dma_start3A_221 : memref<102400x16xf32, #tpu.memory_space<vmem_shared>>) offsets(%dma_start3A_218 : memref<128xi32, #tpu.memory_space<vmem>>) semaphore(%arg12 : memref<!tpu.dma_semaphore, #tpu.memory_space<semaphore_mem>>) {add = true}
      %dma_wait3A_222 = arith.constant 3 : i32
      %dma_wait3A_223 = arith.constant 3 : i32
      %dma_wait3A_224 = arith.constant 0 : i32
      %dma_wait3A_225 = arith.constant 0 : i32
      %dma_wait3A_226 = tpu.memref_slice %arg9[%rem3A_136, %dma_wait3A_223, %dma_wait3A_224, %dma_wait3A_225] : memref<2x4x128x16xf32, #tpu.memory_space<vmem>> -> memref<1x1x128x16xf32, #tpu.memory_space<vmem>>
      %dma_wait3A_227 = tpu.memref_squeeze %dma_wait3A_226 : memref<1x1x128x16xf32, #tpu.memory_space<vmem>> -> memref<128x16xf32, #tpu.memory_space<vmem>>
      %dma_wait3A_228 = arith.constant 0 : i32
      %dma_wait3A_229 = tpu.memref_slice %arg7[%rem3A_136, %dma_wait3A_222, %dma_wait3A_228] : memref<2x4x128xi32, #tpu.memory_space<vmem>> -> memref<1x1x128xi32, #tpu.memory_space<vmem>>
      %dma_wait3A_230 = tpu.memref_squeeze %dma_wait3A_229 : memref<1x1x128xi32, #tpu.memory_space<vmem>> -> memref<128xi32, #tpu.memory_space<vmem>>
      %dma_wait3A_231 = arith.constant 0 : i32
      %dma_wait3A_232 = arith.constant 0 : i32
      %dma_wait3A_233 = tpu.memref_slice %arg4[%dma_wait3A_231, %dma_wait3A_232] : memref<102400x16xf32, #tpu.memory_space<hbm>> -> memref<102400x16xf32, #tpu.memory_space<hbm>>
      %dma_wait3A_234 = tpu.memref_slice %arg11[%rem3A_136] : memref<2x!tpu.dma_semaphore, #tpu.memory_space<semaphore_mem>> -> memref<1x!tpu.dma_semaphore, #tpu.memory_space<semaphore_mem>>
      %dma_wait3A_235 = tpu.memref_squeeze %dma_wait3A_234 : memref<1x!tpu.dma_semaphore, #tpu.memory_space<semaphore_mem>> -> memref<!tpu.dma_semaphore, #tpu.memory_space<semaphore_mem>>
      tpu.wait_indirect_dma semaphore(%dma_wait3A_235 : memref<!tpu.dma_semaphore, #tpu.memory_space<semaphore_mem>>) src(%dma_wait3A_233 : memref<102400x16xf32, #tpu.memory_space<hbm>>) dst(%dma_wait3A_227 : memref<128x16xf32, #tpu.memory_space<vmem>>)
      %dma_start3A_236 = arith.constant 3 : i32
      %dma_start3A_237 = arith.constant 3 : i32
      %dma_start3A_238 = arith.constant 0 : i32
      %dma_start3A_239 = arith.constant 0 : i32
      %dma_start3A_240 = tpu.memref_slice %arg9[%rem3A_136, %dma_start3A_236, %dma_start3A_238, %dma_start3A_239] : memref<2x4x128x16xf32, #tpu.memory_space<vmem>> -> memref<1x1x128x16xf32, #tpu.memory_space<vmem>>
      %dma_start3A_241 = tpu.memref_squeeze %dma_start3A_240 : memref<1x1x128x16xf32, #tpu.memory_space<vmem>> -> memref<128x16xf32, #tpu.memory_space<vmem>>
      %dma_start3A_242 = arith.constant 0 : i32
      %dma_start3A_243 = tpu.memref_slice %arg8[%rem3A_136, %dma_start3A_237, %dma_start3A_242] : memref<2x4x128xi32, #tpu.memory_space<vmem>> -> memref<1x1x128xi32, #tpu.memory_space<vmem>>
      %dma_start3A_244 = tpu.memref_squeeze %dma_start3A_243 : memref<1x1x128xi32, #tpu.memory_space<vmem>> -> memref<128xi32, #tpu.memory_space<vmem>>
      %dma_start3A_245 = arith.constant 0 : i32
      %dma_start3A_246 = arith.constant 0 : i32
      %dma_start3A_247 = tpu.memref_slice %arg10[%dma_start3A_245, %dma_start3A_246] : memref<102400x16xf32, #tpu.memory_space<vmem_shared>> -> memref<102400x16xf32, #tpu.memory_space<vmem_shared>>
      tpu.enqueue_indirect_dma source(%dma_start3A_241 : memref<128x16xf32, #tpu.memory_space<vmem>>) target(%dma_start3A_247 : memref<102400x16xf32, #tpu.memory_space<vmem_shared>>) offsets(%dma_start3A_244 : memref<128xi32, #tpu.memory_space<vmem>>) semaphore(%arg12 : memref<!tpu.dma_semaphore, #tpu.memory_space<semaphore_mem>>) {add = true}
    }
    %scan3A_79 = arith.constant 98 : i32
    %rem3A = arith.constant 97 : i32
    %rem3A_80 = arith.constant 2 : i32
    %rem3A_81 = arith.remsi %rem3A, %rem3A_80 : i32
    %dma_wait3A = arith.constant 0 : i32
    %dma_wait3A_82 = arith.constant 0 : i32
    %dma_wait3A_83 = arith.constant 0 : i32
    %dma_wait3A_84 = arith.constant 0 : i32
    %dma_wait3A_85 = tpu.memref_slice %arg9[%rem3A_81, %dma_wait3A, %dma_wait3A_83, %dma_wait3A_84] : memref<2x4x128x16xf32, #tpu.memory_space<vmem>> -> memref<1x1x128x16xf32, #tpu.memory_space<vmem>>
    %dma_wait3A_86 = tpu.memref_squeeze %dma_wait3A_85 : memref<1x1x128x16xf32, #tpu.memory_space<vmem>> -> memref<128x16xf32, #tpu.memory_space<vmem>>
    %dma_wait3A_87 = arith.constant 0 : i32
    %dma_wait3A_88 = tpu.memref_slice %arg8[%rem3A_81, %dma_wait3A_82, %dma_wait3A_87] : memref<2x4x128xi32, #tpu.memory_space<vmem>> -> memref<1x1x128xi32, #tpu.memory_space<vmem>>
    %dma_wait3A_89 = tpu.memref_squeeze %dma_wait3A_88 : memref<1x1x128xi32, #tpu.memory_space<vmem>> -> memref<128xi32, #tpu.memory_space<vmem>>
    %dma_wait3A_90 = arith.constant 0 : i32
    %dma_wait3A_91 = arith.constant 0 : i32
    %dma_wait3A_92 = tpu.memref_slice %arg10[%dma_wait3A_90, %dma_wait3A_91] : memref<102400x16xf32, #tpu.memory_space<vmem_shared>> -> memref<102400x16xf32, #tpu.memory_space<vmem_shared>>
    tpu.wait_indirect_dma semaphore(%arg12 : memref<!tpu.dma_semaphore, #tpu.memory_space<semaphore_mem>>) src(%dma_wait3A_86 : memref<128x16xf32, #tpu.memory_space<vmem>>) dst(%dma_wait3A_92 : memref<102400x16xf32, #tpu.memory_space<vmem_shared>>)
    %dma_wait3A_93 = arith.constant 1 : i32
    %dma_wait3A_94 = arith.constant 1 : i32
    %dma_wait3A_95 = arith.constant 0 : i32
    %dma_wait3A_96 = arith.constant 0 : i32
    %dma_wait3A_97 = tpu.memref_slice %arg9[%rem3A_81, %dma_wait3A_93, %dma_wait3A_95, %dma_wait3A_96] : memref<2x4x128x16xf32, #tpu.memory_space<vmem>> -> memref<1x1x128x16xf32, #tpu.memory_space<vmem>>
    %dma_wait3A_98 = tpu.memref_squeeze %dma_wait3A_97 : memref<1x1x128x16xf32, #tpu.memory_space<vmem>> -> memref<128x16xf32, #tpu.memory_space<vmem>>
    %dma_wait3A_99 = arith.constant 0 : i32
    %dma_wait3A_100 = tpu.memref_slice %arg8[%rem3A_81, %dma_wait3A_94, %dma_wait3A_99] : memref<2x4x128xi32, #tpu.memory_space<vmem>> -> memref<1x1x128xi32, #tpu.memory_space<vmem>>
    %dma_wait3A_101 = tpu.memref_squeeze %dma_wait3A_100 : memref<1x1x128xi32, #tpu.memory_space<vmem>> -> memref<128xi32, #tpu.memory_space<vmem>>
    %dma_wait3A_102 = arith.constant 0 : i32
    %dma_wait3A_103 = arith.constant 0 : i32
    %dma_wait3A_104 = tpu.memref_slice %arg10[%dma_wait3A_102, %dma_wait3A_103] : memref<102400x16xf32, #tpu.memory_space<vmem_shared>> -> memref<102400x16xf32, #tpu.memory_space<vmem_shared>>
    tpu.wait_indirect_dma semaphore(%arg12 : memref<!tpu.dma_semaphore, #tpu.memory_space<semaphore_mem>>) src(%dma_wait3A_98 : memref<128x16xf32, #tpu.memory_space<vmem>>) dst(%dma_wait3A_104 : memref<102400x16xf32, #tpu.memory_space<vmem_shared>>)
    %dma_wait3A_105 = arith.constant 2 : i32
    %dma_wait3A_106 = arith.constant 2 : i32
    %dma_wait3A_107 = arith.constant 0 : i32
    %dma_wait3A_108 = arith.constant 0 : i32
    %dma_wait3A_109 = tpu.memref_slice %arg9[%rem3A_81, %dma_wait3A_105, %dma_wait3A_107, %dma_wait3A_108] : memref<2x4x128x16xf32, #tpu.memory_space<vmem>> -> memref<1x1x128x16xf32, #tpu.memory_space<vmem>>
    %dma_wait3A_110 = tpu.memref_squeeze %dma_wait3A_109 : memref<1x1x128x16xf32, #tpu.memory_space<vmem>> -> memref<128x16xf32, #tpu.memory_space<vmem>>
    %dma_wait3A_111 = arith.constant 0 : i32
    %dma_wait3A_112 = tpu.memref_slice %arg8[%rem3A_81, %dma_wait3A_106, %dma_wait3A_111] : memref<2x4x128xi32, #tpu.memory_space<vmem>> -> memref<1x1x128xi32, #tpu.memory_space<vmem>>
    %dma_wait3A_113 = tpu.memref_squeeze %dma_wait3A_112 : memref<1x1x128xi32, #tpu.memory_space<vmem>> -> memref<128xi32, #tpu.memory_space<vmem>>
    %dma_wait3A_114 = arith.constant 0 : i32
    %dma_wait3A_115 = arith.constant 0 : i32
    %dma_wait3A_116 = tpu.memref_slice %arg10[%dma_wait3A_114, %dma_wait3A_115] : memref<102400x16xf32, #tpu.memory_space<vmem_shared>> -> memref<102400x16xf32, #tpu.memory_space<vmem_shared>>
    tpu.wait_indirect_dma semaphore(%arg12 : memref<!tpu.dma_semaphore, #tpu.memory_space<semaphore_mem>>) src(%dma_wait3A_110 : memref<128x16xf32, #tpu.memory_space<vmem>>) dst(%dma_wait3A_116 : memref<102400x16xf32, #tpu.memory_space<vmem_shared>>)
    %dma_wait3A_117 = arith.constant 3 : i32
    %dma_wait3A_118 = arith.constant 3 : i32
    %dma_wait3A_119 = arith.constant 0 : i32
    %dma_wait3A_120 = arith.constant 0 : i32
    %dma_wait3A_121 = tpu.memref_slice %arg9[%rem3A_81, %dma_wait3A_117, %dma_wait3A_119, %dma_wait3A_120] : memref<2x4x128x16xf32, #tpu.memory_space<vmem>> -> memref<1x1x128x16xf32, #tpu.memory_space<vmem>>
    %dma_wait3A_122 = tpu.memref_squeeze %dma_wait3A_121 : memref<1x1x128x16xf32, #tpu.memory_space<vmem>> -> memref<128x16xf32, #tpu.memory_space<vmem>>
    %dma_wait3A_123 = arith.constant 0 : i32
    %dma_wait3A_124 = tpu.memref_slice %arg8[%rem3A_81, %dma_wait3A_118, %dma_wait3A_123] : memref<2x4x128xi32, #tpu.memory_space<vmem>> -> memref<1x1x128xi32, #tpu.memory_space<vmem>>
    %dma_wait3A_125 = tpu.memref_squeeze %dma_wait3A_124 : memref<1x1x128xi32, #tpu.memory_space<vmem>> -> memref<128xi32, #tpu.memory_space<vmem>>
    %dma_wait3A_126 = arith.constant 0 : i32
    %dma_wait3A_127 = arith.constant 0 : i32
    %dma_wait3A_128 = tpu.memref_slice %arg10[%dma_wait3A_126, %dma_wait3A_127] : memref<102400x16xf32, #tpu.memory_space<vmem_shared>> -> memref<102400x16xf32, #tpu.memory_space<vmem_shared>>
    tpu.wait_indirect_dma semaphore(%arg12 : memref<!tpu.dma_semaphore, #tpu.memory_space<semaphore_mem>>) src(%dma_wait3A_122 : memref<128x16xf32, #tpu.memory_space<vmem>>) dst(%dma_wait3A_128 : memref<102400x16xf32, #tpu.memory_space<vmem_shared>>)
    %barrier3A_129 = arith.constant 0 : index
    tpu.barrier barrier_id(%barrier3A_129)
    %mul3A_130 = arith.constant 6400 : i32
    %mul3A_131 = arith.muli %arg1, %mul3A_130 : i32
    %mul3A_132 = arith.constant 6400 : i32
    %mul3A_133 = arith.muli %arg1, %mul3A_132 : i32
    "tpu.region"() ({
      %run_scoped3A_134 = tpu.sem_alloc : memref<!tpu.dma_semaphore, #tpu.memory_space<semaphore_mem>>
      %dma_start3A_135 = arith.constant 0 : i32
      %dma_start3A_136 = tpu.memref_slice %arg6[%arg0, %mul3A_133, %dma_start3A_135] : memref<2x102400x16xf32, #tpu.memory_space<hbm>> -> memref<1x6400x16xf32, #tpu.memory_space<hbm>>
      %dma_start3A_137 = tpu.memref_squeeze %dma_start3A_136 : memref<1x6400x16xf32, #tpu.memory_space<hbm>> -> memref<6400x16xf32, #tpu.memory_space<hbm>>
      %dma_start3A_138 = arith.constant 0 : i32
      %dma_start3A_139 = tpu.memref_slice %arg10[%mul3A_131, %dma_start3A_138] : memref<102400x16xf32, #tpu.memory_space<vmem_shared>> -> memref<6400x16xf32, #tpu.memory_space<vmem_shared>>
      tpu.enqueue_dma source(%dma_start3A_139 : memref<6400x16xf32, #tpu.memory_space<vmem_shared>>) target(%dma_start3A_137 : memref<6400x16xf32, #tpu.memory_space<hbm>>) target_semaphore(%run_scoped3A_134 : memref<!tpu.dma_semaphore, #tpu.memory_space<semaphore_mem>>)
      %dma_wait3A_140 = arith.constant 0 : i32
      %dma_wait3A_141 = tpu.memref_slice %arg6[%arg0, %mul3A_133, %dma_wait3A_140] : memref<2x102400x16xf32, #tpu.memory_space<hbm>> -> memref<1x6400x16xf32, #tpu.memory_space<hbm>>
      %dma_wait3A_142 = tpu.memref_squeeze %dma_wait3A_141 : memref<1x6400x16xf32, #tpu.memory_space<hbm>> -> memref<6400x16xf32, #tpu.memory_space<hbm>>
      %dma_wait3A_143 = arith.constant 0 : i32
      %dma_wait3A_144 = tpu.memref_slice %arg10[%mul3A_131, %dma_wait3A_143] : memref<102400x16xf32, #tpu.memory_space<vmem_shared>> -> memref<6400x16xf32, #tpu.memory_space<vmem_shared>>
      tpu.wait_dma2 semaphore(%run_scoped3A_134 : memref<!tpu.dma_semaphore, #tpu.memory_space<semaphore_mem>>) src(%dma_wait3A_144 : memref<6400x16xf32, #tpu.memory_space<vmem_shared>>) dst(%dma_wait3A_142 : memref<6400x16xf32, #tpu.memory_space<hbm>>)
      tpu.yield
    }) : () -> ()
    return
  }
}

#map = affine_map<(d0, d1) -> (0, 0)>
#map1 = affine_map<(d0, d1) -> (0)>
module attributes {stable_mosaic.version = 14 : i64} {
  func.func @_deg_body(%arg0: i32, %arg1: i32, %arg2: memref<12544x128xi32, #tpu.memory_space<hbm>>, %arg3: memref<102400xf32, #tpu.memory_space<hbm>>, %arg4: memref<32x102400xf32, #tpu.memory_space<hbm>>, %arg5: memref<102400xf32, #tpu.memory_space<vmem>>, %arg6: memref<49x128xi32, #tpu.memory_space<vmem>>) attributes {dimension_semantics = [#tpu.dimension_semantics<core_parallel>, #tpu.dimension_semantics<subcore_parallel>], iteration_bounds = array<i64: 2, 16>, scalar_prefetch = 0 : i64, scratch_operands = 2 : i64, tpu.core_type = #tpu.core_type<sc_vector_subcore>, window_params = [{transform_indices = #map}, {transform_indices = #map1}, {transform_indices = #map}]} {
    %mul3A = arith.constant 16 : i32
    %mul3A_0 = arith.muli %arg0, %mul3A : i32
    %add3A = arith.addi %mul3A_0, %arg1 : i32
    "tpu.region"() ({
      %run_scoped3A = tpu.sem_alloc : memref<!tpu.dma_semaphore, #tpu.memory_space<semaphore_mem>>
      tpu.enqueue_dma source(%arg3 : memref<102400xf32, #tpu.memory_space<hbm>>) target(%arg5 : memref<102400xf32, #tpu.memory_space<vmem>>) target_semaphore(%run_scoped3A : memref<!tpu.dma_semaphore, #tpu.memory_space<semaphore_mem>>)
      tpu.wait_dma2 semaphore(%run_scoped3A : memref<!tpu.dma_semaphore, #tpu.memory_space<semaphore_mem>>) src(%arg3 : memref<102400xf32, #tpu.memory_space<hbm>>) dst(%arg5 : memref<102400xf32, #tpu.memory_space<vmem>>)
      tpu.yield
    }) : () -> ()
    %broadcast_in_dim3A = arith.constant 1.000000e+00 : f32
    %broadcast_in_dim3A_1 = vector.broadcast %broadcast_in_dim3A : f32 to vector<16xf32>
    %scan3A = arith.constant 0 : i32
    %scan3A_2 = arith.constant 0 : i32
    %scan3A_3 = arith.constant 8 : i32
    %scan3A_4 = arith.addi %scan3A_2, %scan3A_3 : i32
    %scan3A_5 = arith.constant 1 : i32
    scf.for %scan3A_7 = %scan3A_2 to %scan3A_4 step %scan3A_5  : i32 {
      %mul3A_8 = arith.constant 392 : i32
      %mul3A_9 = arith.muli %add3A, %mul3A_8 : i32
      %mul3A_10 = arith.constant 49 : i32
      %mul3A_11 = arith.muli %scan3A_7, %mul3A_10 : i32
      %add3A_12 = arith.addi %mul3A_9, %mul3A_11 : i32
      "tpu.region"() ({
        %run_scoped3A = tpu.sem_alloc : memref<!tpu.dma_semaphore, #tpu.memory_space<semaphore_mem>>
        %dma_start3A = arith.constant 0 : i32
        %dma_start3A_18 = tpu.memref_slice %arg2[%add3A_12, %dma_start3A] : memref<12544x128xi32, #tpu.memory_space<hbm>> -> memref<49x128xi32, #tpu.memory_space<hbm>>
        %dma_start3A_19 = arith.constant 0 : i32
        %dma_start3A_20 = tpu.memref_slice %arg2[%add3A_12, %dma_start3A_19] : memref<12544x128xi32, #tpu.memory_space<hbm>> -> memref<49x128xi32, #tpu.memory_space<hbm>>
        tpu.enqueue_dma source(%dma_start3A_20 : memref<49x128xi32, #tpu.memory_space<hbm>>) target(%arg6 : memref<49x128xi32, #tpu.memory_space<vmem>>) target_semaphore(%run_scoped3A : memref<!tpu.dma_semaphore, #tpu.memory_space<semaphore_mem>>)
        %dma_wait3A = arith.constant 0 : i32
        %dma_wait3A_21 = tpu.memref_slice %arg2[%add3A_12, %dma_wait3A] : memref<12544x128xi32, #tpu.memory_space<hbm>> -> memref<49x128xi32, #tpu.memory_space<hbm>>
        %dma_wait3A_22 = arith.constant 0 : i32
        %dma_wait3A_23 = tpu.memref_slice %arg2[%add3A_12, %dma_wait3A_22] : memref<12544x128xi32, #tpu.memory_space<hbm>> -> memref<49x128xi32, #tpu.memory_space<hbm>>
        tpu.wait_dma2 semaphore(%run_scoped3A : memref<!tpu.dma_semaphore, #tpu.memory_space<semaphore_mem>>) src(%dma_wait3A_23 : memref<49x128xi32, #tpu.memory_space<hbm>>) dst(%arg6 : memref<49x128xi32, #tpu.memory_space<vmem>>)
        tpu.yield
      }) : () -> ()
      %scan3A_13 = arith.constant 0 : i32
      %scan3A_14 = arith.constant 49 : i32
      %scan3A_15 = arith.addi %scan3A_13, %scan3A_14 : i32
      %scan3A_16 = arith.constant 1 : i32
      scf.for %scan3A_18 = %scan3A_13 to %scan3A_15 step %scan3A_16  : i32 {
        %get3A = arith.index_cast %scan3A_18 : i32 to index
        %get3A_19 = arith.constant 0 : index
        %get3A_20 = tpu.vector_load %arg6[%get3A, %get3A_19] {strides = array<i32>} : memref<49x128xi32, #tpu.memory_space<vmem>>, vector<16xi32>,
        tpu.vector_store_idx %arg5[%get3A_20], %broadcast_in_dim3A_1 {add = true} : memref<102400xf32, #tpu.memory_space<vmem>>[vector<16xi32>], vector<16xf32>,
        %get3A_21 = arith.index_cast %scan3A_18 : i32 to index
        %get3A_22 = arith.constant 16 : index
        %get3A_23 = tpu.vector_load %arg6[%get3A_21, %get3A_22] {strides = array<i32>} : memref<49x128xi32, #tpu.memory_space<vmem>>, vector<16xi32>,
        tpu.vector_store_idx %arg5[%get3A_23], %broadcast_in_dim3A_1 {add = true} : memref<102400xf32, #tpu.memory_space<vmem>>[vector<16xi32>], vector<16xf32>,
        %get3A_24 = arith.index_cast %scan3A_18 : i32 to index
        %get3A_25 = arith.constant 32 : index
        %get3A_26 = tpu.vector_load %arg6[%get3A_24, %get3A_25] {strides = array<i32>} : memref<49x128xi32, #tpu.memory_space<vmem>>, vector<16xi32>,
        tpu.vector_store_idx %arg5[%get3A_26], %broadcast_in_dim3A_1 {add = true} : memref<102400xf32, #tpu.memory_space<vmem>>[vector<16xi32>], vector<16xf32>,
        %get3A_27 = arith.index_cast %scan3A_18 : i32 to index
        %get3A_28 = arith.constant 48 : index
        %get3A_29 = tpu.vector_load %arg6[%get3A_27, %get3A_28] {strides = array<i32>} : memref<49x128xi32, #tpu.memory_space<vmem>>, vector<16xi32>,
        tpu.vector_store_idx %arg5[%get3A_29], %broadcast_in_dim3A_1 {add = true} : memref<102400xf32, #tpu.memory_space<vmem>>[vector<16xi32>], vector<16xf32>,
        %get3A_30 = arith.index_cast %scan3A_18 : i32 to index
        %get3A_31 = arith.constant 64 : index
        %get3A_32 = tpu.vector_load %arg6[%get3A_30, %get3A_31] {strides = array<i32>} : memref<49x128xi32, #tpu.memory_space<vmem>>, vector<16xi32>,
        tpu.vector_store_idx %arg5[%get3A_32], %broadcast_in_dim3A_1 {add = true} : memref<102400xf32, #tpu.memory_space<vmem>>[vector<16xi32>], vector<16xf32>,
        %get3A_33 = arith.index_cast %scan3A_18 : i32 to index
        %get3A_34 = arith.constant 80 : index
        %get3A_35 = tpu.vector_load %arg6[%get3A_33, %get3A_34] {strides = array<i32>} : memref<49x128xi32, #tpu.memory_space<vmem>>, vector<16xi32>,
        tpu.vector_store_idx %arg5[%get3A_35], %broadcast_in_dim3A_1 {add = true} : memref<102400xf32, #tpu.memory_space<vmem>>[vector<16xi32>], vector<16xf32>,
        %get3A_36 = arith.index_cast %scan3A_18 : i32 to index
        %get3A_37 = arith.constant 96 : index
        %get3A_38 = tpu.vector_load %arg6[%get3A_36, %get3A_37] {strides = array<i32>} : memref<49x128xi32, #tpu.memory_space<vmem>>, vector<16xi32>,
        tpu.vector_store_idx %arg5[%get3A_38], %broadcast_in_dim3A_1 {add = true} : memref<102400xf32, #tpu.memory_space<vmem>>[vector<16xi32>], vector<16xf32>,
        %get3A_39 = arith.index_cast %scan3A_18 : i32 to index
        %get3A_40 = arith.constant 112 : index
        %get3A_41 = tpu.vector_load %arg6[%get3A_39, %get3A_40] {strides = array<i32>} : memref<49x128xi32, #tpu.memory_space<vmem>>, vector<16xi32>,
        tpu.vector_store_idx %arg5[%get3A_41], %broadcast_in_dim3A_1 {add = true} : memref<102400xf32, #tpu.memory_space<vmem>>[vector<16xi32>], vector<16xf32>,
      }
      %scan3A_17 = arith.constant 49 : i32
    }
    %scan3A_6 = arith.constant 8 : i32
    "tpu.region"() ({
      %run_scoped3A = tpu.sem_alloc : memref<!tpu.dma_semaphore, #tpu.memory_space<semaphore_mem>>
      %dma_start3A = arith.constant 0 : i32
      %dma_start3A_7 = tpu.memref_slice %arg4[%add3A, %dma_start3A] : memref<32x102400xf32, #tpu.memory_space<hbm>> -> memref<1x102400xf32, #tpu.memory_space<hbm>>
      %dma_start3A_8 = tpu.memref_squeeze %dma_start3A_7 : memref<1x102400xf32, #tpu.memory_space<hbm>> -> memref<102400xf32, #tpu.memory_space<hbm>>
      %dma_start3A_9 = arith.constant 0 : i32
      %dma_start3A_10 = tpu.memref_slice %arg4[%add3A, %dma_start3A_9] : memref<32x102400xf32, #tpu.memory_space<hbm>> -> memref<1x102400xf32, #tpu.memory_space<hbm>>
      %dma_start3A_11 = tpu.memref_squeeze %dma_start3A_10 : memref<1x102400xf32, #tpu.memory_space<hbm>> -> memref<102400xf32, #tpu.memory_space<hbm>>
      tpu.enqueue_dma source(%arg5 : memref<102400xf32, #tpu.memory_space<vmem>>) target(%dma_start3A_11 : memref<102400xf32, #tpu.memory_space<hbm>>) target_semaphore(%run_scoped3A : memref<!tpu.dma_semaphore, #tpu.memory_space<semaphore_mem>>)
      %dma_wait3A = arith.constant 0 : i32
      %dma_wait3A_12 = tpu.memref_slice %arg4[%add3A, %dma_wait3A] : memref<32x102400xf32, #tpu.memory_space<hbm>> -> memref<1x102400xf32, #tpu.memory_space<hbm>>
      %dma_wait3A_13 = tpu.memref_squeeze %dma_wait3A_12 : memref<1x102400xf32, #tpu.memory_space<hbm>> -> memref<102400xf32, #tpu.memory_space<hbm>>
      %dma_wait3A_14 = arith.constant 0 : i32
      %dma_wait3A_15 = tpu.memref_slice %arg4[%add3A, %dma_wait3A_14] : memref<32x102400xf32, #tpu.memory_space<hbm>> -> memref<1x102400xf32, #tpu.memory_space<hbm>>
      %dma_wait3A_16 = tpu.memref_squeeze %dma_wait3A_15 : memref<1x102400xf32, #tpu.memory_space<hbm>> -> memref<102400xf32, #tpu.memory_space<hbm>>
      tpu.wait_dma2 semaphore(%run_scoped3A : memref<!tpu.dma_semaphore, #tpu.memory_space<semaphore_mem>>) src(%arg5 : memref<102400xf32, #tpu.memory_space<vmem>>) dst(%dma_wait3A_16 : memref<102400xf32, #tpu.memory_space<hbm>>)
      tpu.yield
    }) : () -> ()
    return
  }
}

#map = affine_map<(d0, d1) -> (0)>
#map1 = affine_map<(d0, d1) -> (0, 0)>
module attributes {stable_mosaic.version = 14 : i64} {
  func.func @_expand_body(%arg0: i32, %arg1: i32, %arg2: memref<102400xf32, #tpu.memory_space<hbm>>, %arg3: memref<102400x16xf32, #tpu.memory_space<hbm>>, %arg4: memref<12800x128xf32, #tpu.memory_space<hbm>>, %arg5: memref<12800x128xf32, #tpu.memory_space<hbm>>, %arg6: memref<1600xf32, #tpu.memory_space<vmem>>, %arg7: memref<1600x16xf32, #tpu.memory_space<vmem>>, %arg8: memref<2x200x128xf32, #tpu.memory_space<vmem>>) attributes {dimension_semantics = [#tpu.dimension_semantics<core_parallel>, #tpu.dimension_semantics<subcore_parallel>], iteration_bounds = array<i64: 2, 16>, scalar_prefetch = 0 : i64, scratch_operands = 3 : i64, tpu.core_type = #tpu.core_type<sc_vector_subcore>, window_params = [{transform_indices = #map}, {transform_indices = #map1}, {transform_indices = #map1}, {transform_indices = #map1}]} {
    %mul3A = arith.constant 16 : i32
    %mul3A_0 = arith.muli %arg0, %mul3A : i32
    %add3A = arith.addi %mul3A_0, %arg1 : i32
    %mul3A_1 = arith.constant 3200 : i32
    %mul3A_2 = arith.muli %add3A, %mul3A_1 : i32
    %add3A_3 = arith.constant 0 : i32
    %add3A_4 = arith.addi %mul3A_2, %add3A_3 : i32
    "tpu.region"() ({
      %run_scoped3A_111 = tpu.sem_alloc : memref<!tpu.dma_semaphore, #tpu.memory_space<semaphore_mem>>
      %dma_start3A = tpu.memref_slice %arg2[%add3A_4] : memref<102400xf32, #tpu.memory_space<hbm>> -> memref<1600xf32, #tpu.memory_space<hbm>>
      %dma_start3A_112 = tpu.memref_slice %arg2[%add3A_4] : memref<102400xf32, #tpu.memory_space<hbm>> -> memref<1600xf32, #tpu.memory_space<hbm>>
      tpu.enqueue_dma source(%dma_start3A_112 : memref<1600xf32, #tpu.memory_space<hbm>>) target(%arg6 : memref<1600xf32, #tpu.memory_space<vmem>>) target_semaphore(%run_scoped3A_111 : memref<!tpu.dma_semaphore, #tpu.memory_space<semaphore_mem>>)
      %dma_wait3A = tpu.memref_slice %arg2[%add3A_4] : memref<102400xf32, #tpu.memory_space<hbm>> -> memref<1600xf32, #tpu.memory_space<hbm>>
      %dma_wait3A_113 = tpu.memref_slice %arg2[%add3A_4] : memref<102400xf32, #tpu.memory_space<hbm>> -> memref<1600xf32, #tpu.memory_space<hbm>>
      tpu.wait_dma2 semaphore(%run_scoped3A_111 : memref<!tpu.dma_semaphore, #tpu.memory_space<semaphore_mem>>) src(%dma_wait3A_113 : memref<1600xf32, #tpu.memory_space<hbm>>) dst(%arg6 : memref<1600xf32, #tpu.memory_space<vmem>>)
      tpu.yield
    }) : () -> ()
    %scan3A = arith.constant 0 : i32
    %scan3A_5 = arith.constant 0 : i32
    %scan3A_6 = arith.constant 100 : i32
    %scan3A_7 = arith.addi %scan3A_5, %scan3A_6 : i32
    %scan3A_8 = arith.constant 1 : i32
    scf.for %scan3A_111 = %scan3A_5 to %scan3A_7 step %scan3A_8  : i32 {
      %mul3A_112 = arith.constant 16 : i32
      %mul3A_113 = arith.muli %scan3A_111, %mul3A_112 : i32
      %add3A_114 = arith.constant 0 : i32
      %add3A_115 = arith.addi %mul3A_113, %add3A_114 : i32
      %broadcast_in_dim3A = vector.broadcast %add3A_115 : i32 to vector<16xi32>
      %gather3A = tpu.vector_load_idx %arg6[%broadcast_in_dim3A] : memref<1600xf32, #tpu.memory_space<vmem>>[vector<16xi32>], vector<16xf32>,
      %swap3A = arith.index_cast %add3A_115 : i32 to index
      %swap3A_116 = arith.constant 0 : index
      %swap3A_117 = tpu.vector_load %arg7[%swap3A, %swap3A_116] {strides = array<i32>} : memref<1600x16xf32, #tpu.memory_space<vmem>>, vector<16xf32>,
      tpu.vector_store %arg7[%swap3A, %swap3A_116], %gather3A {strides = array<i32>} : memref<1600x16xf32, #tpu.memory_space<vmem>>, vector<16xf32>,
      %jit3A_118 = arith.constant 8 : i32
      %div3A_119 = arith.divsi %add3A_115, %jit3A_118 : i32
      %sign3A_120 = arith.constant 0 : i32
      %sign3A_121 = arith.cmpi sgt, %add3A_115, %sign3A_120 : i32
      %sign3A_122 = arith.extui %sign3A_121 : i1 to i32
      %sign3A_123 = arith.constant 0 : i32
      %sign3A_124 = arith.cmpi slt, %add3A_115, %sign3A_123 : i32
      %sign3A_125 = arith.extui %sign3A_124 : i1 to i32
      %sign3A_126 = arith.subi %sign3A_122, %sign3A_125 : i32
      %sign3A_127 = arith.constant 0 : i32
      %sign3A_128 = arith.cmpi sgt, %jit3A_118, %sign3A_127 : i32
      %sign3A_129 = arith.extui %sign3A_128 : i1 to i32
      %sign3A_130 = arith.constant 0 : i32
      %sign3A_131 = arith.cmpi slt, %jit3A_118, %sign3A_130 : i32
      %sign3A_132 = arith.extui %sign3A_131 : i1 to i32
      %sign3A_133 = arith.subi %sign3A_129, %sign3A_132 : i32
      %ne3A_134 = arith.cmpi ne, %sign3A_126, %sign3A_133 : i32
      %rem3A_135 = arith.remsi %add3A_115, %jit3A_118 : i32
      %ne3A_136 = arith.constant 0 : i32
      %ne3A_137 = arith.cmpi ne, %rem3A_135, %ne3A_136 : i32
      %and3A_138 = arith.andi %ne3A_134, %ne3A_137 : i1
      %sub3A_139 = arith.constant 1 : i32
      %sub3A_140 = arith.subi %div3A_119, %sub3A_139 : i32
      %select_n3A_141 = arith.select %and3A_138, %sub3A_140, %div3A_119 : i32
      %swap3A_142 = arith.constant 0 : i32
      %swap3A_143 = arith.index_cast %swap3A_142 : i32 to index
      %swap3A_144 = arith.index_cast %select_n3A_141 : i32 to index
      %swap3A_145 = arith.constant 0 : index
      %swap3A_146 = tpu.vector_load %arg8[%swap3A_143, %swap3A_144, %swap3A_145] {strides = array<i32>} : memref<2x200x128xf32, #tpu.memory_space<vmem>>, vector<16xf32>,
      tpu.vector_store %arg8[%swap3A_143, %swap3A_144, %swap3A_145], %gather3A {strides = array<i32>} : memref<2x200x128xf32, #tpu.memory_space<vmem>>, vector<16xf32>,
      %swap3A_147 = arith.constant 0 : i32
      %swap3A_148 = arith.index_cast %swap3A_147 : i32 to index
      %swap3A_149 = arith.index_cast %select_n3A_141 : i32 to index
      %swap3A_150 = arith.constant 16 : index
      %swap3A_151 = tpu.vector_load %arg8[%swap3A_148, %swap3A_149, %swap3A_150] {strides = array<i32>} : memref<2x200x128xf32, #tpu.memory_space<vmem>>, vector<16xf32>,
      tpu.vector_store %arg8[%swap3A_148, %swap3A_149, %swap3A_150], %gather3A {strides = array<i32>} : memref<2x200x128xf32, #tpu.memory_space<vmem>>, vector<16xf32>,
      %mul3A_152 = arith.constant 16 : i32
      %mul3A_153 = arith.muli %scan3A_111, %mul3A_152 : i32
      %add3A_154 = arith.constant 1 : i32
      %add3A_155 = arith.addi %mul3A_153, %add3A_154 : i32
      %broadcast_in_dim3A_156 = vector.broadcast %add3A_155 : i32 to vector<16xi32>
      %gather3A_157 = tpu.vector_load_idx %arg6[%broadcast_in_dim3A_156] : memref<1600xf32, #tpu.memory_space<vmem>>[vector<16xi32>], vector<16xf32>,
      %swap3A_158 = arith.index_cast %add3A_155 : i32 to index
      %swap3A_159 = arith.constant 0 : index
      %swap3A_160 = tpu.vector_load %arg7[%swap3A_158, %swap3A_159] {strides = array<i32>} : memref<1600x16xf32, #tpu.memory_space<vmem>>, vector<16xf32>,
      tpu.vector_store %arg7[%swap3A_158, %swap3A_159], %gather3A_157 {strides = array<i32>} : memref<1600x16xf32, #tpu.memory_space<vmem>>, vector<16xf32>,
      %jit3A_161 = arith.constant 8 : i32
      %div3A_162 = arith.divsi %add3A_155, %jit3A_161 : i32
      %sign3A_163 = arith.constant 0 : i32
      %sign3A_164 = arith.cmpi sgt, %add3A_155, %sign3A_163 : i32
      %sign3A_165 = arith.extui %sign3A_164 : i1 to i32
      %sign3A_166 = arith.constant 0 : i32
      %sign3A_167 = arith.cmpi slt, %add3A_155, %sign3A_166 : i32
      %sign3A_168 = arith.extui %sign3A_167 : i1 to i32
      %sign3A_169 = arith.subi %sign3A_165, %sign3A_168 : i32
      %sign3A_170 = arith.constant 0 : i32
      %sign3A_171 = arith.cmpi sgt, %jit3A_161, %sign3A_170 : i32
      %sign3A_172 = arith.extui %sign3A_171 : i1 to i32
      %sign3A_173 = arith.constant 0 : i32
      %sign3A_174 = arith.cmpi slt, %jit3A_161, %sign3A_173 : i32
      %sign3A_175 = arith.extui %sign3A_174 : i1 to i32
      %sign3A_176 = arith.subi %sign3A_172, %sign3A_175 : i32
      %ne3A_177 = arith.cmpi ne, %sign3A_169, %sign3A_176 : i32
      %rem3A_178 = arith.remsi %add3A_155, %jit3A_161 : i32
      %ne3A_179 = arith.constant 0 : i32
      %ne3A_180 = arith.cmpi ne, %rem3A_178, %ne3A_179 : i32
      %and3A_181 = arith.andi %ne3A_177, %ne3A_180 : i1
      %sub3A_182 = arith.constant 1 : i32
      %sub3A_183 = arith.subi %div3A_162, %sub3A_182 : i32
      %select_n3A_184 = arith.select %and3A_181, %sub3A_183, %div3A_162 : i32
      %swap3A_185 = arith.constant 0 : i32
      %swap3A_186 = arith.index_cast %swap3A_185 : i32 to index
      %swap3A_187 = arith.index_cast %select_n3A_184 : i32 to index
      %swap3A_188 = arith.constant 32 : index
      %swap3A_189 = tpu.vector_load %arg8[%swap3A_186, %swap3A_187, %swap3A_188] {strides = array<i32>} : memref<2x200x128xf32, #tpu.memory_space<vmem>>, vector<16xf32>,
      tpu.vector_store %arg8[%swap3A_186, %swap3A_187, %swap3A_188], %gather3A_157 {strides = array<i32>} : memref<2x200x128xf32, #tpu.memory_space<vmem>>, vector<16xf32>,
      %swap3A_190 = arith.constant 0 : i32
      %swap3A_191 = arith.index_cast %swap3A_190 : i32 to index
      %swap3A_192 = arith.index_cast %select_n3A_184 : i32 to index
      %swap3A_193 = arith.constant 48 : index
      %swap3A_194 = tpu.vector_load %arg8[%swap3A_191, %swap3A_192, %swap3A_193] {strides = array<i32>} : memref<2x200x128xf32, #tpu.memory_space<vmem>>, vector<16xf32>,
      tpu.vector_store %arg8[%swap3A_191, %swap3A_192, %swap3A_193], %gather3A_157 {strides = array<i32>} : memref<2x200x128xf32, #tpu.memory_space<vmem>>, vector<16xf32>,
      %mul3A_195 = arith.constant 16 : i32
      %mul3A_196 = arith.muli %scan3A_111, %mul3A_195 : i32
      %add3A_197 = arith.constant 2 : i32
      %add3A_198 = arith.addi %mul3A_196, %add3A_197 : i32
      %broadcast_in_dim3A_199 = vector.broadcast %add3A_198 : i32 to vector<16xi32>
      %gather3A_200 = tpu.vector_load_idx %arg6[%broadcast_in_dim3A_199] : memref<1600xf32, #tpu.memory_space<vmem>>[vector<16xi32>], vector<16xf32>,
      %swap3A_201 = arith.index_cast %add3A_198 : i32 to index
      %swap3A_202 = arith.constant 0 : index
      %swap3A_203 = tpu.vector_load %arg7[%swap3A_201, %swap3A_202] {strides = array<i32>} : memref<1600x16xf32, #tpu.memory_space<vmem>>, vector<16xf32>,
      tpu.vector_store %arg7[%swap3A_201, %swap3A_202], %gather3A_200 {strides = array<i32>} : memref<1600x16xf32, #tpu.memory_space<vmem>>, vector<16xf32>,
      %jit3A_204 = arith.constant 8 : i32
      %div3A_205 = arith.divsi %add3A_198, %jit3A_204 : i32
      %sign3A_206 = arith.constant 0 : i32
      %sign3A_207 = arith.cmpi sgt, %add3A_198, %sign3A_206 : i32
      %sign3A_208 = arith.extui %sign3A_207 : i1 to i32
      %sign3A_209 = arith.constant 0 : i32
      %sign3A_210 = arith.cmpi slt, %add3A_198, %sign3A_209 : i32
      %sign3A_211 = arith.extui %sign3A_210 : i1 to i32
      %sign3A_212 = arith.subi %sign3A_208, %sign3A_211 : i32
      %sign3A_213 = arith.constant 0 : i32
      %sign3A_214 = arith.cmpi sgt, %jit3A_204, %sign3A_213 : i32
      %sign3A_215 = arith.extui %sign3A_214 : i1 to i32
      %sign3A_216 = arith.constant 0 : i32
      %sign3A_217 = arith.cmpi slt, %jit3A_204, %sign3A_216 : i32
      %sign3A_218 = arith.extui %sign3A_217 : i1 to i32
      %sign3A_219 = arith.subi %sign3A_215, %sign3A_218 : i32
      %ne3A_220 = arith.cmpi ne, %sign3A_212, %sign3A_219 : i32
      %rem3A_221 = arith.remsi %add3A_198, %jit3A_204 : i32
      %ne3A_222 = arith.constant 0 : i32
      %ne3A_223 = arith.cmpi ne, %rem3A_221, %ne3A_222 : i32
      %and3A_224 = arith.andi %ne3A_220, %ne3A_223 : i1
      %sub3A_225 = arith.constant 1 : i32
      %sub3A_226 = arith.subi %div3A_205, %sub3A_225 : i32
      %select_n3A_227 = arith.select %and3A_224, %sub3A_226, %div3A_205 : i32
      %swap3A_228 = arith.constant 0 : i32
      %swap3A_229 = arith.index_cast %swap3A_228 : i32 to index
      %swap3A_230 = arith.index_cast %select_n3A_227 : i32 to index
      %swap3A_231 = arith.constant 64 : index
      %swap3A_232 = tpu.vector_load %arg8[%swap3A_229, %swap3A_230, %swap3A_231] {strides = array<i32>} : memref<2x200x128xf32, #tpu.memory_space<vmem>>, vector<16xf32>,
      tpu.vector_store %arg8[%swap3A_229, %swap3A_230, %swap3A_231], %gather3A_200 {strides = array<i32>} : memref<2x200x128xf32, #tpu.memory_space<vmem>>, vector<16xf32>,
      %swap3A_233 = arith.constant 0 : i32
      %swap3A_234 = arith.index_cast %swap3A_233 : i32 to index
      %swap3A_235 = arith.index_cast %select_n3A_227 : i32 to index
      %swap3A_236 = arith.constant 80 : index
      %swap3A_237 = tpu.vector_load %arg8[%swap3A_234, %swap3A_235, %swap3A_236] {strides = array<i32>} : memref<2x200x128xf32, #tpu.memory_space<vmem>>, vector<16xf32>,
      tpu.vector_store %arg8[%swap3A_234, %swap3A_235, %swap3A_236], %gather3A_200 {strides = array<i32>} : memref<2x200x128xf32, #tpu.memory_space<vmem>>, vector<16xf32>,
      %mul3A_238 = arith.constant 16 : i32
      %mul3A_239 = arith.muli %scan3A_111, %mul3A_238 : i32
      %add3A_240 = arith.constant 3 : i32
      %add3A_241 = arith.addi %mul3A_239, %add3A_240 : i32
      %broadcast_in_dim3A_242 = vector.broadcast %add3A_241 : i32 to vector<16xi32>
      %gather3A_243 = tpu.vector_load_idx %arg6[%broadcast_in_dim3A_242] : memref<1600xf32, #tpu.memory_space<vmem>>[vector<16xi32>], vector<16xf32>,
      %swap3A_244 = arith.index_cast %add3A_241 : i32 to index
      %swap3A_245 = arith.constant 0 : index
      %swap3A_246 = tpu.vector_load %arg7[%swap3A_244, %swap3A_245] {strides = array<i32>} : memref<1600x16xf32, #tpu.memory_space<vmem>>, vector<16xf32>,
      tpu.vector_store %arg7[%swap3A_244, %swap3A_245], %gather3A_243 {strides = array<i32>} : memref<1600x16xf32, #tpu.memory_space<vmem>>, vector<16xf32>,
      %jit3A_247 = arith.constant 8 : i32
      %div3A_248 = arith.divsi %add3A_241, %jit3A_247 : i32
      %sign3A_249 = arith.constant 0 : i32
      %sign3A_250 = arith.cmpi sgt, %add3A_241, %sign3A_249 : i32
      %sign3A_251 = arith.extui %sign3A_250 : i1 to i32
      %sign3A_252 = arith.constant 0 : i32
      %sign3A_253 = arith.cmpi slt, %add3A_241, %sign3A_252 : i32
      %sign3A_254 = arith.extui %sign3A_253 : i1 to i32
      %sign3A_255 = arith.subi %sign3A_251, %sign3A_254 : i32
      %sign3A_256 = arith.constant 0 : i32
      %sign3A_257 = arith.cmpi sgt, %jit3A_247, %sign3A_256 : i32
      %sign3A_258 = arith.extui %sign3A_257 : i1 to i32
      %sign3A_259 = arith.constant 0 : i32
      %sign3A_260 = arith.cmpi slt, %jit3A_247, %sign3A_259 : i32
      %sign3A_261 = arith.extui %sign3A_260 : i1 to i32
      %sign3A_262 = arith.subi %sign3A_258, %sign3A_261 : i32
      %ne3A_263 = arith.cmpi ne, %sign3A_255, %sign3A_262 : i32
      %rem3A_264 = arith.remsi %add3A_241, %jit3A_247 : i32
      %ne3A_265 = arith.constant 0 : i32
      %ne3A_266 = arith.cmpi ne, %rem3A_264, %ne3A_265 : i32
      %and3A_267 = arith.andi %ne3A_263, %ne3A_266 : i1
      %sub3A_268 = arith.constant 1 : i32
      %sub3A_269 = arith.subi %div3A_248, %sub3A_268 : i32
      %select_n3A_270 = arith.select %and3A_267, %sub3A_269, %div3A_248 : i32
      %swap3A_271 = arith.constant 0 : i32
      %swap3A_272 = arith.index_cast %swap3A_271 : i32 to index
      %swap3A_273 = arith.index_cast %select_n3A_270 : i32 to index
      %swap3A_274 = arith.constant 96 : index
      %swap3A_275 = tpu.vector_load %arg8[%swap3A_272, %swap3A_273, %swap3A_274] {strides = array<i32>} : memref<2x200x128xf32, #tpu.memory_space<vmem>>, vector<16xf32>,
      tpu.vector_store %arg8[%swap3A_272, %swap3A_273, %swap3A_274], %gather3A_243 {strides = array<i32>} : memref<2x200x128xf32, #tpu.memory_space<vmem>>, vector<16xf32>,
      %swap3A_276 = arith.constant 0 : i32
      %swap3A_277 = arith.index_cast %swap3A_276 : i32 to index
      %swap3A_278 = arith.index_cast %select_n3A_270 : i32 to index
      %swap3A_279 = arith.constant 112 : index
      %swap3A_280 = tpu.vector_load %arg8[%swap3A_277, %swap3A_278, %swap3A_279] {strides = array<i32>} : memref<2x200x128xf32, #tpu.memory_space<vmem>>, vector<16xf32>,
      tpu.vector_store %arg8[%swap3A_277, %swap3A_278, %swap3A_279], %gather3A_243 {strides = array<i32>} : memref<2x200x128xf32, #tpu.memory_space<vmem>>, vector<16xf32>,
      %mul3A_281 = arith.constant 16 : i32
      %mul3A_282 = arith.muli %scan3A_111, %mul3A_281 : i32
      %add3A_283 = arith.constant 4 : i32
      %add3A_284 = arith.addi %mul3A_282, %add3A_283 : i32
      %broadcast_in_dim3A_285 = vector.broadcast %add3A_284 : i32 to vector<16xi32>
      %gather3A_286 = tpu.vector_load_idx %arg6[%broadcast_in_dim3A_285] : memref<1600xf32, #tpu.memory_space<vmem>>[vector<16xi32>], vector<16xf32>,
      %swap3A_287 = arith.index_cast %add3A_284 : i32 to index
      %swap3A_288 = arith.constant 0 : index
      %swap3A_289 = tpu.vector_load %arg7[%swap3A_287, %swap3A_288] {strides = array<i32>} : memref<1600x16xf32, #tpu.memory_space<vmem>>, vector<16xf32>,
      tpu.vector_store %arg7[%swap3A_287, %swap3A_288], %gather3A_286 {strides = array<i32>} : memref<1600x16xf32, #tpu.memory_space<vmem>>, vector<16xf32>,
      %jit3A_290 = arith.constant 8 : i32
      %div3A_291 = arith.divsi %add3A_284, %jit3A_290 : i32
      %sign3A_292 = arith.constant 0 : i32
      %sign3A_293 = arith.cmpi sgt, %add3A_284, %sign3A_292 : i32
      %sign3A_294 = arith.extui %sign3A_293 : i1 to i32
      %sign3A_295 = arith.constant 0 : i32
      %sign3A_296 = arith.cmpi slt, %add3A_284, %sign3A_295 : i32
      %sign3A_297 = arith.extui %sign3A_296 : i1 to i32
      %sign3A_298 = arith.subi %sign3A_294, %sign3A_297 : i32
      %sign3A_299 = arith.constant 0 : i32
      %sign3A_300 = arith.cmpi sgt, %jit3A_290, %sign3A_299 : i32
      %sign3A_301 = arith.extui %sign3A_300 : i1 to i32
      %sign3A_302 = arith.constant 0 : i32
      %sign3A_303 = arith.cmpi slt, %jit3A_290, %sign3A_302 : i32
      %sign3A_304 = arith.extui %sign3A_303 : i1 to i32
      %sign3A_305 = arith.subi %sign3A_301, %sign3A_304 : i32
      %ne3A_306 = arith.cmpi ne, %sign3A_298, %sign3A_305 : i32
      %rem3A_307 = arith.remsi %add3A_284, %jit3A_290 : i32
      %ne3A_308 = arith.constant 0 : i32
      %ne3A_309 = arith.cmpi ne, %rem3A_307, %ne3A_308 : i32
      %and3A_310 = arith.andi %ne3A_306, %ne3A_309 : i1
      %sub3A_311 = arith.constant 1 : i32
      %sub3A_312 = arith.subi %div3A_291, %sub3A_311 : i32
      %select_n3A_313 = arith.select %and3A_310, %sub3A_312, %div3A_291 : i32
      %swap3A_314 = arith.constant 1 : i32
      %swap3A_315 = arith.index_cast %swap3A_314 : i32 to index
      %swap3A_316 = arith.index_cast %select_n3A_313 : i32 to index
      %swap3A_317 = arith.constant 0 : index
      %swap3A_318 = tpu.vector_load %arg8[%swap3A_315, %swap3A_316, %swap3A_317] {strides = array<i32>} : memref<2x200x128xf32, #tpu.memory_space<vmem>>, vector<16xf32>,
      tpu.vector_store %arg8[%swap3A_315, %swap3A_316, %swap3A_317], %gather3A_286 {strides = array<i32>} : memref<2x200x128xf32, #tpu.memory_space<vmem>>, vector<16xf32>,
      %swap3A_319 = arith.constant 1 : i32
      %swap3A_320 = arith.index_cast %swap3A_319 : i32 to index
      %swap3A_321 = arith.index_cast %select_n3A_313 : i32 to index
      %swap3A_322 = arith.constant 16 : index
      %swap3A_323 = tpu.vector_load %arg8[%swap3A_320, %swap3A_321, %swap3A_322] {strides = array<i32>} : memref<2x200x128xf32, #tpu.memory_space<vmem>>, vector<16xf32>,
      tpu.vector_store %arg8[%swap3A_320, %swap3A_321, %swap3A_322], %gather3A_286 {strides = array<i32>} : memref<2x200x128xf32, #tpu.memory_space<vmem>>, vector<16xf32>,
      %mul3A_324 = arith.constant 16 : i32
      %mul3A_325 = arith.muli %scan3A_111, %mul3A_324 : i32
      %add3A_326 = arith.constant 5 : i32
      %add3A_327 = arith.addi %mul3A_325, %add3A_326 : i32
      %broadcast_in_dim3A_328 = vector.broadcast %add3A_327 : i32 to vector<16xi32>
      %gather3A_329 = tpu.vector_load_idx %arg6[%broadcast_in_dim3A_328] : memref<1600xf32, #tpu.memory_space<vmem>>[vector<16xi32>], vector<16xf32>,
      %swap3A_330 = arith.index_cast %add3A_327 : i32 to index
      %swap3A_331 = arith.constant 0 : index
      %swap3A_332 = tpu.vector_load %arg7[%swap3A_330, %swap3A_331] {strides = array<i32>} : memref<1600x16xf32, #tpu.memory_space<vmem>>, vector<16xf32>,
      tpu.vector_store %arg7[%swap3A_330, %swap3A_331], %gather3A_329 {strides = array<i32>} : memref<1600x16xf32, #tpu.memory_space<vmem>>, vector<16xf32>,
      %jit3A_333 = arith.constant 8 : i32
      %div3A_334 = arith.divsi %add3A_327, %jit3A_333 : i32
      %sign3A_335 = arith.constant 0 : i32
      %sign3A_336 = arith.cmpi sgt, %add3A_327, %sign3A_335 : i32
      %sign3A_337 = arith.extui %sign3A_336 : i1 to i32
      %sign3A_338 = arith.constant 0 : i32
      %sign3A_339 = arith.cmpi slt, %add3A_327, %sign3A_338 : i32
      %sign3A_340 = arith.extui %sign3A_339 : i1 to i32
      %sign3A_341 = arith.subi %sign3A_337, %sign3A_340 : i32
      %sign3A_342 = arith.constant 0 : i32
      %sign3A_343 = arith.cmpi sgt, %jit3A_333, %sign3A_342 : i32
      %sign3A_344 = arith.extui %sign3A_343 : i1 to i32
      %sign3A_345 = arith.constant 0 : i32
      %sign3A_346 = arith.cmpi slt, %jit3A_333, %sign3A_345 : i32
      %sign3A_347 = arith.extui %sign3A_346 : i1 to i32
      %sign3A_348 = arith.subi %sign3A_344, %sign3A_347 : i32
      %ne3A_349 = arith.cmpi ne, %sign3A_341, %sign3A_348 : i32
      %rem3A_350 = arith.remsi %add3A_327, %jit3A_333 : i32
      %ne3A_351 = arith.constant 0 : i32
      %ne3A_352 = arith.cmpi ne, %rem3A_350, %ne3A_351 : i32
      %and3A_353 = arith.andi %ne3A_349, %ne3A_352 : i1
      %sub3A_354 = arith.constant 1 : i32
      %sub3A_355 = arith.subi %div3A_334, %sub3A_354 : i32
      %select_n3A_356 = arith.select %and3A_353, %sub3A_355, %div3A_334 : i32
      %swap3A_357 = arith.constant 1 : i32
      %swap3A_358 = arith.index_cast %swap3A_357 : i32 to index
      %swap3A_359 = arith.index_cast %select_n3A_356 : i32 to index
      %swap3A_360 = arith.constant 32 : index
      %swap3A_361 = tpu.vector_load %arg8[%swap3A_358, %swap3A_359, %swap3A_360] {strides = array<i32>} : memref<2x200x128xf32, #tpu.memory_space<vmem>>, vector<16xf32>,
      tpu.vector_store %arg8[%swap3A_358, %swap3A_359, %swap3A_360], %gather3A_329 {strides = array<i32>} : memref<2x200x128xf32, #tpu.memory_space<vmem>>, vector<16xf32>,
      %swap3A_362 = arith.constant 1 : i32
      %swap3A_363 = arith.index_cast %swap3A_362 : i32 to index
      %swap3A_364 = arith.index_cast %select_n3A_356 : i32 to index
      %swap3A_365 = arith.constant 48 : index
      %swap3A_366 = tpu.vector_load %arg8[%swap3A_363, %swap3A_364, %swap3A_365] {strides = array<i32>} : memref<2x200x128xf32, #tpu.memory_space<vmem>>, vector<16xf32>,
      tpu.vector_store %arg8[%swap3A_363, %swap3A_364, %swap3A_365], %gather3A_329 {strides = array<i32>} : memref<2x200x128xf32, #tpu.memory_space<vmem>>, vector<16xf32>,
      %mul3A_367 = arith.constant 16 : i32
      %mul3A_368 = arith.muli %scan3A_111, %mul3A_367 : i32
      %add3A_369 = arith.constant 6 : i32
      %add3A_370 = arith.addi %mul3A_368, %add3A_369 : i32
      %broadcast_in_dim3A_371 = vector.broadcast %add3A_370 : i32 to vector<16xi32>
      %gather3A_372 = tpu.vector_load_idx %arg6[%broadcast_in_dim3A_371] : memref<1600xf32, #tpu.memory_space<vmem>>[vector<16xi32>], vector<16xf32>,
      %swap3A_373 = arith.index_cast %add3A_370 : i32 to index
      %swap3A_374 = arith.constant 0 : index
      %swap3A_375 = tpu.vector_load %arg7[%swap3A_373, %swap3A_374] {strides = array<i32>} : memref<1600x16xf32, #tpu.memory_space<vmem>>, vector<16xf32>,
      tpu.vector_store %arg7[%swap3A_373, %swap3A_374], %gather3A_372 {strides = array<i32>} : memref<1600x16xf32, #tpu.memory_space<vmem>>, vector<16xf32>,
      %jit3A_376 = arith.constant 8 : i32
      %div3A_377 = arith.divsi %add3A_370, %jit3A_376 : i32
      %sign3A_378 = arith.constant 0 : i32
      %sign3A_379 = arith.cmpi sgt, %add3A_370, %sign3A_378 : i32
      %sign3A_380 = arith.extui %sign3A_379 : i1 to i32
      %sign3A_381 = arith.constant 0 : i32
      %sign3A_382 = arith.cmpi slt, %add3A_370, %sign3A_381 : i32
      %sign3A_383 = arith.extui %sign3A_382 : i1 to i32
      %sign3A_384 = arith.subi %sign3A_380, %sign3A_383 : i32
      %sign3A_385 = arith.constant 0 : i32
      %sign3A_386 = arith.cmpi sgt, %jit3A_376, %sign3A_385 : i32
      %sign3A_387 = arith.extui %sign3A_386 : i1 to i32
      %sign3A_388 = arith.constant 0 : i32
      %sign3A_389 = arith.cmpi slt, %jit3A_376, %sign3A_388 : i32
      %sign3A_390 = arith.extui %sign3A_389 : i1 to i32
      %sign3A_391 = arith.subi %sign3A_387, %sign3A_390 : i32
      %ne3A_392 = arith.cmpi ne, %sign3A_384, %sign3A_391 : i32
      %rem3A_393 = arith.remsi %add3A_370, %jit3A_376 : i32
      %ne3A_394 = arith.constant 0 : i32
      %ne3A_395 = arith.cmpi ne, %rem3A_393, %ne3A_394 : i32
      %and3A_396 = arith.andi %ne3A_392, %ne3A_395 : i1
      %sub3A_397 = arith.constant 1 : i32
      %sub3A_398 = arith.subi %div3A_377, %sub3A_397 : i32
      %select_n3A_399 = arith.select %and3A_396, %sub3A_398, %div3A_377 : i32
      %swap3A_400 = arith.constant 1 : i32
      %swap3A_401 = arith.index_cast %swap3A_400 : i32 to index
      %swap3A_402 = arith.index_cast %select_n3A_399 : i32 to index
      %swap3A_403 = arith.constant 64 : index
      %swap3A_404 = tpu.vector_load %arg8[%swap3A_401, %swap3A_402, %swap3A_403] {strides = array<i32>} : memref<2x200x128xf32, #tpu.memory_space<vmem>>, vector<16xf32>,
      tpu.vector_store %arg8[%swap3A_401, %swap3A_402, %swap3A_403], %gather3A_372 {strides = array<i32>} : memref<2x200x128xf32, #tpu.memory_space<vmem>>, vector<16xf32>,
      %swap3A_405 = arith.constant 1 : i32
      %swap3A_406 = arith.index_cast %swap3A_405 : i32 to index
      %swap3A_407 = arith.index_cast %select_n3A_399 : i32 to index
      %swap3A_408 = arith.constant 80 : index
      %swap3A_409 = tpu.vector_load %arg8[%swap3A_406, %swap3A_407, %swap3A_408] {strides = array<i32>} : memref<2x200x128xf32, #tpu.memory_space<vmem>>, vector<16xf32>,
      tpu.vector_store %arg8[%swap3A_406, %swap3A_407, %swap3A_408], %gather3A_372 {strides = array<i32>} : memref<2x200x128xf32, #tpu.memory_space<vmem>>, vector<16xf32>,
      %mul3A_410 = arith.constant 16 : i32
      %mul3A_411 = arith.muli %scan3A_111, %mul3A_410 : i32
      %add3A_412 = arith.constant 7 : i32
      %add3A_413 = arith.addi %mul3A_411, %add3A_412 : i32
      %broadcast_in_dim3A_414 = vector.broadcast %add3A_413 : i32 to vector<16xi32>
      %gather3A_415 = tpu.vector_load_idx %arg6[%broadcast_in_dim3A_414] : memref<1600xf32, #tpu.memory_space<vmem>>[vector<16xi32>], vector<16xf32>,
      %swap3A_416 = arith.index_cast %add3A_413 : i32 to index
      %swap3A_417 = arith.constant 0 : index
      %swap3A_418 = tpu.vector_load %arg7[%swap3A_416, %swap3A_417] {strides = array<i32>} : memref<1600x16xf32, #tpu.memory_space<vmem>>, vector<16xf32>,
      tpu.vector_store %arg7[%swap3A_416, %swap3A_417], %gather3A_415 {strides = array<i32>} : memref<1600x16xf32, #tpu.memory_space<vmem>>, vector<16xf32>,
      %jit3A_419 = arith.constant 8 : i32
      %div3A_420 = arith.divsi %add3A_413, %jit3A_419 : i32
      %sign3A_421 = arith.constant 0 : i32
      %sign3A_422 = arith.cmpi sgt, %add3A_413, %sign3A_421 : i32
      %sign3A_423 = arith.extui %sign3A_422 : i1 to i32
      %sign3A_424 = arith.constant 0 : i32
      %sign3A_425 = arith.cmpi slt, %add3A_413, %sign3A_424 : i32
      %sign3A_426 = arith.extui %sign3A_425 : i1 to i32
      %sign3A_427 = arith.subi %sign3A_423, %sign3A_426 : i32
      %sign3A_428 = arith.constant 0 : i32
      %sign3A_429 = arith.cmpi sgt, %jit3A_419, %sign3A_428 : i32
      %sign3A_430 = arith.extui %sign3A_429 : i1 to i32
      %sign3A_431 = arith.constant 0 : i32
      %sign3A_432 = arith.cmpi slt, %jit3A_419, %sign3A_431 : i32
      %sign3A_433 = arith.extui %sign3A_432 : i1 to i32
      %sign3A_434 = arith.subi %sign3A_430, %sign3A_433 : i32
      %ne3A_435 = arith.cmpi ne, %sign3A_427, %sign3A_434 : i32
      %rem3A_436 = arith.remsi %add3A_413, %jit3A_419 : i32
      %ne3A_437 = arith.constant 0 : i32
      %ne3A_438 = arith.cmpi ne, %rem3A_436, %ne3A_437 : i32
      %and3A_439 = arith.andi %ne3A_435, %ne3A_438 : i1
      %sub3A_440 = arith.constant 1 : i32
      %sub3A_441 = arith.subi %div3A_420, %sub3A_440 : i32
      %select_n3A_442 = arith.select %and3A_439, %sub3A_441, %div3A_420 : i32
      %swap3A_443 = arith.constant 1 : i32
      %swap3A_444 = arith.index_cast %swap3A_443 : i32 to index
      %swap3A_445 = arith.index_cast %select_n3A_442 : i32 to index
      %swap3A_446 = arith.constant 96 : index
      %swap3A_447 = tpu.vector_load %arg8[%swap3A_444, %swap3A_445, %swap3A_446] {strides = array<i32>} : memref<2x200x128xf32, #tpu.memory_space<vmem>>, vector<16xf32>,
      tpu.vector_store %arg8[%swap3A_444, %swap3A_445, %swap3A_446], %gather3A_415 {strides = array<i32>} : memref<2x200x128xf32, #tpu.memory_space<vmem>>, vector<16xf32>,
      %swap3A_448 = arith.constant 1 : i32
      %swap3A_449 = arith.index_cast %swap3A_448 : i32 to index
      %swap3A_450 = arith.index_cast %select_n3A_442 : i32 to index
      %swap3A_451 = arith.constant 112 : index
      %swap3A_452 = tpu.vector_load %arg8[%swap3A_449, %swap3A_450, %swap3A_451] {strides = array<i32>} : memref<2x200x128xf32, #tpu.memory_space<vmem>>, vector<16xf32>,
      tpu.vector_store %arg8[%swap3A_449, %swap3A_450, %swap3A_451], %gather3A_415 {strides = array<i32>} : memref<2x200x128xf32, #tpu.memory_space<vmem>>, vector<16xf32>,
      %mul3A_453 = arith.constant 16 : i32
      %mul3A_454 = arith.muli %scan3A_111, %mul3A_453 : i32
      %add3A_455 = arith.constant 8 : i32
      %add3A_456 = arith.addi %mul3A_454, %add3A_455 : i32
      %broadcast_in_dim3A_457 = vector.broadcast %add3A_456 : i32 to vector<16xi32>
      %gather3A_458 = tpu.vector_load_idx %arg6[%broadcast_in_dim3A_457] : memref<1600xf32, #tpu.memory_space<vmem>>[vector<16xi32>], vector<16xf32>,
      %swap3A_459 = arith.index_cast %add3A_456 : i32 to index
      %swap3A_460 = arith.constant 0 : index
      %swap3A_461 = tpu.vector_load %arg7[%swap3A_459, %swap3A_460] {strides = array<i32>} : memref<1600x16xf32, #tpu.memory_space<vmem>>, vector<16xf32>,
      tpu.vector_store %arg7[%swap3A_459, %swap3A_460], %gather3A_458 {strides = array<i32>} : memref<1600x16xf32, #tpu.memory_space<vmem>>, vector<16xf32>,
      %jit3A_462 = arith.constant 8 : i32
      %div3A_463 = arith.divsi %add3A_456, %jit3A_462 : i32
      %sign3A_464 = arith.constant 0 : i32
      %sign3A_465 = arith.cmpi sgt, %add3A_456, %sign3A_464 : i32
      %sign3A_466 = arith.extui %sign3A_465 : i1 to i32
      %sign3A_467 = arith.constant 0 : i32
      %sign3A_468 = arith.cmpi slt, %add3A_456, %sign3A_467 : i32
      %sign3A_469 = arith.extui %sign3A_468 : i1 to i32
      %sign3A_470 = arith.subi %sign3A_466, %sign3A_469 : i32
      %sign3A_471 = arith.constant 0 : i32
      %sign3A_472 = arith.cmpi sgt, %jit3A_462, %sign3A_471 : i32
      %sign3A_473 = arith.extui %sign3A_472 : i1 to i32
      %sign3A_474 = arith.constant 0 : i32
      %sign3A_475 = arith.cmpi slt, %jit3A_462, %sign3A_474 : i32
      %sign3A_476 = arith.extui %sign3A_475 : i1 to i32
      %sign3A_477 = arith.subi %sign3A_473, %sign3A_476 : i32
      %ne3A_478 = arith.cmpi ne, %sign3A_470, %sign3A_477 : i32
      %rem3A_479 = arith.remsi %add3A_456, %jit3A_462 : i32
      %ne3A_480 = arith.constant 0 : i32
      %ne3A_481 = arith.cmpi ne, %rem3A_479, %ne3A_480 : i32
      %and3A_482 = arith.andi %ne3A_478, %ne3A_481 : i1
      %sub3A_483 = arith.constant 1 : i32
      %sub3A_484 = arith.subi %div3A_463, %sub3A_483 : i32
      %select_n3A_485 = arith.select %and3A_482, %sub3A_484, %div3A_463 : i32
      %swap3A_486 = arith.constant 0 : i32
      %swap3A_487 = arith.index_cast %swap3A_486 : i32 to index
      %swap3A_488 = arith.index_cast %select_n3A_485 : i32 to index
      %swap3A_489 = arith.constant 0 : index
      %swap3A_490 = tpu.vector_load %arg8[%swap3A_487, %swap3A_488, %swap3A_489] {strides = array<i32>} : memref<2x200x128xf32, #tpu.memory_space<vmem>>, vector<16xf32>,
      tpu.vector_store %arg8[%swap3A_487, %swap3A_488, %swap3A_489], %gather3A_458 {strides = array<i32>} : memref<2x200x128xf32, #tpu.memory_space<vmem>>, vector<16xf32>,
      %swap3A_491 = arith.constant 0 : i32
      %swap3A_492 = arith.index_cast %swap3A_491 : i32 to index
      %swap3A_493 = arith.index_cast %select_n3A_485 : i32 to index
      %swap3A_494 = arith.constant 16 : index
      %swap3A_495 = tpu.vector_load %arg8[%swap3A_492, %swap3A_493, %swap3A_494] {strides = array<i32>} : memref<2x200x128xf32, #tpu.memory_space<vmem>>, vector<16xf32>,
      tpu.vector_store %arg8[%swap3A_492, %swap3A_493, %swap3A_494], %gather3A_458 {strides = array<i32>} : memref<2x200x128xf32, #tpu.memory_space<vmem>>, vector<16xf32>,
      %mul3A_496 = arith.constant 16 : i32
      %mul3A_497 = arith.muli %scan3A_111, %mul3A_496 : i32
      %add3A_498 = arith.constant 9 : i32
      %add3A_499 = arith.addi %mul3A_497, %add3A_498 : i32
      %broadcast_in_dim3A_500 = vector.broadcast %add3A_499 : i32 to vector<16xi32>
      %gather3A_501 = tpu.vector_load_idx %arg6[%broadcast_in_dim3A_500] : memref<1600xf32, #tpu.memory_space<vmem>>[vector<16xi32>], vector<16xf32>,
      %swap3A_502 = arith.index_cast %add3A_499 : i32 to index
      %swap3A_503 = arith.constant 0 : index
      %swap3A_504 = tpu.vector_load %arg7[%swap3A_502, %swap3A_503] {strides = array<i32>} : memref<1600x16xf32, #tpu.memory_space<vmem>>, vector<16xf32>,
      tpu.vector_store %arg7[%swap3A_502, %swap3A_503], %gather3A_501 {strides = array<i32>} : memref<1600x16xf32, #tpu.memory_space<vmem>>, vector<16xf32>,
      %jit3A_505 = arith.constant 8 : i32
      %div3A_506 = arith.divsi %add3A_499, %jit3A_505 : i32
      %sign3A_507 = arith.constant 0 : i32
      %sign3A_508 = arith.cmpi sgt, %add3A_499, %sign3A_507 : i32
      %sign3A_509 = arith.extui %sign3A_508 : i1 to i32
      %sign3A_510 = arith.constant 0 : i32
      %sign3A_511 = arith.cmpi slt, %add3A_499, %sign3A_510 : i32
      %sign3A_512 = arith.extui %sign3A_511 : i1 to i32
      %sign3A_513 = arith.subi %sign3A_509, %sign3A_512 : i32
      %sign3A_514 = arith.constant 0 : i32
      %sign3A_515 = arith.cmpi sgt, %jit3A_505, %sign3A_514 : i32
      %sign3A_516 = arith.extui %sign3A_515 : i1 to i32
      %sign3A_517 = arith.constant 0 : i32
      %sign3A_518 = arith.cmpi slt, %jit3A_505, %sign3A_517 : i32
      %sign3A_519 = arith.extui %sign3A_518 : i1 to i32
      %sign3A_520 = arith.subi %sign3A_516, %sign3A_519 : i32
      %ne3A_521 = arith.cmpi ne, %sign3A_513, %sign3A_520 : i32
      %rem3A_522 = arith.remsi %add3A_499, %jit3A_505 : i32
      %ne3A_523 = arith.constant 0 : i32
      %ne3A_524 = arith.cmpi ne, %rem3A_522, %ne3A_523 : i32
      %and3A_525 = arith.andi %ne3A_521, %ne3A_524 : i1
      %sub3A_526 = arith.constant 1 : i32
      %sub3A_527 = arith.subi %div3A_506, %sub3A_526 : i32
      %select_n3A_528 = arith.select %and3A_525, %sub3A_527, %div3A_506 : i32
      %swap3A_529 = arith.constant 0 : i32
      %swap3A_530 = arith.index_cast %swap3A_529 : i32 to index
      %swap3A_531 = arith.index_cast %select_n3A_528 : i32 to index
      %swap3A_532 = arith.constant 32 : index
      %swap3A_533 = tpu.vector_load %arg8[%swap3A_530, %swap3A_531, %swap3A_532] {strides = array<i32>} : memref<2x200x128xf32, #tpu.memory_space<vmem>>, vector<16xf32>,
      tpu.vector_store %arg8[%swap3A_530, %swap3A_531, %swap3A_532], %gather3A_501 {strides = array<i32>} : memref<2x200x128xf32, #tpu.memory_space<vmem>>, vector<16xf32>,
      %swap3A_534 = arith.constant 0 : i32
      %swap3A_535 = arith.index_cast %swap3A_534 : i32 to index
      %swap3A_536 = arith.index_cast %select_n3A_528 : i32 to index
      %swap3A_537 = arith.constant 48 : index
      %swap3A_538 = tpu.vector_load %arg8[%swap3A_535, %swap3A_536, %swap3A_537] {strides = array<i32>} : memref<2x200x128xf32, #tpu.memory_space<vmem>>, vector<16xf32>,
      tpu.vector_store %arg8[%swap3A_535, %swap3A_536, %swap3A_537], %gather3A_501 {strides = array<i32>} : memref<2x200x128xf32, #tpu.memory_space<vmem>>, vector<16xf32>,
      %mul3A_539 = arith.constant 16 : i32
      %mul3A_540 = arith.muli %scan3A_111, %mul3A_539 : i32
      %add3A_541 = arith.constant 10 : i32
      %add3A_542 = arith.addi %mul3A_540, %add3A_541 : i32
      %broadcast_in_dim3A_543 = vector.broadcast %add3A_542 : i32 to vector<16xi32>
      %gather3A_544 = tpu.vector_load_idx %arg6[%broadcast_in_dim3A_543] : memref<1600xf32, #tpu.memory_space<vmem>>[vector<16xi32>], vector<16xf32>,
      %swap3A_545 = arith.index_cast %add3A_542 : i32 to index
      %swap3A_546 = arith.constant 0 : index
      %swap3A_547 = tpu.vector_load %arg7[%swap3A_545, %swap3A_546] {strides = array<i32>} : memref<1600x16xf32, #tpu.memory_space<vmem>>, vector<16xf32>,
      tpu.vector_store %arg7[%swap3A_545, %swap3A_546], %gather3A_544 {strides = array<i32>} : memref<1600x16xf32, #tpu.memory_space<vmem>>, vector<16xf32>,
      %jit3A_548 = arith.constant 8 : i32
      %div3A_549 = arith.divsi %add3A_542, %jit3A_548 : i32
      %sign3A_550 = arith.constant 0 : i32
      %sign3A_551 = arith.cmpi sgt, %add3A_542, %sign3A_550 : i32
      %sign3A_552 = arith.extui %sign3A_551 : i1 to i32
      %sign3A_553 = arith.constant 0 : i32
      %sign3A_554 = arith.cmpi slt, %add3A_542, %sign3A_553 : i32
      %sign3A_555 = arith.extui %sign3A_554 : i1 to i32
      %sign3A_556 = arith.subi %sign3A_552, %sign3A_555 : i32
      %sign3A_557 = arith.constant 0 : i32
      %sign3A_558 = arith.cmpi sgt, %jit3A_548, %sign3A_557 : i32
      %sign3A_559 = arith.extui %sign3A_558 : i1 to i32
      %sign3A_560 = arith.constant 0 : i32
      %sign3A_561 = arith.cmpi slt, %jit3A_548, %sign3A_560 : i32
      %sign3A_562 = arith.extui %sign3A_561 : i1 to i32
      %sign3A_563 = arith.subi %sign3A_559, %sign3A_562 : i32
      %ne3A_564 = arith.cmpi ne, %sign3A_556, %sign3A_563 : i32
      %rem3A_565 = arith.remsi %add3A_542, %jit3A_548 : i32
      %ne3A_566 = arith.constant 0 : i32
      %ne3A_567 = arith.cmpi ne, %rem3A_565, %ne3A_566 : i32
      %and3A_568 = arith.andi %ne3A_564, %ne3A_567 : i1
      %sub3A_569 = arith.constant 1 : i32
      %sub3A_570 = arith.subi %div3A_549, %sub3A_569 : i32
      %select_n3A_571 = arith.select %and3A_568, %sub3A_570, %div3A_549 : i32
      %swap3A_572 = arith.constant 0 : i32
      %swap3A_573 = arith.index_cast %swap3A_572 : i32 to index
      %swap3A_574 = arith.index_cast %select_n3A_571 : i32 to index
      %swap3A_575 = arith.constant 64 : index
      %swap3A_576 = tpu.vector_load %arg8[%swap3A_573, %swap3A_574, %swap3A_575] {strides = array<i32>} : memref<2x200x128xf32, #tpu.memory_space<vmem>>, vector<16xf32>,
      tpu.vector_store %arg8[%swap3A_573, %swap3A_574, %swap3A_575], %gather3A_544 {strides = array<i32>} : memref<2x200x128xf32, #tpu.memory_space<vmem>>, vector<16xf32>,
      %swap3A_577 = arith.constant 0 : i32
      %swap3A_578 = arith.index_cast %swap3A_577 : i32 to index
      %swap3A_579 = arith.index_cast %select_n3A_571 : i32 to index
      %swap3A_580 = arith.constant 80 : index
      %swap3A_581 = tpu.vector_load %arg8[%swap3A_578, %swap3A_579, %swap3A_580] {strides = array<i32>} : memref<2x200x128xf32, #tpu.memory_space<vmem>>, vector<16xf32>,
      tpu.vector_store %arg8[%swap3A_578, %swap3A_579, %swap3A_580], %gather3A_544 {strides = array<i32>} : memref<2x200x128xf32, #tpu.memory_space<vmem>>, vector<16xf32>,
      %mul3A_582 = arith.constant 16 : i32
      %mul3A_583 = arith.muli %scan3A_111, %mul3A_582 : i32
      %add3A_584 = arith.constant 11 : i32
      %add3A_585 = arith.addi %mul3A_583, %add3A_584 : i32
      %broadcast_in_dim3A_586 = vector.broadcast %add3A_585 : i32 to vector<16xi32>
      %gather3A_587 = tpu.vector_load_idx %arg6[%broadcast_in_dim3A_586] : memref<1600xf32, #tpu.memory_space<vmem>>[vector<16xi32>], vector<16xf32>,
      %swap3A_588 = arith.index_cast %add3A_585 : i32 to index
      %swap3A_589 = arith.constant 0 : index
      %swap3A_590 = tpu.vector_load %arg7[%swap3A_588, %swap3A_589] {strides = array<i32>} : memref<1600x16xf32, #tpu.memory_space<vmem>>, vector<16xf32>,
      tpu.vector_store %arg7[%swap3A_588, %swap3A_589], %gather3A_587 {strides = array<i32>} : memref<1600x16xf32, #tpu.memory_space<vmem>>, vector<16xf32>,
      %jit3A_591 = arith.constant 8 : i32
      %div3A_592 = arith.divsi %add3A_585, %jit3A_591 : i32
      %sign3A_593 = arith.constant 0 : i32
      %sign3A_594 = arith.cmpi sgt, %add3A_585, %sign3A_593 : i32
      %sign3A_595 = arith.extui %sign3A_594 : i1 to i32
      %sign3A_596 = arith.constant 0 : i32
      %sign3A_597 = arith.cmpi slt, %add3A_585, %sign3A_596 : i32
      %sign3A_598 = arith.extui %sign3A_597 : i1 to i32
      %sign3A_599 = arith.subi %sign3A_595, %sign3A_598 : i32
      %sign3A_600 = arith.constant 0 : i32
      %sign3A_601 = arith.cmpi sgt, %jit3A_591, %sign3A_600 : i32
      %sign3A_602 = arith.extui %sign3A_601 : i1 to i32
      %sign3A_603 = arith.constant 0 : i32
      %sign3A_604 = arith.cmpi slt, %jit3A_591, %sign3A_603 : i32
      %sign3A_605 = arith.extui %sign3A_604 : i1 to i32
      %sign3A_606 = arith.subi %sign3A_602, %sign3A_605 : i32
      %ne3A_607 = arith.cmpi ne, %sign3A_599, %sign3A_606 : i32
      %rem3A_608 = arith.remsi %add3A_585, %jit3A_591 : i32
      %ne3A_609 = arith.constant 0 : i32
      %ne3A_610 = arith.cmpi ne, %rem3A_608, %ne3A_609 : i32
      %and3A_611 = arith.andi %ne3A_607, %ne3A_610 : i1
      %sub3A_612 = arith.constant 1 : i32
      %sub3A_613 = arith.subi %div3A_592, %sub3A_612 : i32
      %select_n3A_614 = arith.select %and3A_611, %sub3A_613, %div3A_592 : i32
      %swap3A_615 = arith.constant 0 : i32
      %swap3A_616 = arith.index_cast %swap3A_615 : i32 to index
      %swap3A_617 = arith.index_cast %select_n3A_614 : i32 to index
      %swap3A_618 = arith.constant 96 : index
      %swap3A_619 = tpu.vector_load %arg8[%swap3A_616, %swap3A_617, %swap3A_618] {strides = array<i32>} : memref<2x200x128xf32, #tpu.memory_space<vmem>>, vector<16xf32>,
      tpu.vector_store %arg8[%swap3A_616, %swap3A_617, %swap3A_618], %gather3A_587 {strides = array<i32>} : memref<2x200x128xf32, #tpu.memory_space<vmem>>, vector<16xf32>,
      %swap3A_620 = arith.constant 0 : i32
      %swap3A_621 = arith.index_cast %swap3A_620 : i32 to index
      %swap3A_622 = arith.index_cast %select_n3A_614 : i32 to index
      %swap3A_623 = arith.constant 112 : index
      %swap3A_624 = tpu.vector_load %arg8[%swap3A_621, %swap3A_622, %swap3A_623] {strides = array<i32>} : memref<2x200x128xf32, #tpu.memory_space<vmem>>, vector<16xf32>,
      tpu.vector_store %arg8[%swap3A_621, %swap3A_622, %swap3A_623], %gather3A_587 {strides = array<i32>} : memref<2x200x128xf32, #tpu.memory_space<vmem>>, vector<16xf32>,
      %mul3A_625 = arith.constant 16 : i32
      %mul3A_626 = arith.muli %scan3A_111, %mul3A_625 : i32
      %add3A_627 = arith.constant 12 : i32
      %add3A_628 = arith.addi %mul3A_626, %add3A_627 : i32
      %broadcast_in_dim3A_629 = vector.broadcast %add3A_628 : i32 to vector<16xi32>
      %gather3A_630 = tpu.vector_load_idx %arg6[%broadcast_in_dim3A_629] : memref<1600xf32, #tpu.memory_space<vmem>>[vector<16xi32>], vector<16xf32>,
      %swap3A_631 = arith.index_cast %add3A_628 : i32 to index
      %swap3A_632 = arith.constant 0 : index
      %swap3A_633 = tpu.vector_load %arg7[%swap3A_631, %swap3A_632] {strides = array<i32>} : memref<1600x16xf32, #tpu.memory_space<vmem>>, vector<16xf32>,
      tpu.vector_store %arg7[%swap3A_631, %swap3A_632], %gather3A_630 {strides = array<i32>} : memref<1600x16xf32, #tpu.memory_space<vmem>>, vector<16xf32>,
      %jit3A_634 = arith.constant 8 : i32
      %div3A_635 = arith.divsi %add3A_628, %jit3A_634 : i32
      %sign3A_636 = arith.constant 0 : i32
      %sign3A_637 = arith.cmpi sgt, %add3A_628, %sign3A_636 : i32
      %sign3A_638 = arith.extui %sign3A_637 : i1 to i32
      %sign3A_639 = arith.constant 0 : i32
      %sign3A_640 = arith.cmpi slt, %add3A_628, %sign3A_639 : i32
      %sign3A_641 = arith.extui %sign3A_640 : i1 to i32
      %sign3A_642 = arith.subi %sign3A_638, %sign3A_641 : i32
      %sign3A_643 = arith.constant 0 : i32
      %sign3A_644 = arith.cmpi sgt, %jit3A_634, %sign3A_643 : i32
      %sign3A_645 = arith.extui %sign3A_644 : i1 to i32
      %sign3A_646 = arith.constant 0 : i32
      %sign3A_647 = arith.cmpi slt, %jit3A_634, %sign3A_646 : i32
      %sign3A_648 = arith.extui %sign3A_647 : i1 to i32
      %sign3A_649 = arith.subi %sign3A_645, %sign3A_648 : i32
      %ne3A_650 = arith.cmpi ne, %sign3A_642, %sign3A_649 : i32
      %rem3A_651 = arith.remsi %add3A_628, %jit3A_634 : i32
      %ne3A_652 = arith.constant 0 : i32
      %ne3A_653 = arith.cmpi ne, %rem3A_651, %ne3A_652 : i32
      %and3A_654 = arith.andi %ne3A_650, %ne3A_653 : i1
      %sub3A_655 = arith.constant 1 : i32
      %sub3A_656 = arith.subi %div3A_635, %sub3A_655 : i32
      %select_n3A_657 = arith.select %and3A_654, %sub3A_656, %div3A_635 : i32
      %swap3A_658 = arith.constant 1 : i32
      %swap3A_659 = arith.index_cast %swap3A_658 : i32 to index
      %swap3A_660 = arith.index_cast %select_n3A_657 : i32 to index
      %swap3A_661 = arith.constant 0 : index
      %swap3A_662 = tpu.vector_load %arg8[%swap3A_659, %swap3A_660, %swap3A_661] {strides = array<i32>} : memref<2x200x128xf32, #tpu.memory_space<vmem>>, vector<16xf32>,
      tpu.vector_store %arg8[%swap3A_659, %swap3A_660, %swap3A_661], %gather3A_630 {strides = array<i32>} : memref<2x200x128xf32, #tpu.memory_space<vmem>>, vector<16xf32>,
      %swap3A_663 = arith.constant 1 : i32
      %swap3A_664 = arith.index_cast %swap3A_663 : i32 to index
      %swap3A_665 = arith.index_cast %select_n3A_657 : i32 to index
      %swap3A_666 = arith.constant 16 : index
      %swap3A_667 = tpu.vector_load %arg8[%swap3A_664, %swap3A_665, %swap3A_666] {strides = array<i32>} : memref<2x200x128xf32, #tpu.memory_space<vmem>>, vector<16xf32>,
      tpu.vector_store %arg8[%swap3A_664, %swap3A_665, %swap3A_666], %gather3A_630 {strides = array<i32>} : memref<2x200x128xf32, #tpu.memory_space<vmem>>, vector<16xf32>,
      %mul3A_668 = arith.constant 16 : i32
      %mul3A_669 = arith.muli %scan3A_111, %mul3A_668 : i32
      %add3A_670 = arith.constant 13 : i32
      %add3A_671 = arith.addi %mul3A_669, %add3A_670 : i32
      %broadcast_in_dim3A_672 = vector.broadcast %add3A_671 : i32 to vector<16xi32>
      %gather3A_673 = tpu.vector_load_idx %arg6[%broadcast_in_dim3A_672] : memref<1600xf32, #tpu.memory_space<vmem>>[vector<16xi32>], vector<16xf32>,
      %swap3A_674 = arith.index_cast %add3A_671 : i32 to index
      %swap3A_675 = arith.constant 0 : index
      %swap3A_676 = tpu.vector_load %arg7[%swap3A_674, %swap3A_675] {strides = array<i32>} : memref<1600x16xf32, #tpu.memory_space<vmem>>, vector<16xf32>,
      tpu.vector_store %arg7[%swap3A_674, %swap3A_675], %gather3A_673 {strides = array<i32>} : memref<1600x16xf32, #tpu.memory_space<vmem>>, vector<16xf32>,
      %jit3A_677 = arith.constant 8 : i32
      %div3A_678 = arith.divsi %add3A_671, %jit3A_677 : i32
      %sign3A_679 = arith.constant 0 : i32
      %sign3A_680 = arith.cmpi sgt, %add3A_671, %sign3A_679 : i32
      %sign3A_681 = arith.extui %sign3A_680 : i1 to i32
      %sign3A_682 = arith.constant 0 : i32
      %sign3A_683 = arith.cmpi slt, %add3A_671, %sign3A_682 : i32
      %sign3A_684 = arith.extui %sign3A_683 : i1 to i32
      %sign3A_685 = arith.subi %sign3A_681, %sign3A_684 : i32
      %sign3A_686 = arith.constant 0 : i32
      %sign3A_687 = arith.cmpi sgt, %jit3A_677, %sign3A_686 : i32
      %sign3A_688 = arith.extui %sign3A_687 : i1 to i32
      %sign3A_689 = arith.constant 0 : i32
      %sign3A_690 = arith.cmpi slt, %jit3A_677, %sign3A_689 : i32
      %sign3A_691 = arith.extui %sign3A_690 : i1 to i32
      %sign3A_692 = arith.subi %sign3A_688, %sign3A_691 : i32
      %ne3A_693 = arith.cmpi ne, %sign3A_685, %sign3A_692 : i32
      %rem3A_694 = arith.remsi %add3A_671, %jit3A_677 : i32
      %ne3A_695 = arith.constant 0 : i32
      %ne3A_696 = arith.cmpi ne, %rem3A_694, %ne3A_695 : i32
      %and3A_697 = arith.andi %ne3A_693, %ne3A_696 : i1
      %sub3A_698 = arith.constant 1 : i32
      %sub3A_699 = arith.subi %div3A_678, %sub3A_698 : i32
      %select_n3A_700 = arith.select %and3A_697, %sub3A_699, %div3A_678 : i32
      %swap3A_701 = arith.constant 1 : i32
      %swap3A_702 = arith.index_cast %swap3A_701 : i32 to index
      %swap3A_703 = arith.index_cast %select_n3A_700 : i32 to index
      %swap3A_704 = arith.constant 32 : index
      %swap3A_705 = tpu.vector_load %arg8[%swap3A_702, %swap3A_703, %swap3A_704] {strides = array<i32>} : memref<2x200x128xf32, #tpu.memory_space<vmem>>, vector<16xf32>,
      tpu.vector_store %arg8[%swap3A_702, %swap3A_703, %swap3A_704], %gather3A_673 {strides = array<i32>} : memref<2x200x128xf32, #tpu.memory_space<vmem>>, vector<16xf32>,
      %swap3A_706 = arith.constant 1 : i32
      %swap3A_707 = arith.index_cast %swap3A_706 : i32 to index
      %swap3A_708 = arith.index_cast %select_n3A_700 : i32 to index
      %swap3A_709 = arith.constant 48 : index
      %swap3A_710 = tpu.vector_load %arg8[%swap3A_707, %swap3A_708, %swap3A_709] {strides = array<i32>} : memref<2x200x128xf32, #tpu.memory_space<vmem>>, vector<16xf32>,
      tpu.vector_store %arg8[%swap3A_707, %swap3A_708, %swap3A_709], %gather3A_673 {strides = array<i32>} : memref<2x200x128xf32, #tpu.memory_space<vmem>>, vector<16xf32>,
      %mul3A_711 = arith.constant 16 : i32
      %mul3A_712 = arith.muli %scan3A_111, %mul3A_711 : i32
      %add3A_713 = arith.constant 14 : i32
      %add3A_714 = arith.addi %mul3A_712, %add3A_713 : i32
      %broadcast_in_dim3A_715 = vector.broadcast %add3A_714 : i32 to vector<16xi32>
      %gather3A_716 = tpu.vector_load_idx %arg6[%broadcast_in_dim3A_715] : memref<1600xf32, #tpu.memory_space<vmem>>[vector<16xi32>], vector<16xf32>,
      %swap3A_717 = arith.index_cast %add3A_714 : i32 to index
      %swap3A_718 = arith.constant 0 : index
      %swap3A_719 = tpu.vector_load %arg7[%swap3A_717, %swap3A_718] {strides = array<i32>} : memref<1600x16xf32, #tpu.memory_space<vmem>>, vector<16xf32>,
      tpu.vector_store %arg7[%swap3A_717, %swap3A_718], %gather3A_716 {strides = array<i32>} : memref<1600x16xf32, #tpu.memory_space<vmem>>, vector<16xf32>,
      %jit3A_720 = arith.constant 8 : i32
      %div3A_721 = arith.divsi %add3A_714, %jit3A_720 : i32
      %sign3A_722 = arith.constant 0 : i32
      %sign3A_723 = arith.cmpi sgt, %add3A_714, %sign3A_722 : i32
      %sign3A_724 = arith.extui %sign3A_723 : i1 to i32
      %sign3A_725 = arith.constant 0 : i32
      %sign3A_726 = arith.cmpi slt, %add3A_714, %sign3A_725 : i32
      %sign3A_727 = arith.extui %sign3A_726 : i1 to i32
      %sign3A_728 = arith.subi %sign3A_724, %sign3A_727 : i32
      %sign3A_729 = arith.constant 0 : i32
      %sign3A_730 = arith.cmpi sgt, %jit3A_720, %sign3A_729 : i32
      %sign3A_731 = arith.extui %sign3A_730 : i1 to i32
      %sign3A_732 = arith.constant 0 : i32
      %sign3A_733 = arith.cmpi slt, %jit3A_720, %sign3A_732 : i32
      %sign3A_734 = arith.extui %sign3A_733 : i1 to i32
      %sign3A_735 = arith.subi %sign3A_731, %sign3A_734 : i32
      %ne3A_736 = arith.cmpi ne, %sign3A_728, %sign3A_735 : i32
      %rem3A_737 = arith.remsi %add3A_714, %jit3A_720 : i32
      %ne3A_738 = arith.constant 0 : i32
      %ne3A_739 = arith.cmpi ne, %rem3A_737, %ne3A_738 : i32
      %and3A_740 = arith.andi %ne3A_736, %ne3A_739 : i1
      %sub3A_741 = arith.constant 1 : i32
      %sub3A_742 = arith.subi %div3A_721, %sub3A_741 : i32
      %select_n3A_743 = arith.select %and3A_740, %sub3A_742, %div3A_721 : i32
      %swap3A_744 = arith.constant 1 : i32
      %swap3A_745 = arith.index_cast %swap3A_744 : i32 to index
      %swap3A_746 = arith.index_cast %select_n3A_743 : i32 to index
      %swap3A_747 = arith.constant 64 : index
      %swap3A_748 = tpu.vector_load %arg8[%swap3A_745, %swap3A_746, %swap3A_747] {strides = array<i32>} : memref<2x200x128xf32, #tpu.memory_space<vmem>>, vector<16xf32>,
      tpu.vector_store %arg8[%swap3A_745, %swap3A_746, %swap3A_747], %gather3A_716 {strides = array<i32>} : memref<2x200x128xf32, #tpu.memory_space<vmem>>, vector<16xf32>,
      %swap3A_749 = arith.constant 1 : i32
      %swap3A_750 = arith.index_cast %swap3A_749 : i32 to index
      %swap3A_751 = arith.index_cast %select_n3A_743 : i32 to index
      %swap3A_752 = arith.constant 80 : index
      %swap3A_753 = tpu.vector_load %arg8[%swap3A_750, %swap3A_751, %swap3A_752] {strides = array<i32>} : memref<2x200x128xf32, #tpu.memory_space<vmem>>, vector<16xf32>,
      tpu.vector_store %arg8[%swap3A_750, %swap3A_751, %swap3A_752], %gather3A_716 {strides = array<i32>} : memref<2x200x128xf32, #tpu.memory_space<vmem>>, vector<16xf32>,
      %mul3A_754 = arith.constant 16 : i32
      %mul3A_755 = arith.muli %scan3A_111, %mul3A_754 : i32
      %add3A_756 = arith.constant 15 : i32
      %add3A_757 = arith.addi %mul3A_755, %add3A_756 : i32
      %broadcast_in_dim3A_758 = vector.broadcast %add3A_757 : i32 to vector<16xi32>
      %gather3A_759 = tpu.vector_load_idx %arg6[%broadcast_in_dim3A_758] : memref<1600xf32, #tpu.memory_space<vmem>>[vector<16xi32>], vector<16xf32>,
      %swap3A_760 = arith.index_cast %add3A_757 : i32 to index
      %swap3A_761 = arith.constant 0 : index
      %swap3A_762 = tpu.vector_load %arg7[%swap3A_760, %swap3A_761] {strides = array<i32>} : memref<1600x16xf32, #tpu.memory_space<vmem>>, vector<16xf32>,
      tpu.vector_store %arg7[%swap3A_760, %swap3A_761], %gather3A_759 {strides = array<i32>} : memref<1600x16xf32, #tpu.memory_space<vmem>>, vector<16xf32>,
      %jit3A_763 = arith.constant 8 : i32
      %div3A_764 = arith.divsi %add3A_757, %jit3A_763 : i32
      %sign3A_765 = arith.constant 0 : i32
      %sign3A_766 = arith.cmpi sgt, %add3A_757, %sign3A_765 : i32
      %sign3A_767 = arith.extui %sign3A_766 : i1 to i32
      %sign3A_768 = arith.constant 0 : i32
      %sign3A_769 = arith.cmpi slt, %add3A_757, %sign3A_768 : i32
      %sign3A_770 = arith.extui %sign3A_769 : i1 to i32
      %sign3A_771 = arith.subi %sign3A_767, %sign3A_770 : i32
      %sign3A_772 = arith.constant 0 : i32
      %sign3A_773 = arith.cmpi sgt, %jit3A_763, %sign3A_772 : i32
      %sign3A_774 = arith.extui %sign3A_773 : i1 to i32
      %sign3A_775 = arith.constant 0 : i32
      %sign3A_776 = arith.cmpi slt, %jit3A_763, %sign3A_775 : i32
      %sign3A_777 = arith.extui %sign3A_776 : i1 to i32
      %sign3A_778 = arith.subi %sign3A_774, %sign3A_777 : i32
      %ne3A_779 = arith.cmpi ne, %sign3A_771, %sign3A_778 : i32
      %rem3A_780 = arith.remsi %add3A_757, %jit3A_763 : i32
      %ne3A_781 = arith.constant 0 : i32
      %ne3A_782 = arith.cmpi ne, %rem3A_780, %ne3A_781 : i32
      %and3A_783 = arith.andi %ne3A_779, %ne3A_782 : i1
      %sub3A_784 = arith.constant 1 : i32
      %sub3A_785 = arith.subi %div3A_764, %sub3A_784 : i32
      %select_n3A_786 = arith.select %and3A_783, %sub3A_785, %div3A_764 : i32
      %swap3A_787 = arith.constant 1 : i32
      %swap3A_788 = arith.index_cast %swap3A_787 : i32 to index
      %swap3A_789 = arith.index_cast %select_n3A_786 : i32 to index
      %swap3A_790 = arith.constant 96 : index
      %swap3A_791 = tpu.vector_load %arg8[%swap3A_788, %swap3A_789, %swap3A_790] {strides = array<i32>} : memref<2x200x128xf32, #tpu.memory_space<vmem>>, vector<16xf32>,
      tpu.vector_store %arg8[%swap3A_788, %swap3A_789, %swap3A_790], %gather3A_759 {strides = array<i32>} : memref<2x200x128xf32, #tpu.memory_space<vmem>>, vector<16xf32>,
      %swap3A_792 = arith.constant 1 : i32
      %swap3A_793 = arith.index_cast %swap3A_792 : i32 to index
      %swap3A_794 = arith.index_cast %select_n3A_786 : i32 to index
      %swap3A_795 = arith.constant 112 : index
      %swap3A_796 = tpu.vector_load %arg8[%swap3A_793, %swap3A_794, %swap3A_795] {strides = array<i32>} : memref<2x200x128xf32, #tpu.memory_space<vmem>>, vector<16xf32>,
      tpu.vector_store %arg8[%swap3A_793, %swap3A_794, %swap3A_795], %gather3A_759 {strides = array<i32>} : memref<2x200x128xf32, #tpu.memory_space<vmem>>, vector<16xf32>,
    }
    %scan3A_9 = arith.constant 100 : i32
    "tpu.region"() ({
      %run_scoped3A_111 = tpu.sem_alloc : memref<!tpu.dma_semaphore, #tpu.memory_space<semaphore_mem>>
      %dma_start3A = arith.constant 0 : i32
      %dma_start3A_112 = tpu.memref_slice %arg3[%add3A_4, %dma_start3A] : memref<102400x16xf32, #tpu.memory_space<hbm>> -> memref<1600x16xf32, #tpu.memory_space<hbm>>
      %dma_start3A_113 = arith.constant 0 : i32
      %dma_start3A_114 = tpu.memref_slice %arg3[%add3A_4, %dma_start3A_113] : memref<102400x16xf32, #tpu.memory_space<hbm>> -> memref<1600x16xf32, #tpu.memory_space<hbm>>
      tpu.enqueue_dma source(%arg7 : memref<1600x16xf32, #tpu.memory_space<vmem>>) target(%dma_start3A_114 : memref<1600x16xf32, #tpu.memory_space<hbm>>) target_semaphore(%run_scoped3A_111 : memref<!tpu.dma_semaphore, #tpu.memory_space<semaphore_mem>>)
      %dma_wait3A = arith.constant 0 : i32
      %dma_wait3A_115 = tpu.memref_slice %arg3[%add3A_4, %dma_wait3A] : memref<102400x16xf32, #tpu.memory_space<hbm>> -> memref<1600x16xf32, #tpu.memory_space<hbm>>
      %dma_wait3A_116 = arith.constant 0 : i32
      %dma_wait3A_117 = tpu.memref_slice %arg3[%add3A_4, %dma_wait3A_116] : memref<102400x16xf32, #tpu.memory_space<hbm>> -> memref<1600x16xf32, #tpu.memory_space<hbm>>
      tpu.wait_dma2 semaphore(%run_scoped3A_111 : memref<!tpu.dma_semaphore, #tpu.memory_space<semaphore_mem>>) src(%arg7 : memref<1600x16xf32, #tpu.memory_space<vmem>>) dst(%dma_wait3A_117 : memref<1600x16xf32, #tpu.memory_space<hbm>>)
      tpu.yield
    }) : () -> ()
    %jit3A = arith.constant 8 : i32
    %div3A = arith.divsi %add3A_4, %jit3A : i32
    %sign3A = arith.constant 0 : i32
    %sign3A_10 = arith.cmpi sgt, %add3A_4, %sign3A : i32
    %sign3A_11 = arith.extui %sign3A_10 : i1 to i32
    %sign3A_12 = arith.constant 0 : i32
    %sign3A_13 = arith.cmpi slt, %add3A_4, %sign3A_12 : i32
    %sign3A_14 = arith.extui %sign3A_13 : i1 to i32
    %sign3A_15 = arith.subi %sign3A_11, %sign3A_14 : i32
    %sign3A_16 = arith.constant 0 : i32
    %sign3A_17 = arith.cmpi sgt, %jit3A, %sign3A_16 : i32
    %sign3A_18 = arith.extui %sign3A_17 : i1 to i32
    %sign3A_19 = arith.constant 0 : i32
    %sign3A_20 = arith.cmpi slt, %jit3A, %sign3A_19 : i32
    %sign3A_21 = arith.extui %sign3A_20 : i1 to i32
    %sign3A_22 = arith.subi %sign3A_18, %sign3A_21 : i32
    %ne3A = arith.cmpi ne, %sign3A_15, %sign3A_22 : i32
    %rem3A = arith.remsi %add3A_4, %jit3A : i32
    %ne3A_23 = arith.constant 0 : i32
    %ne3A_24 = arith.cmpi ne, %rem3A, %ne3A_23 : i32
    %and3A = arith.andi %ne3A, %ne3A_24 : i1
    %sub3A = arith.constant 1 : i32
    %sub3A_25 = arith.subi %div3A, %sub3A : i32
    %select_n3A = arith.select %and3A, %sub3A_25, %div3A : i32
    %run_scoped3A = arith.constant 0 : i32
    "tpu.region"() ({
      %run_scoped3A_111 = tpu.sem_alloc : memref<!tpu.dma_semaphore, #tpu.memory_space<semaphore_mem>>
      %dma_start3A = arith.constant 0 : i32
      %dma_start3A_112 = arith.constant 0 : i32
      %dma_start3A_113 = tpu.memref_slice %arg8[%run_scoped3A, %dma_start3A, %dma_start3A_112] : memref<2x200x128xf32, #tpu.memory_space<vmem>> -> memref<1x200x128xf32, #tpu.memory_space<vmem>>
      %dma_start3A_114 = tpu.memref_squeeze %dma_start3A_113 : memref<1x200x128xf32, #tpu.memory_space<vmem>> -> memref<200x128xf32, #tpu.memory_space<vmem>>
      %dma_start3A_115 = arith.constant 0 : i32
      %dma_start3A_116 = tpu.memref_slice %arg4[%select_n3A, %dma_start3A_115] : memref<12800x128xf32, #tpu.memory_space<hbm>> -> memref<200x128xf32, #tpu.memory_space<hbm>>
      %dma_start3A_117 = arith.constant 0 : i32
      %dma_start3A_118 = tpu.memref_slice %arg4[%select_n3A, %dma_start3A_117] : memref<12800x128xf32, #tpu.memory_space<hbm>> -> memref<200x128xf32, #tpu.memory_space<hbm>>
      %dma_start3A_119 = arith.constant 0 : i32
      %dma_start3A_120 = arith.constant 0 : i32
      %dma_start3A_121 = tpu.memref_slice %arg8[%run_scoped3A, %dma_start3A_119, %dma_start3A_120] : memref<2x200x128xf32, #tpu.memory_space<vmem>> -> memref<1x200x128xf32, #tpu.memory_space<vmem>>
      %dma_start3A_122 = tpu.memref_squeeze %dma_start3A_121 : memref<1x200x128xf32, #tpu.memory_space<vmem>> -> memref<200x128xf32, #tpu.memory_space<vmem>>
      tpu.enqueue_dma source(%dma_start3A_122 : memref<200x128xf32, #tpu.memory_space<vmem>>) target(%dma_start3A_118 : memref<200x128xf32, #tpu.memory_space<hbm>>) target_semaphore(%run_scoped3A_111 : memref<!tpu.dma_semaphore, #tpu.memory_space<semaphore_mem>>)
      %dma_wait3A = arith.constant 0 : i32
      %dma_wait3A_123 = arith.constant 0 : i32
      %dma_wait3A_124 = tpu.memref_slice %arg8[%run_scoped3A, %dma_wait3A, %dma_wait3A_123] : memref<2x200x128xf32, #tpu.memory_space<vmem>> -> memref<1x200x128xf32, #tpu.memory_space<vmem>>
      %dma_wait3A_125 = tpu.memref_squeeze %dma_wait3A_124 : memref<1x200x128xf32, #tpu.memory_space<vmem>> -> memref<200x128xf32, #tpu.memory_space<vmem>>
      %dma_wait3A_126 = arith.constant 0 : i32
      %dma_wait3A_127 = tpu.memref_slice %arg4[%select_n3A, %dma_wait3A_126] : memref<12800x128xf32, #tpu.memory_space<hbm>> -> memref<200x128xf32, #tpu.memory_space<hbm>>
      %dma_wait3A_128 = arith.constant 0 : i32
      %dma_wait3A_129 = tpu.memref_slice %arg4[%select_n3A, %dma_wait3A_128] : memref<12800x128xf32, #tpu.memory_space<hbm>> -> memref<200x128xf32, #tpu.memory_space<hbm>>
      %dma_wait3A_130 = arith.constant 0 : i32
      %dma_wait3A_131 = arith.constant 0 : i32
      %dma_wait3A_132 = tpu.memref_slice %arg8[%run_scoped3A, %dma_wait3A_130, %dma_wait3A_131] : memref<2x200x128xf32, #tpu.memory_space<vmem>> -> memref<1x200x128xf32, #tpu.memory_space<vmem>>
      %dma_wait3A_133 = tpu.memref_squeeze %dma_wait3A_132 : memref<1x200x128xf32, #tpu.memory_space<vmem>> -> memref<200x128xf32, #tpu.memory_space<vmem>>
      tpu.wait_dma2 semaphore(%run_scoped3A_111 : memref<!tpu.dma_semaphore, #tpu.memory_space<semaphore_mem>>) src(%dma_wait3A_133 : memref<200x128xf32, #tpu.memory_space<vmem>>) dst(%dma_wait3A_129 : memref<200x128xf32, #tpu.memory_space<hbm>>)
      tpu.yield
    }) : () -> ()
    %jit3A_26 = arith.constant 8 : i32
    %div3A_27 = arith.divsi %add3A_4, %jit3A_26 : i32
    %sign3A_28 = arith.constant 0 : i32
    %sign3A_29 = arith.cmpi sgt, %add3A_4, %sign3A_28 : i32
    %sign3A_30 = arith.extui %sign3A_29 : i1 to i32
    %sign3A_31 = arith.constant 0 : i32
    %sign3A_32 = arith.cmpi slt, %add3A_4, %sign3A_31 : i32
    %sign3A_33 = arith.extui %sign3A_32 : i1 to i32
    %sign3A_34 = arith.subi %sign3A_30, %sign3A_33 : i32
    %sign3A_35 = arith.constant 0 : i32
    %sign3A_36 = arith.cmpi sgt, %jit3A_26, %sign3A_35 : i32
    %sign3A_37 = arith.extui %sign3A_36 : i1 to i32
    %sign3A_38 = arith.constant 0 : i32
    %sign3A_39 = arith.cmpi slt, %jit3A_26, %sign3A_38 : i32
    %sign3A_40 = arith.extui %sign3A_39 : i1 to i32
    %sign3A_41 = arith.subi %sign3A_37, %sign3A_40 : i32
    %ne3A_42 = arith.cmpi ne, %sign3A_34, %sign3A_41 : i32
    %rem3A_43 = arith.remsi %add3A_4, %jit3A_26 : i32
    %ne3A_44 = arith.constant 0 : i32
    %ne3A_45 = arith.cmpi ne, %rem3A_43, %ne3A_44 : i32
    %and3A_46 = arith.andi %ne3A_42, %ne3A_45 : i1
    %sub3A_47 = arith.constant 1 : i32
    %sub3A_48 = arith.subi %div3A_27, %sub3A_47 : i32
    %select_n3A_49 = arith.select %and3A_46, %sub3A_48, %div3A_27 : i32
    %run_scoped3A_50 = arith.constant 1 : i32
    "tpu.region"() ({
      %run_scoped3A_111 = tpu.sem_alloc : memref<!tpu.dma_semaphore, #tpu.memory_space<semaphore_mem>>
      %dma_start3A = arith.constant 0 : i32
      %dma_start3A_112 = arith.constant 0 : i32
      %dma_start3A_113 = tpu.memref_slice %arg8[%run_scoped3A_50, %dma_start3A, %dma_start3A_112] : memref<2x200x128xf32, #tpu.memory_space<vmem>> -> memref<1x200x128xf32, #tpu.memory_space<vmem>>
      %dma_start3A_114 = tpu.memref_squeeze %dma_start3A_113 : memref<1x200x128xf32, #tpu.memory_space<vmem>> -> memref<200x128xf32, #tpu.memory_space<vmem>>
      %dma_start3A_115 = arith.constant 0 : i32
      %dma_start3A_116 = tpu.memref_slice %arg5[%select_n3A_49, %dma_start3A_115] : memref<12800x128xf32, #tpu.memory_space<hbm>> -> memref<200x128xf32, #tpu.memory_space<hbm>>
      %dma_start3A_117 = arith.constant 0 : i32
      %dma_start3A_118 = tpu.memref_slice %arg5[%select_n3A_49, %dma_start3A_117] : memref<12800x128xf32, #tpu.memory_space<hbm>> -> memref<200x128xf32, #tpu.memory_space<hbm>>
      %dma_start3A_119 = arith.constant 0 : i32
      %dma_start3A_120 = arith.constant 0 : i32
      %dma_start3A_121 = tpu.memref_slice %arg8[%run_scoped3A_50, %dma_start3A_119, %dma_start3A_120] : memref<2x200x128xf32, #tpu.memory_space<vmem>> -> memref<1x200x128xf32, #tpu.memory_space<vmem>>
      %dma_start3A_122 = tpu.memref_squeeze %dma_start3A_121 : memref<1x200x128xf32, #tpu.memory_space<vmem>> -> memref<200x128xf32, #tpu.memory_space<vmem>>
      tpu.enqueue_dma source(%dma_start3A_122 : memref<200x128xf32, #tpu.memory_space<vmem>>) target(%dma_start3A_118 : memref<200x128xf32, #tpu.memory_space<hbm>>) target_semaphore(%run_scoped3A_111 : memref<!tpu.dma_semaphore, #tpu.memory_space<semaphore_mem>>)
      %dma_wait3A = arith.constant 0 : i32
      %dma_wait3A_123 = arith.constant 0 : i32
      %dma_wait3A_124 = tpu.memref_slice %arg8[%run_scoped3A_50, %dma_wait3A, %dma_wait3A_123] : memref<2x200x128xf32, #tpu.memory_space<vmem>> -> memref<1x200x128xf32, #tpu.memory_space<vmem>>
      %dma_wait3A_125 = tpu.memref_squeeze %dma_wait3A_124 : memref<1x200x128xf32, #tpu.memory_space<vmem>> -> memref<200x128xf32, #tpu.memory_space<vmem>>
      %dma_wait3A_126 = arith.constant 0 : i32
      %dma_wait3A_127 = tpu.memref_slice %arg5[%select_n3A_49, %dma_wait3A_126] : memref<12800x128xf32, #tpu.memory_space<hbm>> -> memref<200x128xf32, #tpu.memory_space<hbm>>
      %dma_wait3A_128 = arith.constant 0 : i32
      %dma_wait3A_129 = tpu.memref_slice %arg5[%select_n3A_49, %dma_wait3A_128] : memref<12800x128xf32, #tpu.memory_space<hbm>> -> memref<200x128xf32, #tpu.memory_space<hbm>>
      %dma_wait3A_130 = arith.constant 0 : i32
      %dma_wait3A_131 = arith.constant 0 : i32
      %dma_wait3A_132 = tpu.memref_slice %arg8[%run_scoped3A_50, %dma_wait3A_130, %dma_wait3A_131] : memref<2x200x128xf32, #tpu.memory_space<vmem>> -> memref<1x200x128xf32, #tpu.memory_space<vmem>>
      %dma_wait3A_133 = tpu.memref_squeeze %dma_wait3A_132 : memref<1x200x128xf32, #tpu.memory_space<vmem>> -> memref<200x128xf32, #tpu.memory_space<vmem>>
      tpu.wait_dma2 semaphore(%run_scoped3A_111 : memref<!tpu.dma_semaphore, #tpu.memory_space<semaphore_mem>>) src(%dma_wait3A_133 : memref<200x128xf32, #tpu.memory_space<vmem>>) dst(%dma_wait3A_129 : memref<200x128xf32, #tpu.memory_space<hbm>>)
      tpu.yield
    }) : () -> ()
    %mul3A_51 = arith.constant 3200 : i32
    %mul3A_52 = arith.muli %add3A, %mul3A_51 : i32
    %add3A_53 = arith.constant 1600 : i32
    %add3A_54 = arith.addi %mul3A_52, %add3A_53 : i32
    "tpu.region"() ({
      %run_scoped3A_111 = tpu.sem_alloc : memref<!tpu.dma_semaphore, #tpu.memory_space<semaphore_mem>>
      %dma_start3A = tpu.memref_slice %arg2[%add3A_54] : memref<102400xf32, #tpu.memory_space<hbm>> -> memref<1600xf32, #tpu.memory_space<hbm>>
      %dma_start3A_112 = tpu.memref_slice %arg2[%add3A_54] : memref<102400xf32, #tpu.memory_space<hbm>> -> memref<1600xf32, #tpu.memory_space<hbm>>
      tpu.enqueue_dma source(%dma_start3A_112 : memref<1600xf32, #tpu.memory_space<hbm>>) target(%arg6 : memref<1600xf32, #tpu.memory_space<vmem>>) target_semaphore(%run_scoped3A_111 : memref<!tpu.dma_semaphore, #tpu.memory_space<semaphore_mem>>)
      %dma_wait3A = tpu.memref_slice %arg2[%add3A_54] : memref<102400xf32, #tpu.memory_space<hbm>> -> memref<1600xf32, #tpu.memory_space<hbm>>
      %dma_wait3A_113 = tpu.memref_slice %arg2[%add3A_54] : memref<102400xf32, #tpu.memory_space<hbm>> -> memref<1600xf32, #tpu.memory_space<hbm>>
      tpu.wait_dma2 semaphore(%run_scoped3A_111 : memref<!tpu.dma_semaphore, #tpu.memory_space<semaphore_mem>>) src(%dma_wait3A_113 : memref<1600xf32, #tpu.memory_space<hbm>>) dst(%arg6 : memref<1600xf32, #tpu.memory_space<vmem>>)
      tpu.yield
    }) : () -> ()
    %scan3A_55 = arith.constant 0 : i32
    %scan3A_56 = arith.constant 0 : i32
    %scan3A_57 = arith.constant 100 : i32
    %scan3A_58 = arith.addi %scan3A_56, %scan3A_57 : i32
    %scan3A_59 = arith.constant 1 : i32
    scf.for %scan3A_111 = %scan3A_56 to %scan3A_58 step %scan3A_59  : i32 {
      %mul3A_112 = arith.constant 16 : i32
      %mul3A_113 = arith.muli %scan3A_111, %mul3A_112 : i32
      %add3A_114 = arith.constant 0 : i32
      %add3A_115 = arith.addi %mul3A_113, %add3A_114 : i32
      %broadcast_in_dim3A = vector.broadcast %add3A_115 : i32 to vector<16xi32>
      %gather3A = tpu.vector_load_idx %arg6[%broadcast_in_dim3A] : memref<1600xf32, #tpu.memory_space<vmem>>[vector<16xi32>], vector<16xf32>,
      %swap3A = arith.index_cast %add3A_115 : i32 to index
      %swap3A_116 = arith.constant 0 : index
      %swap3A_117 = tpu.vector_load %arg7[%swap3A, %swap3A_116] {strides = array<i32>} : memref<1600x16xf32, #tpu.memory_space<vmem>>, vector<16xf32>,
      tpu.vector_store %arg7[%swap3A, %swap3A_116], %gather3A {strides = array<i32>} : memref<1600x16xf32, #tpu.memory_space<vmem>>, vector<16xf32>,
      %jit3A_118 = arith.constant 8 : i32
      %div3A_119 = arith.divsi %add3A_115, %jit3A_118 : i32
      %sign3A_120 = arith.constant 0 : i32
      %sign3A_121 = arith.cmpi sgt, %add3A_115, %sign3A_120 : i32
      %sign3A_122 = arith.extui %sign3A_121 : i1 to i32
      %sign3A_123 = arith.constant 0 : i32
      %sign3A_124 = arith.cmpi slt, %add3A_115, %sign3A_123 : i32
      %sign3A_125 = arith.extui %sign3A_124 : i1 to i32
      %sign3A_126 = arith.subi %sign3A_122, %sign3A_125 : i32
      %sign3A_127 = arith.constant 0 : i32
      %sign3A_128 = arith.cmpi sgt, %jit3A_118, %sign3A_127 : i32
      %sign3A_129 = arith.extui %sign3A_128 : i1 to i32
      %sign3A_130 = arith.constant 0 : i32
      %sign3A_131 = arith.cmpi slt, %jit3A_118, %sign3A_130 : i32
      %sign3A_132 = arith.extui %sign3A_131 : i1 to i32
      %sign3A_133 = arith.subi %sign3A_129, %sign3A_132 : i32
      %ne3A_134 = arith.cmpi ne, %sign3A_126, %sign3A_133 : i32
      %rem3A_135 = arith.remsi %add3A_115, %jit3A_118 : i32
      %ne3A_136 = arith.constant 0 : i32
      %ne3A_137 = arith.cmpi ne, %rem3A_135, %ne3A_136 : i32
      %and3A_138 = arith.andi %ne3A_134, %ne3A_137 : i1
      %sub3A_139 = arith.constant 1 : i32
      %sub3A_140 = arith.subi %div3A_119, %sub3A_139 : i32
      %select_n3A_141 = arith.select %and3A_138, %sub3A_140, %div3A_119 : i32
      %swap3A_142 = arith.constant 0 : i32
      %swap3A_143 = arith.index_cast %swap3A_142 : i32 to index
      %swap3A_144 = arith.index_cast %select_n3A_141 : i32 to index
      %swap3A_145 = arith.constant 0 : index
      %swap3A_146 = tpu.vector_load %arg8[%swap3A_143, %swap3A_144, %swap3A_145] {strides = array<i32>} : memref<2x200x128xf32, #tpu.memory_space<vmem>>, vector<16xf32>,
      tpu.vector_store %arg8[%swap3A_143, %swap3A_144, %swap3A_145], %gather3A {strides = array<i32>} : memref<2x200x128xf32, #tpu.memory_space<vmem>>, vector<16xf32>,
      %swap3A_147 = arith.constant 0 : i32
      %swap3A_148 = arith.index_cast %swap3A_147 : i32 to index
      %swap3A_149 = arith.index_cast %select_n3A_141 : i32 to index
      %swap3A_150 = arith.constant 16 : index
      %swap3A_151 = tpu.vector_load %arg8[%swap3A_148, %swap3A_149, %swap3A_150] {strides = array<i32>} : memref<2x200x128xf32, #tpu.memory_space<vmem>>, vector<16xf32>,
      tpu.vector_store %arg8[%swap3A_148, %swap3A_149, %swap3A_150], %gather3A {strides = array<i32>} : memref<2x200x128xf32, #tpu.memory_space<vmem>>, vector<16xf32>,
      %mul3A_152 = arith.constant 16 : i32
      %mul3A_153 = arith.muli %scan3A_111, %mul3A_152 : i32
      %add3A_154 = arith.constant 1 : i32
      %add3A_155 = arith.addi %mul3A_153, %add3A_154 : i32
      %broadcast_in_dim3A_156 = vector.broadcast %add3A_155 : i32 to vector<16xi32>
      %gather3A_157 = tpu.vector_load_idx %arg6[%broadcast_in_dim3A_156] : memref<1600xf32, #tpu.memory_space<vmem>>[vector<16xi32>], vector<16xf32>,
      %swap3A_158 = arith.index_cast %add3A_155 : i32 to index
      %swap3A_159 = arith.constant 0 : index
      %swap3A_160 = tpu.vector_load %arg7[%swap3A_158, %swap3A_159] {strides = array<i32>} : memref<1600x16xf32, #tpu.memory_space<vmem>>, vector<16xf32>,
      tpu.vector_store %arg7[%swap3A_158, %swap3A_159], %gather3A_157 {strides = array<i32>} : memref<1600x16xf32, #tpu.memory_space<vmem>>, vector<16xf32>,
      %jit3A_161 = arith.constant 8 : i32
      %div3A_162 = arith.divsi %add3A_155, %jit3A_161 : i32
      %sign3A_163 = arith.constant 0 : i32
      %sign3A_164 = arith.cmpi sgt, %add3A_155, %sign3A_163 : i32
      %sign3A_165 = arith.extui %sign3A_164 : i1 to i32
      %sign3A_166 = arith.constant 0 : i32
      %sign3A_167 = arith.cmpi slt, %add3A_155, %sign3A_166 : i32
      %sign3A_168 = arith.extui %sign3A_167 : i1 to i32
      %sign3A_169 = arith.subi %sign3A_165, %sign3A_168 : i32
      %sign3A_170 = arith.constant 0 : i32
      %sign3A_171 = arith.cmpi sgt, %jit3A_161, %sign3A_170 : i32
      %sign3A_172 = arith.extui %sign3A_171 : i1 to i32
      %sign3A_173 = arith.constant 0 : i32
      %sign3A_174 = arith.cmpi slt, %jit3A_161, %sign3A_173 : i32
      %sign3A_175 = arith.extui %sign3A_174 : i1 to i32
      %sign3A_176 = arith.subi %sign3A_172, %sign3A_175 : i32
      %ne3A_177 = arith.cmpi ne, %sign3A_169, %sign3A_176 : i32
      %rem3A_178 = arith.remsi %add3A_155, %jit3A_161 : i32
      %ne3A_179 = arith.constant 0 : i32
      %ne3A_180 = arith.cmpi ne, %rem3A_178, %ne3A_179 : i32
      %and3A_181 = arith.andi %ne3A_177, %ne3A_180 : i1
      %sub3A_182 = arith.constant 1 : i32
      %sub3A_183 = arith.subi %div3A_162, %sub3A_182 : i32
      %select_n3A_184 = arith.select %and3A_181, %sub3A_183, %div3A_162 : i32
      %swap3A_185 = arith.constant 0 : i32
      %swap3A_186 = arith.index_cast %swap3A_185 : i32 to index
      %swap3A_187 = arith.index_cast %select_n3A_184 : i32 to index
      %swap3A_188 = arith.constant 32 : index
      %swap3A_189 = tpu.vector_load %arg8[%swap3A_186, %swap3A_187, %swap3A_188] {strides = array<i32>} : memref<2x200x128xf32, #tpu.memory_space<vmem>>, vector<16xf32>,
      tpu.vector_store %arg8[%swap3A_186, %swap3A_187, %swap3A_188], %gather3A_157 {strides = array<i32>} : memref<2x200x128xf32, #tpu.memory_space<vmem>>, vector<16xf32>,
      %swap3A_190 = arith.constant 0 : i32
      %swap3A_191 = arith.index_cast %swap3A_190 : i32 to index
      %swap3A_192 = arith.index_cast %select_n3A_184 : i32 to index
      %swap3A_193 = arith.constant 48 : index
      %swap3A_194 = tpu.vector_load %arg8[%swap3A_191, %swap3A_192, %swap3A_193] {strides = array<i32>} : memref<2x200x128xf32, #tpu.memory_space<vmem>>, vector<16xf32>,
      tpu.vector_store %arg8[%swap3A_191, %swap3A_192, %swap3A_193], %gather3A_157 {strides = array<i32>} : memref<2x200x128xf32, #tpu.memory_space<vmem>>, vector<16xf32>,
      %mul3A_195 = arith.constant 16 : i32
      %mul3A_196 = arith.muli %scan3A_111, %mul3A_195 : i32
      %add3A_197 = arith.constant 2 : i32
      %add3A_198 = arith.addi %mul3A_196, %add3A_197 : i32
      %broadcast_in_dim3A_199 = vector.broadcast %add3A_198 : i32 to vector<16xi32>
      %gather3A_200 = tpu.vector_load_idx %arg6[%broadcast_in_dim3A_199] : memref<1600xf32, #tpu.memory_space<vmem>>[vector<16xi32>], vector<16xf32>,
      %swap3A_201 = arith.index_cast %add3A_198 : i32 to index
      %swap3A_202 = arith.constant 0 : index
      %swap3A_203 = tpu.vector_load %arg7[%swap3A_201, %swap3A_202] {strides = array<i32>} : memref<1600x16xf32, #tpu.memory_space<vmem>>, vector<16xf32>,
      tpu.vector_store %arg7[%swap3A_201, %swap3A_202], %gather3A_200 {strides = array<i32>} : memref<1600x16xf32, #tpu.memory_space<vmem>>, vector<16xf32>,
      %jit3A_204 = arith.constant 8 : i32
      %div3A_205 = arith.divsi %add3A_198, %jit3A_204 : i32
      %sign3A_206 = arith.constant 0 : i32
      %sign3A_207 = arith.cmpi sgt, %add3A_198, %sign3A_206 : i32
      %sign3A_208 = arith.extui %sign3A_207 : i1 to i32
      %sign3A_209 = arith.constant 0 : i32
      %sign3A_210 = arith.cmpi slt, %add3A_198, %sign3A_209 : i32
      %sign3A_211 = arith.extui %sign3A_210 : i1 to i32
      %sign3A_212 = arith.subi %sign3A_208, %sign3A_211 : i32
      %sign3A_213 = arith.constant 0 : i32
      %sign3A_214 = arith.cmpi sgt, %jit3A_204, %sign3A_213 : i32
      %sign3A_215 = arith.extui %sign3A_214 : i1 to i32
      %sign3A_216 = arith.constant 0 : i32
      %sign3A_217 = arith.cmpi slt, %jit3A_204, %sign3A_216 : i32
      %sign3A_218 = arith.extui %sign3A_217 : i1 to i32
      %sign3A_219 = arith.subi %sign3A_215, %sign3A_218 : i32
      %ne3A_220 = arith.cmpi ne, %sign3A_212, %sign3A_219 : i32
      %rem3A_221 = arith.remsi %add3A_198, %jit3A_204 : i32
      %ne3A_222 = arith.constant 0 : i32
      %ne3A_223 = arith.cmpi ne, %rem3A_221, %ne3A_222 : i32
      %and3A_224 = arith.andi %ne3A_220, %ne3A_223 : i1
      %sub3A_225 = arith.constant 1 : i32
      %sub3A_226 = arith.subi %div3A_205, %sub3A_225 : i32
      %select_n3A_227 = arith.select %and3A_224, %sub3A_226, %div3A_205 : i32
      %swap3A_228 = arith.constant 0 : i32
      %swap3A_229 = arith.index_cast %swap3A_228 : i32 to index
      %swap3A_230 = arith.index_cast %select_n3A_227 : i32 to index
      %swap3A_231 = arith.constant 64 : index
      %swap3A_232 = tpu.vector_load %arg8[%swap3A_229, %swap3A_230, %swap3A_231] {strides = array<i32>} : memref<2x200x128xf32, #tpu.memory_space<vmem>>, vector<16xf32>,
      tpu.vector_store %arg8[%swap3A_229, %swap3A_230, %swap3A_231], %gather3A_200 {strides = array<i32>} : memref<2x200x128xf32, #tpu.memory_space<vmem>>, vector<16xf32>,
      %swap3A_233 = arith.constant 0 : i32
      %swap3A_234 = arith.index_cast %swap3A_233 : i32 to index
      %swap3A_235 = arith.index_cast %select_n3A_227 : i32 to index
      %swap3A_236 = arith.constant 80 : index
      %swap3A_237 = tpu.vector_load %arg8[%swap3A_234, %swap3A_235, %swap3A_236] {strides = array<i32>} : memref<2x200x128xf32, #tpu.memory_space<vmem>>, vector<16xf32>,
      tpu.vector_store %arg8[%swap3A_234, %swap3A_235, %swap3A_236], %gather3A_200 {strides = array<i32>} : memref<2x200x128xf32, #tpu.memory_space<vmem>>, vector<16xf32>,
      %mul3A_238 = arith.constant 16 : i32
      %mul3A_239 = arith.muli %scan3A_111, %mul3A_238 : i32
      %add3A_240 = arith.constant 3 : i32
      %add3A_241 = arith.addi %mul3A_239, %add3A_240 : i32
      %broadcast_in_dim3A_242 = vector.broadcast %add3A_241 : i32 to vector<16xi32>
      %gather3A_243 = tpu.vector_load_idx %arg6[%broadcast_in_dim3A_242] : memref<1600xf32, #tpu.memory_space<vmem>>[vector<16xi32>], vector<16xf32>,
      %swap3A_244 = arith.index_cast %add3A_241 : i32 to index
      %swap3A_245 = arith.constant 0 : index
      %swap3A_246 = tpu.vector_load %arg7[%swap3A_244, %swap3A_245] {strides = array<i32>} : memref<1600x16xf32, #tpu.memory_space<vmem>>, vector<16xf32>,
      tpu.vector_store %arg7[%swap3A_244, %swap3A_245], %gather3A_243 {strides = array<i32>} : memref<1600x16xf32, #tpu.memory_space<vmem>>, vector<16xf32>,
      %jit3A_247 = arith.constant 8 : i32
      %div3A_248 = arith.divsi %add3A_241, %jit3A_247 : i32
      %sign3A_249 = arith.constant 0 : i32
      %sign3A_250 = arith.cmpi sgt, %add3A_241, %sign3A_249 : i32
      %sign3A_251 = arith.extui %sign3A_250 : i1 to i32
      %sign3A_252 = arith.constant 0 : i32
      %sign3A_253 = arith.cmpi slt, %add3A_241, %sign3A_252 : i32
      %sign3A_254 = arith.extui %sign3A_253 : i1 to i32
      %sign3A_255 = arith.subi %sign3A_251, %sign3A_254 : i32
      %sign3A_256 = arith.constant 0 : i32
      %sign3A_257 = arith.cmpi sgt, %jit3A_247, %sign3A_256 : i32
      %sign3A_258 = arith.extui %sign3A_257 : i1 to i32
      %sign3A_259 = arith.constant 0 : i32
      %sign3A_260 = arith.cmpi slt, %jit3A_247, %sign3A_259 : i32
      %sign3A_261 = arith.extui %sign3A_260 : i1 to i32
      %sign3A_262 = arith.subi %sign3A_258, %sign3A_261 : i32
      %ne3A_263 = arith.cmpi ne, %sign3A_255, %sign3A_262 : i32
      %rem3A_264 = arith.remsi %add3A_241, %jit3A_247 : i32
      %ne3A_265 = arith.constant 0 : i32
      %ne3A_266 = arith.cmpi ne, %rem3A_264, %ne3A_265 : i32
      %and3A_267 = arith.andi %ne3A_263, %ne3A_266 : i1
      %sub3A_268 = arith.constant 1 : i32
      %sub3A_269 = arith.subi %div3A_248, %sub3A_268 : i32
      %select_n3A_270 = arith.select %and3A_267, %sub3A_269, %div3A_248 : i32
      %swap3A_271 = arith.constant 0 : i32
      %swap3A_272 = arith.index_cast %swap3A_271 : i32 to index
      %swap3A_273 = arith.index_cast %select_n3A_270 : i32 to index
      %swap3A_274 = arith.constant 96 : index
      %swap3A_275 = tpu.vector_load %arg8[%swap3A_272, %swap3A_273, %swap3A_274] {strides = array<i32>} : memref<2x200x128xf32, #tpu.memory_space<vmem>>, vector<16xf32>,
      tpu.vector_store %arg8[%swap3A_272, %swap3A_273, %swap3A_274], %gather3A_243 {strides = array<i32>} : memref<2x200x128xf32, #tpu.memory_space<vmem>>, vector<16xf32>,
      %swap3A_276 = arith.constant 0 : i32
      %swap3A_277 = arith.index_cast %swap3A_276 : i32 to index
      %swap3A_278 = arith.index_cast %select_n3A_270 : i32 to index
      %swap3A_279 = arith.constant 112 : index
      %swap3A_280 = tpu.vector_load %arg8[%swap3A_277, %swap3A_278, %swap3A_279] {strides = array<i32>} : memref<2x200x128xf32, #tpu.memory_space<vmem>>, vector<16xf32>,
      tpu.vector_store %arg8[%swap3A_277, %swap3A_278, %swap3A_279], %gather3A_243 {strides = array<i32>} : memref<2x200x128xf32, #tpu.memory_space<vmem>>, vector<16xf32>,
      %mul3A_281 = arith.constant 16 : i32
      %mul3A_282 = arith.muli %scan3A_111, %mul3A_281 : i32
      %add3A_283 = arith.constant 4 : i32
      %add3A_284 = arith.addi %mul3A_282, %add3A_283 : i32
      %broadcast_in_dim3A_285 = vector.broadcast %add3A_284 : i32 to vector<16xi32>
      %gather3A_286 = tpu.vector_load_idx %arg6[%broadcast_in_dim3A_285] : memref<1600xf32, #tpu.memory_space<vmem>>[vector<16xi32>], vector<16xf32>,
      %swap3A_287 = arith.index_cast %add3A_284 : i32 to index
      %swap3A_288 = arith.constant 0 : index
      %swap3A_289 = tpu.vector_load %arg7[%swap3A_287, %swap3A_288] {strides = array<i32>} : memref<1600x16xf32, #tpu.memory_space<vmem>>, vector<16xf32>,
      tpu.vector_store %arg7[%swap3A_287, %swap3A_288], %gather3A_286 {strides = array<i32>} : memref<1600x16xf32, #tpu.memory_space<vmem>>, vector<16xf32>,
      %jit3A_290 = arith.constant 8 : i32
      %div3A_291 = arith.divsi %add3A_284, %jit3A_290 : i32
      %sign3A_292 = arith.constant 0 : i32
      %sign3A_293 = arith.cmpi sgt, %add3A_284, %sign3A_292 : i32
      %sign3A_294 = arith.extui %sign3A_293 : i1 to i32
      %sign3A_295 = arith.constant 0 : i32
      %sign3A_296 = arith.cmpi slt, %add3A_284, %sign3A_295 : i32
      %sign3A_297 = arith.extui %sign3A_296 : i1 to i32
      %sign3A_298 = arith.subi %sign3A_294, %sign3A_297 : i32
      %sign3A_299 = arith.constant 0 : i32
      %sign3A_300 = arith.cmpi sgt, %jit3A_290, %sign3A_299 : i32
      %sign3A_301 = arith.extui %sign3A_300 : i1 to i32
      %sign3A_302 = arith.constant 0 : i32
      %sign3A_303 = arith.cmpi slt, %jit3A_290, %sign3A_302 : i32
      %sign3A_304 = arith.extui %sign3A_303 : i1 to i32
      %sign3A_305 = arith.subi %sign3A_301, %sign3A_304 : i32
      %ne3A_306 = arith.cmpi ne, %sign3A_298, %sign3A_305 : i32
      %rem3A_307 = arith.remsi %add3A_284, %jit3A_290 : i32
      %ne3A_308 = arith.constant 0 : i32
      %ne3A_309 = arith.cmpi ne, %rem3A_307, %ne3A_308 : i32
      %and3A_310 = arith.andi %ne3A_306, %ne3A_309 : i1
      %sub3A_311 = arith.constant 1 : i32
      %sub3A_312 = arith.subi %div3A_291, %sub3A_311 : i32
      %select_n3A_313 = arith.select %and3A_310, %sub3A_312, %div3A_291 : i32
      %swap3A_314 = arith.constant 1 : i32
      %swap3A_315 = arith.index_cast %swap3A_314 : i32 to index
      %swap3A_316 = arith.index_cast %select_n3A_313 : i32 to index
      %swap3A_317 = arith.constant 0 : index
      %swap3A_318 = tpu.vector_load %arg8[%swap3A_315, %swap3A_316, %swap3A_317] {strides = array<i32>} : memref<2x200x128xf32, #tpu.memory_space<vmem>>, vector<16xf32>,
      tpu.vector_store %arg8[%swap3A_315, %swap3A_316, %swap3A_317], %gather3A_286 {strides = array<i32>} : memref<2x200x128xf32, #tpu.memory_space<vmem>>, vector<16xf32>,
      %swap3A_319 = arith.constant 1 : i32
      %swap3A_320 = arith.index_cast %swap3A_319 : i32 to index
      %swap3A_321 = arith.index_cast %select_n3A_313 : i32 to index
      %swap3A_322 = arith.constant 16 : index
      %swap3A_323 = tpu.vector_load %arg8[%swap3A_320, %swap3A_321, %swap3A_322] {strides = array<i32>} : memref<2x200x128xf32, #tpu.memory_space<vmem>>, vector<16xf32>,
      tpu.vector_store %arg8[%swap3A_320, %swap3A_321, %swap3A_322], %gather3A_286 {strides = array<i32>} : memref<2x200x128xf32, #tpu.memory_space<vmem>>, vector<16xf32>,
      %mul3A_324 = arith.constant 16 : i32
      %mul3A_325 = arith.muli %scan3A_111, %mul3A_324 : i32
      %add3A_326 = arith.constant 5 : i32
      %add3A_327 = arith.addi %mul3A_325, %add3A_326 : i32
      %broadcast_in_dim3A_328 = vector.broadcast %add3A_327 : i32 to vector<16xi32>
      %gather3A_329 = tpu.vector_load_idx %arg6[%broadcast_in_dim3A_328] : memref<1600xf32, #tpu.memory_space<vmem>>[vector<16xi32>], vector<16xf32>,
      %swap3A_330 = arith.index_cast %add3A_327 : i32 to index
      %swap3A_331 = arith.constant 0 : index
      %swap3A_332 = tpu.vector_load %arg7[%swap3A_330, %swap3A_331] {strides = array<i32>} : memref<1600x16xf32, #tpu.memory_space<vmem>>, vector<16xf32>,
      tpu.vector_store %arg7[%swap3A_330, %swap3A_331], %gather3A_329 {strides = array<i32>} : memref<1600x16xf32, #tpu.memory_space<vmem>>, vector<16xf32>,
      %jit3A_333 = arith.constant 8 : i32
      %div3A_334 = arith.divsi %add3A_327, %jit3A_333 : i32
      %sign3A_335 = arith.constant 0 : i32
      %sign3A_336 = arith.cmpi sgt, %add3A_327, %sign3A_335 : i32
      %sign3A_337 = arith.extui %sign3A_336 : i1 to i32
      %sign3A_338 = arith.constant 0 : i32
      %sign3A_339 = arith.cmpi slt, %add3A_327, %sign3A_338 : i32
      %sign3A_340 = arith.extui %sign3A_339 : i1 to i32
      %sign3A_341 = arith.subi %sign3A_337, %sign3A_340 : i32
      %sign3A_342 = arith.constant 0 : i32
      %sign3A_343 = arith.cmpi sgt, %jit3A_333, %sign3A_342 : i32
      %sign3A_344 = arith.extui %sign3A_343 : i1 to i32
      %sign3A_345 = arith.constant 0 : i32
      %sign3A_346 = arith.cmpi slt, %jit3A_333, %sign3A_345 : i32
      %sign3A_347 = arith.extui %sign3A_346 : i1 to i32
      %sign3A_348 = arith.subi %sign3A_344, %sign3A_347 : i32
      %ne3A_349 = arith.cmpi ne, %sign3A_341, %sign3A_348 : i32
      %rem3A_350 = arith.remsi %add3A_327, %jit3A_333 : i32
      %ne3A_351 = arith.constant 0 : i32
      %ne3A_352 = arith.cmpi ne, %rem3A_350, %ne3A_351 : i32
      %and3A_353 = arith.andi %ne3A_349, %ne3A_352 : i1
      %sub3A_354 = arith.constant 1 : i32
      %sub3A_355 = arith.subi %div3A_334, %sub3A_354 : i32
      %select_n3A_356 = arith.select %and3A_353, %sub3A_355, %div3A_334 : i32
      %swap3A_357 = arith.constant 1 : i32
      %swap3A_358 = arith.index_cast %swap3A_357 : i32 to index
      %swap3A_359 = arith.index_cast %select_n3A_356 : i32 to index
      %swap3A_360 = arith.constant 32 : index
      %swap3A_361 = tpu.vector_load %arg8[%swap3A_358, %swap3A_359, %swap3A_360] {strides = array<i32>} : memref<2x200x128xf32, #tpu.memory_space<vmem>>, vector<16xf32>,
      tpu.vector_store %arg8[%swap3A_358, %swap3A_359, %swap3A_360], %gather3A_329 {strides = array<i32>} : memref<2x200x128xf32, #tpu.memory_space<vmem>>, vector<16xf32>,
      %swap3A_362 = arith.constant 1 : i32
      %swap3A_363 = arith.index_cast %swap3A_362 : i32 to index
      %swap3A_364 = arith.index_cast %select_n3A_356 : i32 to index
      %swap3A_365 = arith.constant 48 : index
      %swap3A_366 = tpu.vector_load %arg8[%swap3A_363, %swap3A_364, %swap3A_365] {strides = array<i32>} : memref<2x200x128xf32, #tpu.memory_space<vmem>>, vector<16xf32>,
      tpu.vector_store %arg8[%swap3A_363, %swap3A_364, %swap3A_365], %gather3A_329 {strides = array<i32>} : memref<2x200x128xf32, #tpu.memory_space<vmem>>, vector<16xf32>,
      %mul3A_367 = arith.constant 16 : i32
      %mul3A_368 = arith.muli %scan3A_111, %mul3A_367 : i32
      %add3A_369 = arith.constant 6 : i32
      %add3A_370 = arith.addi %mul3A_368, %add3A_369 : i32
      %broadcast_in_dim3A_371 = vector.broadcast %add3A_370 : i32 to vector<16xi32>
      %gather3A_372 = tpu.vector_load_idx %arg6[%broadcast_in_dim3A_371] : memref<1600xf32, #tpu.memory_space<vmem>>[vector<16xi32>], vector<16xf32>,
      %swap3A_373 = arith.index_cast %add3A_370 : i32 to index
      %swap3A_374 = arith.constant 0 : index
      %swap3A_375 = tpu.vector_load %arg7[%swap3A_373, %swap3A_374] {strides = array<i32>} : memref<1600x16xf32, #tpu.memory_space<vmem>>, vector<16xf32>,
      tpu.vector_store %arg7[%swap3A_373, %swap3A_374], %gather3A_372 {strides = array<i32>} : memref<1600x16xf32, #tpu.memory_space<vmem>>, vector<16xf32>,
      %jit3A_376 = arith.constant 8 : i32
      %div3A_377 = arith.divsi %add3A_370, %jit3A_376 : i32
      %sign3A_378 = arith.constant 0 : i32
      %sign3A_379 = arith.cmpi sgt, %add3A_370, %sign3A_378 : i32
      %sign3A_380 = arith.extui %sign3A_379 : i1 to i32
      %sign3A_381 = arith.constant 0 : i32
      %sign3A_382 = arith.cmpi slt, %add3A_370, %sign3A_381 : i32
      %sign3A_383 = arith.extui %sign3A_382 : i1 to i32
      %sign3A_384 = arith.subi %sign3A_380, %sign3A_383 : i32
      %sign3A_385 = arith.constant 0 : i32
      %sign3A_386 = arith.cmpi sgt, %jit3A_376, %sign3A_385 : i32
      %sign3A_387 = arith.extui %sign3A_386 : i1 to i32
      %sign3A_388 = arith.constant 0 : i32
      %sign3A_389 = arith.cmpi slt, %jit3A_376, %sign3A_388 : i32
      %sign3A_390 = arith.extui %sign3A_389 : i1 to i32
      %sign3A_391 = arith.subi %sign3A_387, %sign3A_390 : i32
      %ne3A_392 = arith.cmpi ne, %sign3A_384, %sign3A_391 : i32
      %rem3A_393 = arith.remsi %add3A_370, %jit3A_376 : i32
      %ne3A_394 = arith.constant 0 : i32
      %ne3A_395 = arith.cmpi ne, %rem3A_393, %ne3A_394 : i32
      %and3A_396 = arith.andi %ne3A_392, %ne3A_395 : i1
      %sub3A_397 = arith.constant 1 : i32
      %sub3A_398 = arith.subi %div3A_377, %sub3A_397 : i32
      %select_n3A_399 = arith.select %and3A_396, %sub3A_398, %div3A_377 : i32
      %swap3A_400 = arith.constant 1 : i32
      %swap3A_401 = arith.index_cast %swap3A_400 : i32 to index
      %swap3A_402 = arith.index_cast %select_n3A_399 : i32 to index
      %swap3A_403 = arith.constant 64 : index
      %swap3A_404 = tpu.vector_load %arg8[%swap3A_401, %swap3A_402, %swap3A_403] {strides = array<i32>} : memref<2x200x128xf32, #tpu.memory_space<vmem>>, vector<16xf32>,
      tpu.vector_store %arg8[%swap3A_401, %swap3A_402, %swap3A_403], %gather3A_372 {strides = array<i32>} : memref<2x200x128xf32, #tpu.memory_space<vmem>>, vector<16xf32>,
      %swap3A_405 = arith.constant 1 : i32
      %swap3A_406 = arith.index_cast %swap3A_405 : i32 to index
      %swap3A_407 = arith.index_cast %select_n3A_399 : i32 to index
      %swap3A_408 = arith.constant 80 : index
      %swap3A_409 = tpu.vector_load %arg8[%swap3A_406, %swap3A_407, %swap3A_408] {strides = array<i32>} : memref<2x200x128xf32, #tpu.memory_space<vmem>>, vector<16xf32>,
      tpu.vector_store %arg8[%swap3A_406, %swap3A_407, %swap3A_408], %gather3A_372 {strides = array<i32>} : memref<2x200x128xf32, #tpu.memory_space<vmem>>, vector<16xf32>,
      %mul3A_410 = arith.constant 16 : i32
      %mul3A_411 = arith.muli %scan3A_111, %mul3A_410 : i32
      %add3A_412 = arith.constant 7 : i32
      %add3A_413 = arith.addi %mul3A_411, %add3A_412 : i32
      %broadcast_in_dim3A_414 = vector.broadcast %add3A_413 : i32 to vector<16xi32>
      %gather3A_415 = tpu.vector_load_idx %arg6[%broadcast_in_dim3A_414] : memref<1600xf32, #tpu.memory_space<vmem>>[vector<16xi32>], vector<16xf32>,
      %swap3A_416 = arith.index_cast %add3A_413 : i32 to index
      %swap3A_417 = arith.constant 0 : index
      %swap3A_418 = tpu.vector_load %arg7[%swap3A_416, %swap3A_417] {strides = array<i32>} : memref<1600x16xf32, #tpu.memory_space<vmem>>, vector<16xf32>,
      tpu.vector_store %arg7[%swap3A_416, %swap3A_417], %gather3A_415 {strides = array<i32>} : memref<1600x16xf32, #tpu.memory_space<vmem>>, vector<16xf32>,
      %jit3A_419 = arith.constant 8 : i32
      %div3A_420 = arith.divsi %add3A_413, %jit3A_419 : i32
      %sign3A_421 = arith.constant 0 : i32
      %sign3A_422 = arith.cmpi sgt, %add3A_413, %sign3A_421 : i32
      %sign3A_423 = arith.extui %sign3A_422 : i1 to i32
      %sign3A_424 = arith.constant 0 : i32
      %sign3A_425 = arith.cmpi slt, %add3A_413, %sign3A_424 : i32
      %sign3A_426 = arith.extui %sign3A_425 : i1 to i32
      %sign3A_427 = arith.subi %sign3A_423, %sign3A_426 : i32
      %sign3A_428 = arith.constant 0 : i32
      %sign3A_429 = arith.cmpi sgt, %jit3A_419, %sign3A_428 : i32
      %sign3A_430 = arith.extui %sign3A_429 : i1 to i32
      %sign3A_431 = arith.constant 0 : i32
      %sign3A_432 = arith.cmpi slt, %jit3A_419, %sign3A_431 : i32
      %sign3A_433 = arith.extui %sign3A_432 : i1 to i32
      %sign3A_434 = arith.subi %sign3A_430, %sign3A_433 : i32
      %ne3A_435 = arith.cmpi ne, %sign3A_427, %sign3A_434 : i32
      %rem3A_436 = arith.remsi %add3A_413, %jit3A_419 : i32
      %ne3A_437 = arith.constant 0 : i32
      %ne3A_438 = arith.cmpi ne, %rem3A_436, %ne3A_437 : i32
      %and3A_439 = arith.andi %ne3A_435, %ne3A_438 : i1
      %sub3A_440 = arith.constant 1 : i32
      %sub3A_441 = arith.subi %div3A_420, %sub3A_440 : i32
      %select_n3A_442 = arith.select %and3A_439, %sub3A_441, %div3A_420 : i32
      %swap3A_443 = arith.constant 1 : i32
      %swap3A_444 = arith.index_cast %swap3A_443 : i32 to index
      %swap3A_445 = arith.index_cast %select_n3A_442 : i32 to index
      %swap3A_446 = arith.constant 96 : index
      %swap3A_447 = tpu.vector_load %arg8[%swap3A_444, %swap3A_445, %swap3A_446] {strides = array<i32>} : memref<2x200x128xf32, #tpu.memory_space<vmem>>, vector<16xf32>,
      tpu.vector_store %arg8[%swap3A_444, %swap3A_445, %swap3A_446], %gather3A_415 {strides = array<i32>} : memref<2x200x128xf32, #tpu.memory_space<vmem>>, vector<16xf32>,
      %swap3A_448 = arith.constant 1 : i32
      %swap3A_449 = arith.index_cast %swap3A_448 : i32 to index
      %swap3A_450 = arith.index_cast %select_n3A_442 : i32 to index
      %swap3A_451 = arith.constant 112 : index
      %swap3A_452 = tpu.vector_load %arg8[%swap3A_449, %swap3A_450, %swap3A_451] {strides = array<i32>} : memref<2x200x128xf32, #tpu.memory_space<vmem>>, vector<16xf32>,
      tpu.vector_store %arg8[%swap3A_449, %swap3A_450, %swap3A_451], %gather3A_415 {strides = array<i32>} : memref<2x200x128xf32, #tpu.memory_space<vmem>>, vector<16xf32>,
      %mul3A_453 = arith.constant 16 : i32
      %mul3A_454 = arith.muli %scan3A_111, %mul3A_453 : i32
      %add3A_455 = arith.constant 8 : i32
      %add3A_456 = arith.addi %mul3A_454, %add3A_455 : i32
      %broadcast_in_dim3A_457 = vector.broadcast %add3A_456 : i32 to vector<16xi32>
      %gather3A_458 = tpu.vector_load_idx %arg6[%broadcast_in_dim3A_457] : memref<1600xf32, #tpu.memory_space<vmem>>[vector<16xi32>], vector<16xf32>,
      %swap3A_459 = arith.index_cast %add3A_456 : i32 to index
      %swap3A_460 = arith.constant 0 : index
      %swap3A_461 = tpu.vector_load %arg7[%swap3A_459, %swap3A_460] {strides = array<i32>} : memref<1600x16xf32, #tpu.memory_space<vmem>>, vector<16xf32>,
      tpu.vector_store %arg7[%swap3A_459, %swap3A_460], %gather3A_458 {strides = array<i32>} : memref<1600x16xf32, #tpu.memory_space<vmem>>, vector<16xf32>,
      %jit3A_462 = arith.constant 8 : i32
      %div3A_463 = arith.divsi %add3A_456, %jit3A_462 : i32
      %sign3A_464 = arith.constant 0 : i32
      %sign3A_465 = arith.cmpi sgt, %add3A_456, %sign3A_464 : i32
      %sign3A_466 = arith.extui %sign3A_465 : i1 to i32
      %sign3A_467 = arith.constant 0 : i32
      %sign3A_468 = arith.cmpi slt, %add3A_456, %sign3A_467 : i32
      %sign3A_469 = arith.extui %sign3A_468 : i1 to i32
      %sign3A_470 = arith.subi %sign3A_466, %sign3A_469 : i32
      %sign3A_471 = arith.constant 0 : i32
      %sign3A_472 = arith.cmpi sgt, %jit3A_462, %sign3A_471 : i32
      %sign3A_473 = arith.extui %sign3A_472 : i1 to i32
      %sign3A_474 = arith.constant 0 : i32
      %sign3A_475 = arith.cmpi slt, %jit3A_462, %sign3A_474 : i32
      %sign3A_476 = arith.extui %sign3A_475 : i1 to i32
      %sign3A_477 = arith.subi %sign3A_473, %sign3A_476 : i32
      %ne3A_478 = arith.cmpi ne, %sign3A_470, %sign3A_477 : i32
      %rem3A_479 = arith.remsi %add3A_456, %jit3A_462 : i32
      %ne3A_480 = arith.constant 0 : i32
      %ne3A_481 = arith.cmpi ne, %rem3A_479, %ne3A_480 : i32
      %and3A_482 = arith.andi %ne3A_478, %ne3A_481 : i1
      %sub3A_483 = arith.constant 1 : i32
      %sub3A_484 = arith.subi %div3A_463, %sub3A_483 : i32
      %select_n3A_485 = arith.select %and3A_482, %sub3A_484, %div3A_463 : i32
      %swap3A_486 = arith.constant 0 : i32
      %swap3A_487 = arith.index_cast %swap3A_486 : i32 to index
      %swap3A_488 = arith.index_cast %select_n3A_485 : i32 to index
      %swap3A_489 = arith.constant 0 : index
      %swap3A_490 = tpu.vector_load %arg8[%swap3A_487, %swap3A_488, %swap3A_489] {strides = array<i32>} : memref<2x200x128xf32, #tpu.memory_space<vmem>>, vector<16xf32>,
      tpu.vector_store %arg8[%swap3A_487, %swap3A_488, %swap3A_489], %gather3A_458 {strides = array<i32>} : memref<2x200x128xf32, #tpu.memory_space<vmem>>, vector<16xf32>,
      %swap3A_491 = arith.constant 0 : i32
      %swap3A_492 = arith.index_cast %swap3A_491 : i32 to index
      %swap3A_493 = arith.index_cast %select_n3A_485 : i32 to index
      %swap3A_494 = arith.constant 16 : index
      %swap3A_495 = tpu.vector_load %arg8[%swap3A_492, %swap3A_493, %swap3A_494] {strides = array<i32>} : memref<2x200x128xf32, #tpu.memory_space<vmem>>, vector<16xf32>,
      tpu.vector_store %arg8[%swap3A_492, %swap3A_493, %swap3A_494], %gather3A_458 {strides = array<i32>} : memref<2x200x128xf32, #tpu.memory_space<vmem>>, vector<16xf32>,
      %mul3A_496 = arith.constant 16 : i32
      %mul3A_497 = arith.muli %scan3A_111, %mul3A_496 : i32
      %add3A_498 = arith.constant 9 : i32
      %add3A_499 = arith.addi %mul3A_497, %add3A_498 : i32
      %broadcast_in_dim3A_500 = vector.broadcast %add3A_499 : i32 to vector<16xi32>
      %gather3A_501 = tpu.vector_load_idx %arg6[%broadcast_in_dim3A_500] : memref<1600xf32, #tpu.memory_space<vmem>>[vector<16xi32>], vector<16xf32>,
      %swap3A_502 = arith.index_cast %add3A_499 : i32 to index
      %swap3A_503 = arith.constant 0 : index
      %swap3A_504 = tpu.vector_load %arg7[%swap3A_502, %swap3A_503] {strides = array<i32>} : memref<1600x16xf32, #tpu.memory_space<vmem>>, vector<16xf32>,
      tpu.vector_store %arg7[%swap3A_502, %swap3A_503], %gather3A_501 {strides = array<i32>} : memref<1600x16xf32, #tpu.memory_space<vmem>>, vector<16xf32>,
      %jit3A_505 = arith.constant 8 : i32
      %div3A_506 = arith.divsi %add3A_499, %jit3A_505 : i32
      %sign3A_507 = arith.constant 0 : i32
      %sign3A_508 = arith.cmpi sgt, %add3A_499, %sign3A_507 : i32
      %sign3A_509 = arith.extui %sign3A_508 : i1 to i32
      %sign3A_510 = arith.constant 0 : i32
      %sign3A_511 = arith.cmpi slt, %add3A_499, %sign3A_510 : i32
      %sign3A_512 = arith.extui %sign3A_511 : i1 to i32
      %sign3A_513 = arith.subi %sign3A_509, %sign3A_512 : i32
      %sign3A_514 = arith.constant 0 : i32
      %sign3A_515 = arith.cmpi sgt, %jit3A_505, %sign3A_514 : i32
      %sign3A_516 = arith.extui %sign3A_515 : i1 to i32
      %sign3A_517 = arith.constant 0 : i32
      %sign3A_518 = arith.cmpi slt, %jit3A_505, %sign3A_517 : i32
      %sign3A_519 = arith.extui %sign3A_518 : i1 to i32
      %sign3A_520 = arith.subi %sign3A_516, %sign3A_519 : i32
      %ne3A_521 = arith.cmpi ne, %sign3A_513, %sign3A_520 : i32
      %rem3A_522 = arith.remsi %add3A_499, %jit3A_505 : i32
      %ne3A_523 = arith.constant 0 : i32
      %ne3A_524 = arith.cmpi ne, %rem3A_522, %ne3A_523 : i32
      %and3A_525 = arith.andi %ne3A_521, %ne3A_524 : i1
      %sub3A_526 = arith.constant 1 : i32
      %sub3A_527 = arith.subi %div3A_506, %sub3A_526 : i32
      %select_n3A_528 = arith.select %and3A_525, %sub3A_527, %div3A_506 : i32
      %swap3A_529 = arith.constant 0 : i32
      %swap3A_530 = arith.index_cast %swap3A_529 : i32 to index
      %swap3A_531 = arith.index_cast %select_n3A_528 : i32 to index
      %swap3A_532 = arith.constant 32 : index
      %swap3A_533 = tpu.vector_load %arg8[%swap3A_530, %swap3A_531, %swap3A_532] {strides = array<i32>} : memref<2x200x128xf32, #tpu.memory_space<vmem>>, vector<16xf32>,
      tpu.vector_store %arg8[%swap3A_530, %swap3A_531, %swap3A_532], %gather3A_501 {strides = array<i32>} : memref<2x200x128xf32, #tpu.memory_space<vmem>>, vector<16xf32>,
      %swap3A_534 = arith.constant 0 : i32
      %swap3A_535 = arith.index_cast %swap3A_534 : i32 to index
      %swap3A_536 = arith.index_cast %select_n3A_528 : i32 to index
      %swap3A_537 = arith.constant 48 : index
      %swap3A_538 = tpu.vector_load %arg8[%swap3A_535, %swap3A_536, %swap3A_537] {strides = array<i32>} : memref<2x200x128xf32, #tpu.memory_space<vmem>>, vector<16xf32>,
      tpu.vector_store %arg8[%swap3A_535, %swap3A_536, %swap3A_537], %gather3A_501 {strides = array<i32>} : memref<2x200x128xf32, #tpu.memory_space<vmem>>, vector<16xf32>,
      %mul3A_539 = arith.constant 16 : i32
      %mul3A_540 = arith.muli %scan3A_111, %mul3A_539 : i32
      %add3A_541 = arith.constant 10 : i32
      %add3A_542 = arith.addi %mul3A_540, %add3A_541 : i32
      %broadcast_in_dim3A_543 = vector.broadcast %add3A_542 : i32 to vector<16xi32>
      %gather3A_544 = tpu.vector_load_idx %arg6[%broadcast_in_dim3A_543] : memref<1600xf32, #tpu.memory_space<vmem>>[vector<16xi32>], vector<16xf32>,
      %swap3A_545 = arith.index_cast %add3A_542 : i32 to index
      %swap3A_546 = arith.constant 0 : index
      %swap3A_547 = tpu.vector_load %arg7[%swap3A_545, %swap3A_546] {strides = array<i32>} : memref<1600x16xf32, #tpu.memory_space<vmem>>, vector<16xf32>,
      tpu.vector_store %arg7[%swap3A_545, %swap3A_546], %gather3A_544 {strides = array<i32>} : memref<1600x16xf32, #tpu.memory_space<vmem>>, vector<16xf32>,
      %jit3A_548 = arith.constant 8 : i32
      %div3A_549 = arith.divsi %add3A_542, %jit3A_548 : i32
      %sign3A_550 = arith.constant 0 : i32
      %sign3A_551 = arith.cmpi sgt, %add3A_542, %sign3A_550 : i32
      %sign3A_552 = arith.extui %sign3A_551 : i1 to i32
      %sign3A_553 = arith.constant 0 : i32
      %sign3A_554 = arith.cmpi slt, %add3A_542, %sign3A_553 : i32
      %sign3A_555 = arith.extui %sign3A_554 : i1 to i32
      %sign3A_556 = arith.subi %sign3A_552, %sign3A_555 : i32
      %sign3A_557 = arith.constant 0 : i32
      %sign3A_558 = arith.cmpi sgt, %jit3A_548, %sign3A_557 : i32
      %sign3A_559 = arith.extui %sign3A_558 : i1 to i32
      %sign3A_560 = arith.constant 0 : i32
      %sign3A_561 = arith.cmpi slt, %jit3A_548, %sign3A_560 : i32
      %sign3A_562 = arith.extui %sign3A_561 : i1 to i32
      %sign3A_563 = arith.subi %sign3A_559, %sign3A_562 : i32
      %ne3A_564 = arith.cmpi ne, %sign3A_556, %sign3A_563 : i32
      %rem3A_565 = arith.remsi %add3A_542, %jit3A_548 : i32
      %ne3A_566 = arith.constant 0 : i32
      %ne3A_567 = arith.cmpi ne, %rem3A_565, %ne3A_566 : i32
      %and3A_568 = arith.andi %ne3A_564, %ne3A_567 : i1
      %sub3A_569 = arith.constant 1 : i32
      %sub3A_570 = arith.subi %div3A_549, %sub3A_569 : i32
      %select_n3A_571 = arith.select %and3A_568, %sub3A_570, %div3A_549 : i32
      %swap3A_572 = arith.constant 0 : i32
      %swap3A_573 = arith.index_cast %swap3A_572 : i32 to index
      %swap3A_574 = arith.index_cast %select_n3A_571 : i32 to index
      %swap3A_575 = arith.constant 64 : index
      %swap3A_576 = tpu.vector_load %arg8[%swap3A_573, %swap3A_574, %swap3A_575] {strides = array<i32>} : memref<2x200x128xf32, #tpu.memory_space<vmem>>, vector<16xf32>,
      tpu.vector_store %arg8[%swap3A_573, %swap3A_574, %swap3A_575], %gather3A_544 {strides = array<i32>} : memref<2x200x128xf32, #tpu.memory_space<vmem>>, vector<16xf32>,
      %swap3A_577 = arith.constant 0 : i32
      %swap3A_578 = arith.index_cast %swap3A_577 : i32 to index
      %swap3A_579 = arith.index_cast %select_n3A_571 : i32 to index
      %swap3A_580 = arith.constant 80 : index
      %swap3A_581 = tpu.vector_load %arg8[%swap3A_578, %swap3A_579, %swap3A_580] {strides = array<i32>} : memref<2x200x128xf32, #tpu.memory_space<vmem>>, vector<16xf32>,
      tpu.vector_store %arg8[%swap3A_578, %swap3A_579, %swap3A_580], %gather3A_544 {strides = array<i32>} : memref<2x200x128xf32, #tpu.memory_space<vmem>>, vector<16xf32>,
      %mul3A_582 = arith.constant 16 : i32
      %mul3A_583 = arith.muli %scan3A_111, %mul3A_582 : i32
      %add3A_584 = arith.constant 11 : i32
      %add3A_585 = arith.addi %mul3A_583, %add3A_584 : i32
      %broadcast_in_dim3A_586 = vector.broadcast %add3A_585 : i32 to vector<16xi32>
      %gather3A_587 = tpu.vector_load_idx %arg6[%broadcast_in_dim3A_586] : memref<1600xf32, #tpu.memory_space<vmem>>[vector<16xi32>], vector<16xf32>,
      %swap3A_588 = arith.index_cast %add3A_585 : i32 to index
      %swap3A_589 = arith.constant 0 : index
      %swap3A_590 = tpu.vector_load %arg7[%swap3A_588, %swap3A_589] {strides = array<i32>} : memref<1600x16xf32, #tpu.memory_space<vmem>>, vector<16xf32>,
      tpu.vector_store %arg7[%swap3A_588, %swap3A_589], %gather3A_587 {strides = array<i32>} : memref<1600x16xf32, #tpu.memory_space<vmem>>, vector<16xf32>,
      %jit3A_591 = arith.constant 8 : i32
      %div3A_592 = arith.divsi %add3A_585, %jit3A_591 : i32
      %sign3A_593 = arith.constant 0 : i32
      %sign3A_594 = arith.cmpi sgt, %add3A_585, %sign3A_593 : i32
      %sign3A_595 = arith.extui %sign3A_594 : i1 to i32
      %sign3A_596 = arith.constant 0 : i32
      %sign3A_597 = arith.cmpi slt, %add3A_585, %sign3A_596 : i32
      %sign3A_598 = arith.extui %sign3A_597 : i1 to i32
      %sign3A_599 = arith.subi %sign3A_595, %sign3A_598 : i32
      %sign3A_600 = arith.constant 0 : i32
      %sign3A_601 = arith.cmpi sgt, %jit3A_591, %sign3A_600 : i32
      %sign3A_602 = arith.extui %sign3A_601 : i1 to i32
      %sign3A_603 = arith.constant 0 : i32
      %sign3A_604 = arith.cmpi slt, %jit3A_591, %sign3A_603 : i32
      %sign3A_605 = arith.extui %sign3A_604 : i1 to i32
      %sign3A_606 = arith.subi %sign3A_602, %sign3A_605 : i32
      %ne3A_607 = arith.cmpi ne, %sign3A_599, %sign3A_606 : i32
      %rem3A_608 = arith.remsi %add3A_585, %jit3A_591 : i32
      %ne3A_609 = arith.constant 0 : i32
      %ne3A_610 = arith.cmpi ne, %rem3A_608, %ne3A_609 : i32
      %and3A_611 = arith.andi %ne3A_607, %ne3A_610 : i1
      %sub3A_612 = arith.constant 1 : i32
      %sub3A_613 = arith.subi %div3A_592, %sub3A_612 : i32
      %select_n3A_614 = arith.select %and3A_611, %sub3A_613, %div3A_592 : i32
      %swap3A_615 = arith.constant 0 : i32
      %swap3A_616 = arith.index_cast %swap3A_615 : i32 to index
      %swap3A_617 = arith.index_cast %select_n3A_614 : i32 to index
      %swap3A_618 = arith.constant 96 : index
      %swap3A_619 = tpu.vector_load %arg8[%swap3A_616, %swap3A_617, %swap3A_618] {strides = array<i32>} : memref<2x200x128xf32, #tpu.memory_space<vmem>>, vector<16xf32>,
      tpu.vector_store %arg8[%swap3A_616, %swap3A_617, %swap3A_618], %gather3A_587 {strides = array<i32>} : memref<2x200x128xf32, #tpu.memory_space<vmem>>, vector<16xf32>,
      %swap3A_620 = arith.constant 0 : i32
      %swap3A_621 = arith.index_cast %swap3A_620 : i32 to index
      %swap3A_622 = arith.index_cast %select_n3A_614 : i32 to index
      %swap3A_623 = arith.constant 112 : index
      %swap3A_624 = tpu.vector_load %arg8[%swap3A_621, %swap3A_622, %swap3A_623] {strides = array<i32>} : memref<2x200x128xf32, #tpu.memory_space<vmem>>, vector<16xf32>,
      tpu.vector_store %arg8[%swap3A_621, %swap3A_622, %swap3A_623], %gather3A_587 {strides = array<i32>} : memref<2x200x128xf32, #tpu.memory_space<vmem>>, vector<16xf32>,
      %mul3A_625 = arith.constant 16 : i32
      %mul3A_626 = arith.muli %scan3A_111, %mul3A_625 : i32
      %add3A_627 = arith.constant 12 : i32
      %add3A_628 = arith.addi %mul3A_626, %add3A_627 : i32
      %broadcast_in_dim3A_629 = vector.broadcast %add3A_628 : i32 to vector<16xi32>
      %gather3A_630 = tpu.vector_load_idx %arg6[%broadcast_in_dim3A_629] : memref<1600xf32, #tpu.memory_space<vmem>>[vector<16xi32>], vector<16xf32>,
      %swap3A_631 = arith.index_cast %add3A_628 : i32 to index
      %swap3A_632 = arith.constant 0 : index
      %swap3A_633 = tpu.vector_load %arg7[%swap3A_631, %swap3A_632] {strides = array<i32>} : memref<1600x16xf32, #tpu.memory_space<vmem>>, vector<16xf32>,
      tpu.vector_store %arg7[%swap3A_631, %swap3A_632], %gather3A_630 {strides = array<i32>} : memref<1600x16xf32, #tpu.memory_space<vmem>>, vector<16xf32>,
      %jit3A_634 = arith.constant 8 : i32
      %div3A_635 = arith.divsi %add3A_628, %jit3A_634 : i32
      %sign3A_636 = arith.constant 0 : i32
      %sign3A_637 = arith.cmpi sgt, %add3A_628, %sign3A_636 : i32
      %sign3A_638 = arith.extui %sign3A_637 : i1 to i32
      %sign3A_639 = arith.constant 0 : i32
      %sign3A_640 = arith.cmpi slt, %add3A_628, %sign3A_639 : i32
      %sign3A_641 = arith.extui %sign3A_640 : i1 to i32
      %sign3A_642 = arith.subi %sign3A_638, %sign3A_641 : i32
      %sign3A_643 = arith.constant 0 : i32
      %sign3A_644 = arith.cmpi sgt, %jit3A_634, %sign3A_643 : i32
      %sign3A_645 = arith.extui %sign3A_644 : i1 to i32
      %sign3A_646 = arith.constant 0 : i32
      %sign3A_647 = arith.cmpi slt, %jit3A_634, %sign3A_646 : i32
      %sign3A_648 = arith.extui %sign3A_647 : i1 to i32
      %sign3A_649 = arith.subi %sign3A_645, %sign3A_648 : i32
      %ne3A_650 = arith.cmpi ne, %sign3A_642, %sign3A_649 : i32
      %rem3A_651 = arith.remsi %add3A_628, %jit3A_634 : i32
      %ne3A_652 = arith.constant 0 : i32
      %ne3A_653 = arith.cmpi ne, %rem3A_651, %ne3A_652 : i32
      %and3A_654 = arith.andi %ne3A_650, %ne3A_653 : i1
      %sub3A_655 = arith.constant 1 : i32
      %sub3A_656 = arith.subi %div3A_635, %sub3A_655 : i32
      %select_n3A_657 = arith.select %and3A_654, %sub3A_656, %div3A_635 : i32
      %swap3A_658 = arith.constant 1 : i32
      %swap3A_659 = arith.index_cast %swap3A_658 : i32 to index
      %swap3A_660 = arith.index_cast %select_n3A_657 : i32 to index
      %swap3A_661 = arith.constant 0 : index
      %swap3A_662 = tpu.vector_load %arg8[%swap3A_659, %swap3A_660, %swap3A_661] {strides = array<i32>} : memref<2x200x128xf32, #tpu.memory_space<vmem>>, vector<16xf32>,
      tpu.vector_store %arg8[%swap3A_659, %swap3A_660, %swap3A_661], %gather3A_630 {strides = array<i32>} : memref<2x200x128xf32, #tpu.memory_space<vmem>>, vector<16xf32>,
      %swap3A_663 = arith.constant 1 : i32
      %swap3A_664 = arith.index_cast %swap3A_663 : i32 to index
      %swap3A_665 = arith.index_cast %select_n3A_657 : i32 to index
      %swap3A_666 = arith.constant 16 : index
      %swap3A_667 = tpu.vector_load %arg8[%swap3A_664, %swap3A_665, %swap3A_666] {strides = array<i32>} : memref<2x200x128xf32, #tpu.memory_space<vmem>>, vector<16xf32>,
      tpu.vector_store %arg8[%swap3A_664, %swap3A_665, %swap3A_666], %gather3A_630 {strides = array<i32>} : memref<2x200x128xf32, #tpu.memory_space<vmem>>, vector<16xf32>,
      %mul3A_668 = arith.constant 16 : i32
      %mul3A_669 = arith.muli %scan3A_111, %mul3A_668 : i32
      %add3A_670 = arith.constant 13 : i32
      %add3A_671 = arith.addi %mul3A_669, %add3A_670 : i32
      %broadcast_in_dim3A_672 = vector.broadcast %add3A_671 : i32 to vector<16xi32>
      %gather3A_673 = tpu.vector_load_idx %arg6[%broadcast_in_dim3A_672] : memref<1600xf32, #tpu.memory_space<vmem>>[vector<16xi32>], vector<16xf32>,
      %swap3A_674 = arith.index_cast %add3A_671 : i32 to index
      %swap3A_675 = arith.constant 0 : index
      %swap3A_676 = tpu.vector_load %arg7[%swap3A_674, %swap3A_675] {strides = array<i32>} : memref<1600x16xf32, #tpu.memory_space<vmem>>, vector<16xf32>,
      tpu.vector_store %arg7[%swap3A_674, %swap3A_675], %gather3A_673 {strides = array<i32>} : memref<1600x16xf32, #tpu.memory_space<vmem>>, vector<16xf32>,
      %jit3A_677 = arith.constant 8 : i32
      %div3A_678 = arith.divsi %add3A_671, %jit3A_677 : i32
      %sign3A_679 = arith.constant 0 : i32
      %sign3A_680 = arith.cmpi sgt, %add3A_671, %sign3A_679 : i32
      %sign3A_681 = arith.extui %sign3A_680 : i1 to i32
      %sign3A_682 = arith.constant 0 : i32
      %sign3A_683 = arith.cmpi slt, %add3A_671, %sign3A_682 : i32
      %sign3A_684 = arith.extui %sign3A_683 : i1 to i32
      %sign3A_685 = arith.subi %sign3A_681, %sign3A_684 : i32
      %sign3A_686 = arith.constant 0 : i32
      %sign3A_687 = arith.cmpi sgt, %jit3A_677, %sign3A_686 : i32
      %sign3A_688 = arith.extui %sign3A_687 : i1 to i32
      %sign3A_689 = arith.constant 0 : i32
      %sign3A_690 = arith.cmpi slt, %jit3A_677, %sign3A_689 : i32
      %sign3A_691 = arith.extui %sign3A_690 : i1 to i32
      %sign3A_692 = arith.subi %sign3A_688, %sign3A_691 : i32
      %ne3A_693 = arith.cmpi ne, %sign3A_685, %sign3A_692 : i32
      %rem3A_694 = arith.remsi %add3A_671, %jit3A_677 : i32
      %ne3A_695 = arith.constant 0 : i32
      %ne3A_696 = arith.cmpi ne, %rem3A_694, %ne3A_695 : i32
      %and3A_697 = arith.andi %ne3A_693, %ne3A_696 : i1
      %sub3A_698 = arith.constant 1 : i32
      %sub3A_699 = arith.subi %div3A_678, %sub3A_698 : i32
      %select_n3A_700 = arith.select %and3A_697, %sub3A_699, %div3A_678 : i32
      %swap3A_701 = arith.constant 1 : i32
      %swap3A_702 = arith.index_cast %swap3A_701 : i32 to index
      %swap3A_703 = arith.index_cast %select_n3A_700 : i32 to index
      %swap3A_704 = arith.constant 32 : index
      %swap3A_705 = tpu.vector_load %arg8[%swap3A_702, %swap3A_703, %swap3A_704] {strides = array<i32>} : memref<2x200x128xf32, #tpu.memory_space<vmem>>, vector<16xf32>,
      tpu.vector_store %arg8[%swap3A_702, %swap3A_703, %swap3A_704], %gather3A_673 {strides = array<i32>} : memref<2x200x128xf32, #tpu.memory_space<vmem>>, vector<16xf32>,
      %swap3A_706 = arith.constant 1 : i32
      %swap3A_707 = arith.index_cast %swap3A_706 : i32 to index
      %swap3A_708 = arith.index_cast %select_n3A_700 : i32 to index
      %swap3A_709 = arith.constant 48 : index
      %swap3A_710 = tpu.vector_load %arg8[%swap3A_707, %swap3A_708, %swap3A_709] {strides = array<i32>} : memref<2x200x128xf32, #tpu.memory_space<vmem>>, vector<16xf32>,
      tpu.vector_store %arg8[%swap3A_707, %swap3A_708, %swap3A_709], %gather3A_673 {strides = array<i32>} : memref<2x200x128xf32, #tpu.memory_space<vmem>>, vector<16xf32>,
      %mul3A_711 = arith.constant 16 : i32
      %mul3A_712 = arith.muli %scan3A_111, %mul3A_711 : i32
      %add3A_713 = arith.constant 14 : i32
      %add3A_714 = arith.addi %mul3A_712, %add3A_713 : i32
      %broadcast_in_dim3A_715 = vector.broadcast %add3A_714 : i32 to vector<16xi32>
      %gather3A_716 = tpu.vector_load_idx %arg6[%broadcast_in_dim3A_715] : memref<1600xf32, #tpu.memory_space<vmem>>[vector<16xi32>], vector<16xf32>,
      %swap3A_717 = arith.index_cast %add3A_714 : i32 to index
      %swap3A_718 = arith.constant 0 : index
      %swap3A_719 = tpu.vector_load %arg7[%swap3A_717, %swap3A_718] {strides = array<i32>} : memref<1600x16xf32, #tpu.memory_space<vmem>>, vector<16xf32>,
      tpu.vector_store %arg7[%swap3A_717, %swap3A_718], %gather3A_716 {strides = array<i32>} : memref<1600x16xf32, #tpu.memory_space<vmem>>, vector<16xf32>,
      %jit3A_720 = arith.constant 8 : i32
      %div3A_721 = arith.divsi %add3A_714, %jit3A_720 : i32
      %sign3A_722 = arith.constant 0 : i32
      %sign3A_723 = arith.cmpi sgt, %add3A_714, %sign3A_722 : i32
      %sign3A_724 = arith.extui %sign3A_723 : i1 to i32
      %sign3A_725 = arith.constant 0 : i32
      %sign3A_726 = arith.cmpi slt, %add3A_714, %sign3A_725 : i32
      %sign3A_727 = arith.extui %sign3A_726 : i1 to i32
      %sign3A_728 = arith.subi %sign3A_724, %sign3A_727 : i32
      %sign3A_729 = arith.constant 0 : i32
      %sign3A_730 = arith.cmpi sgt, %jit3A_720, %sign3A_729 : i32
      %sign3A_731 = arith.extui %sign3A_730 : i1 to i32
      %sign3A_732 = arith.constant 0 : i32
      %sign3A_733 = arith.cmpi slt, %jit3A_720, %sign3A_732 : i32
      %sign3A_734 = arith.extui %sign3A_733 : i1 to i32
      %sign3A_735 = arith.subi %sign3A_731, %sign3A_734 : i32
      %ne3A_736 = arith.cmpi ne, %sign3A_728, %sign3A_735 : i32
      %rem3A_737 = arith.remsi %add3A_714, %jit3A_720 : i32
      %ne3A_738 = arith.constant 0 : i32
      %ne3A_739 = arith.cmpi ne, %rem3A_737, %ne3A_738 : i32
      %and3A_740 = arith.andi %ne3A_736, %ne3A_739 : i1
      %sub3A_741 = arith.constant 1 : i32
      %sub3A_742 = arith.subi %div3A_721, %sub3A_741 : i32
      %select_n3A_743 = arith.select %and3A_740, %sub3A_742, %div3A_721 : i32
      %swap3A_744 = arith.constant 1 : i32
      %swap3A_745 = arith.index_cast %swap3A_744 : i32 to index
      %swap3A_746 = arith.index_cast %select_n3A_743 : i32 to index
      %swap3A_747 = arith.constant 64 : index
      %swap3A_748 = tpu.vector_load %arg8[%swap3A_745, %swap3A_746, %swap3A_747] {strides = array<i32>} : memref<2x200x128xf32, #tpu.memory_space<vmem>>, vector<16xf32>,
      tpu.vector_store %arg8[%swap3A_745, %swap3A_746, %swap3A_747], %gather3A_716 {strides = array<i32>} : memref<2x200x128xf32, #tpu.memory_space<vmem>>, vector<16xf32>,
      %swap3A_749 = arith.constant 1 : i32
      %swap3A_750 = arith.index_cast %swap3A_749 : i32 to index
      %swap3A_751 = arith.index_cast %select_n3A_743 : i32 to index
      %swap3A_752 = arith.constant 80 : index
      %swap3A_753 = tpu.vector_load %arg8[%swap3A_750, %swap3A_751, %swap3A_752] {strides = array<i32>} : memref<2x200x128xf32, #tpu.memory_space<vmem>>, vector<16xf32>,
      tpu.vector_store %arg8[%swap3A_750, %swap3A_751, %swap3A_752], %gather3A_716 {strides = array<i32>} : memref<2x200x128xf32, #tpu.memory_space<vmem>>, vector<16xf32>,
      %mul3A_754 = arith.constant 16 : i32
      %mul3A_755 = arith.muli %scan3A_111, %mul3A_754 : i32
      %add3A_756 = arith.constant 15 : i32
      %add3A_757 = arith.addi %mul3A_755, %add3A_756 : i32
      %broadcast_in_dim3A_758 = vector.broadcast %add3A_757 : i32 to vector<16xi32>
      %gather3A_759 = tpu.vector_load_idx %arg6[%broadcast_in_dim3A_758] : memref<1600xf32, #tpu.memory_space<vmem>>[vector<16xi32>], vector<16xf32>,
      %swap3A_760 = arith.index_cast %add3A_757 : i32 to index
      %swap3A_761 = arith.constant 0 : index
      %swap3A_762 = tpu.vector_load %arg7[%swap3A_760, %swap3A_761] {strides = array<i32>} : memref<1600x16xf32, #tpu.memory_space<vmem>>, vector<16xf32>,
      tpu.vector_store %arg7[%swap3A_760, %swap3A_761], %gather3A_759 {strides = array<i32>} : memref<1600x16xf32, #tpu.memory_space<vmem>>, vector<16xf32>,
      %jit3A_763 = arith.constant 8 : i32
      %div3A_764 = arith.divsi %add3A_757, %jit3A_763 : i32
      %sign3A_765 = arith.constant 0 : i32
      %sign3A_766 = arith.cmpi sgt, %add3A_757, %sign3A_765 : i32
      %sign3A_767 = arith.extui %sign3A_766 : i1 to i32
      %sign3A_768 = arith.constant 0 : i32
      %sign3A_769 = arith.cmpi slt, %add3A_757, %sign3A_768 : i32
      %sign3A_770 = arith.extui %sign3A_769 : i1 to i32
      %sign3A_771 = arith.subi %sign3A_767, %sign3A_770 : i32
      %sign3A_772 = arith.constant 0 : i32
      %sign3A_773 = arith.cmpi sgt, %jit3A_763, %sign3A_772 : i32
      %sign3A_774 = arith.extui %sign3A_773 : i1 to i32
      %sign3A_775 = arith.constant 0 : i32
      %sign3A_776 = arith.cmpi slt, %jit3A_763, %sign3A_775 : i32
      %sign3A_777 = arith.extui %sign3A_776 : i1 to i32
      %sign3A_778 = arith.subi %sign3A_774, %sign3A_777 : i32
      %ne3A_779 = arith.cmpi ne, %sign3A_771, %sign3A_778 : i32
      %rem3A_780 = arith.remsi %add3A_757, %jit3A_763 : i32
      %ne3A_781 = arith.constant 0 : i32
      %ne3A_782 = arith.cmpi ne, %rem3A_780, %ne3A_781 : i32
      %and3A_783 = arith.andi %ne3A_779, %ne3A_782 : i1
      %sub3A_784 = arith.constant 1 : i32
      %sub3A_785 = arith.subi %div3A_764, %sub3A_784 : i32
      %select_n3A_786 = arith.select %and3A_783, %sub3A_785, %div3A_764 : i32
      %swap3A_787 = arith.constant 1 : i32
      %swap3A_788 = arith.index_cast %swap3A_787 : i32 to index
      %swap3A_789 = arith.index_cast %select_n3A_786 : i32 to index
      %swap3A_790 = arith.constant 96 : index
      %swap3A_791 = tpu.vector_load %arg8[%swap3A_788, %swap3A_789, %swap3A_790] {strides = array<i32>} : memref<2x200x128xf32, #tpu.memory_space<vmem>>, vector<16xf32>,
      tpu.vector_store %arg8[%swap3A_788, %swap3A_789, %swap3A_790], %gather3A_759 {strides = array<i32>} : memref<2x200x128xf32, #tpu.memory_space<vmem>>, vector<16xf32>,
      %swap3A_792 = arith.constant 1 : i32
      %swap3A_793 = arith.index_cast %swap3A_792 : i32 to index
      %swap3A_794 = arith.index_cast %select_n3A_786 : i32 to index
      %swap3A_795 = arith.constant 112 : index
      %swap3A_796 = tpu.vector_load %arg8[%swap3A_793, %swap3A_794, %swap3A_795] {strides = array<i32>} : memref<2x200x128xf32, #tpu.memory_space<vmem>>, vector<16xf32>,
      tpu.vector_store %arg8[%swap3A_793, %swap3A_794, %swap3A_795], %gather3A_759 {strides = array<i32>} : memref<2x200x128xf32, #tpu.memory_space<vmem>>, vector<16xf32>,
    }
    %scan3A_60 = arith.constant 100 : i32
    "tpu.region"() ({
      %run_scoped3A_111 = tpu.sem_alloc : memref<!tpu.dma_semaphore, #tpu.memory_space<semaphore_mem>>
      %dma_start3A = arith.constant 0 : i32
      %dma_start3A_112 = tpu.memref_slice %arg3[%add3A_54, %dma_start3A] : memref<102400x16xf32, #tpu.memory_space<hbm>> -> memref<1600x16xf32, #tpu.memory_space<hbm>>
      %dma_start3A_113 = arith.constant 0 : i32
      %dma_start3A_114 = tpu.memref_slice %arg3[%add3A_54, %dma_start3A_113] : memref<102400x16xf32, #tpu.memory_space<hbm>> -> memref<1600x16xf32, #tpu.memory_space<hbm>>
      tpu.enqueue_dma source(%arg7 : memref<1600x16xf32, #tpu.memory_space<vmem>>) target(%dma_start3A_114 : memref<1600x16xf32, #tpu.memory_space<hbm>>) target_semaphore(%run_scoped3A_111 : memref<!tpu.dma_semaphore, #tpu.memory_space<semaphore_mem>>)
      %dma_wait3A = arith.constant 0 : i32
      %dma_wait3A_115 = tpu.memref_slice %arg3[%add3A_54, %dma_wait3A] : memref<102400x16xf32, #tpu.memory_space<hbm>> -> memref<1600x16xf32, #tpu.memory_space<hbm>>
      %dma_wait3A_116 = arith.constant 0 : i32
      %dma_wait3A_117 = tpu.memref_slice %arg3[%add3A_54, %dma_wait3A_116] : memref<102400x16xf32, #tpu.memory_space<hbm>> -> memref<1600x16xf32, #tpu.memory_space<hbm>>
      tpu.wait_dma2 semaphore(%run_scoped3A_111 : memref<!tpu.dma_semaphore, #tpu.memory_space<semaphore_mem>>) src(%arg7 : memref<1600x16xf32, #tpu.memory_space<vmem>>) dst(%dma_wait3A_117 : memref<1600x16xf32, #tpu.memory_space<hbm>>)
      tpu.yield
    }) : () -> ()
    %jit3A_61 = arith.constant 8 : i32
    %div3A_62 = arith.divsi %add3A_54, %jit3A_61 : i32
    %sign3A_63 = arith.constant 0 : i32
    %sign3A_64 = arith.cmpi sgt, %add3A_54, %sign3A_63 : i32
    %sign3A_65 = arith.extui %sign3A_64 : i1 to i32
    %sign3A_66 = arith.constant 0 : i32
    %sign3A_67 = arith.cmpi slt, %add3A_54, %sign3A_66 : i32
    %sign3A_68 = arith.extui %sign3A_67 : i1 to i32
    %sign3A_69 = arith.subi %sign3A_65, %sign3A_68 : i32
    %sign3A_70 = arith.constant 0 : i32
    %sign3A_71 = arith.cmpi sgt, %jit3A_61, %sign3A_70 : i32
    %sign3A_72 = arith.extui %sign3A_71 : i1 to i32
    %sign3A_73 = arith.constant 0 : i32
    %sign3A_74 = arith.cmpi slt, %jit3A_61, %sign3A_73 : i32
    %sign3A_75 = arith.extui %sign3A_74 : i1 to i32
    %sign3A_76 = arith.subi %sign3A_72, %sign3A_75 : i32
    %ne3A_77 = arith.cmpi ne, %sign3A_69, %sign3A_76 : i32
    %rem3A_78 = arith.remsi %add3A_54, %jit3A_61 : i32
    %ne3A_79 = arith.constant 0 : i32
    %ne3A_80 = arith.cmpi ne, %rem3A_78, %ne3A_79 : i32
    %and3A_81 = arith.andi %ne3A_77, %ne3A_80 : i1
    %sub3A_82 = arith.constant 1 : i32
    %sub3A_83 = arith.subi %div3A_62, %sub3A_82 : i32
    %select_n3A_84 = arith.select %and3A_81, %sub3A_83, %div3A_62 : i32
    %run_scoped3A_85 = arith.constant 0 : i32
    "tpu.region"() ({
      %run_scoped3A_111 = tpu.sem_alloc : memref<!tpu.dma_semaphore, #tpu.memory_space<semaphore_mem>>
      %dma_start3A = arith.constant 0 : i32
      %dma_start3A_112 = arith.constant 0 : i32
      %dma_start3A_113 = tpu.memref_slice %arg8[%run_scoped3A_85, %dma_start3A, %dma_start3A_112] : memref<2x200x128xf32, #tpu.memory_space<vmem>> -> memref<1x200x128xf32, #tpu.memory_space<vmem>>
      %dma_start3A_114 = tpu.memref_squeeze %dma_start3A_113 : memref<1x200x128xf32, #tpu.memory_space<vmem>> -> memref<200x128xf32, #tpu.memory_space<vmem>>
      %dma_start3A_115 = arith.constant 0 : i32
      %dma_start3A_116 = tpu.memref_slice %arg4[%select_n3A_84, %dma_start3A_115] : memref<12800x128xf32, #tpu.memory_space<hbm>> -> memref<200x128xf32, #tpu.memory_space<hbm>>
      %dma_start3A_117 = arith.constant 0 : i32
      %dma_start3A_118 = tpu.memref_slice %arg4[%select_n3A_84, %dma_start3A_117] : memref<12800x128xf32, #tpu.memory_space<hbm>> -> memref<200x128xf32, #tpu.memory_space<hbm>>
      %dma_start3A_119 = arith.constant 0 : i32
      %dma_start3A_120 = arith.constant 0 : i32
      %dma_start3A_121 = tpu.memref_slice %arg8[%run_scoped3A_85, %dma_start3A_119, %dma_start3A_120] : memref<2x200x128xf32, #tpu.memory_space<vmem>> -> memref<1x200x128xf32, #tpu.memory_space<vmem>>
      %dma_start3A_122 = tpu.memref_squeeze %dma_start3A_121 : memref<1x200x128xf32, #tpu.memory_space<vmem>> -> memref<200x128xf32, #tpu.memory_space<vmem>>
      tpu.enqueue_dma source(%dma_start3A_122 : memref<200x128xf32, #tpu.memory_space<vmem>>) target(%dma_start3A_118 : memref<200x128xf32, #tpu.memory_space<hbm>>) target_semaphore(%run_scoped3A_111 : memref<!tpu.dma_semaphore, #tpu.memory_space<semaphore_mem>>)
      %dma_wait3A = arith.constant 0 : i32
      %dma_wait3A_123 = arith.constant 0 : i32
      %dma_wait3A_124 = tpu.memref_slice %arg8[%run_scoped3A_85, %dma_wait3A, %dma_wait3A_123] : memref<2x200x128xf32, #tpu.memory_space<vmem>> -> memref<1x200x128xf32, #tpu.memory_space<vmem>>
      %dma_wait3A_125 = tpu.memref_squeeze %dma_wait3A_124 : memref<1x200x128xf32, #tpu.memory_space<vmem>> -> memref<200x128xf32, #tpu.memory_space<vmem>>
      %dma_wait3A_126 = arith.constant 0 : i32
      %dma_wait3A_127 = tpu.memref_slice %arg4[%select_n3A_84, %dma_wait3A_126] : memref<12800x128xf32, #tpu.memory_space<hbm>> -> memref<200x128xf32, #tpu.memory_space<hbm>>
      %dma_wait3A_128 = arith.constant 0 : i32
      %dma_wait3A_129 = tpu.memref_slice %arg4[%select_n3A_84, %dma_wait3A_128] : memref<12800x128xf32, #tpu.memory_space<hbm>> -> memref<200x128xf32, #tpu.memory_space<hbm>>
      %dma_wait3A_130 = arith.constant 0 : i32
      %dma_wait3A_131 = arith.constant 0 : i32
      %dma_wait3A_132 = tpu.memref_slice %arg8[%run_scoped3A_85, %dma_wait3A_130, %dma_wait3A_131] : memref<2x200x128xf32, #tpu.memory_space<vmem>> -> memref<1x200x128xf32, #tpu.memory_space<vmem>>
      %dma_wait3A_133 = tpu.memref_squeeze %dma_wait3A_132 : memref<1x200x128xf32, #tpu.memory_space<vmem>> -> memref<200x128xf32, #tpu.memory_space<vmem>>
      tpu.wait_dma2 semaphore(%run_scoped3A_111 : memref<!tpu.dma_semaphore, #tpu.memory_space<semaphore_mem>>) src(%dma_wait3A_133 : memref<200x128xf32, #tpu.memory_space<vmem>>) dst(%dma_wait3A_129 : memref<200x128xf32, #tpu.memory_space<hbm>>)
      tpu.yield
    }) : () -> ()
    %jit3A_86 = arith.constant 8 : i32
    %div3A_87 = arith.divsi %add3A_54, %jit3A_86 : i32
    %sign3A_88 = arith.constant 0 : i32
    %sign3A_89 = arith.cmpi sgt, %add3A_54, %sign3A_88 : i32
    %sign3A_90 = arith.extui %sign3A_89 : i1 to i32
    %sign3A_91 = arith.constant 0 : i32
    %sign3A_92 = arith.cmpi slt, %add3A_54, %sign3A_91 : i32
    %sign3A_93 = arith.extui %sign3A_92 : i1 to i32
    %sign3A_94 = arith.subi %sign3A_90, %sign3A_93 : i32
    %sign3A_95 = arith.constant 0 : i32
    %sign3A_96 = arith.cmpi sgt, %jit3A_86, %sign3A_95 : i32
    %sign3A_97 = arith.extui %sign3A_96 : i1 to i32
    %sign3A_98 = arith.constant 0 : i32
    %sign3A_99 = arith.cmpi slt, %jit3A_86, %sign3A_98 : i32
    %sign3A_100 = arith.extui %sign3A_99 : i1 to i32
    %sign3A_101 = arith.subi %sign3A_97, %sign3A_100 : i32
    %ne3A_102 = arith.cmpi ne, %sign3A_94, %sign3A_101 : i32
    %rem3A_103 = arith.remsi %add3A_54, %jit3A_86 : i32
    %ne3A_104 = arith.constant 0 : i32
    %ne3A_105 = arith.cmpi ne, %rem3A_103, %ne3A_104 : i32
    %and3A_106 = arith.andi %ne3A_102, %ne3A_105 : i1
    %sub3A_107 = arith.constant 1 : i32
    %sub3A_108 = arith.subi %div3A_87, %sub3A_107 : i32
    %select_n3A_109 = arith.select %and3A_106, %sub3A_108, %div3A_87 : i32
    %run_scoped3A_110 = arith.constant 1 : i32
    "tpu.region"() ({
      %run_scoped3A_111 = tpu.sem_alloc : memref<!tpu.dma_semaphore, #tpu.memory_space<semaphore_mem>>
      %dma_start3A = arith.constant 0 : i32
      %dma_start3A_112 = arith.constant 0 : i32
      %dma_start3A_113 = tpu.memref_slice %arg8[%run_scoped3A_110, %dma_start3A, %dma_start3A_112] : memref<2x200x128xf32, #tpu.memory_space<vmem>> -> memref<1x200x128xf32, #tpu.memory_space<vmem>>
      %dma_start3A_114 = tpu.memref_squeeze %dma_start3A_113 : memref<1x200x128xf32, #tpu.memory_space<vmem>> -> memref<200x128xf32, #tpu.memory_space<vmem>>
      %dma_start3A_115 = arith.constant 0 : i32
      %dma_start3A_116 = tpu.memref_slice %arg5[%select_n3A_109, %dma_start3A_115] : memref<12800x128xf32, #tpu.memory_space<hbm>> -> memref<200x128xf32, #tpu.memory_space<hbm>>
      %dma_start3A_117 = arith.constant 0 : i32
      %dma_start3A_118 = tpu.memref_slice %arg5[%select_n3A_109, %dma_start3A_117] : memref<12800x128xf32, #tpu.memory_space<hbm>> -> memref<200x128xf32, #tpu.memory_space<hbm>>
      %dma_start3A_119 = arith.constant 0 : i32
      %dma_start3A_120 = arith.constant 0 : i32
      %dma_start3A_121 = tpu.memref_slice %arg8[%run_scoped3A_110, %dma_start3A_119, %dma_start3A_120] : memref<2x200x128xf32, #tpu.memory_space<vmem>> -> memref<1x200x128xf32, #tpu.memory_space<vmem>>
      %dma_start3A_122 = tpu.memref_squeeze %dma_start3A_121 : memref<1x200x128xf32, #tpu.memory_space<vmem>> -> memref<200x128xf32, #tpu.memory_space<vmem>>
      tpu.enqueue_dma source(%dma_start3A_122 : memref<200x128xf32, #tpu.memory_space<vmem>>) target(%dma_start3A_118 : memref<200x128xf32, #tpu.memory_space<hbm>>) target_semaphore(%run_scoped3A_111 : memref<!tpu.dma_semaphore, #tpu.memory_space<semaphore_mem>>)
      %dma_wait3A = arith.constant 0 : i32
      %dma_wait3A_123 = arith.constant 0 : i32
      %dma_wait3A_124 = tpu.memref_slice %arg8[%run_scoped3A_110, %dma_wait3A, %dma_wait3A_123] : memref<2x200x128xf32, #tpu.memory_space<vmem>> -> memref<1x200x128xf32, #tpu.memory_space<vmem>>
      %dma_wait3A_125 = tpu.memref_squeeze %dma_wait3A_124 : memref<1x200x128xf32, #tpu.memory_space<vmem>> -> memref<200x128xf32, #tpu.memory_space<vmem>>
      %dma_wait3A_126 = arith.constant 0 : i32
      %dma_wait3A_127 = tpu.memref_slice %arg5[%select_n3A_109, %dma_wait3A_126] : memref<12800x128xf32, #tpu.memory_space<hbm>> -> memref<200x128xf32, #tpu.memory_space<hbm>>
      %dma_wait3A_128 = arith.constant 0 : i32
      %dma_wait3A_129 = tpu.memref_slice %arg5[%select_n3A_109, %dma_wait3A_128] : memref<12800x128xf32, #tpu.memory_space<hbm>> -> memref<200x128xf32, #tpu.memory_space<hbm>>
      %dma_wait3A_130 = arith.constant 0 : i32
      %dma_wait3A_131 = arith.constant 0 : i32
      %dma_wait3A_132 = tpu.memref_slice %arg8[%run_scoped3A_110, %dma_wait3A_130, %dma_wait3A_131] : memref<2x200x128xf32, #tpu.memory_space<vmem>> -> memref<1x200x128xf32, #tpu.memory_space<vmem>>
      %dma_wait3A_133 = tpu.memref_squeeze %dma_wait3A_132 : memref<1x200x128xf32, #tpu.memory_space<vmem>> -> memref<200x128xf32, #tpu.memory_space<vmem>>
      tpu.wait_dma2 semaphore(%run_scoped3A_111 : memref<!tpu.dma_semaphore, #tpu.memory_space<semaphore_mem>>) src(%dma_wait3A_133 : memref<200x128xf32, #tpu.memory_space<vmem>>) dst(%dma_wait3A_129 : memref<200x128xf32, #tpu.memory_space<hbm>>)
      tpu.yield
    }) : () -> ()
    return
  }
}

#map = affine_map<(d0, d1) -> (0, 0)>
#map1 = affine_map<(d0, d1) -> (0, 0, 0)>
module attributes {stable_mosaic.version = 14 : i64} {
  func.func @_agg_body(%arg0: i32, %arg1: i32, %arg2: memref<12544x128xi32, #tpu.memory_space<hbm>>, %arg3: memref<12544x128xi32, #tpu.memory_space<hbm>>, %arg4: memref<102400x16xf32, #tpu.memory_space<hbm>>, %arg5: memref<102400x16xf32, #tpu.memory_space<hbm>>, %arg6: memref<2x102400x16xf32, #tpu.memory_space<hbm>>, %arg7: memref<2x4x128xi32, #tpu.memory_space<vmem>>, %arg8: memref<2x4x128xi32, #tpu.memory_space<vmem>>, %arg9: memref<2x4x128x16xf32, #tpu.memory_space<vmem>>, %arg10: memref<102400x16xf32, #tpu.memory_space<vmem_shared>>, %arg11: memref<2x!tpu.dma_semaphore, #tpu.memory_space<semaphore_mem>>, %arg12: memref<!tpu.dma_semaphore, #tpu.memory_space<semaphore_mem>>) attributes {dimension_semantics = [#tpu.dimension_semantics<core_parallel>, #tpu.dimension_semantics<subcore_parallel>], iteration_bounds = array<i64: 2, 16>, scalar_prefetch = 0 : i64, scratch_operands = 6 : i64, tpu.core_type = #tpu.core_type<sc_vector_subcore>, window_params = [{transform_indices = #map}, {transform_indices = #map}, {transform_indices = #map}, {transform_indices = #map}, {transform_indices = #map1}]} {
    %mul3A = arith.constant 16 : i32
    %mul3A_0 = arith.muli %arg0, %mul3A : i32
    %add3A = arith.addi %mul3A_0, %arg1 : i32
    %mul3A_1 = arith.constant 6400 : i32
    %mul3A_2 = arith.muli %arg1, %mul3A_1 : i32
    %mul3A_3 = arith.constant 6400 : i32
    %mul3A_4 = arith.muli %arg1, %mul3A_3 : i32
    "tpu.region"() ({
      %run_scoped3A_134 = tpu.sem_alloc : memref<!tpu.dma_semaphore, #tpu.memory_space<semaphore_mem>>
      %dma_start3A_135 = arith.constant 0 : i32
      %dma_start3A_136 = tpu.memref_slice %arg10[%mul3A_4, %dma_start3A_135] : memref<102400x16xf32, #tpu.memory_space<vmem_shared>> -> memref<6400x16xf32, #tpu.memory_space<vmem_shared>>
      %dma_start3A_137 = arith.constant 0 : i32
      %dma_start3A_138 = tpu.memref_slice %arg5[%mul3A_2, %dma_start3A_137] : memref<102400x16xf32, #tpu.memory_space<hbm>> -> memref<6400x16xf32, #tpu.memory_space<hbm>>
      tpu.enqueue_dma source(%dma_start3A_138 : memref<6400x16xf32, #tpu.memory_space<hbm>>) target(%dma_start3A_136 : memref<6400x16xf32, #tpu.memory_space<vmem_shared>>) target_semaphore(%run_scoped3A_134 : memref<!tpu.dma_semaphore, #tpu.memory_space<semaphore_mem>>)
      %dma_wait3A_139 = arith.constant 0 : i32
      %dma_wait3A_140 = tpu.memref_slice %arg10[%mul3A_4, %dma_wait3A_139] : memref<102400x16xf32, #tpu.memory_space<vmem_shared>> -> memref<6400x16xf32, #tpu.memory_space<vmem_shared>>
      %dma_wait3A_141 = arith.constant 0 : i32
      %dma_wait3A_142 = tpu.memref_slice %arg5[%mul3A_2, %dma_wait3A_141] : memref<102400x16xf32, #tpu.memory_space<hbm>> -> memref<6400x16xf32, #tpu.memory_space<hbm>>
      tpu.wait_dma2 semaphore(%run_scoped3A_134 : memref<!tpu.dma_semaphore, #tpu.memory_space<semaphore_mem>>) src(%dma_wait3A_142 : memref<6400x16xf32, #tpu.memory_space<hbm>>) dst(%dma_wait3A_140 : memref<6400x16xf32, #tpu.memory_space<vmem_shared>>)
      tpu.yield
    }) : () -> ()
    %barrier3A = arith.constant 0 : index
    tpu.barrier barrier_id(%barrier3A)
    %mul3A_5 = arith.constant 392 : i32
    %mul3A_6 = arith.muli %add3A, %mul3A_5 : i32
    %run_scoped3A = arith.constant 0 : i32
    "tpu.region"() ({
      %run_scoped3A_134 = tpu.sem_alloc : memref<!tpu.dma_semaphore, #tpu.memory_space<semaphore_mem>>
      %dma_start3A_135 = arith.constant 0 : i32
      %dma_start3A_136 = arith.constant 0 : i32
      %dma_start3A_137 = tpu.memref_slice %arg7[%run_scoped3A, %dma_start3A_135, %dma_start3A_136] : memref<2x4x128xi32, #tpu.memory_space<vmem>> -> memref<1x4x128xi32, #tpu.memory_space<vmem>>
      %dma_start3A_138 = tpu.memref_squeeze %dma_start3A_137 : memref<1x4x128xi32, #tpu.memory_space<vmem>> -> memref<4x128xi32, #tpu.memory_space<vmem>>
      %dma_start3A_139 = arith.constant 0 : i32
      %dma_start3A_140 = tpu.memref_slice %arg2[%mul3A_6, %dma_start3A_139] : memref<12544x128xi32, #tpu.memory_space<hbm>> -> memref<4x128xi32, #tpu.memory_space<hbm>>
      %dma_start3A_141 = arith.constant 0 : i32
      %dma_start3A_142 = arith.constant 0 : i32
      %dma_start3A_143 = tpu.memref_slice %arg7[%run_scoped3A, %dma_start3A_141, %dma_start3A_142] : memref<2x4x128xi32, #tpu.memory_space<vmem>> -> memref<1x4x128xi32, #tpu.memory_space<vmem>>
      %dma_start3A_144 = tpu.memref_squeeze %dma_start3A_143 : memref<1x4x128xi32, #tpu.memory_space<vmem>> -> memref<4x128xi32, #tpu.memory_space<vmem>>
      %dma_start3A_145 = arith.constant 0 : i32
      %dma_start3A_146 = tpu.memref_slice %arg2[%mul3A_6, %dma_start3A_145] : memref<12544x128xi32, #tpu.memory_space<hbm>> -> memref<4x128xi32, #tpu.memory_space<hbm>>
      tpu.enqueue_dma source(%dma_start3A_146 : memref<4x128xi32, #tpu.memory_space<hbm>>) target(%dma_start3A_144 : memref<4x128xi32, #tpu.memory_space<vmem>>) target_semaphore(%run_scoped3A_134 : memref<!tpu.dma_semaphore, #tpu.memory_space<semaphore_mem>>)
      %dma_wait3A_147 = arith.constant 0 : i32
      %dma_wait3A_148 = arith.constant 0 : i32
      %dma_wait3A_149 = tpu.memref_slice %arg7[%run_scoped3A, %dma_wait3A_147, %dma_wait3A_148] : memref<2x4x128xi32, #tpu.memory_space<vmem>> -> memref<1x4x128xi32, #tpu.memory_space<vmem>>
      %dma_wait3A_150 = tpu.memref_squeeze %dma_wait3A_149 : memref<1x4x128xi32, #tpu.memory_space<vmem>> -> memref<4x128xi32, #tpu.memory_space<vmem>>
      %dma_wait3A_151 = arith.constant 0 : i32
      %dma_wait3A_152 = tpu.memref_slice %arg2[%mul3A_6, %dma_wait3A_151] : memref<12544x128xi32, #tpu.memory_space<hbm>> -> memref<4x128xi32, #tpu.memory_space<hbm>>
      %dma_wait3A_153 = arith.constant 0 : i32
      %dma_wait3A_154 = arith.constant 0 : i32
      %dma_wait3A_155 = tpu.memref_slice %arg7[%run_scoped3A, %dma_wait3A_153, %dma_wait3A_154] : memref<2x4x128xi32, #tpu.memory_space<vmem>> -> memref<1x4x128xi32, #tpu.memory_space<vmem>>
      %dma_wait3A_156 = tpu.memref_squeeze %dma_wait3A_155 : memref<1x4x128xi32, #tpu.memory_space<vmem>> -> memref<4x128xi32, #tpu.memory_space<vmem>>
      %dma_wait3A_157 = arith.constant 0 : i32
      %dma_wait3A_158 = tpu.memref_slice %arg2[%mul3A_6, %dma_wait3A_157] : memref<12544x128xi32, #tpu.memory_space<hbm>> -> memref<4x128xi32, #tpu.memory_space<hbm>>
      tpu.wait_dma2 semaphore(%run_scoped3A_134 : memref<!tpu.dma_semaphore, #tpu.memory_space<semaphore_mem>>) src(%dma_wait3A_158 : memref<4x128xi32, #tpu.memory_space<hbm>>) dst(%dma_wait3A_156 : memref<4x128xi32, #tpu.memory_space<vmem>>)
      tpu.yield
    }) : () -> ()
    %run_scoped3A_7 = arith.constant 0 : i32
    "tpu.region"() ({
      %run_scoped3A_134 = tpu.sem_alloc : memref<!tpu.dma_semaphore, #tpu.memory_space<semaphore_mem>>
      %dma_start3A_135 = arith.constant 0 : i32
      %dma_start3A_136 = arith.constant 0 : i32
      %dma_start3A_137 = tpu.memref_slice %arg8[%run_scoped3A_7, %dma_start3A_135, %dma_start3A_136] : memref<2x4x128xi32, #tpu.memory_space<vmem>> -> memref<1x4x128xi32, #tpu.memory_space<vmem>>
      %dma_start3A_138 = tpu.memref_squeeze %dma_start3A_137 : memref<1x4x128xi32, #tpu.memory_space<vmem>> -> memref<4x128xi32, #tpu.memory_space<vmem>>
      %dma_start3A_139 = arith.constant 0 : i32
      %dma_start3A_140 = tpu.memref_slice %arg3[%mul3A_6, %dma_start3A_139] : memref<12544x128xi32, #tpu.memory_space<hbm>> -> memref<4x128xi32, #tpu.memory_space<hbm>>
      %dma_start3A_141 = arith.constant 0 : i32
      %dma_start3A_142 = arith.constant 0 : i32
      %dma_start3A_143 = tpu.memref_slice %arg8[%run_scoped3A_7, %dma_start3A_141, %dma_start3A_142] : memref<2x4x128xi32, #tpu.memory_space<vmem>> -> memref<1x4x128xi32, #tpu.memory_space<vmem>>
      %dma_start3A_144 = tpu.memref_squeeze %dma_start3A_143 : memref<1x4x128xi32, #tpu.memory_space<vmem>> -> memref<4x128xi32, #tpu.memory_space<vmem>>
      %dma_start3A_145 = arith.constant 0 : i32
      %dma_start3A_146 = tpu.memref_slice %arg3[%mul3A_6, %dma_start3A_145] : memref<12544x128xi32, #tpu.memory_space<hbm>> -> memref<4x128xi32, #tpu.memory_space<hbm>>
      tpu.enqueue_dma source(%dma_start3A_146 : memref<4x128xi32, #tpu.memory_space<hbm>>) target(%dma_start3A_144 : memref<4x128xi32, #tpu.memory_space<vmem>>) target_semaphore(%run_scoped3A_134 : memref<!tpu.dma_semaphore, #tpu.memory_space<semaphore_mem>>)
      %dma_wait3A_147 = arith.constant 0 : i32
      %dma_wait3A_148 = arith.constant 0 : i32
      %dma_wait3A_149 = tpu.memref_slice %arg8[%run_scoped3A_7, %dma_wait3A_147, %dma_wait3A_148] : memref<2x4x128xi32, #tpu.memory_space<vmem>> -> memref<1x4x128xi32, #tpu.memory_space<vmem>>
      %dma_wait3A_150 = tpu.memref_squeeze %dma_wait3A_149 : memref<1x4x128xi32, #tpu.memory_space<vmem>> -> memref<4x128xi32, #tpu.memory_space<vmem>>
      %dma_wait3A_151 = arith.constant 0 : i32
      %dma_wait3A_152 = tpu.memref_slice %arg3[%mul3A_6, %dma_wait3A_151] : memref<12544x128xi32, #tpu.memory_space<hbm>> -> memref<4x128xi32, #tpu.memory_space<hbm>>
      %dma_wait3A_153 = arith.constant 0 : i32
      %dma_wait3A_154 = arith.constant 0 : i32
      %dma_wait3A_155 = tpu.memref_slice %arg8[%run_scoped3A_7, %dma_wait3A_153, %dma_wait3A_154] : memref<2x4x128xi32, #tpu.memory_space<vmem>> -> memref<1x4x128xi32, #tpu.memory_space<vmem>>
      %dma_wait3A_156 = tpu.memref_squeeze %dma_wait3A_155 : memref<1x4x128xi32, #tpu.memory_space<vmem>> -> memref<4x128xi32, #tpu.memory_space<vmem>>
      %dma_wait3A_157 = arith.constant 0 : i32
      %dma_wait3A_158 = tpu.memref_slice %arg3[%mul3A_6, %dma_wait3A_157] : memref<12544x128xi32, #tpu.memory_space<hbm>> -> memref<4x128xi32, #tpu.memory_space<hbm>>
      tpu.wait_dma2 semaphore(%run_scoped3A_134 : memref<!tpu.dma_semaphore, #tpu.memory_space<semaphore_mem>>) src(%dma_wait3A_158 : memref<4x128xi32, #tpu.memory_space<hbm>>) dst(%dma_wait3A_156 : memref<4x128xi32, #tpu.memory_space<vmem>>)
      tpu.yield
    }) : () -> ()
    %dma_start3A = arith.constant 0 : i32
    %dma_start3A_8 = arith.constant 0 : i32
    %dma_start3A_9 = arith.constant 0 : i32
    %dma_start3A_10 = arith.constant 0 : i32
    %dma_start3A_11 = arith.constant 0 : i32
    %dma_start3A_12 = arith.constant 0 : i32
    %dma_start3A_13 = arith.constant 0 : i32
    %dma_start3A_14 = tpu.memref_slice %arg9[%dma_start3A_9, %dma_start3A_10, %dma_start3A_12, %dma_start3A_13] : memref<2x4x128x16xf32, #tpu.memory_space<vmem>> -> memref<1x1x128x16xf32, #tpu.memory_space<vmem>>
    %dma_start3A_15 = tpu.memref_squeeze %dma_start3A_14 : memref<1x1x128x16xf32, #tpu.memory_space<vmem>> -> memref<128x16xf32, #tpu.memory_space<vmem>>
    %dma_start3A_16 = arith.constant 0 : i32
    %dma_start3A_17 = tpu.memref_slice %arg7[%dma_start3A, %dma_start3A_8, %dma_start3A_16] : memref<2x4x128xi32, #tpu.memory_space<vmem>> -> memref<1x1x128xi32, #tpu.memory_space<vmem>>
    %dma_start3A_18 = tpu.memref_squeeze %dma_start3A_17 : memref<1x1x128xi32, #tpu.memory_space<vmem>> -> memref<128xi32, #tpu.memory_space<vmem>>
    %dma_start3A_19 = arith.constant 0 : i32
    %dma_start3A_20 = arith.constant 0 : i32
    %dma_start3A_21 = tpu.memref_slice %arg4[%dma_start3A_19, %dma_start3A_20] : memref<102400x16xf32, #tpu.memory_space<hbm>> -> memref<102400x16xf32, #tpu.memory_space<hbm>>
    %dma_start3A_22 = tpu.memref_slice %arg11[%dma_start3A_11] : memref<2x!tpu.dma_semaphore, #tpu.memory_space<semaphore_mem>> -> memref<1x!tpu.dma_semaphore, #tpu.memory_space<semaphore_mem>>
    %dma_start3A_23 = tpu.memref_squeeze %dma_start3A_22 : memref<1x!tpu.dma_semaphore, #tpu.memory_space<semaphore_mem>> -> memref<!tpu.dma_semaphore, #tpu.memory_space<semaphore_mem>>
    tpu.enqueue_indirect_dma source(%dma_start3A_21 : memref<102400x16xf32, #tpu.memory_space<hbm>>) target(%dma_start3A_15 : memref<128x16xf32, #tpu.memory_space<vmem>>) offsets(%dma_start3A_18 : memref<128xi32, #tpu.memory_space<vmem>>) semaphore(%dma_start3A_23 : memref<!tpu.dma_semaphore, #tpu.memory_space<semaphore_mem>>)
    %dma_start3A_24 = arith.constant 0 : i32
    %dma_start3A_25 = arith.constant 1 : i32
    %dma_start3A_26 = arith.constant 0 : i32
    %dma_start3A_27 = arith.constant 1 : i32
    %dma_start3A_28 = arith.constant 0 : i32
    %dma_start3A_29 = arith.constant 0 : i32
    %dma_start3A_30 = arith.constant 0 : i32
    %dma_start3A_31 = tpu.memref_slice %arg9[%dma_start3A_26, %dma_start3A_27, %dma_start3A_29, %dma_start3A_30] : memref<2x4x128x16xf32, #tpu.memory_space<vmem>> -> memref<1x1x128x16xf32, #tpu.memory_space<vmem>>
    %dma_start3A_32 = tpu.memref_squeeze %dma_start3A_31 : memref<1x1x128x16xf32, #tpu.memory_space<vmem>> -> memref<128x16xf32, #tpu.memory_space<vmem>>
    %dma_start3A_33 = arith.constant 0 : i32
    %dma_start3A_34 = tpu.memref_slice %arg7[%dma_start3A_24, %dma_start3A_25, %dma_start3A_33] : memref<2x4x128xi32, #tpu.memory_space<vmem>> -> memref<1x1x128xi32, #tpu.memory_space<vmem>>
    %dma_start3A_35 = tpu.memref_squeeze %dma_start3A_34 : memref<1x1x128xi32, #tpu.memory_space<vmem>> -> memref<128xi32, #tpu.memory_space<vmem>>
    %dma_start3A_36 = arith.constant 0 : i32
    %dma_start3A_37 = arith.constant 0 : i32
    %dma_start3A_38 = tpu.memref_slice %arg4[%dma_start3A_36, %dma_start3A_37] : memref<102400x16xf32, #tpu.memory_space<hbm>> -> memref<102400x16xf32, #tpu.memory_space<hbm>>
    %dma_start3A_39 = tpu.memref_slice %arg11[%dma_start3A_28] : memref<2x!tpu.dma_semaphore, #tpu.memory_space<semaphore_mem>> -> memref<1x!tpu.dma_semaphore, #tpu.memory_space<semaphore_mem>>
    %dma_start3A_40 = tpu.memref_squeeze %dma_start3A_39 : memref<1x!tpu.dma_semaphore, #tpu.memory_space<semaphore_mem>> -> memref<!tpu.dma_semaphore, #tpu.memory_space<semaphore_mem>>
    tpu.enqueue_indirect_dma source(%dma_start3A_38 : memref<102400x16xf32, #tpu.memory_space<hbm>>) target(%dma_start3A_32 : memref<128x16xf32, #tpu.memory_space<vmem>>) offsets(%dma_start3A_35 : memref<128xi32, #tpu.memory_space<vmem>>) semaphore(%dma_start3A_40 : memref<!tpu.dma_semaphore, #tpu.memory_space<semaphore_mem>>)
    %dma_start3A_41 = arith.constant 0 : i32
    %dma_start3A_42 = arith.constant 2 : i32
    %dma_start3A_43 = arith.constant 0 : i32
    %dma_start3A_44 = arith.constant 2 : i32
    %dma_start3A_45 = arith.constant 0 : i32
    %dma_start3A_46 = arith.constant 0 : i32
    %dma_start3A_47 = arith.constant 0 : i32
    %dma_start3A_48 = tpu.memref_slice %arg9[%dma_start3A_43, %dma_start3A_44, %dma_start3A_46, %dma_start3A_47] : memref<2x4x128x16xf32, #tpu.memory_space<vmem>> -> memref<1x1x128x16xf32, #tpu.memory_space<vmem>>
    %dma_start3A_49 = tpu.memref_squeeze %dma_start3A_48 : memref<1x1x128x16xf32, #tpu.memory_space<vmem>> -> memref<128x16xf32, #tpu.memory_space<vmem>>
    %dma_start3A_50 = arith.constant 0 : i32
    %dma_start3A_51 = tpu.memref_slice %arg7[%dma_start3A_41, %dma_start3A_42, %dma_start3A_50] : memref<2x4x128xi32, #tpu.memory_space<vmem>> -> memref<1x1x128xi32, #tpu.memory_space<vmem>>
    %dma_start3A_52 = tpu.memref_squeeze %dma_start3A_51 : memref<1x1x128xi32, #tpu.memory_space<vmem>> -> memref<128xi32, #tpu.memory_space<vmem>>
    %dma_start3A_53 = arith.constant 0 : i32
    %dma_start3A_54 = arith.constant 0 : i32
    %dma_start3A_55 = tpu.memref_slice %arg4[%dma_start3A_53, %dma_start3A_54] : memref<102400x16xf32, #tpu.memory_space<hbm>> -> memref<102400x16xf32, #tpu.memory_space<hbm>>
    %dma_start3A_56 = tpu.memref_slice %arg11[%dma_start3A_45] : memref<2x!tpu.dma_semaphore, #tpu.memory_space<semaphore_mem>> -> memref<1x!tpu.dma_semaphore, #tpu.memory_space<semaphore_mem>>
    %dma_start3A_57 = tpu.memref_squeeze %dma_start3A_56 : memref<1x!tpu.dma_semaphore, #tpu.memory_space<semaphore_mem>> -> memref<!tpu.dma_semaphore, #tpu.memory_space<semaphore_mem>>
    tpu.enqueue_indirect_dma source(%dma_start3A_55 : memref<102400x16xf32, #tpu.memory_space<hbm>>) target(%dma_start3A_49 : memref<128x16xf32, #tpu.memory_space<vmem>>) offsets(%dma_start3A_52 : memref<128xi32, #tpu.memory_space<vmem>>) semaphore(%dma_start3A_57 : memref<!tpu.dma_semaphore, #tpu.memory_space<semaphore_mem>>)
    %dma_start3A_58 = arith.constant 0 : i32
    %dma_start3A_59 = arith.constant 3 : i32
    %dma_start3A_60 = arith.constant 0 : i32
    %dma_start3A_61 = arith.constant 3 : i32
    %dma_start3A_62 = arith.constant 0 : i32
    %dma_start3A_63 = arith.constant 0 : i32
    %dma_start3A_64 = arith.constant 0 : i32
    %dma_start3A_65 = tpu.memref_slice %arg9[%dma_start3A_60, %dma_start3A_61, %dma_start3A_63, %dma_start3A_64] : memref<2x4x128x16xf32, #tpu.memory_space<vmem>> -> memref<1x1x128x16xf32, #tpu.memory_space<vmem>>
    %dma_start3A_66 = tpu.memref_squeeze %dma_start3A_65 : memref<1x1x128x16xf32, #tpu.memory_space<vmem>> -> memref<128x16xf32, #tpu.memory_space<vmem>>
    %dma_start3A_67 = arith.constant 0 : i32
    %dma_start3A_68 = tpu.memref_slice %arg7[%dma_start3A_58, %dma_start3A_59, %dma_start3A_67] : memref<2x4x128xi32, #tpu.memory_space<vmem>> -> memref<1x1x128xi32, #tpu.memory_space<vmem>>
    %dma_start3A_69 = tpu.memref_squeeze %dma_start3A_68 : memref<1x1x128xi32, #tpu.memory_space<vmem>> -> memref<128xi32, #tpu.memory_space<vmem>>
    %dma_start3A_70 = arith.constant 0 : i32
    %dma_start3A_71 = arith.constant 0 : i32
    %dma_start3A_72 = tpu.memref_slice %arg4[%dma_start3A_70, %dma_start3A_71] : memref<102400x16xf32, #tpu.memory_space<hbm>> -> memref<102400x16xf32, #tpu.memory_space<hbm>>
    %dma_start3A_73 = tpu.memref_slice %arg11[%dma_start3A_62] : memref<2x!tpu.dma_semaphore, #tpu.memory_space<semaphore_mem>> -> memref<1x!tpu.dma_semaphore, #tpu.memory_space<semaphore_mem>>
    %dma_start3A_74 = tpu.memref_squeeze %dma_start3A_73 : memref<1x!tpu.dma_semaphore, #tpu.memory_space<semaphore_mem>> -> memref<!tpu.dma_semaphore, #tpu.memory_space<semaphore_mem>>
    tpu.enqueue_indirect_dma source(%dma_start3A_72 : memref<102400x16xf32, #tpu.memory_space<hbm>>) target(%dma_start3A_66 : memref<128x16xf32, #tpu.memory_space<vmem>>) offsets(%dma_start3A_69 : memref<128xi32, #tpu.memory_space<vmem>>) semaphore(%dma_start3A_74 : memref<!tpu.dma_semaphore, #tpu.memory_space<semaphore_mem>>)
    %scan3A = arith.constant 0 : i32
    %scan3A_75 = arith.constant 0 : i32
    %scan3A_76 = arith.constant 98 : i32
    %scan3A_77 = arith.addi %scan3A_75, %scan3A_76 : i32
    %scan3A_78 = arith.constant 1 : i32
    scf.for %scan3A_134 = %scan3A_75 to %scan3A_77 step %scan3A_78  : i32 {
      %rem3A_135 = arith.constant 2 : i32
      %rem3A_136 = arith.remsi %scan3A_134, %rem3A_135 : i32
      %sub3A = arith.constant 1 : i32
      %sub3A_137 = arith.subi %sub3A, %rem3A_136 : i32
      %gt3A = arith.constant 0 : i32
      %gt3A_138 = arith.cmpi sgt, %scan3A_134, %gt3A : i32
      %convert_element_type3A = arith.extui %gt3A_138 : i1 to i32
      %cond3A = arith.constant 0 : i32
      %cond3A_139 = arith.cmpi ne, %convert_element_type3A, %cond3A : i32
      scf.if %cond3A_139 {
        %dma_wait3A_248 = arith.constant 0 : i32
        %dma_wait3A_249 = arith.constant 0 : i32
        %dma_wait3A_250 = arith.constant 0 : i32
        %dma_wait3A_251 = arith.constant 0 : i32
        %dma_wait3A_252 = tpu.memref_slice %arg9[%sub3A_137, %dma_wait3A_248, %dma_wait3A_250, %dma_wait3A_251] : memref<2x4x128x16xf32, #tpu.memory_space<vmem>> -> memref<1x1x128x16xf32, #tpu.memory_space<vmem>>
        %dma_wait3A_253 = tpu.memref_squeeze %dma_wait3A_252 : memref<1x1x128x16xf32, #tpu.memory_space<vmem>> -> memref<128x16xf32, #tpu.memory_space<vmem>>
        %dma_wait3A_254 = arith.constant 0 : i32
        %dma_wait3A_255 = tpu.memref_slice %arg8[%sub3A_137, %dma_wait3A_249, %dma_wait3A_254] : memref<2x4x128xi32, #tpu.memory_space<vmem>> -> memref<1x1x128xi32, #tpu.memory_space<vmem>>
        %dma_wait3A_256 = tpu.memref_squeeze %dma_wait3A_255 : memref<1x1x128xi32, #tpu.memory_space<vmem>> -> memref<128xi32, #tpu.memory_space<vmem>>
        %dma_wait3A_257 = arith.constant 0 : i32
        %dma_wait3A_258 = arith.constant 0 : i32
        %dma_wait3A_259 = tpu.memref_slice %arg10[%dma_wait3A_257, %dma_wait3A_258] : memref<102400x16xf32, #tpu.memory_space<vmem_shared>> -> memref<102400x16xf32, #tpu.memory_space<vmem_shared>>
        tpu.wait_indirect_dma semaphore(%arg12 : memref<!tpu.dma_semaphore, #tpu.memory_space<semaphore_mem>>) src(%dma_wait3A_253 : memref<128x16xf32, #tpu.memory_space<vmem>>) dst(%dma_wait3A_259 : memref<102400x16xf32, #tpu.memory_space<vmem_shared>>)
        %dma_wait3A_260 = arith.constant 1 : i32
        %dma_wait3A_261 = arith.constant 1 : i32
        %dma_wait3A_262 = arith.constant 0 : i32
        %dma_wait3A_263 = arith.constant 0 : i32
        %dma_wait3A_264 = tpu.memref_slice %arg9[%sub3A_137, %dma_wait3A_260, %dma_wait3A_262, %dma_wait3A_263] : memref<2x4x128x16xf32, #tpu.memory_space<vmem>> -> memref<1x1x128x16xf32, #tpu.memory_space<vmem>>
        %dma_wait3A_265 = tpu.memref_squeeze %dma_wait3A_264 : memref<1x1x128x16xf32, #tpu.memory_space<vmem>> -> memref<128x16xf32, #tpu.memory_space<vmem>>
        %dma_wait3A_266 = arith.constant 0 : i32
        %dma_wait3A_267 = tpu.memref_slice %arg8[%sub3A_137, %dma_wait3A_261, %dma_wait3A_266] : memref<2x4x128xi32, #tpu.memory_space<vmem>> -> memref<1x1x128xi32, #tpu.memory_space<vmem>>
        %dma_wait3A_268 = tpu.memref_squeeze %dma_wait3A_267 : memref<1x1x128xi32, #tpu.memory_space<vmem>> -> memref<128xi32, #tpu.memory_space<vmem>>
        %dma_wait3A_269 = arith.constant 0 : i32
        %dma_wait3A_270 = arith.constant 0 : i32
        %dma_wait3A_271 = tpu.memref_slice %arg10[%dma_wait3A_269, %dma_wait3A_270] : memref<102400x16xf32, #tpu.memory_space<vmem_shared>> -> memref<102400x16xf32, #tpu.memory_space<vmem_shared>>
        tpu.wait_indirect_dma semaphore(%arg12 : memref<!tpu.dma_semaphore, #tpu.memory_space<semaphore_mem>>) src(%dma_wait3A_265 : memref<128x16xf32, #tpu.memory_space<vmem>>) dst(%dma_wait3A_271 : memref<102400x16xf32, #tpu.memory_space<vmem_shared>>)
        %dma_wait3A_272 = arith.constant 2 : i32
        %dma_wait3A_273 = arith.constant 2 : i32
        %dma_wait3A_274 = arith.constant 0 : i32
        %dma_wait3A_275 = arith.constant 0 : i32
        %dma_wait3A_276 = tpu.memref_slice %arg9[%sub3A_137, %dma_wait3A_272, %dma_wait3A_274, %dma_wait3A_275] : memref<2x4x128x16xf32, #tpu.memory_space<vmem>> -> memref<1x1x128x16xf32, #tpu.memory_space<vmem>>
        %dma_wait3A_277 = tpu.memref_squeeze %dma_wait3A_276 : memref<1x1x128x16xf32, #tpu.memory_space<vmem>> -> memref<128x16xf32, #tpu.memory_space<vmem>>
        %dma_wait3A_278 = arith.constant 0 : i32
        %dma_wait3A_279 = tpu.memref_slice %arg8[%sub3A_137, %dma_wait3A_273, %dma_wait3A_278] : memref<2x4x128xi32, #tpu.memory_space<vmem>> -> memref<1x1x128xi32, #tpu.memory_space<vmem>>
        %dma_wait3A_280 = tpu.memref_squeeze %dma_wait3A_279 : memref<1x1x128xi32, #tpu.memory_space<vmem>> -> memref<128xi32, #tpu.memory_space<vmem>>
        %dma_wait3A_281 = arith.constant 0 : i32
        %dma_wait3A_282 = arith.constant 0 : i32
        %dma_wait3A_283 = tpu.memref_slice %arg10[%dma_wait3A_281, %dma_wait3A_282] : memref<102400x16xf32, #tpu.memory_space<vmem_shared>> -> memref<102400x16xf32, #tpu.memory_space<vmem_shared>>
        tpu.wait_indirect_dma semaphore(%arg12 : memref<!tpu.dma_semaphore, #tpu.memory_space<semaphore_mem>>) src(%dma_wait3A_277 : memref<128x16xf32, #tpu.memory_space<vmem>>) dst(%dma_wait3A_283 : memref<102400x16xf32, #tpu.memory_space<vmem_shared>>)
        %dma_wait3A_284 = arith.constant 3 : i32
        %dma_wait3A_285 = arith.constant 3 : i32
        %dma_wait3A_286 = arith.constant 0 : i32
        %dma_wait3A_287 = arith.constant 0 : i32
        %dma_wait3A_288 = tpu.memref_slice %arg9[%sub3A_137, %dma_wait3A_284, %dma_wait3A_286, %dma_wait3A_287] : memref<2x4x128x16xf32, #tpu.memory_space<vmem>> -> memref<1x1x128x16xf32, #tpu.memory_space<vmem>>
        %dma_wait3A_289 = tpu.memref_squeeze %dma_wait3A_288 : memref<1x1x128x16xf32, #tpu.memory_space<vmem>> -> memref<128x16xf32, #tpu.memory_space<vmem>>
        %dma_wait3A_290 = arith.constant 0 : i32
        %dma_wait3A_291 = tpu.memref_slice %arg8[%sub3A_137, %dma_wait3A_285, %dma_wait3A_290] : memref<2x4x128xi32, #tpu.memory_space<vmem>> -> memref<1x1x128xi32, #tpu.memory_space<vmem>>
        %dma_wait3A_292 = tpu.memref_squeeze %dma_wait3A_291 : memref<1x1x128xi32, #tpu.memory_space<vmem>> -> memref<128xi32, #tpu.memory_space<vmem>>
        %dma_wait3A_293 = arith.constant 0 : i32
        %dma_wait3A_294 = arith.constant 0 : i32
        %dma_wait3A_295 = tpu.memref_slice %arg10[%dma_wait3A_293, %dma_wait3A_294] : memref<102400x16xf32, #tpu.memory_space<vmem_shared>> -> memref<102400x16xf32, #tpu.memory_space<vmem_shared>>
        tpu.wait_indirect_dma semaphore(%arg12 : memref<!tpu.dma_semaphore, #tpu.memory_space<semaphore_mem>>) src(%dma_wait3A_289 : memref<128x16xf32, #tpu.memory_space<vmem>>) dst(%dma_wait3A_295 : memref<102400x16xf32, #tpu.memory_space<vmem_shared>>)
      } else {
      }
      %lt3A = arith.constant 97 : i32
      %lt3A_140 = arith.cmpi slt, %scan3A_134, %lt3A : i32
      %convert_element_type3A_141 = arith.extui %lt3A_140 : i1 to i32
      %cond3A_142 = arith.constant 0 : i32
      %cond3A_143 = arith.cmpi ne, %convert_element_type3A_141, %cond3A_142 : i32
      scf.if %cond3A_143 {
        %add3A_248 = arith.constant 1 : i32
        %add3A_249 = arith.addi %scan3A_134, %add3A_248 : i32
        %mul3A_250 = arith.constant 4 : i32
        %mul3A_251 = arith.muli %add3A_249, %mul3A_250 : i32
        %add3A_252 = arith.addi %mul3A_6, %mul3A_251 : i32
        "tpu.region"() ({
          %run_scoped3A_309 = tpu.sem_alloc : memref<!tpu.dma_semaphore, #tpu.memory_space<semaphore_mem>>
          %dma_start3A_310 = arith.constant 0 : i32
          %dma_start3A_311 = arith.constant 0 : i32
          %dma_start3A_312 = tpu.memref_slice %arg7[%sub3A_137, %dma_start3A_310, %dma_start3A_311] : memref<2x4x128xi32, #tpu.memory_space<vmem>> -> memref<1x4x128xi32, #tpu.memory_space<vmem>>
          %dma_start3A_313 = tpu.memref_squeeze %dma_start3A_312 : memref<1x4x128xi32, #tpu.memory_space<vmem>> -> memref<4x128xi32, #tpu.memory_space<vmem>>
          %dma_start3A_314 = arith.constant 0 : i32
          %dma_start3A_315 = tpu.memref_slice %arg2[%add3A_252, %dma_start3A_314] : memref<12544x128xi32, #tpu.memory_space<hbm>> -> memref<4x128xi32, #tpu.memory_space<hbm>>
          %dma_start3A_316 = arith.constant 0 : i32
          %dma_start3A_317 = arith.constant 0 : i32
          %dma_start3A_318 = tpu.memref_slice %arg7[%sub3A_137, %dma_start3A_316, %dma_start3A_317] : memref<2x4x128xi32, #tpu.memory_space<vmem>> -> memref<1x4x128xi32, #tpu.memory_space<vmem>>
          %dma_start3A_319 = tpu.memref_squeeze %dma_start3A_318 : memref<1x4x128xi32, #tpu.memory_space<vmem>> -> memref<4x128xi32, #tpu.memory_space<vmem>>
          %dma_start3A_320 = arith.constant 0 : i32
          %dma_start3A_321 = tpu.memref_slice %arg2[%add3A_252, %dma_start3A_320] : memref<12544x128xi32, #tpu.memory_space<hbm>> -> memref<4x128xi32, #tpu.memory_space<hbm>>
          tpu.enqueue_dma source(%dma_start3A_321 : memref<4x128xi32, #tpu.memory_space<hbm>>) target(%dma_start3A_319 : memref<4x128xi32, #tpu.memory_space<vmem>>) target_semaphore(%run_scoped3A_309 : memref<!tpu.dma_semaphore, #tpu.memory_space<semaphore_mem>>)
          %dma_wait3A_322 = arith.constant 0 : i32
          %dma_wait3A_323 = arith.constant 0 : i32
          %dma_wait3A_324 = tpu.memref_slice %arg7[%sub3A_137, %dma_wait3A_322, %dma_wait3A_323] : memref<2x4x128xi32, #tpu.memory_space<vmem>> -> memref<1x4x128xi32, #tpu.memory_space<vmem>>
          %dma_wait3A_325 = tpu.memref_squeeze %dma_wait3A_324 : memref<1x4x128xi32, #tpu.memory_space<vmem>> -> memref<4x128xi32, #tpu.memory_space<vmem>>
          %dma_wait3A_326 = arith.constant 0 : i32
          %dma_wait3A_327 = tpu.memref_slice %arg2[%add3A_252, %dma_wait3A_326] : memref<12544x128xi32, #tpu.memory_space<hbm>> -> memref<4x128xi32, #tpu.memory_space<hbm>>
          %dma_wait3A_328 = arith.constant 0 : i32
          %dma_wait3A_329 = arith.constant 0 : i32
          %dma_wait3A_330 = tpu.memref_slice %arg7[%sub3A_137, %dma_wait3A_328, %dma_wait3A_329] : memref<2x4x128xi32, #tpu.memory_space<vmem>> -> memref<1x4x128xi32, #tpu.memory_space<vmem>>
          %dma_wait3A_331 = tpu.memref_squeeze %dma_wait3A_330 : memref<1x4x128xi32, #tpu.memory_space<vmem>> -> memref<4x128xi32, #tpu.memory_space<vmem>>
          %dma_wait3A_332 = arith.constant 0 : i32
          %dma_wait3A_333 = tpu.memref_slice %arg2[%add3A_252, %dma_wait3A_332] : memref<12544x128xi32, #tpu.memory_space<hbm>> -> memref<4x128xi32, #tpu.memory_space<hbm>>
          tpu.wait_dma2 semaphore(%run_scoped3A_309 : memref<!tpu.dma_semaphore, #tpu.memory_space<semaphore_mem>>) src(%dma_wait3A_333 : memref<4x128xi32, #tpu.memory_space<hbm>>) dst(%dma_wait3A_331 : memref<4x128xi32, #tpu.memory_space<vmem>>)
          tpu.yield
        }) : () -> ()
        "tpu.region"() ({
          %run_scoped3A_309 = tpu.sem_alloc : memref<!tpu.dma_semaphore, #tpu.memory_space<semaphore_mem>>
          %dma_start3A_310 = arith.constant 0 : i32
          %dma_start3A_311 = arith.constant 0 : i32
          %dma_start3A_312 = tpu.memref_slice %arg8[%sub3A_137, %dma_start3A_310, %dma_start3A_311] : memref<2x4x128xi32, #tpu.memory_space<vmem>> -> memref<1x4x128xi32, #tpu.memory_space<vmem>>
          %dma_start3A_313 = tpu.memref_squeeze %dma_start3A_312 : memref<1x4x128xi32, #tpu.memory_space<vmem>> -> memref<4x128xi32, #tpu.memory_space<vmem>>
          %dma_start3A_314 = arith.constant 0 : i32
          %dma_start3A_315 = tpu.memref_slice %arg3[%add3A_252, %dma_start3A_314] : memref<12544x128xi32, #tpu.memory_space<hbm>> -> memref<4x128xi32, #tpu.memory_space<hbm>>
          %dma_start3A_316 = arith.constant 0 : i32
          %dma_start3A_317 = arith.constant 0 : i32
          %dma_start3A_318 = tpu.memref_slice %arg8[%sub3A_137, %dma_start3A_316, %dma_start3A_317] : memref<2x4x128xi32, #tpu.memory_space<vmem>> -> memref<1x4x128xi32, #tpu.memory_space<vmem>>
          %dma_start3A_319 = tpu.memref_squeeze %dma_start3A_318 : memref<1x4x128xi32, #tpu.memory_space<vmem>> -> memref<4x128xi32, #tpu.memory_space<vmem>>
          %dma_start3A_320 = arith.constant 0 : i32
          %dma_start3A_321 = tpu.memref_slice %arg3[%add3A_252, %dma_start3A_320] : memref<12544x128xi32, #tpu.memory_space<hbm>> -> memref<4x128xi32, #tpu.memory_space<hbm>>
          tpu.enqueue_dma source(%dma_start3A_321 : memref<4x128xi32, #tpu.memory_space<hbm>>) target(%dma_start3A_319 : memref<4x128xi32, #tpu.memory_space<vmem>>) target_semaphore(%run_scoped3A_309 : memref<!tpu.dma_semaphore, #tpu.memory_space<semaphore_mem>>)
          %dma_wait3A_322 = arith.constant 0 : i32
          %dma_wait3A_323 = arith.constant 0 : i32
          %dma_wait3A_324 = tpu.memref_slice %arg8[%sub3A_137, %dma_wait3A_322, %dma_wait3A_323] : memref<2x4x128xi32, #tpu.memory_space<vmem>> -> memref<1x4x128xi32, #tpu.memory_space<vmem>>
          %dma_wait3A_325 = tpu.memref_squeeze %dma_wait3A_324 : memref<1x4x128xi32, #tpu.memory_space<vmem>> -> memref<4x128xi32, #tpu.memory_space<vmem>>
          %dma_wait3A_326 = arith.constant 0 : i32
          %dma_wait3A_327 = tpu.memref_slice %arg3[%add3A_252, %dma_wait3A_326] : memref<12544x128xi32, #tpu.memory_space<hbm>> -> memref<4x128xi32, #tpu.memory_space<hbm>>
          %dma_wait3A_328 = arith.constant 0 : i32
          %dma_wait3A_329 = arith.constant 0 : i32
          %dma_wait3A_330 = tpu.memref_slice %arg8[%sub3A_137, %dma_wait3A_328, %dma_wait3A_329] : memref<2x4x128xi32, #tpu.memory_space<vmem>> -> memref<1x4x128xi32, #tpu.memory_space<vmem>>
          %dma_wait3A_331 = tpu.memref_squeeze %dma_wait3A_330 : memref<1x4x128xi32, #tpu.memory_space<vmem>> -> memref<4x128xi32, #tpu.memory_space<vmem>>
          %dma_wait3A_332 = arith.constant 0 : i32
          %dma_wait3A_333 = tpu.memref_slice %arg3[%add3A_252, %dma_wait3A_332] : memref<12544x128xi32, #tpu.memory_space<hbm>> -> memref<4x128xi32, #tpu.memory_space<hbm>>
          tpu.wait_dma2 semaphore(%run_scoped3A_309 : memref<!tpu.dma_semaphore, #tpu.memory_space<semaphore_mem>>) src(%dma_wait3A_333 : memref<4x128xi32, #tpu.memory_space<hbm>>) dst(%dma_wait3A_331 : memref<4x128xi32, #tpu.memory_space<vmem>>)
          tpu.yield
        }) : () -> ()
        %dma_start3A_253 = arith.constant 0 : i32
        %dma_start3A_254 = arith.constant 0 : i32
        %dma_start3A_255 = arith.constant 0 : i32
        %dma_start3A_256 = arith.constant 0 : i32
        %dma_start3A_257 = tpu.memref_slice %arg9[%sub3A_137, %dma_start3A_254, %dma_start3A_255, %dma_start3A_256] : memref<2x4x128x16xf32, #tpu.memory_space<vmem>> -> memref<1x1x128x16xf32, #tpu.memory_space<vmem>>
        %dma_start3A_258 = tpu.memref_squeeze %dma_start3A_257 : memref<1x1x128x16xf32, #tpu.memory_space<vmem>> -> memref<128x16xf32, #tpu.memory_space<vmem>>
        %dma_start3A_259 = arith.constant 0 : i32
        %dma_start3A_260 = tpu.memref_slice %arg7[%sub3A_137, %dma_start3A_253, %dma_start3A_259] : memref<2x4x128xi32, #tpu.memory_space<vmem>> -> memref<1x1x128xi32, #tpu.memory_space<vmem>>
        %dma_start3A_261 = tpu.memref_squeeze %dma_start3A_260 : memref<1x1x128xi32, #tpu.memory_space<vmem>> -> memref<128xi32, #tpu.memory_space<vmem>>
        %dma_start3A_262 = arith.constant 0 : i32
        %dma_start3A_263 = arith.constant 0 : i32
        %dma_start3A_264 = tpu.memref_slice %arg4[%dma_start3A_262, %dma_start3A_263] : memref<102400x16xf32, #tpu.memory_space<hbm>> -> memref<102400x16xf32, #tpu.memory_space<hbm>>
        %dma_start3A_265 = tpu.memref_slice %arg11[%sub3A_137] : memref<2x!tpu.dma_semaphore, #tpu.memory_space<semaphore_mem>> -> memref<1x!tpu.dma_semaphore, #tpu.memory_space<semaphore_mem>>
        %dma_start3A_266 = tpu.memref_squeeze %dma_start3A_265 : memref<1x!tpu.dma_semaphore, #tpu.memory_space<semaphore_mem>> -> memref<!tpu.dma_semaphore, #tpu.memory_space<semaphore_mem>>
        tpu.enqueue_indirect_dma source(%dma_start3A_264 : memref<102400x16xf32, #tpu.memory_space<hbm>>) target(%dma_start3A_258 : memref<128x16xf32, #tpu.memory_space<vmem>>) offsets(%dma_start3A_261 : memref<128xi32, #tpu.memory_space<vmem>>) semaphore(%dma_start3A_266 : memref<!tpu.dma_semaphore, #tpu.memory_space<semaphore_mem>>)
        %dma_start3A_267 = arith.constant 1 : i32
        %dma_start3A_268 = arith.constant 1 : i32
        %dma_start3A_269 = arith.constant 0 : i32
        %dma_start3A_270 = arith.constant 0 : i32
        %dma_start3A_271 = tpu.memref_slice %arg9[%sub3A_137, %dma_start3A_268, %dma_start3A_269, %dma_start3A_270] : memref<2x4x128x16xf32, #tpu.memory_space<vmem>> -> memref<1x1x128x16xf32, #tpu.memory_space<vmem>>
        %dma_start3A_272 = tpu.memref_squeeze %dma_start3A_271 : memref<1x1x128x16xf32, #tpu.memory_space<vmem>> -> memref<128x16xf32, #tpu.memory_space<vmem>>
        %dma_start3A_273 = arith.constant 0 : i32
        %dma_start3A_274 = tpu.memref_slice %arg7[%sub3A_137, %dma_start3A_267, %dma_start3A_273] : memref<2x4x128xi32, #tpu.memory_space<vmem>> -> memref<1x1x128xi32, #tpu.memory_space<vmem>>
        %dma_start3A_275 = tpu.memref_squeeze %dma_start3A_274 : memref<1x1x128xi32, #tpu.memory_space<vmem>> -> memref<128xi32, #tpu.memory_space<vmem>>
        %dma_start3A_276 = arith.constant 0 : i32
        %dma_start3A_277 = arith.constant 0 : i32
        %dma_start3A_278 = tpu.memref_slice %arg4[%dma_start3A_276, %dma_start3A_277] : memref<102400x16xf32, #tpu.memory_space<hbm>> -> memref<102400x16xf32, #tpu.memory_space<hbm>>
        %dma_start3A_279 = tpu.memref_slice %arg11[%sub3A_137] : memref<2x!tpu.dma_semaphore, #tpu.memory_space<semaphore_mem>> -> memref<1x!tpu.dma_semaphore, #tpu.memory_space<semaphore_mem>>
        %dma_start3A_280 = tpu.memref_squeeze %dma_start3A_279 : memref<1x!tpu.dma_semaphore, #tpu.memory_space<semaphore_mem>> -> memref<!tpu.dma_semaphore, #tpu.memory_space<semaphore_mem>>
        tpu.enqueue_indirect_dma source(%dma_start3A_278 : memref<102400x16xf32, #tpu.memory_space<hbm>>) target(%dma_start3A_272 : memref<128x16xf32, #tpu.memory_space<vmem>>) offsets(%dma_start3A_275 : memref<128xi32, #tpu.memory_space<vmem>>) semaphore(%dma_start3A_280 : memref<!tpu.dma_semaphore, #tpu.memory_space<semaphore_mem>>)
        %dma_start3A_281 = arith.constant 2 : i32
        %dma_start3A_282 = arith.constant 2 : i32
        %dma_start3A_283 = arith.constant 0 : i32
        %dma_start3A_284 = arith.constant 0 : i32
        %dma_start3A_285 = tpu.memref_slice %arg9[%sub3A_137, %dma_start3A_282, %dma_start3A_283, %dma_start3A_284] : memref<2x4x128x16xf32, #tpu.memory_space<vmem>> -> memref<1x1x128x16xf32, #tpu.memory_space<vmem>>
        %dma_start3A_286 = tpu.memref_squeeze %dma_start3A_285 : memref<1x1x128x16xf32, #tpu.memory_space<vmem>> -> memref<128x16xf32, #tpu.memory_space<vmem>>
        %dma_start3A_287 = arith.constant 0 : i32
        %dma_start3A_288 = tpu.memref_slice %arg7[%sub3A_137, %dma_start3A_281, %dma_start3A_287] : memref<2x4x128xi32, #tpu.memory_space<vmem>> -> memref<1x1x128xi32, #tpu.memory_space<vmem>>
        %dma_start3A_289 = tpu.memref_squeeze %dma_start3A_288 : memref<1x1x128xi32, #tpu.memory_space<vmem>> -> memref<128xi32, #tpu.memory_space<vmem>>
        %dma_start3A_290 = arith.constant 0 : i32
        %dma_start3A_291 = arith.constant 0 : i32
        %dma_start3A_292 = tpu.memref_slice %arg4[%dma_start3A_290, %dma_start3A_291] : memref<102400x16xf32, #tpu.memory_space<hbm>> -> memref<102400x16xf32, #tpu.memory_space<hbm>>
        %dma_start3A_293 = tpu.memref_slice %arg11[%sub3A_137] : memref<2x!tpu.dma_semaphore, #tpu.memory_space<semaphore_mem>> -> memref<1x!tpu.dma_semaphore, #tpu.memory_space<semaphore_mem>>
        %dma_start3A_294 = tpu.memref_squeeze %dma_start3A_293 : memref<1x!tpu.dma_semaphore, #tpu.memory_space<semaphore_mem>> -> memref<!tpu.dma_semaphore, #tpu.memory_space<semaphore_mem>>
        tpu.enqueue_indirect_dma source(%dma_start3A_292 : memref<102400x16xf32, #tpu.memory_space<hbm>>) target(%dma_start3A_286 : memref<128x16xf32, #tpu.memory_space<vmem>>) offsets(%dma_start3A_289 : memref<128xi32, #tpu.memory_space<vmem>>) semaphore(%dma_start3A_294 : memref<!tpu.dma_semaphore, #tpu.memory_space<semaphore_mem>>)
        %dma_start3A_295 = arith.constant 3 : i32
        %dma_start3A_296 = arith.constant 3 : i32
        %dma_start3A_297 = arith.constant 0 : i32
        %dma_start3A_298 = arith.constant 0 : i32
        %dma_start3A_299 = tpu.memref_slice %arg9[%sub3A_137, %dma_start3A_296, %dma_start3A_297, %dma_start3A_298] : memref<2x4x128x16xf32, #tpu.memory_space<vmem>> -> memref<1x1x128x16xf32, #tpu.memory_space<vmem>>
        %dma_start3A_300 = tpu.memref_squeeze %dma_start3A_299 : memref<1x1x128x16xf32, #tpu.memory_space<vmem>> -> memref<128x16xf32, #tpu.memory_space<vmem>>
        %dma_start3A_301 = arith.constant 0 : i32
        %dma_start3A_302 = tpu.memref_slice %arg7[%sub3A_137, %dma_start3A_295, %dma_start3A_301] : memref<2x4x128xi32, #tpu.memory_space<vmem>> -> memref<1x1x128xi32, #tpu.memory_space<vmem>>
        %dma_start3A_303 = tpu.memref_squeeze %dma_start3A_302 : memref<1x1x128xi32, #tpu.memory_space<vmem>> -> memref<128xi32, #tpu.memory_space<vmem>>
        %dma_start3A_304 = arith.constant 0 : i32
        %dma_start3A_305 = arith.constant 0 : i32
        %dma_start3A_306 = tpu.memref_slice %arg4[%dma_start3A_304, %dma_start3A_305] : memref<102400x16xf32, #tpu.memory_space<hbm>> -> memref<102400x16xf32, #tpu.memory_space<hbm>>
        %dma_start3A_307 = tpu.memref_slice %arg11[%sub3A_137] : memref<2x!tpu.dma_semaphore, #tpu.memory_space<semaphore_mem>> -> memref<1x!tpu.dma_semaphore, #tpu.memory_space<semaphore_mem>>
        %dma_start3A_308 = tpu.memref_squeeze %dma_start3A_307 : memref<1x!tpu.dma_semaphore, #tpu.memory_space<semaphore_mem>> -> memref<!tpu.dma_semaphore, #tpu.memory_space<semaphore_mem>>
        tpu.enqueue_indirect_dma source(%dma_start3A_306 : memref<102400x16xf32, #tpu.memory_space<hbm>>) target(%dma_start3A_300 : memref<128x16xf32, #tpu.memory_space<vmem>>) offsets(%dma_start3A_303 : memref<128xi32, #tpu.memory_space<vmem>>) semaphore(%dma_start3A_308 : memref<!tpu.dma_semaphore, #tpu.memory_space<semaphore_mem>>)
      } else {
      }
      %dma_wait3A_144 = arith.constant 0 : i32
      %dma_wait3A_145 = arith.constant 0 : i32
      %dma_wait3A_146 = arith.constant 0 : i32
      %dma_wait3A_147 = arith.constant 0 : i32
      %dma_wait3A_148 = tpu.memref_slice %arg9[%rem3A_136, %dma_wait3A_145, %dma_wait3A_146, %dma_wait3A_147] : memref<2x4x128x16xf32, #tpu.memory_space<vmem>> -> memref<1x1x128x16xf32, #tpu.memory_space<vmem>>
      %dma_wait3A_149 = tpu.memref_squeeze %dma_wait3A_148 : memref<1x1x128x16xf32, #tpu.memory_space<vmem>> -> memref<128x16xf32, #tpu.memory_space<vmem>>
      %dma_wait3A_150 = arith.constant 0 : i32
      %dma_wait3A_151 = tpu.memref_slice %arg7[%rem3A_136, %dma_wait3A_144, %dma_wait3A_150] : memref<2x4x128xi32, #tpu.memory_space<vmem>> -> memref<1x1x128xi32, #tpu.memory_space<vmem>>
      %dma_wait3A_152 = tpu.memref_squeeze %dma_wait3A_151 : memref<1x1x128xi32, #tpu.memory_space<vmem>> -> memref<128xi32, #tpu.memory_space<vmem>>
      %dma_wait3A_153 = arith.constant 0 : i32
      %dma_wait3A_154 = arith.constant 0 : i32
      %dma_wait3A_155 = tpu.memref_slice %arg4[%dma_wait3A_153, %dma_wait3A_154] : memref<102400x16xf32, #tpu.memory_space<hbm>> -> memref<102400x16xf32, #tpu.memory_space<hbm>>
      %dma_wait3A_156 = tpu.memref_slice %arg11[%rem3A_136] : memref<2x!tpu.dma_semaphore, #tpu.memory_space<semaphore_mem>> -> memref<1x!tpu.dma_semaphore, #tpu.memory_space<semaphore_mem>>
      %dma_wait3A_157 = tpu.memref_squeeze %dma_wait3A_156 : memref<1x!tpu.dma_semaphore, #tpu.memory_space<semaphore_mem>> -> memref<!tpu.dma_semaphore, #tpu.memory_space<semaphore_mem>>
      tpu.wait_indirect_dma semaphore(%dma_wait3A_157 : memref<!tpu.dma_semaphore, #tpu.memory_space<semaphore_mem>>) src(%dma_wait3A_155 : memref<102400x16xf32, #tpu.memory_space<hbm>>) dst(%dma_wait3A_149 : memref<128x16xf32, #tpu.memory_space<vmem>>)
      %dma_start3A_158 = arith.constant 0 : i32
      %dma_start3A_159 = arith.constant 0 : i32
      %dma_start3A_160 = arith.constant 0 : i32
      %dma_start3A_161 = arith.constant 0 : i32
      %dma_start3A_162 = tpu.memref_slice %arg9[%rem3A_136, %dma_start3A_158, %dma_start3A_160, %dma_start3A_161] : memref<2x4x128x16xf32, #tpu.memory_space<vmem>> -> memref<1x1x128x16xf32, #tpu.memory_space<vmem>>
      %dma_start3A_163 = tpu.memref_squeeze %dma_start3A_162 : memref<1x1x128x16xf32, #tpu.memory_space<vmem>> -> memref<128x16xf32, #tpu.memory_space<vmem>>
      %dma_start3A_164 = arith.constant 0 : i32
      %dma_start3A_165 = tpu.memref_slice %arg8[%rem3A_136, %dma_start3A_159, %dma_start3A_164] : memref<2x4x128xi32, #tpu.memory_space<vmem>> -> memref<1x1x128xi32, #tpu.memory_space<vmem>>
      %dma_start3A_166 = tpu.memref_squeeze %dma_start3A_165 : memref<1x1x128xi32, #tpu.memory_space<vmem>> -> memref<128xi32, #tpu.memory_space<vmem>>
      %dma_start3A_167 = arith.constant 0 : i32
      %dma_start3A_168 = arith.constant 0 : i32
      %dma_start3A_169 = tpu.memref_slice %arg10[%dma_start3A_167, %dma_start3A_168] : memref<102400x16xf32, #tpu.memory_space<vmem_shared>> -> memref<102400x16xf32, #tpu.memory_space<vmem_shared>>
      tpu.enqueue_indirect_dma source(%dma_start3A_163 : memref<128x16xf32, #tpu.memory_space<vmem>>) target(%dma_start3A_169 : memref<102400x16xf32, #tpu.memory_space<vmem_shared>>) offsets(%dma_start3A_166 : memref<128xi32, #tpu.memory_space<vmem>>) semaphore(%arg12 : memref<!tpu.dma_semaphore, #tpu.memory_space<semaphore_mem>>) {add = true}
      %dma_wait3A_170 = arith.constant 1 : i32
      %dma_wait3A_171 = arith.constant 1 : i32
      %dma_wait3A_172 = arith.constant 0 : i32
      %dma_wait3A_173 = arith.constant 0 : i32
      %dma_wait3A_174 = tpu.memref_slice %arg9[%rem3A_136, %dma_wait3A_171, %dma_wait3A_172, %dma_wait3A_173] : memref<2x4x128x16xf32, #tpu.memory_space<vmem>> -> memref<1x1x128x16xf32, #tpu.memory_space<vmem>>
      %dma_wait3A_175 = tpu.memref_squeeze %dma_wait3A_174 : memref<1x1x128x16xf32, #tpu.memory_space<vmem>> -> memref<128x16xf32, #tpu.memory_space<vmem>>
      %dma_wait3A_176 = arith.constant 0 : i32
      %dma_wait3A_177 = tpu.memref_slice %arg7[%rem3A_136, %dma_wait3A_170, %dma_wait3A_176] : memref<2x4x128xi32, #tpu.memory_space<vmem>> -> memref<1x1x128xi32, #tpu.memory_space<vmem>>
      %dma_wait3A_178 = tpu.memref_squeeze %dma_wait3A_177 : memref<1x1x128xi32, #tpu.memory_space<vmem>> -> memref<128xi32, #tpu.memory_space<vmem>>
      %dma_wait3A_179 = arith.constant 0 : i32
      %dma_wait3A_180 = arith.constant 0 : i32
      %dma_wait3A_181 = tpu.memref_slice %arg4[%dma_wait3A_179, %dma_wait3A_180] : memref<102400x16xf32, #tpu.memory_space<hbm>> -> memref<102400x16xf32, #tpu.memory_space<hbm>>
      %dma_wait3A_182 = tpu.memref_slice %arg11[%rem3A_136] : memref<2x!tpu.dma_semaphore, #tpu.memory_space<semaphore_mem>> -> memref<1x!tpu.dma_semaphore, #tpu.memory_space<semaphore_mem>>
      %dma_wait3A_183 = tpu.memref_squeeze %dma_wait3A_182 : memref<1x!tpu.dma_semaphore, #tpu.memory_space<semaphore_mem>> -> memref<!tpu.dma_semaphore, #tpu.memory_space<semaphore_mem>>
      tpu.wait_indirect_dma semaphore(%dma_wait3A_183 : memref<!tpu.dma_semaphore, #tpu.memory_space<semaphore_mem>>) src(%dma_wait3A_181 : memref<102400x16xf32, #tpu.memory_space<hbm>>) dst(%dma_wait3A_175 : memref<128x16xf32, #tpu.memory_space<vmem>>)
      %dma_start3A_184 = arith.constant 1 : i32
      %dma_start3A_185 = arith.constant 1 : i32
      %dma_start3A_186 = arith.constant 0 : i32
      %dma_start3A_187 = arith.constant 0 : i32
      %dma_start3A_188 = tpu.memref_slice %arg9[%rem3A_136, %dma_start3A_184, %dma_start3A_186, %dma_start3A_187] : memref<2x4x128x16xf32, #tpu.memory_space<vmem>> -> memref<1x1x128x16xf32, #tpu.memory_space<vmem>>
      %dma_start3A_189 = tpu.memref_squeeze %dma_start3A_188 : memref<1x1x128x16xf32, #tpu.memory_space<vmem>> -> memref<128x16xf32, #tpu.memory_space<vmem>>
      %dma_start3A_190 = arith.constant 0 : i32
      %dma_start3A_191 = tpu.memref_slice %arg8[%rem3A_136, %dma_start3A_185, %dma_start3A_190] : memref<2x4x128xi32, #tpu.memory_space<vmem>> -> memref<1x1x128xi32, #tpu.memory_space<vmem>>
      %dma_start3A_192 = tpu.memref_squeeze %dma_start3A_191 : memref<1x1x128xi32, #tpu.memory_space<vmem>> -> memref<128xi32, #tpu.memory_space<vmem>>
      %dma_start3A_193 = arith.constant 0 : i32
      %dma_start3A_194 = arith.constant 0 : i32
      %dma_start3A_195 = tpu.memref_slice %arg10[%dma_start3A_193, %dma_start3A_194] : memref<102400x16xf32, #tpu.memory_space<vmem_shared>> -> memref<102400x16xf32, #tpu.memory_space<vmem_shared>>
      tpu.enqueue_indirect_dma source(%dma_start3A_189 : memref<128x16xf32, #tpu.memory_space<vmem>>) target(%dma_start3A_195 : memref<102400x16xf32, #tpu.memory_space<vmem_shared>>) offsets(%dma_start3A_192 : memref<128xi32, #tpu.memory_space<vmem>>) semaphore(%arg12 : memref<!tpu.dma_semaphore, #tpu.memory_space<semaphore_mem>>) {add = true}
      %dma_wait3A_196 = arith.constant 2 : i32
      %dma_wait3A_197 = arith.constant 2 : i32
      %dma_wait3A_198 = arith.constant 0 : i32
      %dma_wait3A_199 = arith.constant 0 : i32
      %dma_wait3A_200 = tpu.memref_slice %arg9[%rem3A_136, %dma_wait3A_197, %dma_wait3A_198, %dma_wait3A_199] : memref<2x4x128x16xf32, #tpu.memory_space<vmem>> -> memref<1x1x128x16xf32, #tpu.memory_space<vmem>>
      %dma_wait3A_201 = tpu.memref_squeeze %dma_wait3A_200 : memref<1x1x128x16xf32, #tpu.memory_space<vmem>> -> memref<128x16xf32, #tpu.memory_space<vmem>>
      %dma_wait3A_202 = arith.constant 0 : i32
      %dma_wait3A_203 = tpu.memref_slice %arg7[%rem3A_136, %dma_wait3A_196, %dma_wait3A_202] : memref<2x4x128xi32, #tpu.memory_space<vmem>> -> memref<1x1x128xi32, #tpu.memory_space<vmem>>
      %dma_wait3A_204 = tpu.memref_squeeze %dma_wait3A_203 : memref<1x1x128xi32, #tpu.memory_space<vmem>> -> memref<128xi32, #tpu.memory_space<vmem>>
      %dma_wait3A_205 = arith.constant 0 : i32
      %dma_wait3A_206 = arith.constant 0 : i32
      %dma_wait3A_207 = tpu.memref_slice %arg4[%dma_wait3A_205, %dma_wait3A_206] : memref<102400x16xf32, #tpu.memory_space<hbm>> -> memref<102400x16xf32, #tpu.memory_space<hbm>>
      %dma_wait3A_208 = tpu.memref_slice %arg11[%rem3A_136] : memref<2x!tpu.dma_semaphore, #tpu.memory_space<semaphore_mem>> -> memref<1x!tpu.dma_semaphore, #tpu.memory_space<semaphore_mem>>
      %dma_wait3A_209 = tpu.memref_squeeze %dma_wait3A_208 : memref<1x!tpu.dma_semaphore, #tpu.memory_space<semaphore_mem>> -> memref<!tpu.dma_semaphore, #tpu.memory_space<semaphore_mem>>
      tpu.wait_indirect_dma semaphore(%dma_wait3A_209 : memref<!tpu.dma_semaphore, #tpu.memory_space<semaphore_mem>>) src(%dma_wait3A_207 : memref<102400x16xf32, #tpu.memory_space<hbm>>) dst(%dma_wait3A_201 : memref<128x16xf32, #tpu.memory_space<vmem>>)
      %dma_start3A_210 = arith.constant 2 : i32
      %dma_start3A_211 = arith.constant 2 : i32
      %dma_start3A_212 = arith.constant 0 : i32
      %dma_start3A_213 = arith.constant 0 : i32
      %dma_start3A_214 = tpu.memref_slice %arg9[%rem3A_136, %dma_start3A_210, %dma_start3A_212, %dma_start3A_213] : memref<2x4x128x16xf32, #tpu.memory_space<vmem>> -> memref<1x1x128x16xf32, #tpu.memory_space<vmem>>
      %dma_start3A_215 = tpu.memref_squeeze %dma_start3A_214 : memref<1x1x128x16xf32, #tpu.memory_space<vmem>> -> memref<128x16xf32, #tpu.memory_space<vmem>>
      %dma_start3A_216 = arith.constant 0 : i32
      %dma_start3A_217 = tpu.memref_slice %arg8[%rem3A_136, %dma_start3A_211, %dma_start3A_216] : memref<2x4x128xi32, #tpu.memory_space<vmem>> -> memref<1x1x128xi32, #tpu.memory_space<vmem>>
      %dma_start3A_218 = tpu.memref_squeeze %dma_start3A_217 : memref<1x1x128xi32, #tpu.memory_space<vmem>> -> memref<128xi32, #tpu.memory_space<vmem>>
      %dma_start3A_219 = arith.constant 0 : i32
      %dma_start3A_220 = arith.constant 0 : i32
      %dma_start3A_221 = tpu.memref_slice %arg10[%dma_start3A_219, %dma_start3A_220] : memref<102400x16xf32, #tpu.memory_space<vmem_shared>> -> memref<102400x16xf32, #tpu.memory_space<vmem_shared>>
      tpu.enqueue_indirect_dma source(%dma_start3A_215 : memref<128x16xf32, #tpu.memory_space<vmem>>) target(%dma_start3A_221 : memref<102400x16xf32, #tpu.memory_space<vmem_shared>>) offsets(%dma_start3A_218 : memref<128xi32, #tpu.memory_space<vmem>>) semaphore(%arg12 : memref<!tpu.dma_semaphore, #tpu.memory_space<semaphore_mem>>) {add = true}
      %dma_wait3A_222 = arith.constant 3 : i32
      %dma_wait3A_223 = arith.constant 3 : i32
      %dma_wait3A_224 = arith.constant 0 : i32
      %dma_wait3A_225 = arith.constant 0 : i32
      %dma_wait3A_226 = tpu.memref_slice %arg9[%rem3A_136, %dma_wait3A_223, %dma_wait3A_224, %dma_wait3A_225] : memref<2x4x128x16xf32, #tpu.memory_space<vmem>> -> memref<1x1x128x16xf32, #tpu.memory_space<vmem>>
      %dma_wait3A_227 = tpu.memref_squeeze %dma_wait3A_226 : memref<1x1x128x16xf32, #tpu.memory_space<vmem>> -> memref<128x16xf32, #tpu.memory_space<vmem>>
      %dma_wait3A_228 = arith.constant 0 : i32
      %dma_wait3A_229 = tpu.memref_slice %arg7[%rem3A_136, %dma_wait3A_222, %dma_wait3A_228] : memref<2x4x128xi32, #tpu.memory_space<vmem>> -> memref<1x1x128xi32, #tpu.memory_space<vmem>>
      %dma_wait3A_230 = tpu.memref_squeeze %dma_wait3A_229 : memref<1x1x128xi32, #tpu.memory_space<vmem>> -> memref<128xi32, #tpu.memory_space<vmem>>
      %dma_wait3A_231 = arith.constant 0 : i32
      %dma_wait3A_232 = arith.constant 0 : i32
      %dma_wait3A_233 = tpu.memref_slice %arg4[%dma_wait3A_231, %dma_wait3A_232] : memref<102400x16xf32, #tpu.memory_space<hbm>> -> memref<102400x16xf32, #tpu.memory_space<hbm>>
      %dma_wait3A_234 = tpu.memref_slice %arg11[%rem3A_136] : memref<2x!tpu.dma_semaphore, #tpu.memory_space<semaphore_mem>> -> memref<1x!tpu.dma_semaphore, #tpu.memory_space<semaphore_mem>>
      %dma_wait3A_235 = tpu.memref_squeeze %dma_wait3A_234 : memref<1x!tpu.dma_semaphore, #tpu.memory_space<semaphore_mem>> -> memref<!tpu.dma_semaphore, #tpu.memory_space<semaphore_mem>>
      tpu.wait_indirect_dma semaphore(%dma_wait3A_235 : memref<!tpu.dma_semaphore, #tpu.memory_space<semaphore_mem>>) src(%dma_wait3A_233 : memref<102400x16xf32, #tpu.memory_space<hbm>>) dst(%dma_wait3A_227 : memref<128x16xf32, #tpu.memory_space<vmem>>)
      %dma_start3A_236 = arith.constant 3 : i32
      %dma_start3A_237 = arith.constant 3 : i32
      %dma_start3A_238 = arith.constant 0 : i32
      %dma_start3A_239 = arith.constant 0 : i32
      %dma_start3A_240 = tpu.memref_slice %arg9[%rem3A_136, %dma_start3A_236, %dma_start3A_238, %dma_start3A_239] : memref<2x4x128x16xf32, #tpu.memory_space<vmem>> -> memref<1x1x128x16xf32, #tpu.memory_space<vmem>>
      %dma_start3A_241 = tpu.memref_squeeze %dma_start3A_240 : memref<1x1x128x16xf32, #tpu.memory_space<vmem>> -> memref<128x16xf32, #tpu.memory_space<vmem>>
      %dma_start3A_242 = arith.constant 0 : i32
      %dma_start3A_243 = tpu.memref_slice %arg8[%rem3A_136, %dma_start3A_237, %dma_start3A_242] : memref<2x4x128xi32, #tpu.memory_space<vmem>> -> memref<1x1x128xi32, #tpu.memory_space<vmem>>
      %dma_start3A_244 = tpu.memref_squeeze %dma_start3A_243 : memref<1x1x128xi32, #tpu.memory_space<vmem>> -> memref<128xi32, #tpu.memory_space<vmem>>
      %dma_start3A_245 = arith.constant 0 : i32
      %dma_start3A_246 = arith.constant 0 : i32
      %dma_start3A_247 = tpu.memref_slice %arg10[%dma_start3A_245, %dma_start3A_246] : memref<102400x16xf32, #tpu.memory_space<vmem_shared>> -> memref<102400x16xf32, #tpu.memory_space<vmem_shared>>
      tpu.enqueue_indirect_dma source(%dma_start3A_241 : memref<128x16xf32, #tpu.memory_space<vmem>>) target(%dma_start3A_247 : memref<102400x16xf32, #tpu.memory_space<vmem_shared>>) offsets(%dma_start3A_244 : memref<128xi32, #tpu.memory_space<vmem>>) semaphore(%arg12 : memref<!tpu.dma_semaphore, #tpu.memory_space<semaphore_mem>>) {add = true}
    }
    %scan3A_79 = arith.constant 98 : i32
    %rem3A = arith.constant 97 : i32
    %rem3A_80 = arith.constant 2 : i32
    %rem3A_81 = arith.remsi %rem3A, %rem3A_80 : i32
    %dma_wait3A = arith.constant 0 : i32
    %dma_wait3A_82 = arith.constant 0 : i32
    %dma_wait3A_83 = arith.constant 0 : i32
    %dma_wait3A_84 = arith.constant 0 : i32
    %dma_wait3A_85 = tpu.memref_slice %arg9[%rem3A_81, %dma_wait3A, %dma_wait3A_83, %dma_wait3A_84] : memref<2x4x128x16xf32, #tpu.memory_space<vmem>> -> memref<1x1x128x16xf32, #tpu.memory_space<vmem>>
    %dma_wait3A_86 = tpu.memref_squeeze %dma_wait3A_85 : memref<1x1x128x16xf32, #tpu.memory_space<vmem>> -> memref<128x16xf32, #tpu.memory_space<vmem>>
    %dma_wait3A_87 = arith.constant 0 : i32
    %dma_wait3A_88 = tpu.memref_slice %arg8[%rem3A_81, %dma_wait3A_82, %dma_wait3A_87] : memref<2x4x128xi32, #tpu.memory_space<vmem>> -> memref<1x1x128xi32, #tpu.memory_space<vmem>>
    %dma_wait3A_89 = tpu.memref_squeeze %dma_wait3A_88 : memref<1x1x128xi32, #tpu.memory_space<vmem>> -> memref<128xi32, #tpu.memory_space<vmem>>
    %dma_wait3A_90 = arith.constant 0 : i32
    %dma_wait3A_91 = arith.constant 0 : i32
    %dma_wait3A_92 = tpu.memref_slice %arg10[%dma_wait3A_90, %dma_wait3A_91] : memref<102400x16xf32, #tpu.memory_space<vmem_shared>> -> memref<102400x16xf32, #tpu.memory_space<vmem_shared>>
    tpu.wait_indirect_dma semaphore(%arg12 : memref<!tpu.dma_semaphore, #tpu.memory_space<semaphore_mem>>) src(%dma_wait3A_86 : memref<128x16xf32, #tpu.memory_space<vmem>>) dst(%dma_wait3A_92 : memref<102400x16xf32, #tpu.memory_space<vmem_shared>>)
    %dma_wait3A_93 = arith.constant 1 : i32
    %dma_wait3A_94 = arith.constant 1 : i32
    %dma_wait3A_95 = arith.constant 0 : i32
    %dma_wait3A_96 = arith.constant 0 : i32
    %dma_wait3A_97 = tpu.memref_slice %arg9[%rem3A_81, %dma_wait3A_93, %dma_wait3A_95, %dma_wait3A_96] : memref<2x4x128x16xf32, #tpu.memory_space<vmem>> -> memref<1x1x128x16xf32, #tpu.memory_space<vmem>>
    %dma_wait3A_98 = tpu.memref_squeeze %dma_wait3A_97 : memref<1x1x128x16xf32, #tpu.memory_space<vmem>> -> memref<128x16xf32, #tpu.memory_space<vmem>>
    %dma_wait3A_99 = arith.constant 0 : i32
    %dma_wait3A_100 = tpu.memref_slice %arg8[%rem3A_81, %dma_wait3A_94, %dma_wait3A_99] : memref<2x4x128xi32, #tpu.memory_space<vmem>> -> memref<1x1x128xi32, #tpu.memory_space<vmem>>
    %dma_wait3A_101 = tpu.memref_squeeze %dma_wait3A_100 : memref<1x1x128xi32, #tpu.memory_space<vmem>> -> memref<128xi32, #tpu.memory_space<vmem>>
    %dma_wait3A_102 = arith.constant 0 : i32
    %dma_wait3A_103 = arith.constant 0 : i32
    %dma_wait3A_104 = tpu.memref_slice %arg10[%dma_wait3A_102, %dma_wait3A_103] : memref<102400x16xf32, #tpu.memory_space<vmem_shared>> -> memref<102400x16xf32, #tpu.memory_space<vmem_shared>>
    tpu.wait_indirect_dma semaphore(%arg12 : memref<!tpu.dma_semaphore, #tpu.memory_space<semaphore_mem>>) src(%dma_wait3A_98 : memref<128x16xf32, #tpu.memory_space<vmem>>) dst(%dma_wait3A_104 : memref<102400x16xf32, #tpu.memory_space<vmem_shared>>)
    %dma_wait3A_105 = arith.constant 2 : i32
    %dma_wait3A_106 = arith.constant 2 : i32
    %dma_wait3A_107 = arith.constant 0 : i32
    %dma_wait3A_108 = arith.constant 0 : i32
    %dma_wait3A_109 = tpu.memref_slice %arg9[%rem3A_81, %dma_wait3A_105, %dma_wait3A_107, %dma_wait3A_108] : memref<2x4x128x16xf32, #tpu.memory_space<vmem>> -> memref<1x1x128x16xf32, #tpu.memory_space<vmem>>
    %dma_wait3A_110 = tpu.memref_squeeze %dma_wait3A_109 : memref<1x1x128x16xf32, #tpu.memory_space<vmem>> -> memref<128x16xf32, #tpu.memory_space<vmem>>
    %dma_wait3A_111 = arith.constant 0 : i32
    %dma_wait3A_112 = tpu.memref_slice %arg8[%rem3A_81, %dma_wait3A_106, %dma_wait3A_111] : memref<2x4x128xi32, #tpu.memory_space<vmem>> -> memref<1x1x128xi32, #tpu.memory_space<vmem>>
    %dma_wait3A_113 = tpu.memref_squeeze %dma_wait3A_112 : memref<1x1x128xi32, #tpu.memory_space<vmem>> -> memref<128xi32, #tpu.memory_space<vmem>>
    %dma_wait3A_114 = arith.constant 0 : i32
    %dma_wait3A_115 = arith.constant 0 : i32
    %dma_wait3A_116 = tpu.memref_slice %arg10[%dma_wait3A_114, %dma_wait3A_115] : memref<102400x16xf32, #tpu.memory_space<vmem_shared>> -> memref<102400x16xf32, #tpu.memory_space<vmem_shared>>
    tpu.wait_indirect_dma semaphore(%arg12 : memref<!tpu.dma_semaphore, #tpu.memory_space<semaphore_mem>>) src(%dma_wait3A_110 : memref<128x16xf32, #tpu.memory_space<vmem>>) dst(%dma_wait3A_116 : memref<102400x16xf32, #tpu.memory_space<vmem_shared>>)
    %dma_wait3A_117 = arith.constant 3 : i32
    %dma_wait3A_118 = arith.constant 3 : i32
    %dma_wait3A_119 = arith.constant 0 : i32
    %dma_wait3A_120 = arith.constant 0 : i32
    %dma_wait3A_121 = tpu.memref_slice %arg9[%rem3A_81, %dma_wait3A_117, %dma_wait3A_119, %dma_wait3A_120] : memref<2x4x128x16xf32, #tpu.memory_space<vmem>> -> memref<1x1x128x16xf32, #tpu.memory_space<vmem>>
    %dma_wait3A_122 = tpu.memref_squeeze %dma_wait3A_121 : memref<1x1x128x16xf32, #tpu.memory_space<vmem>> -> memref<128x16xf32, #tpu.memory_space<vmem>>
    %dma_wait3A_123 = arith.constant 0 : i32
    %dma_wait3A_124 = tpu.memref_slice %arg8[%rem3A_81, %dma_wait3A_118, %dma_wait3A_123] : memref<2x4x128xi32, #tpu.memory_space<vmem>> -> memref<1x1x128xi32, #tpu.memory_space<vmem>>
    %dma_wait3A_125 = tpu.memref_squeeze %dma_wait3A_124 : memref<1x1x128xi32, #tpu.memory_space<vmem>> -> memref<128xi32, #tpu.memory_space<vmem>>
    %dma_wait3A_126 = arith.constant 0 : i32
    %dma_wait3A_127 = arith.constant 0 : i32
    %dma_wait3A_128 = tpu.memref_slice %arg10[%dma_wait3A_126, %dma_wait3A_127] : memref<102400x16xf32, #tpu.memory_space<vmem_shared>> -> memref<102400x16xf32, #tpu.memory_space<vmem_shared>>
    tpu.wait_indirect_dma semaphore(%arg12 : memref<!tpu.dma_semaphore, #tpu.memory_space<semaphore_mem>>) src(%dma_wait3A_122 : memref<128x16xf32, #tpu.memory_space<vmem>>) dst(%dma_wait3A_128 : memref<102400x16xf32, #tpu.memory_space<vmem_shared>>)
    %barrier3A_129 = arith.constant 0 : index
    tpu.barrier barrier_id(%barrier3A_129)
    %mul3A_130 = arith.constant 6400 : i32
    %mul3A_131 = arith.muli %arg1, %mul3A_130 : i32
    %mul3A_132 = arith.constant 6400 : i32
    %mul3A_133 = arith.muli %arg1, %mul3A_132 : i32
    "tpu.region"() ({
      %run_scoped3A_134 = tpu.sem_alloc : memref<!tpu.dma_semaphore, #tpu.memory_space<semaphore_mem>>
      %dma_start3A_135 = arith.constant 0 : i32
      %dma_start3A_136 = tpu.memref_slice %arg6[%arg0, %mul3A_133, %dma_start3A_135] : memref<2x102400x16xf32, #tpu.memory_space<hbm>> -> memref<1x6400x16xf32, #tpu.memory_space<hbm>>
      %dma_start3A_137 = tpu.memref_squeeze %dma_start3A_136 : memref<1x6400x16xf32, #tpu.memory_space<hbm>> -> memref<6400x16xf32, #tpu.memory_space<hbm>>
      %dma_start3A_138 = arith.constant 0 : i32
      %dma_start3A_139 = tpu.memref_slice %arg10[%mul3A_131, %dma_start3A_138] : memref<102400x16xf32, #tpu.memory_space<vmem_shared>> -> memref<6400x16xf32, #tpu.memory_space<vmem_shared>>
      tpu.enqueue_dma source(%dma_start3A_139 : memref<6400x16xf32, #tpu.memory_space<vmem_shared>>) target(%dma_start3A_137 : memref<6400x16xf32, #tpu.memory_space<hbm>>) target_semaphore(%run_scoped3A_134 : memref<!tpu.dma_semaphore, #tpu.memory_space<semaphore_mem>>)
      %dma_wait3A_140 = arith.constant 0 : i32
      %dma_wait3A_141 = tpu.memref_slice %arg6[%arg0, %mul3A_133, %dma_wait3A_140] : memref<2x102400x16xf32, #tpu.memory_space<hbm>> -> memref<1x6400x16xf32, #tpu.memory_space<hbm>>
      %dma_wait3A_142 = tpu.memref_squeeze %dma_wait3A_141 : memref<1x6400x16xf32, #tpu.memory_space<hbm>> -> memref<6400x16xf32, #tpu.memory_space<hbm>>
      %dma_wait3A_143 = arith.constant 0 : i32
      %dma_wait3A_144 = tpu.memref_slice %arg10[%mul3A_131, %dma_wait3A_143] : memref<102400x16xf32, #tpu.memory_space<vmem_shared>> -> memref<6400x16xf32, #tpu.memory_space<vmem_shared>>
      tpu.wait_dma2 semaphore(%run_scoped3A_134 : memref<!tpu.dma_semaphore, #tpu.memory_space<semaphore_mem>>) src(%dma_wait3A_144 : memref<6400x16xf32, #tpu.memory_space<vmem_shared>>) dst(%dma_wait3A_142 : memref<6400x16xf32, #tpu.memory_space<hbm>>)
      tpu.yield
    }) : () -> ()
    return
  }
}

module attributes {stable_mosaic.version = 14 : i64} {
  func.func @_prescale_body(%arg0: i32, %arg1: memref<32x4096xf32, #tpu.memory_space<vmem>>, %arg2: memref<10x4096xf32, #tpu.memory_space<vmem>>, %arg3: memref<4096x16xf32, #tpu.memory_space<vmem>>, %arg4: memref<1x4096xf32, #tpu.memory_space<vmem>>) attributes {dimension_semantics = [#tpu.dimension_semantics<arbitrary>], iteration_bounds = array<i64: 25>, scalar_prefetch = 0 : i64, scratch_operands = 0 : i64, tpu.core_type = #tpu.core_type<tc>, window_params = [{transform_indices = @transform_0, window_bounds = array<i64: 32, 4096>}, {transform_indices = @transform_1, window_bounds = array<i64: 10, 4096>}, {transform_indices = @transform_2, window_bounds = array<i64: 4096, 16>}, {transform_indices = @transform_3, window_bounds = array<i64: 1, 4096>}]} {
    %get3A = arith.constant 0 : index
    %get3A_0 = arith.constant 0 : index
    %get3A_1 = vector.load %arg1[%get3A, %get3A_0] : memref<32x4096xf32, #tpu.memory_space<vmem>>, vector<32x4096xf32>
    %reduce_sum3A = arith.constant dense<0.000000e+00> : vector<4096xf32>
    %reduce_sum3A_2 = vector.multi_reduction <add>, %get3A_1, %reduce_sum3A [0] : vector<32x4096xf32> to vector<4096xf32>
    %broadcast_in_dim3A = vector.shape_cast %reduce_sum3A_2 : vector<4096xf32> to vector<1x4096xf32>
    %add3A = arith.constant 1.000000e+00 : f32
    %add3A_3 = vector.broadcast %add3A : f32 to vector<1x4096xf32>
    %add3A_4 = arith.addf %broadcast_in_dim3A, %add3A_3 : vector<1x4096xf32>
    %rsqrt3A = math.rsqrt %add3A_4 : vector<1x4096xf32>
    %swap3A = arith.constant 0 : index
    %swap3A_5 = arith.constant 0 : index
    %swap3A_6 = vector.load %arg4[%swap3A, %swap3A_5] : memref<1x4096xf32, #tpu.memory_space<vmem>>, vector<1x4096xf32>
    tpu.vector_store %arg4[%swap3A, %swap3A_5], %rsqrt3A {strides = array<i32>} : memref<1x4096xf32, #tpu.memory_space<vmem>>, vector<1x4096xf32>,
    %transpose3A = tpu.transpose %rsqrt3A, [1, 0] : vector<1x4096xf32> -> vector<4096x1xf32>
    %get3A_7 = arith.constant 0 : index
    %get3A_8 = arith.constant 0 : index
    %get3A_9 = vector.load %arg2[%get3A_7, %get3A_8] : memref<10x4096xf32, #tpu.memory_space<vmem>>, vector<10x4096xf32>
    %transpose3A_10 = tpu.transpose %get3A_9, [1, 0] : vector<10x4096xf32> -> vector<4096x10xf32>
    %mul3A = vector.broadcast %transpose3A : vector<4096x1xf32> to vector<4096x10xf32>
    %mul3A_11 = arith.mulf %transpose3A_10, %mul3A : vector<4096x10xf32>
    %broadcast_in_dim3A_12 = arith.constant 0.000000e+00 : f32
    %broadcast_in_dim3A_13 = vector.broadcast %broadcast_in_dim3A_12 : f32 to vector<4096x6xf32>
    %concatenate3A = tpu.concatenate %mul3A_11, %broadcast_in_dim3A_13 in 1 : vector<4096x10xf32>, vector<4096x6xf32> -> vector<4096x16xf32>
    %swap3A_14 = arith.constant 0 : index
    %swap3A_15 = arith.constant 0 : index
    %swap3A_16 = vector.load %arg3[%swap3A_14, %swap3A_15] : memref<4096x16xf32, #tpu.memory_space<vmem>>, vector<4096x16xf32>
    tpu.vector_store %arg3[%swap3A_14, %swap3A_15], %concatenate3A {strides = array<i32>} : memref<4096x16xf32, #tpu.memory_space<vmem>>, vector<4096x16xf32>,
    return
  }
  func.func @transform_0(%arg0: i32) -> (i32, i32) {
    %c0_i32 = arith.constant 0 : i32
    %c0_i32_0 = arith.constant 0 : i32
    return %c0_i32, %arg0 : i32, i32
  }
  func.func @transform_1(%arg0: i32) -> (i32, i32) {
    %c0_i32 = arith.constant 0 : i32
    %c0_i32_0 = arith.constant 0 : i32
    return %c0_i32, %arg0 : i32, i32
  }
  func.func @transform_2(%arg0: i32) -> (i32, i32) {
    %c0_i32 = arith.constant 0 : i32
    %c0_i32_0 = arith.constant 0 : i32
    return %arg0, %c0_i32 : i32, i32
  }
  func.func @transform_3(%arg0: i32) -> (i32, i32) {
    %c0_i32 = arith.constant 0 : i32
    %c0_i32_0 = arith.constant 0 : i32
    return %c0_i32, %arg0 : i32, i32
  }
}

module attributes {stable_mosaic.version = 14 : i64} {
  func.func @_mid_body(%arg0: i32, %arg1: memref<2x512x128xf32, #tpu.memory_space<vmem>>, %arg2: memref<512x128xf32, #tpu.memory_space<vmem>>, %arg3: memref<512x128xf32, #tpu.memory_space<vmem>>, %arg4: memref<512x128xf32, #tpu.memory_space<vmem>>, %arg5: memref<512x128xf32, #tpu.memory_space<vmem>>, %arg6: memref<128x256xf32, #tpu.memory_space<vmem>>, %arg7: memref<1x256xf32, #tpu.memory_space<vmem>>, %arg8: memref<256x128xf32, #tpu.memory_space<vmem>>, %arg9: memref<512x128xf32, #tpu.memory_space<vmem>>) attributes {dimension_semantics = [#tpu.dimension_semantics<arbitrary>], iteration_bounds = array<i64: 25>, scalar_prefetch = 0 : i64, scratch_operands = 0 : i64, tpu.core_type = #tpu.core_type<tc>, window_params = [{transform_indices = @transform_0, window_bounds = array<i64: 2, 512, 128>}, {transform_indices = @transform_1, window_bounds = array<i64: 512, 128>}, {transform_indices = @transform_2, window_bounds = array<i64: 512, 128>}, {transform_indices = @transform_3, window_bounds = array<i64: 512, 128>}, {transform_indices = @transform_4, window_bounds = array<i64: 512, 128>}, {pipeline_mode = #tpu.pipeline_mode<synchronous>, transform_indices = @transform_5, window_bounds = array<i64: 128, 256>}, {pipeline_mode = #tpu.pipeline_mode<synchronous>, transform_indices = @transform_6, window_bounds = array<i64: 1, 256>}, {pipeline_mode = #tpu.pipeline_mode<synchronous>, transform_indices = @transform_7, window_bounds = array<i64: 256, 128>}, {transform_indices = @transform_8, window_bounds = array<i64: 512, 128>}]} {
    %get3A = arith.constant 0 : index
    %get3A_0 = arith.constant 0 : index
    %get3A_1 = arith.constant 0 : index
    %get3A_2 = vector.load %arg1[%get3A, %get3A_0, %get3A_1] : memref<2x512x128xf32, #tpu.memory_space<vmem>>, vector<1x512x128xf32>
    %get3A_3 = vector.shape_cast %get3A_2 : vector<1x512x128xf32> to vector<512x128xf32>
    %get3A_4 = arith.constant 1 : index
    %get3A_5 = arith.constant 0 : index
    %get3A_6 = arith.constant 0 : index
    %get3A_7 = vector.load %arg1[%get3A_4, %get3A_5, %get3A_6] : memref<2x512x128xf32, #tpu.memory_space<vmem>>, vector<1x512x128xf32>
    %get3A_8 = vector.shape_cast %get3A_7 : vector<1x512x128xf32> to vector<512x128xf32>
    %add3A = arith.addf %get3A_3, %get3A_8 : vector<512x128xf32>
    %get3A_9 = arith.constant 0 : index
    %get3A_10 = arith.constant 0 : index
    %get3A_11 = vector.load %arg2[%get3A_9, %get3A_10] : memref<512x128xf32, #tpu.memory_space<vmem>>, vector<512x128xf32>
    %add3A_12 = arith.addf %add3A, %get3A_11 : vector<512x128xf32>
    %get3A_13 = arith.constant 0 : index
    %get3A_14 = arith.constant 0 : index
    %get3A_15 = vector.load %arg6[%get3A_13, %get3A_14] : memref<128x256xf32, #tpu.memory_space<vmem>>, vector<128x256xf32>
    %dot_general3A = arith.constant dense<0.000000e+00> : vector<512x256xf32>
    %dot_general3A_16 = tpu.matmul %add3A_12, %get3A_15, %dot_general3A {dimension_numbers = #tpu.dot_dimension_numbers<[1], [0], [0], [1], [0, 0, 1, 1], [], []>, transpose_lhs_hint = false} : vector<512x128xf32>, vector<128x256xf32>, vector<512x256xf32> -> vector<512x256xf32>
    %get3A_17 = arith.constant 0 : index
    %get3A_18 = arith.constant 0 : index
    %get3A_19 = vector.load %arg7[%get3A_17, %get3A_18] : memref<1x256xf32, #tpu.memory_space<vmem>>, vector<1x256xf32>
    %slice3A = vector.extract_strided_slice %dot_general3A_16 {offsets = [0, 0], sizes = [512, 128], strides = [1, 1]} : vector<512x256xf32> to vector<512x128xf32>
    %get3A_20 = arith.constant 0 : index
    %get3A_21 = arith.constant 0 : index
    %get3A_22 = vector.load %arg3[%get3A_20, %get3A_21] : memref<512x128xf32, #tpu.memory_space<vmem>>, vector<512x128xf32>
    %mul3A = arith.mulf %slice3A, %get3A_22 : vector<512x128xf32>
    %slice3A_23 = vector.extract_strided_slice %get3A_19 {offsets = [0, 0], sizes = [1, 128], strides = [1, 1]} : vector<1x256xf32> to vector<1x128xf32>
    %add3A_24 = vector.broadcast %slice3A_23 : vector<1x128xf32> to vector<512x128xf32>
    %add3A_25 = arith.addf %mul3A, %add3A_24 : vector<512x128xf32>
    %max3A = arith.constant 0.000000e+00 : f32
    %max3A_26 = vector.broadcast %max3A : f32 to vector<512x128xf32>
    %max3A_27 = arith.maximumf %add3A_25, %max3A_26 : vector<512x128xf32>
    %slice3A_28 = vector.extract_strided_slice %dot_general3A_16 {offsets = [0, 128], sizes = [512, 128], strides = [1, 1]} : vector<512x256xf32> to vector<512x128xf32>
    %get3A_29 = arith.constant 0 : index
    %get3A_30 = arith.constant 0 : index
    %get3A_31 = vector.load %arg4[%get3A_29, %get3A_30] : memref<512x128xf32, #tpu.memory_space<vmem>>, vector<512x128xf32>
    %mul3A_32 = arith.mulf %slice3A_28, %get3A_31 : vector<512x128xf32>
    %slice3A_33 = vector.extract_strided_slice %get3A_19 {offsets = [0, 128], sizes = [1, 128], strides = [1, 1]} : vector<1x256xf32> to vector<1x128xf32>
    %add3A_34 = vector.broadcast %slice3A_33 : vector<1x128xf32> to vector<512x128xf32>
    %add3A_35 = arith.addf %mul3A_32, %add3A_34 : vector<512x128xf32>
    %max3A_36 = arith.constant 0.000000e+00 : f32
    %max3A_37 = vector.broadcast %max3A_36 : f32 to vector<512x128xf32>
    %max3A_38 = arith.maximumf %add3A_35, %max3A_37 : vector<512x128xf32>
    %concatenate3A = tpu.concatenate %max3A_27, %max3A_38 in 1 : vector<512x128xf32>, vector<512x128xf32> -> vector<512x256xf32>
    %get3A_39 = arith.constant 0 : index
    %get3A_40 = arith.constant 0 : index
    %get3A_41 = vector.load %arg8[%get3A_39, %get3A_40] : memref<256x128xf32, #tpu.memory_space<vmem>>, vector<256x128xf32>
    %dot_general3A_42 = arith.constant dense<0.000000e+00> : vector<512x128xf32>
    %dot_general3A_43 = tpu.matmul %concatenate3A, %get3A_41, %dot_general3A_42 {dimension_numbers = #tpu.dot_dimension_numbers<[1], [0], [0], [1], [0, 0, 1, 1], [], []>, transpose_lhs_hint = false} : vector<512x256xf32>, vector<256x128xf32>, vector<512x128xf32> -> vector<512x128xf32>
    %get3A_44 = arith.constant 0 : index
    %get3A_45 = arith.constant 0 : index
    %get3A_46 = vector.load %arg5[%get3A_44, %get3A_45] : memref<512x128xf32, #tpu.memory_space<vmem>>, vector<512x128xf32>
    %mul3A_47 = arith.mulf %dot_general3A_43, %get3A_46 : vector<512x128xf32>
    %swap3A = arith.constant 0 : index
    %swap3A_48 = arith.constant 0 : index
    %swap3A_49 = vector.load %arg9[%swap3A, %swap3A_48] : memref<512x128xf32, #tpu.memory_space<vmem>>, vector<512x128xf32>
    tpu.vector_store %arg9[%swap3A, %swap3A_48], %mul3A_47 {strides = array<i32>} : memref<512x128xf32, #tpu.memory_space<vmem>>, vector<512x128xf32>,
    return
  }
  func.func @transform_0(%arg0: i32) -> (i32, i32, i32) {
    %c0_i32 = arith.constant 0 : i32
    %c0_i32_0 = arith.constant 0 : i32
    %c0_i32_1 = arith.constant 0 : i32
    return %c0_i32, %arg0, %c0_i32_0 : i32, i32, i32
  }
  func.func @transform_1(%arg0: i32) -> (i32, i32) {
    %c0_i32 = arith.constant 0 : i32
    %c0_i32_0 = arith.constant 0 : i32
    return %arg0, %c0_i32 : i32, i32
  }
  func.func @transform_2(%arg0: i32) -> (i32, i32) {
    %c0_i32 = arith.constant 0 : i32
    %c0_i32_0 = arith.constant 0 : i32
    return %arg0, %c0_i32 : i32, i32
  }
  func.func @transform_3(%arg0: i32) -> (i32, i32) {
    %c0_i32 = arith.constant 0 : i32
    %c0_i32_0 = arith.constant 0 : i32
    return %arg0, %c0_i32 : i32, i32
  }
  func.func @transform_4(%arg0: i32) -> (i32, i32) {
    %c0_i32 = arith.constant 0 : i32
    %c0_i32_0 = arith.constant 0 : i32
    return %arg0, %c0_i32 : i32, i32
  }
  func.func @transform_5(%arg0: i32) -> (i32, i32) {
    %c0_i32 = arith.constant 0 : i32
    %c0_i32_0 = arith.constant 0 : i32
    %c0_i32_1 = arith.constant 0 : i32
    return %c0_i32, %c0_i32_0 : i32, i32
  }
  func.func @transform_6(%arg0: i32) -> (i32, i32) {
    %c0_i32 = arith.constant 0 : i32
    %c0_i32_0 = arith.constant 0 : i32
    %c0_i32_1 = arith.constant 0 : i32
    return %c0_i32, %c0_i32_0 : i32, i32
  }
  func.func @transform_7(%arg0: i32) -> (i32, i32) {
    %c0_i32 = arith.constant 0 : i32
    %c0_i32_0 = arith.constant 0 : i32
    %c0_i32_1 = arith.constant 0 : i32
    return %c0_i32, %c0_i32_0 : i32, i32
  }
  func.func @transform_8(%arg0: i32) -> (i32, i32) {
    %c0_i32 = arith.constant 0 : i32
    %c0_i32_0 = arith.constant 0 : i32
    return %arg0, %c0_i32 : i32, i32
  }
}

module attributes {stable_mosaic.version = 14 : i64} {
  func.func @_final_body(%arg0: i32, %arg1: memref<2x512x128xf32, #tpu.memory_space<vmem>>, %arg2: memref<512x128xf32, #tpu.memory_space<vmem>>, %arg3: memref<512x128xf32, #tpu.memory_space<vmem>>, %arg4: memref<1x128xf32, #tpu.memory_space<vmem>>, %arg5: memref<512x128xf32, #tpu.memory_space<vmem>>) attributes {dimension_semantics = [#tpu.dimension_semantics<arbitrary>], iteration_bounds = array<i64: 25>, scalar_prefetch = 0 : i64, scratch_operands = 0 : i64, tpu.core_type = #tpu.core_type<tc>, window_params = [{transform_indices = @transform_0, window_bounds = array<i64: 2, 512, 128>}, {transform_indices = @transform_1, window_bounds = array<i64: 512, 128>}, {transform_indices = @transform_2, window_bounds = array<i64: 512, 128>}, {pipeline_mode = #tpu.pipeline_mode<synchronous>, transform_indices = @transform_3, window_bounds = array<i64: 1, 128>}, {transform_indices = @transform_4, window_bounds = array<i64: 512, 128>}]} {
    %get3A = arith.constant 0 : index
    %get3A_0 = arith.constant 0 : index
    %get3A_1 = arith.constant 0 : index
    %get3A_2 = vector.load %arg1[%get3A, %get3A_0, %get3A_1] : memref<2x512x128xf32, #tpu.memory_space<vmem>>, vector<1x512x128xf32>
    %get3A_3 = vector.shape_cast %get3A_2 : vector<1x512x128xf32> to vector<512x128xf32>
    %get3A_4 = arith.constant 1 : index
    %get3A_5 = arith.constant 0 : index
    %get3A_6 = arith.constant 0 : index
    %get3A_7 = vector.load %arg1[%get3A_4, %get3A_5, %get3A_6] : memref<2x512x128xf32, #tpu.memory_space<vmem>>, vector<1x512x128xf32>
    %get3A_8 = vector.shape_cast %get3A_7 : vector<1x512x128xf32> to vector<512x128xf32>
    %add3A = arith.addf %get3A_3, %get3A_8 : vector<512x128xf32>
    %get3A_9 = arith.constant 0 : index
    %get3A_10 = arith.constant 0 : index
    %get3A_11 = vector.load %arg2[%get3A_9, %get3A_10] : memref<512x128xf32, #tpu.memory_space<vmem>>, vector<512x128xf32>
    %add3A_12 = arith.addf %add3A, %get3A_11 : vector<512x128xf32>
    %get3A_13 = arith.constant 0 : index
    %get3A_14 = arith.constant 0 : index
    %get3A_15 = vector.load %arg3[%get3A_13, %get3A_14] : memref<512x128xf32, #tpu.memory_space<vmem>>, vector<512x128xf32>
    %mul3A = arith.mulf %add3A_12, %get3A_15 : vector<512x128xf32>
    %get3A_16 = arith.constant 0 : index
    %get3A_17 = arith.constant 0 : index
    %get3A_18 = vector.load %arg4[%get3A_16, %get3A_17] : memref<1x128xf32, #tpu.memory_space<vmem>>, vector<1x128xf32>
    %add3A_19 = vector.broadcast %get3A_18 : vector<1x128xf32> to vector<512x128xf32>
    %add3A_20 = arith.addf %mul3A, %add3A_19 : vector<512x128xf32>
    %swap3A = arith.constant 0 : index
    %swap3A_21 = arith.constant 0 : index
    %swap3A_22 = vector.load %arg5[%swap3A, %swap3A_21] : memref<512x128xf32, #tpu.memory_space<vmem>>, vector<512x128xf32>
    tpu.vector_store %arg5[%swap3A, %swap3A_21], %add3A_20 {strides = array<i32>} : memref<512x128xf32, #tpu.memory_space<vmem>>, vector<512x128xf32>,
    return
  }
  func.func @transform_0(%arg0: i32) -> (i32, i32, i32) {
    %c0_i32 = arith.constant 0 : i32
    %c0_i32_0 = arith.constant 0 : i32
    %c0_i32_1 = arith.constant 0 : i32
    return %c0_i32, %arg0, %c0_i32_0 : i32, i32, i32
  }
  func.func @transform_1(%arg0: i32) -> (i32, i32) {
    %c0_i32 = arith.constant 0 : i32
    %c0_i32_0 = arith.constant 0 : i32
    return %arg0, %c0_i32 : i32, i32
  }
  func.func @transform_2(%arg0: i32) -> (i32, i32) {
    %c0_i32 = arith.constant 0 : i32
    %c0_i32_0 = arith.constant 0 : i32
    return %arg0, %c0_i32 : i32, i32
  }
  func.func @transform_3(%arg0: i32) -> (i32, i32) {
    %c0_i32 = arith.constant 0 : i32
    %c0_i32_0 = arith.constant 0 : i32
    %c0_i32_1 = arith.constant 0 : i32
    return %c0_i32, %c0_i32_0 : i32, i32
  }
  func.func @transform_4(%arg0: i32) -> (i32, i32) {
    %c0_i32 = arith.constant 0 : i32
    %c0_i32_0 = arith.constant 0 : i32
    return %arg0, %c0_i32 : i32, i32
  }
}

module attributes {stable_mosaic.version = 14 : i64} {
  func.func @_outt_body(%arg0: i32, %arg1: memref<4096x16xf32, #tpu.memory_space<vmem>>, %arg2: memref<10x4096xf32, #tpu.memory_space<vmem>>) attributes {dimension_semantics = [#tpu.dimension_semantics<arbitrary>], iteration_bounds = array<i64: 25>, scalar_prefetch = 0 : i64, scratch_operands = 0 : i64, tpu.core_type = #tpu.core_type<tc>, window_params = [{transform_indices = @transform_0, window_bounds = array<i64: 4096, 16>}, {transform_indices = @transform_1, window_bounds = array<i64: 10, 4096>}]} {
    %get3A = arith.constant 0 : index
    %get3A_0 = arith.constant 0 : index
    %get3A_1 = vector.load %arg1[%get3A, %get3A_0] : memref<4096x16xf32, #tpu.memory_space<vmem>>, vector<4096x16xf32>
    %slice3A = vector.extract_strided_slice %get3A_1 {offsets = [0, 0], sizes = [4096, 10], strides = [1, 1]} : vector<4096x16xf32> to vector<4096x10xf32>
    %transpose3A = tpu.transpose %slice3A, [1, 0] : vector<4096x10xf32> -> vector<10x4096xf32>
    %swap3A = arith.constant 0 : index
    %swap3A_2 = arith.constant 0 : index
    %swap3A_3 = vector.load %arg2[%swap3A, %swap3A_2] : memref<10x4096xf32, #tpu.memory_space<vmem>>, vector<10x4096xf32>
    tpu.vector_store %arg2[%swap3A, %swap3A_2], %transpose3A {strides = array<i32>} : memref<10x4096xf32, #tpu.memory_space<vmem>>, vector<10x4096xf32>,
    return
  }
  func.func @transform_0(%arg0: i32) -> (i32, i32) {
    %c0_i32 = arith.constant 0 : i32
    %c0_i32_0 = arith.constant 0 : i32
    return %arg0, %c0_i32 : i32, i32
  }
  func.func @transform_1(%arg0: i32) -> (i32, i32) {
    %c0_i32 = arith.constant 0 : i32
    %c0_i32_0 = arith.constant 0 : i32
    return %c0_i32, %arg0 : i32, i32
  }
}

</mosaic_0001>

<sc_bundles>
// kernel: kernel.10.cloned.1.call-start
scs
__scs_entry_jumppad:
0x0: {  	(pc) =	sbr.rel $0x88, $3  }
0x1: {  	(tag) =	ssettag $0x0;
	lr =	simm.s32 $0x1  }
0x2: {  	[smem:$0x3F9B] =	sst lr;
	_ =	strace $0xD0000000  }
0x3: {  	_ = 	snop  }
0x4: {  	_ = 	snop  }
0x5: {  	_ = 	snop  }
0x6: {  	_ = 	snop  }
0x7: {  	_ = 	snop  }
__scs_overlays_trampoline_lowered:
0x8: {  	[smem:$0x3FAA] =	sst s0  }
0x9: {  	[smem:$0x3FAB] =	sst s1  }
0xa: {  	[smem:$0x3FAC] =	sst s2  }
0xb: {  	[smem:$0x3FAD] =	sst s3  }
0xc: {  	[smem:$0x3FAE] =	sst s4  }
0xd: {  	[smem:$0x3FAF] =	sst s5  }
0xe: {  	[smem:$0x3FB0] =	sst s6  }
0xf: {  	[smem:$0x3FB1] =	sst s7  }
0x10: {  	[smem:$0x3FB2] =	sst s8  }
0x11: {  	[smem:$0x3FB3] =	sst s9;
	s0 =	simm.s32 @!p0 $0x0  }
0x12: {  	s1 =	sld [smem:$0x3F99];
	s0 =	simm.s32 @p0 $0x1  }
0x13: {  	[smem:$0x3FB4] =	sst s0;
	s0 =	simm.s32 @!p1 $0x0  }
0x14: {  	s2 =	sld [smem:$0x3F98];
	s0 =	simm.s32 @p1 $0x1  }
0x15: {  	[smem:$0x3FB5] =	sst s0;
	s0 =	simm.s32 @!p2 $0x0  }
0x16: {  	s3 =	sld [smem:$0x3FDB];
	s0 =	simm.s32 @p2 $0x1  }
0x17: {  	s4 =	simm.s32 $0x1BF5;
	[smem:$0x3FB7] =	sst s0  }
0x18: {  	s0 =	sld [smem:$0x3F9A];
	_ =	swait.ge [sflag:s4], $0x0  }
0x19: {  	s7 =	sld [smem:$0x3F9B]  }
0x1a: {  	s8 =	sadd.s32 $0xFFFFE003, lr  }
0x1b: {  	s9 =	sadd.s32 $0xFFFFFEF7, lr;
	s5 =	simm.s32 $0xFFFFFFFF;
	p2 =	slt.u32 s8, $0xFFFFF086  }
0x1c: {  	p1 =	slt.u32 s9, $0xF7A;
	s5 =	simm.s32 @!p2 $0x0  }
0x1d: {  	s5 =	simm.s32 @p1 $0x1;
	p0 =	seq.s32 s7, s2  }
0x1e: {  	s7 =	smul.u32 @!p0 $0xF7A, s2;
	p2 =	seq.s32 @!p0 s5, $0x0  }
0x1f: {  	s9 =	smul.u32 $0xF7A, s1;
	s8 =	simm.s32 @!p0 $0x1BF5;
	p2 =	por !p2, p0  }
0x20: {  	[sflag:s8] =	ssyncset.s32 @!p0 $0xFFFFF086;
	s6 =	sadd.s32 @!p0 s3, s7;
	s7 =	simm.s32 @!p0 $0x108  }
0x21: {  	s3 =	sadd.s32 s3, s9;
	s6 =	sadd.s32 @!p0 $0x88, s6;
	s7 =	simm.s32 @p2 $0x1082  }
0x22: {  	[simem:s7], [sflag:s8] =	dma.local @!p0 [hbm:s6], $0xF7A  }
0x23: {  	s9 =	sor.u32 $0xD0000000, s2;
	s6 =	simm.s32 $0x108;
	_ =	swait.ge @!p0 [sflag:s8], $0x0  }
0x24: {  	s3 =	sadd.s32 $0x88, s3;
	s6 =	simm.s32 @!p1 $0x1082;
	[sflag:s4] =	ssyncset.s32 $0xFFFFF086  }
0x25: {  	[simem:s6], [sflag:s4] =	dma.local [hbm:s3], $0xF7A  }
0x26: {  	[smem:$0x3F9B] =	sst s1;
	(tag) =	ssettag s2;
	_ =	strace s9  }
0x27: {  	s1 =	sld [smem:$0x3FAB]  }
0x28: {  	s2 =	sld [smem:$0x3FAC]  }
0x29: {  	s4 =	sld [smem:$0x3FAE]  }
0x2a: {  	p0 =	seq.s32 s5, $0x0;
	s5 =	sld [smem:$0x3FAF]  }
0x2b: {  	s6 =	sld [smem:$0x3FB0]  }
0x2c: {  	s7 =	sld [smem:$0x3FB1]  }
0x2d: {  	s3 =	simm.s32 $0x108;
	s8 =	sld [smem:$0x3FB2]  }
0x2e: {  	s3 =	simm.s32 @!p0 $0x1082;
	s9 =	sld [smem:$0x3FB3]  }
0x2f: {  	lr =	sadd.s32 s0, s3;
	s0 =	sld [smem:$0x3FAA]  }
0x30: {  	s3 =	sld [smem:$0x3FAD]  }
0x31: {  	[smem:$0x3FB6] =	sst s10  }
0x32: {  	s10 =	sld [smem:$0x3FB4];
	_ =	sdelay $0x3  }
0x33: {  	p0 =	seq.s32 s10, $0x1;
	s10 =	sld [smem:$0x3FB6];
	_ =	sdelay $0x3  }
0x34: {  	[smem:$0x3FB6] =	sst s10  }
0x35: {  	s10 =	sld [smem:$0x3FB5];
	_ =	sdelay $0x3  }
0x36: {  	p1 =	seq.s32 s10, $0x1;
	s10 =	sld [smem:$0x3FB6];
	_ =	sdelay $0x3  }
0x37: {  	[smem:$0x3FB6] =	sst s10  }
0x38: {  	s10 =	sld [smem:$0x3FB7]  }
0x39: {  	_ = 	snop;
	(pc) =	sbr.ind lr, $3  }
0x3a: {  	_ = 	snop  }
0x3b: {  	_ = 	snop  }
0x3c: {  	p2 =	seq.s32 s10, $0x1;
	s10 =	sld [smem:$0x3FB6]  }
0x3d: {  	_ =	shalt  }
0x3e: {  	_ =	shalt  }
0x3f: {  	_ =	shalt  }
0x40: {  	_ =	shalt  }
0x41: {  	_ =	shalt  }
0x42: {  	_ =	shalt  }
0x43: {  	_ =	shalt  }
0x44: {  	_ =	shalt  }
0x45: {  	_ =	shalt  }
0x46: {  	_ =	shalt  }
0x47: {  	_ =	shalt  }
0x48: {  	_ =	shalt  }
0x49: {  	_ =	shalt  }
0x4a: {  	_ =	shalt  }
0x4b: {  	_ =	shalt  }
0x4c: {  	_ =	shalt  }
0x4d: {  	_ =	shalt  }
0x4e: {  	_ =	shalt  }
0x4f: {  	_ =	shalt  }
0x50: {  	_ =	shalt  }
0x51: {  	_ =	shalt  }
0x52: {  	_ =	shalt  }
0x53: {  	_ =	shalt  }
0x54: {  	_ =	shalt  }
0x55: {  	_ =	shalt  }
0x56: {  	_ =	shalt  }
0x57: {  	_ =	shalt  }
0x58: {  	_ =	shalt  }
0x59: {  	_ =	shalt  }
0x5a: {  	_ =	shalt  }
0x5b: {  	_ =	shalt  }
0x5c: {  	_ =	shalt  }
0x5d: {  	_ =	shalt  }
0x5e: {  	_ =	shalt  }
0x5f: {  	_ =	shalt  }
0x60: {  	_ =	shalt  }
0x61: {  	_ =	shalt  }
0x62: {  	_ =	shalt  }
0x63: {  	_ =	shalt  }
0x64: {  	_ =	shalt  }
0x65: {  	_ =	shalt  }
0x66: {  	_ =	shalt  }
0x67: {  	_ =	shalt  }
0x68: {  	_ =	shalt  }
0x69: {  	_ =	shalt  }
0x6a: {  	_ =	shalt  }
0x6b: {  	_ =	shalt  }
0x6c: {  	_ =	shalt  }
0x6d: {  	_ =	shalt  }
0x6e: {  	_ =	shalt  }
0x6f: {  	_ =	shalt  }
0x70: {  	_ =	shalt  }
0x71: {  	_ =	shalt  }
0x72: {  	_ =	shalt  }
0x73: {  	_ =	shalt  }
0x74: {  	_ =	shalt  }
0x75: {  	_ =	shalt  }
0x76: {  	_ =	shalt  }
0x77: {  	_ =	shalt  }
0x78: {  	_ =	shalt  }
0x79: {  	_ =	shalt  }
0x7a: {  	_ =	shalt  }
0x7b: {  	_ =	shalt  }
0x7c: {  	_ =	shalt  }
0x7d: {  	_ =	shalt  }
0x7e: {  	_ =	shalt  }
0x7f: {  	_ =	shalt  }
0x80: {  	_ =	shalt  }
0x81: {  	_ =	shalt  }
0x82: {  	_ =	shalt  }
0x83: {  	_ =	shalt  }
0x84: {  	_ =	shalt  }
0x85: {  	_ =	shalt  }
0x86: {  	_ =	shalt  }
0x87: {  	_ =	shalt  }
.Lfunc_end0:
.L_simem_size_0:
called_computation_lowered:
.L_overlay_start_0:
0x88: {  	s2 =	sld [smem:$0x3FD9]  }
0x89: {  	s3 =	sld [smem:$0x3FFE];
	_ =	sdelay $0x1  }
0x8a: {  	s1 =	srdreg.scid  }
0x8b: {  	s0 =	sand.u32 $0x1, s1  }
0x8c: {  	s17 =	sshll.u32 s0, $0xA;
	s2 =	sadd.s32 s3, s2  }
0x8d: {  	s2 =	sadd.s32 s2, s17  }
0x8e: {  	[smem:$0x3FC2] =	sst s2  }
0x8f: {  	_ = 	snop  }
0x90: {  	s2 =	sld [smem:$0x3FD0];
	(tm) =	ssettm $0x1  }
0x91: {  	s18 =	sld [smem:$0x3FFB];
	_ =	sdelay $0x3  }
0x92: {  	_ =	strace s18  }
0x93: {  	s3 =	sld [smem:$0x3FFC];
	_ =	sdelay $0x3  }
0x94: {  	_ =	strace s3  }
0x95: {  	s3 =	sld [smem:$0x3FFD];
	_ =	sdelay $0x3  }
0x96: {  	_ =	strace s3  }
0x97: {  	_ =	strace $0x8FFFFFFF  }
0x98: {  	s19 =	sld [smem:$0x3FDB];
	_ =	sdelay $0x1  }
0x99: {  	s4 =	simm.s32 $_scs_section_size  }
0x9a: {  	s5 =	simm.s32 $_size__tile_overlayer_lowered;
	s6 =	simm.s32 $_tile_overlayer_lowered  }
0x9b: {  	s22 =	simm.s32 $0x1BFF;
	s21 =	sshll.u32 s6, $0x1;
	s3 =	sadd.s32 s4, s19  }
0x9c: {  	s7 =	simm.s32 $0x0;
	s20 =	sshll.u32 s5, $0x1;
	s5 =	sadd.s32 s21, s3  }
0x9d: {  	[timem:s7], [sflag:s22] =	dma.local [hbm:s5], s20  }
0x9e: {  	_ =	swait.ge [sflag:s22], s20  }
0x9f: {  	s4 =	ssub.s32 $0x0, s20;
	[sflag:s22] =	ssyncset.done $0x0  }
0xa0: {  	[sflag:s22] =	ssyncadd.s32 s4;
	_ =	sdelay $0x1  }
0xa1: {  	s23 =	simm.s32 $0x1B8B  }
0xa2: {  	_ =	swait.ge [sflag:s23], $0x1  }
0xa3: {  	[sflag:s23] =	ssyncset.done $0x0  }
0xa4: {  	s25 =	simm.s32 $0x1B8E;
	s24 =	sld [smem:$0x3FFE];
	[sflag:s23] =	ssyncadd.s32 $0xFFFFFFFF  }
0xa5: {  	s26 =	simm.s32 $execute0_lowered;
	[smem:$0x3FD2] =	sst s25  }
0xa6: {  	s5 =	sshll.u32 s26, $0x1;
	_ =	strace $0x80000046;
	[dreg:$0x1] =	wrdreg $0xFFFFFFFF  }
0xa7: {  	s28 =	simm.s32 $_size_execute0_lowered;
	s3 =	sadd.s32 s3, s5;
	[dreg:$0x0] =	wrdreg $0x0  }
0xa8: {  	s5 =	sshll.u32 s28, $0x1;
	[dreg:$0x2] =	wrdreg s3  }
0xa9: {  	[dreg:$0x3] =	wrdreg s5  }
0xaa: {  	[dreg:$0x4] =	wrdreg $0xC0  }
0xab: {  	_ =	task [dreg:s7], $0x5FFFF  }
0xac: {  	[dreg:$0x1] =	wrdreg $0xFFFFFFFF  }
0xad: {  	[dreg:$0x0] =	wrdreg $0x60  }
0xae: {  	[dreg:$0x2] =	wrdreg s24  }
0xaf: {  	[dreg:$0x3] =	wrdreg s2  }
0xb0: {  	[dreg:$0x4] =	wrdreg $0x9  }
0xb1: {  	_ =	task.clear_ibuf [dreg:s7], $0x5FFFF;
	_ =	strace $0x90000046  }
0xb2: {  	s29 =	simm.s32 $0x9;
	_ =	strace $0x80000048  }
0xb3: {  	_ =	swait.ge [sflag:s29], $0x1  }
0xb4: {  	[sflag:s29] =	ssyncadd.s32 $0xFFFFFFFF  }
0xb5: {  	_ =	strace $0x90000048  }
0xb6: {  	_ =	sfence  }
0xb7: {  	s30 =	sld [smem:$0x0];
	_ =	sdelay $0x2  }
0xb8: {  	s31 =	sshll.u32 s1, $0xD;
	s1 =	sshrl.u32 s1, $0x2  }
0xb9: {  	s3 =	sand.u32 $0x4000, s31;
	s1 =	sadd.s32 s1, s30  }
0xba: {  	s0 =	sor.u32 s3, s0;
	s1 =	sshll.u32 s1, $0x11  }
0xbb: {  	s0 =	sor.u32 s1, s0  }
0xbc: {  	s0 =	sadd.s32 $0x8F2B, s0  }
0xbd: {  	[sflag:s0] =	ssyncadd.remote.s32 $0x1  }
0xbe: {  	_ =	sfence.sel $0xFFFF  }
0xbf: {  	[dreg:$0x0] =	wrdreg $0xFFFFFFFF;
	(pc) =	sbr.abs _section_cstart, $3  }
0xc0: {  	[dreg:$0x1] =	wrdreg $0xFFFFFFFF  }
0xc1: {  	_ =	task.clear_ibuf [dreg:s7], $0x2FFFF;
	_ =	strace $0x9FFFFFFF  }
0xc2: {  	(tm) =	ssettm $0x7FFFFFFF  }
0xc3: {  	_ =	shalt  }
tec
execute0_lowered:
.L_overlay_start_1:
0x0: {  	(tag) =	ssettag $0x1  }
0x1: {  	s0 =	srdreg.scid;
	s5 =	rddreg [dreg:$0x0]  }
0x2: {  	s2 =	rddreg [dreg:$0x1];
	s1 =	stileid.u32;
	s4 =	sand.u32 $0x1, s0  }
0x3: {  	s3 =	simm.s32 $0x0;
	s10 =	simm.s32 $0x0;
	s6 =	sshll.u32 s4, $0x4  }
0x4: {  	s0 =	rddreg [dreg:$0x2];
	s8 =	ssub.s32 $0x2, s4;
	s6 =	sor.u32 s1, s6  }
0x5: {  	[smem:$0x7FF] =	sst s3;
	s9 =	sshrl.u32 s8, $0x1;
	s7 =	smul.u32 $0x3200, s6  }
0x6: {  	_ =	strace $0x80000047;
	s4 =	sadd.s32 $0x2800, s5;
	s8 =	ssub.s32 s8, s9  }
0x7: {  	s9 =	simm.s32 $0x19000;
	s7 =	sadd.s32 s7, s5;
	s5 =	smul.u32 $0x188, s6  }
0x8: {  	v0 =	vimm.f32 $1.000000000e+00;
	s6 =	sadd.s32 $0x33800, s7;
	s7 =	smax.u32 s8, $0x1;
	s8 =	simm.s32 $0x1  }
.LBB2_1:
0x9: {  	[tilespmem:s3], [sflag:$0x1] =	stream.linear.gather [hbm4b:s2+s3], $0x19000, $0x38;
	[tilespmem:$0x1A880] =	vst v63  }
0xa: {  	_ =	swait.ge [sflag:s8], $0x19000  }
0xb: {  	[sflag:s8] =	ssyncset.done $0x0  }
0xc: {  	s11 =	simm.s32 $0x0;
	[sflag:s8] =	ssyncadd.s32 $0xFFFE7000  }
.LBB2_2:
0xd: {  	s12 =	smul.u32 $0x31, s11;
	_ =	sdelay $0x1  }
0xe: {  	s12 =	sadd.s32 s5, s12  }
0xf: {  	s12 =	sshll.u32 s12, $0x4  }
0x10: {  	s13 =	sadd.s32 s4, s12;
	s12 =	simm.s32 $0x0  }
0x11: {  	[tilespmem:s9], [sflag:$0x1] =	stream.linear.gather [hbm4b:s13+s12], $0x1880, $0x38;
	[tilespmem:$0x1A880] =	vst v63  }
0x12: {  	_ =	swait.ge [sflag:s8], $0x1880  }
0x13: {  	[sflag:s8] =	ssyncset.done $0x0  }
0x14: {  	[sflag:s8] =	ssyncadd.s32 $0xFFFFE780  }
.LBB2_3:
0x15: {  	s13 =	sshra.s32 s12, $0x2  }
0x16: {  	v1 =	vld [tilespmem:s13+$0x19000];
	_ =	sdelay $0x7  }
0x17: {  	[tilespmem:v1+s3+$0x0] =	vst.idx.add.f32.msk $0xffff, v0  }
0x18: {  	v1 =	vld [tilespmem:s13+$0x19010];
	_ =	sdelay $0x7  }
0x19: {  	[tilespmem:v1+s3+$0x0] =	vst.idx.add.f32.msk $0xffff, v0  }
0x1a: {  	v1 =	vld [tilespmem:s13+$0x19020];
	_ =	sdelay $0x7  }
0x1b: {  	[tilespmem:v1+s3+$0x0] =	vst.idx.add.f32.msk $0xffff, v0  }
0x1c: {  	v1 =	vld [tilespmem:s13+$0x19030];
	_ =	sdelay $0x7  }
0x1d: {  	[tilespmem:v1+s3+$0x0] =	vst.idx.add.f32.msk $0xffff, v0  }
0x1e: {  	v1 =	vld [tilespmem:s13+$0x19040];
	_ =	sdelay $0x7  }
0x1f: {  	[tilespmem:v1+s3+$0x0] =	vst.idx.add.f32.msk $0xffff, v0  }
0x20: {  	v1 =	vld [tilespmem:s13+$0x19050];
	_ =	sdelay $0x7  }
0x21: {  	[tilespmem:v1+s3+$0x0] =	vst.idx.add.f32.msk $0xffff, v0  }
0x22: {  	v1 =	vld [tilespmem:s13+$0x19060];
	_ =	sdelay $0x7  }
0x23: {  	[tilespmem:v1+s3+$0x0] =	vst.idx.add.f32.msk $0xffff, v0  }
0x24: {  	v1 =	vld [tilespmem:s13+$0x19070];
	_ =	sdelay $0x2  }
0x25: {  	p0 =	sne.s32 s12, $0x6000  }
.Ltmp0:
0x26: {  	_ = 	snop;
	(pc) =	sbr.rel @p0 .LBB2_3-.Ltmp0, $2  }
0x27: {  	_ =	sdelay $0x2  }
0x28: {  	s12 =	sadd.s32 $0x200, s12;
	[tilespmem:v1+s3+$0x0] =	vst.idx.add.f32.msk $0xffff, v0  }
0x29: {  	s11 =	sadd.s32 $0x1, s11  }
0x2a: {  	p0 =	sne.s32 s11, $0x8  }
.Ltmp1:
0x2b: {  	_ = 	snop;
	(pc) =	sbr.rel @p0 .LBB2_2-.Ltmp1, $1  }
0x2c: {  	_ =	sdelay $0x3  }
0x2d: {  	s10 =	sadd.s32 $0x1, s10  }
0x2e: {  	p0 =	sne.s32 s10, s7  }
.Ltmp2:
0x2f: {  	_ = 	snop;
	(pc) =	sbr.rel @p0 .LBB2_1-.Ltmp2, $4  }
0x30: {  	[hbm4b:s6+s3] =	stream.linear.scatter [tilespmem:s3], [sflag:$0x1], $0x19000, $0x38;
	[tilespmem:$0x1A880] =	vst v63  }
0x31: {  	_ =	swait.ge [sflag:s8], $0x19000  }
0x32: {  	[sflag:s8] =	ssyncset.done $0x0  }
0x33: {  	[sflag:s8] =	ssyncadd.s32 $0xFFFE7000  }
0x34: {  	_ =	sfence.sel $0x180000  }
0x35: {  	[bflag:$0x0] =	sbarrier.arrive $0xFFFF  }
0x36: {  	p0 =	sne.s32 s1, $0x0;
	_ =	strace $0x90000047  }
0x37: {  	s0 =	sadd.s32 @!p0 $0x100000, s0;
	[bflag:$0x2] =	sbarrier.arrive $0xFFFF  }
0x38: {  	[sflag:s0] =	ssyncadd.tile.s32 @!p0 $0x1;
	_ =	shalt  }
.Lfunc_end2:
_tile_overlayer_lowered:
.L_overlay_start_2:
0x39: {  	(tag) =	ssettag $0x2  }
0x3a: {  	s0 =	rddreg [dreg:$0x0];
	s2 =	stileid.u32  }
0x3b: {  	s1 =	rddreg [dreg:$0x1];
	p0 =	sne.s32 s2, $0x0  }
0x3c: {  	s3 =	rddreg [dreg:$0x2];
	[bflag:$0x3] =	sbarrier.arrive $0xFFFF;
	s2 =	simm.s32 @!p0 $0x1C01  }
0x3d: {  	[timem:s3], [sflag:s2] =	dma.local @!p0 [hbm:s0], s1  }
0x3e: {  	s0 =	simm.s32 @!p0 $0x1  }
0x3f: {  	_ =	swait.ge @!p0 [sflag:s0], s1  }
0x40: {  	s1 =	ssub.s32 @!p0 $0x0, s1;
	[sflag:s0] =	ssyncset.done @!p0 $0x0  }
0x41: {  	[sflag:s0] =	ssyncadd.s32 @!p0 s1  }
0x42: {  	[bflag:$0x3] =	sbarrier.arrive $0xFFFF  }
0x43: {  	_ =	shalt  }

// kernel: kernel.13.cloned.1.call-start
scs
__scs_entry_jumppad:
0x0: {  	(pc) =	sbr.rel $0x88, $3  }
0x1: {  	(tag) =	ssettag $0x0;
	lr =	simm.s32 $0x1  }
0x2: {  	[smem:$0x3F9B] =	sst lr;
	_ =	strace $0xD0000000  }
0x3: {  	_ = 	snop  }
0x4: {  	_ = 	snop  }
0x5: {  	_ = 	snop  }
0x6: {  	_ = 	snop  }
0x7: {  	_ = 	snop  }
__scs_overlays_trampoline_lowered:
0x8: {  	[smem:$0x3FAA] =	sst s0  }
0x9: {  	[smem:$0x3FAB] =	sst s1  }
0xa: {  	[smem:$0x3FAC] =	sst s2  }
0xb: {  	[smem:$0x3FAD] =	sst s3  }
0xc: {  	[smem:$0x3FAE] =	sst s4  }
0xd: {  	[smem:$0x3FAF] =	sst s5  }
0xe: {  	[smem:$0x3FB0] =	sst s6  }
0xf: {  	[smem:$0x3FB1] =	sst s7  }
0x10: {  	[smem:$0x3FB2] =	sst s8  }
0x11: {  	[smem:$0x3FB3] =	sst s9;
	s0 =	simm.s32 @!p0 $0x0  }
0x12: {  	s1 =	sld [smem:$0x3F99];
	s0 =	simm.s32 @p0 $0x1  }
0x13: {  	[smem:$0x3FB4] =	sst s0;
	s0 =	simm.s32 @!p1 $0x0  }
0x14: {  	s2 =	sld [smem:$0x3F98];
	s0 =	simm.s32 @p1 $0x1  }
0x15: {  	[smem:$0x3FB5] =	sst s0;
	s0 =	simm.s32 @!p2 $0x0  }
0x16: {  	s3 =	sld [smem:$0x3FDB];
	s0 =	simm.s32 @p2 $0x1  }
0x17: {  	s4 =	simm.s32 $0x1BF5;
	[smem:$0x3FB7] =	sst s0  }
0x18: {  	s0 =	sld [smem:$0x3F9A];
	_ =	swait.ge [sflag:s4], $0x0  }
0x19: {  	s7 =	sld [smem:$0x3F9B]  }
0x1a: {  	s8 =	sadd.s32 $0xFFFFE003, lr  }
0x1b: {  	s9 =	sadd.s32 $0xFFFFFEF7, lr;
	s5 =	simm.s32 $0xFFFFFFFF;
	p2 =	slt.u32 s8, $0xFFFFF086  }
0x1c: {  	p1 =	slt.u32 s9, $0xF7A;
	s5 =	simm.s32 @!p2 $0x0  }
0x1d: {  	s5 =	simm.s32 @p1 $0x1;
	p0 =	seq.s32 s7, s2  }
0x1e: {  	s7 =	smul.u32 @!p0 $0xF7A, s2;
	p2 =	seq.s32 @!p0 s5, $0x0  }
0x1f: {  	s9 =	smul.u32 $0xF7A, s1;
	s8 =	simm.s32 @!p0 $0x1BF5;
	p2 =	por !p2, p0  }
0x20: {  	[sflag:s8] =	ssyncset.s32 @!p0 $0xFFFFF086;
	s6 =	sadd.s32 @!p0 s3, s7;
	s7 =	simm.s32 @!p0 $0x108  }
0x21: {  	s3 =	sadd.s32 s3, s9;
	s6 =	sadd.s32 @!p0 $0x88, s6;
	s7 =	simm.s32 @p2 $0x1082  }
0x22: {  	[simem:s7], [sflag:s8] =	dma.local @!p0 [hbm:s6], $0xF7A  }
0x23: {  	s9 =	sor.u32 $0xD0000000, s2;
	s6 =	simm.s32 $0x108;
	_ =	swait.ge @!p0 [sflag:s8], $0x0  }
0x24: {  	s3 =	sadd.s32 $0x88, s3;
	s6 =	simm.s32 @!p1 $0x1082;
	[sflag:s4] =	ssyncset.s32 $0xFFFFF086  }
0x25: {  	[simem:s6], [sflag:s4] =	dma.local [hbm:s3], $0xF7A  }
0x26: {  	[smem:$0x3F9B] =	sst s1;
	(tag) =	ssettag s2;
	_ =	strace s9  }
0x27: {  	s1 =	sld [smem:$0x3FAB]  }
0x28: {  	s2 =	sld [smem:$0x3FAC]  }
0x29: {  	s4 =	sld [smem:$0x3FAE]  }
0x2a: {  	p0 =	seq.s32 s5, $0x0;
	s5 =	sld [smem:$0x3FAF]  }
0x2b: {  	s6 =	sld [smem:$0x3FB0]  }
0x2c: {  	s7 =	sld [smem:$0x3FB1]  }
0x2d: {  	s3 =	simm.s32 $0x108;
	s8 =	sld [smem:$0x3FB2]  }
0x2e: {  	s3 =	simm.s32 @!p0 $0x1082;
	s9 =	sld [smem:$0x3FB3]  }
0x2f: {  	lr =	sadd.s32 s0, s3;
	s0 =	sld [smem:$0x3FAA]  }
0x30: {  	s3 =	sld [smem:$0x3FAD]  }
0x31: {  	[smem:$0x3FB6] =	sst s10  }
0x32: {  	s10 =	sld [smem:$0x3FB4];
	_ =	sdelay $0x3  }
0x33: {  	p0 =	seq.s32 s10, $0x1;
	s10 =	sld [smem:$0x3FB6];
	_ =	sdelay $0x3  }
0x34: {  	[smem:$0x3FB6] =	sst s10  }
0x35: {  	s10 =	sld [smem:$0x3FB5];
	_ =	sdelay $0x3  }
0x36: {  	p1 =	seq.s32 s10, $0x1;
	s10 =	sld [smem:$0x3FB6];
	_ =	sdelay $0x3  }
0x37: {  	[smem:$0x3FB6] =	sst s10  }
0x38: {  	s10 =	sld [smem:$0x3FB7]  }
0x39: {  	_ = 	snop;
	(pc) =	sbr.ind lr, $3  }
0x3a: {  	_ = 	snop  }
0x3b: {  	_ = 	snop  }
0x3c: {  	p2 =	seq.s32 s10, $0x1;
	s10 =	sld [smem:$0x3FB6]  }
0x3d: {  	_ =	shalt  }
0x3e: {  	_ =	shalt  }
0x3f: {  	_ =	shalt  }
0x40: {  	_ =	shalt  }
0x41: {  	_ =	shalt  }
0x42: {  	_ =	shalt  }
0x43: {  	_ =	shalt  }
0x44: {  	_ =	shalt  }
0x45: {  	_ =	shalt  }
0x46: {  	_ =	shalt  }
0x47: {  	_ =	shalt  }
0x48: {  	_ =	shalt  }
0x49: {  	_ =	shalt  }
0x4a: {  	_ =	shalt  }
0x4b: {  	_ =	shalt  }
0x4c: {  	_ =	shalt  }
0x4d: {  	_ =	shalt  }
0x4e: {  	_ =	shalt  }
0x4f: {  	_ =	shalt  }
0x50: {  	_ =	shalt  }
0x51: {  	_ =	shalt  }
0x52: {  	_ =	shalt  }
0x53: {  	_ =	shalt  }
0x54: {  	_ =	shalt  }
0x55: {  	_ =	shalt  }
0x56: {  	_ =	shalt  }
0x57: {  	_ =	shalt  }
0x58: {  	_ =	shalt  }
0x59: {  	_ =	shalt  }
0x5a: {  	_ =	shalt  }
0x5b: {  	_ =	shalt  }
0x5c: {  	_ =	shalt  }
0x5d: {  	_ =	shalt  }
0x5e: {  	_ =	shalt  }
0x5f: {  	_ =	shalt  }
0x60: {  	_ =	shalt  }
0x61: {  	_ =	shalt  }
0x62: {  	_ =	shalt  }
0x63: {  	_ =	shalt  }
0x64: {  	_ =	shalt  }
0x65: {  	_ =	shalt  }
0x66: {  	_ =	shalt  }
0x67: {  	_ =	shalt  }
0x68: {  	_ =	shalt  }
0x69: {  	_ =	shalt  }
0x6a: {  	_ =	shalt  }
0x6b: {  	_ =	shalt  }
0x6c: {  	_ =	shalt  }
0x6d: {  	_ =	shalt  }
0x6e: {  	_ =	shalt  }
0x6f: {  	_ =	shalt  }
0x70: {  	_ =	shalt  }
0x71: {  	_ =	shalt  }
0x72: {  	_ =	shalt  }
0x73: {  	_ =	shalt  }
0x74: {  	_ =	shalt  }
0x75: {  	_ =	shalt  }
0x76: {  	_ =	shalt  }
0x77: {  	_ =	shalt  }
0x78: {  	_ =	shalt  }
0x79: {  	_ =	shalt  }
0x7a: {  	_ =	shalt  }
0x7b: {  	_ =	shalt  }
0x7c: {  	_ =	shalt  }
0x7d: {  	_ =	shalt  }
0x7e: {  	_ =	shalt  }
0x7f: {  	_ =	shalt  }
0x80: {  	_ =	shalt  }
0x81: {  	_ =	shalt  }
0x82: {  	_ =	shalt  }
0x83: {  	_ =	shalt  }
0x84: {  	_ =	shalt  }
0x85: {  	_ =	shalt  }
0x86: {  	_ =	shalt  }
0x87: {  	_ =	shalt  }
.Lfunc_end0:
.L_simem_size_0:
called_computation.1_lowered:
.L_overlay_start_0:
0x88: {  	s2 =	sld [smem:$0x3FD9]  }
0x89: {  	s3 =	sld [smem:$0x3FFE];
	_ =	sdelay $0x1  }
0x8a: {  	s1 =	srdreg.scid  }
0x8b: {  	s0 =	sand.u32 $0x1, s1  }
0x8c: {  	s17 =	sshll.u32 s0, $0xA;
	s2 =	sadd.s32 s3, s2  }
0x8d: {  	s2 =	sadd.s32 s2, s17  }
0x8e: {  	[smem:$0x3FC2] =	sst s2  }
0x8f: {  	_ = 	snop  }
0x90: {  	s18 =	sld [smem:$0x3FD0];
	(tm) =	ssettm $0x1  }
0x91: {  	s19 =	sld [smem:$0x3FFB];
	_ =	sdelay $0x3  }
0x92: {  	_ =	strace s19  }
0x93: {  	s2 =	sld [smem:$0x3FFC];
	_ =	sdelay $0x3  }
0x94: {  	_ =	strace s2  }
0x95: {  	s2 =	sld [smem:$0x3FFD];
	_ =	sdelay $0x3  }
0x96: {  	_ =	strace s2  }
0x97: {  	_ =	strace $0x8FFFFFFF  }
0x98: {  	s20 =	sld [smem:$0x3FDB];
	_ =	sdelay $0x1  }
0x99: {  	s4 =	simm.s32 $_scs_section_size  }
0x9a: {  	s5 =	simm.s32 $_size__tile_overlayer_lowered;
	s6 =	simm.s32 $_tile_overlayer_lowered  }
0x9b: {  	s7 =	simm.s32 $0x1BFF;
	s21 =	sshll.u32 s6, $0x1;
	s4 =	sadd.s32 s4, s20  }
0x9c: {  	s22 =	simm.s32 $0x0;
	s5 =	sshll.u32 s5, $0x1;
	s6 =	sadd.s32 s21, s4  }
0x9d: {  	[timem:s22], [sflag:s7] =	dma.local [hbm:s6], s5  }
0x9e: {  	_ =	swait.ge [sflag:s7], s5  }
0x9f: {  	s5 =	ssub.s32 $0x0, s5;
	[sflag:s7] =	ssyncset.done $0x0  }
0xa0: {  	[sflag:s7] =	ssyncadd.s32 s5;
	_ =	sdelay $0x1  }
0xa1: {  	s23 =	simm.s32 $0x1B8B  }
0xa2: {  	_ =	swait.ge [sflag:s23], $0x1  }
0xa3: {  	[sflag:s23] =	ssyncset.done $0x0  }
0xa4: {  	[sflag:s23] =	ssyncadd.s32 $0xFFFFFFFF  }
0xa5: {  	s5 =	sld [smem:$0x0]  }
0xa6: {  	s6 =	sand.u32 $0xFFFFFFFE, s1  }
0xa7: {  	p0 =	sne.s32 s1, s6  }
0xa8: {  	s6 =	sshll.u32 @p0 s6, $0xE  }
0xa9: {  	s6 =	sadd.s32 @p0 $0x11B8D, s6;
	s7 =	sshll.u32 @p0 s5, $0x11  }
0xaa: {  	s6 =	sor.u32 @p0 s7, s6  }
0xab: {  	[sflag:s6] =	ssyncadd.remote.s32 @p0 $0x1;
	_ =	sdelay $0x1  }
0xac: {  	s6 =	simm.s32 @p0 $0x1B8D  }
0xad: {  	_ =	swait.eq @p0 [sflag:s6], $0x1  }
0xae: {  	[sflag:s6] =	ssyncadd.s32 @p0 $0xFFFFFFFF  }
0xaf: {  	s7 =	sshll.u32 @!p0 s1, $0xE  }
0xb0: {  	s7 =	sor.u32 @!p0 $0x4000, s7;
	s6 =	simm.s32 @!p0 $0x1B8D  }
0xb1: {  	s5 =	sshll.u32 @!p0 s5, $0x11;
	s7 =	sadd.s32 @!p0 $0x11B8D, s7;
	_ =	swait.eq @!p0 [sflag:s6], $0x1  }
0xb2: {  	s5 =	sor.u32 @!p0 s5, s7;
	[sflag:s6] =	ssyncadd.s32 @!p0 $0xFFFFFFFF  }
0xb3: {  	s25 =	simm.s32 $0x1B8E;
	s24 =	sld [smem:$0x3FFE];
	[sflag:s5] =	ssyncadd.remote.s32 @!p0 $0x1  }
0xb4: {  	s26 =	simm.s32 $execute0_lowered;
	[smem:$0x3FD2] =	sst s25  }
0xb5: {  	s6 =	sshll.u32 s26, $0x1;
	_ =	strace $0x8000004C;
	[dreg:$0x1] =	wrdreg $0xFFFFFFFF  }
0xb6: {  	s28 =	simm.s32 $_size_execute0_lowered;
	s4 =	sadd.s32 s4, s6;
	[dreg:$0x0] =	wrdreg $0x0  }
0xb7: {  	s6 =	sshll.u32 s28, $0x1;
	[dreg:$0x2] =	wrdreg s4  }
0xb8: {  	[dreg:$0x3] =	wrdreg s6  }
0xb9: {  	[dreg:$0x4] =	wrdreg $0xC0  }
0xba: {  	_ =	task [dreg:s22], $0x5FFFF  }
0xbb: {  	[dreg:$0x1] =	wrdreg $0xFFFFFFFF  }
0xbc: {  	[dreg:$0x0] =	wrdreg $0x60  }
0xbd: {  	[dreg:$0x2] =	wrdreg s18  }
0xbe: {  	[dreg:$0x3] =	wrdreg s24  }
0xbf: {  	[dreg:$0x4] =	wrdreg $0x9  }
0xc0: {  	_ =	task.clear_ibuf [dreg:s22], $0x5FFFF;
	_ =	strace $0x9000004C  }
0xc1: {  	s29 =	simm.s32 $0x9;
	_ =	strace $0x8000004E  }
0xc2: {  	_ =	swait.ge [sflag:s29], $0x1  }
0xc3: {  	[sflag:s29] =	ssyncadd.s32 $0xFFFFFFFF  }
0xc4: {  	_ =	strace $0x9000004E  }
0xc5: {  	_ =	sfence  }
0xc6: {  	s30 =	sld [smem:$0x0];
	_ =	sdelay $0x2  }
0xc7: {  	s31 =	sshll.u32 s1, $0xD;
	s1 =	sshrl.u32 s1, $0x2  }
0xc8: {  	s4 =	sand.u32 $0x4000, s31;
	s1 =	sadd.s32 s1, s30  }
0xc9: {  	s0 =	sor.u32 s4, s0;
	s1 =	sshll.u32 s1, $0x11  }
0xca: {  	s0 =	sor.u32 s1, s0  }
0xcb: {  	s0 =	sadd.s32 $0x8F2B, s0  }
0xcc: {  	[sflag:s0] =	ssyncadd.remote.s32 $0x1  }
0xcd: {  	_ =	sfence.sel $0xFFFF  }
0xce: {  	[dreg:$0x0] =	wrdreg $0xFFFFFFFF;
	(pc) =	sbr.abs _section_cstart, $3  }
0xcf: {  	[dreg:$0x1] =	wrdreg $0xFFFFFFFF  }
0xd0: {  	_ =	task.clear_ibuf [dreg:s22], $0x2FFFF;
	_ =	strace $0x9FFFFFFF  }
0xd1: {  	(tm) =	ssettm $0x7FFFFFFF  }
tec
execute0_lowered:
.L_overlay_start_1:
0x0: {  	(tag) =	ssettag $0x1  }
0x1: {  	s7 =	rddreg [dreg:$0x0]  }
0x2: {  	s3 =	rddreg [dreg:$0x1]  }
0x3: {  	s1 =	srdreg.scid;
	s0 =	rddreg [dreg:$0x2]  }
0x4: {  	s2 =	simm.s32 $0x0;
	s15 =	simm.s32 $0xCE40;
	s4 =	sand.u32 $0x1, s1  }
0x5: {  	s16 =	simm.s32 $0x0;
	s1 =	stileid.u32;
	s5 =	sshll.u32 s4, $0x4  }
0x6: {  	[smem:$0x7FF] =	sst s2;
	s8 =	sadd.s32 $0x320800, s3;
	s5 =	sor.u32 s1, s5  }
0x7: {  	s9 =	sadd.s32 $0x2BC800, s3;
	s30 =	ssub.s32 $0x2, s4;
	s6 =	smul.u32 $0xC80, s5  }
0x8: {  	s10 =	sadd.s32 $0x2EE800, s3;
	s4 =	sshrl.u32 s30, $0x1;
	s12 =	smul.u32 $0x1900, s5  }
0x9: {  	_ =	strace $0x8000004D;
	s13 =	ssub.s32 s30, s4;
	s11 =	sshrl.u32 s6, $0x3  }
0xa: {  	s31 =	sadd.s32 $0x640, s6;
	s4 =	sadd.s32 s8, s12;
	s5 =	sadd.s32 s9, s12  }
0xb: {  	s6 =	sadd.s32 s10, s12;
	s12 =	simm.s32 $0x1;
	s14 =	sshrl.u32 s31, $0x3  }
0xc: {  	s3 =	sadd.s32 s7, s11;
	s11 =	sshll.u32 s31, $0x1;
	s7 =	sadd.s32 s7, s14  }
0xd: {  	v0 =	vimm.s32 $0x0;
	vm0 =	vcmask $0x300;
	s8 =	sadd.s32 s8, s11;
	s9 =	sadd.s32 s9, s11;
	s10 =	sadd.s32 s10, s11  }
0xe: {  	v0 =	vsel vm0, $0x3, v0;
	s11 =	smax.u32 s13, $0x1;
	s13 =	simm.s32 $0x640;
	s14 =	simm.s32 $0x6A40  }
.LBB2_1:
0xf: {  	s17 =	simm.s32 $0x0  }
0x10: {  	v1 =	vmov s17  }
0x11: {  	v1 =	vshrl.u32 v1, $0x3  }
0x12: {  	v1 =	vshll.u32 v1, v0  }
0x13: {  	v1 =	vbroadcast v1, $0x0;
	_ =	sdelay $0x1  }
0x14: {  	[tilespmem:s2], [sflag:$0x1] =	stream.linear.gather [hbm4b:s3+s2], $0x640, $0x38;
	[tilespmem:$0x13240] =	vst v63  }
0x15: {  	s20 =	simm.s32 $0x1;
	_ =	swait.ge [sflag:s12], $0x640  }
0x16: {  	v2 =	vmov s20;
	[sflag:s12] =	ssyncset.done $0x0  }
0x17: {  	v2 =	vshrl.u32 v2, $0x3;
	[sflag:s12] =	ssyncadd.s32 $0xFFFFF9C0  }
0x18: {  	v2 =	vshll.u32 v2, v0;
	v1 =	vld.idx.msk [tilespmem:v1+s2+$0x0], $0xffff  }
0x19: {  	v2 =	vadd.s32 $0x1, v2  }
0x1a: {  	v2 =	vbroadcast v2, $0x0;
	_ =	sdelay $0x1  }
0x1b: {  	s17 =	simm.s32 $0x0  }
0x1c: {  	s18 =	simm.s32 $0x2;
	[tilespmem:s17+$0x6A50] =	vst v1  }
0x1d: {  	v3 =	vmov s18;
	[tilespmem:s17+$0x640] =	vst v1  }
0x1e: {  	[tilespmem:s17+$0x6A40] =	vst v1;
	v1 =	vshrl.u32 v3, $0x3  }
0x1f: {  	v2 =	vld.idx.msk [tilespmem:v2+s2+$0x0], $0xffff;
	v1 =	vshll.u32 v1, v0  }
0x20: {  	v1 =	vadd.s32 $0x2, v1  }
0x21: {  	v1 =	vbroadcast v1, $0x0;
	_ =	sdelay $0x2  }
0x22: {  	s21 =	simm.s32 $0x3;
	[tilespmem:s17+$0x650] =	vst v2  }
0x23: {  	v3 =	vmov s21;
	[tilespmem:s17+$0x6A60] =	vst v2  }
0x24: {  	[tilespmem:s17+$0x6A70] =	vst v2;
	v2 =	vshrl.u32 v3, $0x3  }
0x25: {  	v2 =	vshll.u32 v2, v0;
	v1 =	vld.idx.msk [tilespmem:v1+s2+$0x0], $0xffff  }
0x26: {  	v2 =	vadd.s32 $0x3, v2  }
0x27: {  	v2 =	vbroadcast v2, $0x0;
	_ =	sdelay $0x2  }
0x28: {  	s22 =	simm.s32 $0x4;
	[tilespmem:s17+$0x660] =	vst v1  }
0x29: {  	v3 =	vmov s22;
	[tilespmem:s17+$0x6A80] =	vst v1  }
0x2a: {  	[tilespmem:s17+$0x6A90] =	vst v1;
	v1 =	vshrl.u32 v3, $0x3  }
0x2b: {  	v2 =	vld.idx.msk [tilespmem:v2+s2+$0x0], $0xffff;
	v1 =	vshll.u32 v1, v0  }
0x2c: {  	v1 =	vadd.s32 $0x4, v1  }
0x2d: {  	v1 =	vbroadcast v1, $0x0;
	_ =	sdelay $0x2  }
0x2e: {  	s23 =	simm.s32 $0x5;
	[tilespmem:s17+$0x6AA0] =	vst v2  }
0x2f: {  	v3 =	vmov s23;
	[tilespmem:s17+$0x670] =	vst v2  }
0x30: {  	[tilespmem:s17+$0x6AB0] =	vst v2;
	v2 =	vshrl.u32 v3, $0x3  }
0x31: {  	v2 =	vshll.u32 v2, v0;
	v1 =	vld.idx.msk [tilespmem:v1+s2+$0x0], $0xffff  }
0x32: {  	v2 =	vadd.s32 $0x5, v2  }
0x33: {  	v2 =	vbroadcast v2, $0x0;
	_ =	sdelay $0x2  }
0x34: {  	s24 =	simm.s32 $0x6;
	[tilespmem:s17+$0xCE40] =	vst v1  }
0x35: {  	v3 =	vmov s24;
	[tilespmem:s17+$0x680] =	vst v1  }
0x36: {  	[tilespmem:s17+$0xCE50] =	vst v1;
	v1 =	vshrl.u32 v3, $0x3  }
0x37: {  	v2 =	vld.idx.msk [tilespmem:v2+s2+$0x0], $0xffff;
	v1 =	vshll.u32 v1, v0  }
0x38: {  	v1 =	vadd.s32 $0x6, v1  }
0x39: {  	v1 =	vbroadcast v1, $0x0;
	_ =	sdelay $0x2  }
0x3a: {  	s25 =	simm.s32 $0x7;
	[tilespmem:s17+$0xCE60] =	vst v2  }
0x3b: {  	v3 =	vmov s25;
	[tilespmem:s17+$0x690] =	vst v2  }
0x3c: {  	[tilespmem:s17+$0xCE70] =	vst v2;
	v2 =	vshrl.u32 v3, $0x3  }
0x3d: {  	v2 =	vshll.u32 v2, v0;
	v1 =	vld.idx.msk [tilespmem:v1+s2+$0x0], $0xffff  }
0x3e: {  	v2 =	vadd.s32 $0x7, v2  }
0x3f: {  	v2 =	vbroadcast v2, $0x0;
	_ =	sdelay $0x2  }
0x40: {  	[tilespmem:s17+$0x6A0] =	vst v1  }
0x41: {  	s26 =	simm.s32 $0x8;
	[tilespmem:s17+$0xCE80] =	vst v1  }
0x42: {  	[tilespmem:s17+$0xCE90] =	vst v1;
	v1 =	vmov s26  }
0x43: {  	v2 =	vld.idx.msk [tilespmem:v2+s2+$0x0], $0xffff;
	v1 =	vshrl.u32 v1, $0x3  }
0x44: {  	v1 =	vshll.u32 v1, v0  }
0x45: {  	v1 =	vbroadcast v1, $0x0;
	_ =	sdelay $0x2  }
0x46: {  	s28 =	simm.s32 $0x9;
	[tilespmem:s17+$0xCEA0] =	vst v2  }
0x47: {  	v3 =	vmov s28;
	[tilespmem:s17+$0x6B0] =	vst v2  }
0x48: {  	[tilespmem:s17+$0xCEB0] =	vst v2;
	v2 =	vshrl.u32 v3, $0x3  }
0x49: {  	v2 =	vshll.u32 v2, v0;
	v1 =	vld.idx.msk [tilespmem:v1+s2+$0x0], $0xffff  }
0x4a: {  	v2 =	vadd.s32 $0x1, v2  }
0x4b: {  	v2 =	vbroadcast v2, $0x0;
	_ =	sdelay $0x2  }
0x4c: {  	s29 =	simm.s32 $0xA;
	[tilespmem:s17+$0x6AD0] =	vst v1  }
0x4d: {  	v3 =	vmov s29;
	[tilespmem:s17+$0x6C0] =	vst v1  }
0x4e: {  	[tilespmem:s17+$0x6AC0] =	vst v1;
	v1 =	vshrl.u32 v3, $0x3  }
0x4f: {  	v2 =	vld.idx.msk [tilespmem:v2+s2+$0x0], $0xffff;
	v1 =	vshll.u32 v1, v0  }
0x50: {  	v1 =	vadd.s32 $0x2, v1  }
0x51: {  	v1 =	vbroadcast v1, $0x0;
	_ =	sdelay $0x2  }
0x52: {  	s30 =	simm.s32 $0xB;
	[tilespmem:s17+$0x6D0] =	vst v2  }
0x53: {  	v3 =	vmov s30;
	[tilespmem:s17+$0x6AE0] =	vst v2  }
0x54: {  	[tilespmem:s17+$0x6AF0] =	vst v2;
	v2 =	vshrl.u32 v3, $0x3  }
0x55: {  	v2 =	vshll.u32 v2, v0;
	v1 =	vld.idx.msk [tilespmem:v1+s2+$0x0], $0xffff  }
0x56: {  	v2 =	vadd.s32 $0x3, v2  }
0x57: {  	v2 =	vbroadcast v2, $0x0;
	_ =	sdelay $0x2  }
0x58: {  	s31 =	simm.s32 $0xC;
	[tilespmem:s17+$0x6B00] =	vst v1  }
0x59: {  	v3 =	vmov s31;
	[tilespmem:s17+$0x6E0] =	vst v1  }
0x5a: {  	[tilespmem:s17+$0x6B10] =	vst v1;
	v1 =	vshrl.u32 v3, $0x3  }
0x5b: {  	v2 =	vld.idx.msk [tilespmem:v2+s2+$0x0], $0xffff;
	v1 =	vshll.u32 v1, v0  }
0x5c: {  	v1 =	vadd.s32 $0x4, v1  }
0x5d: {  	v3 =	vbroadcast v1, $0x0;
	_ =	sdelay $0x1  }
0x5e: {  	s19 =	simm.s32 $0xE;
	s18 =	simm.s32 $0xF;
	s20 =	simm.s32 $0xD  }
0x5f: {  	v4 =	vmov s19;
	v5 =	vmov s20;
	v1 =	vmov s18;
	[tilespmem:s17+$0x6F0] =	vst v2  }
0x60: {  	v4 =	vshrl.u32 v4, $0x3;
	v5 =	vshrl.u32 v5, $0x3;
	v1 =	vshrl.u32 v1, $0x3;
	[tilespmem:s17+$0x6B20] =	vst v2  }
0x61: {  	v1 =	vshll.u32 v1, v0;
	[tilespmem:s17+$0x6B30] =	vst v2;
	v2 =	vshll.u32 v4, v0;
	v4 =	vshll.u32 v5, v0  }
0x62: {  	s19 =	simm.s32 $0x400;
	v1 =	vadd.s32 $0x7, v1;
	v2 =	vadd.s32 $0x6, v2;
	v4 =	vadd.s32 $0x5, v4;
	v3 =	vld.idx.msk [tilespmem:v3+s2+$0x0], $0xffff  }
.LBB2_2:
0x63: {  	p0 =	sne.s32 s19, $0x18C00  }
0x64: {  	v4 =	vbroadcast v4, $0x0;
	s18 =	sadd.s32 $0x10, s18;
	s20 =	smov.u32 s19;
	s19 =	sadd.s32 $0x400, s19  }
0x65: {  	s21 =	sadd.s32 $0xFFFFFFFF, s18;
	v5 =	vmov s18  }
0x66: {  	v6 =	vmov s21;
	v5 =	vshrl.u32 v5, $0x3  }
0x67: {  	v6 =	vshrl.u32 v6, $0x3;
	v5 =	vshll.u32 v5, v0;
	[tilespmem:s17+$0x700] =	vst v3  }
0x68: {  	v6 =	vshll.u32 v6, v0;
	v5 =	vadd.s32 $0x7, v5;
	[tilespmem:s17+$0xCEC0] =	vst v3  }
0x69: {  	v6 =	vadd.s32 $0x6, v6;
	[tilespmem:s17+$0xCED0] =	vst v3  }
0x6a: {  	v3 =	vld.idx.msk [tilespmem:v4+s2+$0x0], $0xffff;
	_ =	sdelay $0x2  }
0x6b: {  	v4 =	vbroadcast v2, $0x0;
	v2 =	vmov v6;
	_ =	sdelay $0x2  }
0x6c: {  	[tilespmem:s17+$0x710] =	vst v3  }
0x6d: {  	[tilespmem:s17+$0xCEE0] =	vst v3  }
0x6e: {  	[tilespmem:s17+$0xCEF0] =	vst v3  }
0x6f: {  	v3 =	vld.idx.msk [tilespmem:v4+s2+$0x0], $0xffff;
	_ =	sdelay $0x2  }
0x70: {  	v4 =	vbroadcast v1, $0x0;
	v1 =	vmov v5;
	_ =	sdelay $0x2  }
0x71: {  	[tilespmem:s17+$0x720] =	vst v3  }
0x72: {  	[tilespmem:s17+$0xCF00] =	vst v3  }
0x73: {  	s21 =	sadd.s32 $0xFFFFFFF1, s18;
	[tilespmem:s17+$0xCF10] =	vst v3  }
0x74: {  	v3 =	vmov s21;
	v4 =	vld.idx.msk [tilespmem:v4+s2+$0x0], $0xffff  }
0x75: {  	v3 =	vshrl.u32 v3, $0x3  }
0x76: {  	v3 =	vshll.u32 v3, v0  }
0x77: {  	v3 =	vbroadcast v3, $0x0;
	_ =	sdelay $0x2  }
0x78: {  	[tilespmem:s17+$0x730] =	vst v4  }
0x79: {  	s21 =	sadd.s32 $0xFFFFFFF2, s18;
	[tilespmem:s17+$0xCF30] =	vst v4  }
0x7a: {  	v5 =	vmov s21;
	[tilespmem:s17+$0xCF20] =	vst v4  }
0x7b: {  	v4 =	vshrl.u32 v5, $0x3;
	v3 =	vld.idx.msk [tilespmem:v3+s2+$0x0], $0xffff  }
0x7c: {  	v4 =	vshll.u32 v4, v0  }
0x7d: {  	v4 =	vadd.s32 $0x1, v4  }
0x7e: {  	v4 =	vbroadcast v4, $0x0;
	_ =	sdelay $0x1  }
0x7f: {  	s17 =	sshra.s32 s20, $0x2  }
0x80: {  	[tilespmem:s17+$0x6A50] =	vst v3  }
0x81: {  	s20 =	sadd.s32 $0xFFFFFFF3, s18;
	[tilespmem:s17+$0x640] =	vst v3  }
0x82: {  	[tilespmem:s17+$0x6A40] =	vst v3;
	v3 =	vmov s20  }
0x83: {  	v4 =	vld.idx.msk [tilespmem:v4+s2+$0x0], $0xffff;
	v3 =	vshrl.u32 v3, $0x3  }
0x84: {  	v3 =	vshll.u32 v3, v0  }
0x85: {  	v3 =	vadd.s32 $0x2, v3  }
0x86: {  	v3 =	vbroadcast v3, $0x0;
	_ =	sdelay $0x2  }
0x87: {  	[tilespmem:s17+$0x650] =	vst v4  }
0x88: {  	s20 =	sadd.s32 $0xFFFFFFF4, s18;
	[tilespmem:s17+$0x6A60] =	vst v4  }
0x89: {  	[tilespmem:s17+$0x6A70] =	vst v4;
	v4 =	vmov s20  }
0x8a: {  	v3 =	vld.idx.msk [tilespmem:v3+s2+$0x0], $0xffff;
	v4 =	vshrl.u32 v4, $0x3  }
0x8b: {  	v4 =	vshll.u32 v4, v0  }
0x8c: {  	v4 =	vadd.s32 $0x3, v4  }
0x8d: {  	v4 =	vbroadcast v4, $0x0;
	_ =	sdelay $0x2  }
0x8e: {  	[tilespmem:s17+$0x660] =	vst v3  }
0x8f: {  	s20 =	sadd.s32 $0xFFFFFFF5, s18;
	[tilespmem:s17+$0x6A80] =	vst v3  }
0x90: {  	[tilespmem:s17+$0x6A90] =	vst v3;
	v3 =	vmov s20  }
0x91: {  	v4 =	vld.idx.msk [tilespmem:v4+s2+$0x0], $0xffff;
	v3 =	vshrl.u32 v3, $0x3  }
0x92: {  	v3 =	vshll.u32 v3, v0  }
0x93: {  	v3 =	vadd.s32 $0x4, v3  }
0x94: {  	v3 =	vbroadcast v3, $0x0;
	_ =	sdelay $0x2  }
0x95: {  	[tilespmem:s17+$0x6AA0] =	vst v4  }
0x96: {  	s20 =	sadd.s32 $0xFFFFFFF6, s18;
	[tilespmem:s17+$0x670] =	vst v4  }
0x97: {  	[tilespmem:s17+$0x6AB0] =	vst v4;
	v4 =	vmov s20  }
0x98: {  	v3 =	vld.idx.msk [tilespmem:v3+s2+$0x0], $0xffff;
	v4 =	vshrl.u32 v4, $0x3  }
0x99: {  	v4 =	vshll.u32 v4, v0  }
0x9a: {  	v4 =	vadd.s32 $0x5, v4  }
0x9b: {  	v4 =	vbroadcast v4, $0x0;
	_ =	sdelay $0x2  }
0x9c: {  	[tilespmem:s17+$0xCE40] =	vst v3  }
0x9d: {  	s20 =	sadd.s32 $0xFFFFFFF7, s18;
	[tilespmem:s17+$0x680] =	vst v3  }
0x9e: {  	[tilespmem:s17+$0xCE50] =	vst v3;
	v3 =	vmov s20  }
0x9f: {  	v4 =	vld.idx.msk [tilespmem:v4+s2+$0x0], $0xffff;
	v3 =	vshrl.u32 v3, $0x3  }
0xa0: {  	v3 =	vshll.u32 v3, v0  }
0xa1: {  	v3 =	vadd.s32 $0x6, v3  }
0xa2: {  	v3 =	vbroadcast v3, $0x0;
	_ =	sdelay $0x2  }
0xa3: {  	[tilespmem:s17+$0xCE60] =	vst v4  }
0xa4: {  	s20 =	sadd.s32 $0xFFFFFFF8, s18;
	[tilespmem:s17+$0x690] =	vst v4  }
0xa5: {  	[tilespmem:s17+$0xCE70] =	vst v4;
	v4 =	vmov s20  }
0xa6: {  	v3 =	vld.idx.msk [tilespmem:v3+s2+$0x0], $0xffff;
	v4 =	vshrl.u32 v4, $0x3  }
0xa7: {  	v4 =	vshll.u32 v4, v0  }
0xa8: {  	v4 =	vadd.s32 $0x7, v4  }
0xa9: {  	v4 =	vbroadcast v4, $0x0;
	_ =	sdelay $0x2  }
0xaa: {  	[tilespmem:s17+$0x6A0] =	vst v3  }
0xab: {  	[tilespmem:s17+$0xCE80] =	vst v3  }
0xac: {  	s20 =	sadd.s32 $0xFFFFFFF9, s18;
	[tilespmem:s17+$0xCE90] =	vst v3  }
0xad: {  	v3 =	vld.idx.msk [tilespmem:v4+s2+$0x0], $0xffff;
	v4 =	vmov s20  }
0xae: {  	v4 =	vshrl.u32 v4, $0x3  }
0xaf: {  	v4 =	vshll.u32 v4, v0  }
0xb0: {  	v4 =	vbroadcast v4, $0x0;
	_ =	sdelay $0x2  }
0xb1: {  	[tilespmem:s17+$0xCEA0] =	vst v3  }
0xb2: {  	s20 =	sadd.s32 $0xFFFFFFFA, s18;
	[tilespmem:s17+$0x6B0] =	vst v3  }
0xb3: {  	[tilespmem:s17+$0xCEB0] =	vst v3;
	v3 =	vmov s20  }
0xb4: {  	v4 =	vld.idx.msk [tilespmem:v4+s2+$0x0], $0xffff;
	v3 =	vshrl.u32 v3, $0x3  }
0xb5: {  	v3 =	vshll.u32 v3, v0  }
0xb6: {  	v3 =	vadd.s32 $0x1, v3  }
0xb7: {  	v3 =	vbroadcast v3, $0x0;
	_ =	sdelay $0x2  }
0xb8: {  	[tilespmem:s17+$0x6AD0] =	vst v4  }
0xb9: {  	s20 =	sadd.s32 $0xFFFFFFFB, s18;
	[tilespmem:s17+$0x6C0] =	vst v4  }
0xba: {  	[tilespmem:s17+$0x6AC0] =	vst v4;
	v4 =	vmov s20  }
0xbb: {  	v3 =	vld.idx.msk [tilespmem:v3+s2+$0x0], $0xffff;
	v4 =	vshrl.u32 v4, $0x3  }
0xbc: {  	v4 =	vshll.u32 v4, v0  }
0xbd: {  	v4 =	vadd.s32 $0x2, v4  }
0xbe: {  	v4 =	vbroadcast v4, $0x0;
	_ =	sdelay $0x2  }
0xbf: {  	[tilespmem:s17+$0x6D0] =	vst v3  }
0xc0: {  	s20 =	sadd.s32 $0xFFFFFFFC, s18;
	[tilespmem:s17+$0x6AE0] =	vst v3  }
0xc1: {  	[tilespmem:s17+$0x6AF0] =	vst v3;
	v3 =	vmov s20  }
0xc2: {  	v4 =	vld.idx.msk [tilespmem:v4+s2+$0x0], $0xffff;
	v3 =	vshrl.u32 v3, $0x3  }
0xc3: {  	v3 =	vshll.u32 v3, v0  }
0xc4: {  	v3 =	vadd.s32 $0x3, v3  }
0xc5: {  	v3 =	vbroadcast v3, $0x0;
	_ =	sdelay $0x2  }
0xc6: {  	[tilespmem:s17+$0x6B00] =	vst v4  }
0xc7: {  	s20 =	sadd.s32 $0xFFFFFFFD, s18;
	[tilespmem:s17+$0x6E0] =	vst v4  }
0xc8: {  	[tilespmem:s17+$0x6B10] =	vst v4;
	v4 =	vmov s20  }
0xc9: {  	v3 =	vld.idx.msk [tilespmem:v3+s2+$0x0], $0xffff;
	v4 =	vshrl.u32 v4, $0x3  }
0xca: {  	v4 =	vshll.u32 v4, v0  }
0xcb: {  	v4 =	vadd.s32 $0x4, v4  }
0xcc: {  	v4 =	vbroadcast v4, $0x0;
	_ =	sdelay $0x2  }
0xcd: {  	[tilespmem:s17+$0x6F0] =	vst v3  }
.Ltmp0:
0xce: {  	s20 =	sadd.s32 $0xFFFFFFFE, s18;
	[tilespmem:s17+$0x6B20] =	vst v3;
	(pc) =	sbr.rel @p0 .LBB2_2-.Ltmp0, $4  }
0xcf: {  	v5 =	vmov s20;
	[tilespmem:s17+$0x6B30] =	vst v3  }
0xd0: {  	v3 =	vld.idx.msk [tilespmem:v4+s2+$0x0], $0xffff;
	v4 =	vshrl.u32 v5, $0x3  }
0xd1: {  	v4 =	vshll.u32 v4, v0  }
0xd2: {  	v4 =	vadd.s32 $0x5, v4  }
0xd3: {  	v4 =	vbroadcast v4, $0x0;
	_ =	sdelay $0x2  }
0xd4: {  	[tilespmem:s17+$0x700] =	vst v3  }
0xd5: {  	[tilespmem:s17+$0xCEC0] =	vst v3  }
0xd6: {  	[tilespmem:s17+$0xCED0] =	vst v3  }
0xd7: {  	v3 =	vld.idx.msk [tilespmem:v4+s2+$0x0], $0xffff;
	_ =	sdelay $0x1  }
0xd8: {  	v2 =	vbroadcast v2, $0x0;
	_ =	sdelay $0x2  }
0xd9: {  	[tilespmem:s17+$0x710] =	vst v3  }
0xda: {  	[tilespmem:s17+$0xCEE0] =	vst v3  }
0xdb: {  	[tilespmem:s17+$0xCEF0] =	vst v3  }
0xdc: {  	v2 =	vld.idx.msk [tilespmem:v2+s2+$0x0], $0xffff;
	_ =	sdelay $0x1  }
0xdd: {  	v1 =	vbroadcast v1, $0x0;
	_ =	sdelay $0x2  }
0xde: {  	[tilespmem:s17+$0x720] =	vst v2  }
0xdf: {  	[tilespmem:s17+$0xCF00] =	vst v2  }
0xe0: {  	[tilespmem:s17+$0xCF10] =	vst v2  }
0xe1: {  	v1 =	vld.idx.msk [tilespmem:v1+s2+$0x0], $0xffff;
	_ =	sdelay $0x4  }
0xe2: {  	[tilespmem:s17+$0x730] =	vst v1  }
0xe3: {  	[tilespmem:s17+$0xCF30] =	vst v1  }
0xe4: {  	s31 =	simm.s32 $0x0;
	[tilespmem:s17+$0xCF20] =	vst v1  }
0xe5: {  	[hbm4b:s4+s31] =	stream.linear.scatter [tilespmem:s13], [sflag:$0x1], $0x6400, $0x38;
	[tilespmem:$0x13240] =	vst v63  }
0xe6: {  	_ =	swait.ge [sflag:s12], $0x6400  }
0xe7: {  	[sflag:s12] =	ssyncset.done $0x0  }
0xe8: {  	[sflag:s12] =	ssyncadd.s32 $0xFFFF9C00  }
0xe9: {  	[hbm4b:s5+s31] =	stream.linear.scatter [tilespmem:s14], [sflag:$0x1], $0x6400, $0x38;
	[tilespmem:$0x13240] =	vst v63  }
0xea: {  	_ =	swait.ge [sflag:s12], $0x6400  }
0xeb: {  	s18 =	simm.s32 $0x0;
	[sflag:s12] =	ssyncset.done $0x0  }
0xec: {  	v1 =	vmov s18;
	[sflag:s12] =	ssyncadd.s32 $0xFFFF9C00  }
0xed: {  	v1 =	vshrl.u32 v1, $0x3;
	[hbm4b:s6+s31] =	stream.linear.scatter [tilespmem:s15], [sflag:$0x1], $0x6400, $0x38;
	[tilespmem:$0x13240] =	vst v63  }
0xee: {  	v1 =	vshll.u32 v1, v0;
	_ =	swait.ge [sflag:s12], $0x6400  }
0xef: {  	v1 =	vbroadcast v1, $0x0;
	[sflag:s12] =	ssyncset.done $0x0  }
0xf0: {  	[sflag:s12] =	ssyncadd.s32 $0xFFFF9C00  }
0xf1: {  	[tilespmem:s31], [sflag:$0x1] =	stream.linear.gather [hbm4b:s7+s31], $0x640, $0x38;
	[tilespmem:$0x13240] =	vst v63  }
0xf2: {  	s19 =	simm.s32 $0x1;
	_ =	swait.ge [sflag:s12], $0x640  }
0xf3: {  	v2 =	vmov s19;
	[sflag:s12] =	ssyncset.done $0x0  }
0xf4: {  	v2 =	vshrl.u32 v2, $0x3;
	[sflag:s12] =	ssyncadd.s32 $0xFFFFF9C0  }
0xf5: {  	v2 =	vshll.u32 v2, v0;
	v1 =	vld.idx.msk [tilespmem:v1+s2+$0x0], $0xffff  }
0xf6: {  	v2 =	vadd.s32 $0x1, v2  }
0xf7: {  	v2 =	vbroadcast v2, $0x0;
	_ =	sdelay $0x1  }
0xf8: {  	s17 =	simm.s32 $0x0  }
0xf9: {  	s20 =	simm.s32 $0x2;
	[tilespmem:s17+$0x6A50] =	vst v1  }
0xfa: {  	v3 =	vmov s20;
	[tilespmem:s17+$0x640] =	vst v1  }
0xfb: {  	[tilespmem:s17+$0x6A40] =	vst v1;
	v1 =	vshrl.u32 v3, $0x3  }
0xfc: {  	v2 =	vld.idx.msk [tilespmem:v2+s2+$0x0], $0xffff;
	v1 =	vshll.u32 v1, v0  }
0xfd: {  	v1 =	vadd.s32 $0x2, v1  }
0xfe: {  	v1 =	vbroadcast v1, $0x0;
	_ =	sdelay $0x2  }
0xff: {  	s21 =	simm.s32 $0x3;
	[tilespmem:s17+$0x650] =	vst v2  }
0x100: {  	v3 =	vmov s21;
	[tilespmem:s17+$0x6A60] =	vst v2  }
0x101: {  	[tilespmem:s17+$0x6A70] =	vst v2;
	v2 =	vshrl.u32 v3, $0x3  }
0x102: {  	v2 =	vshll.u32 v2, v0;
	v1 =	vld.idx.msk [tilespmem:v1+s2+$0x0], $0xffff  }
0x103: {  	v2 =	vadd.s32 $0x3, v2  }
0x104: {  	v2 =	vbroadcast v2, $0x0;
	_ =	sdelay $0x2  }
0x105: {  	s22 =	simm.s32 $0x4;
	[tilespmem:s17+$0x660] =	vst v1  }
0x106: {  	v3 =	vmov s22;
	[tilespmem:s17+$0x6A80] =	vst v1  }
0x107: {  	[tilespmem:s17+$0x6A90] =	vst v1;
	v1 =	vshrl.u32 v3, $0x3  }
0x108: {  	v2 =	vld.idx.msk [tilespmem:v2+s2+$0x0], $0xffff;
	v1 =	vshll.u32 v1, v0  }
0x109: {  	v1 =	vadd.s32 $0x4, v1  }
0x10a: {  	v1 =	vbroadcast v1, $0x0;
	_ =	sdelay $0x2  }
0x10b: {  	s23 =	simm.s32 $0x5;
	[tilespmem:s17+$0x6AA0] =	vst v2  }
0x10c: {  	v3 =	vmov s23;
	[tilespmem:s17+$0x670] =	vst v2  }
0x10d: {  	[tilespmem:s17+$0x6AB0] =	vst v2;
	v2 =	vshrl.u32 v3, $0x3  }
0x10e: {  	v2 =	vshll.u32 v2, v0;
	v1 =	vld.idx.msk [tilespmem:v1+s2+$0x0], $0xffff  }
0x10f: {  	v2 =	vadd.s32 $0x5, v2  }
0x110: {  	v2 =	vbroadcast v2, $0x0;
	_ =	sdelay $0x2  }
0x111: {  	s24 =	simm.s32 $0x6;
	[tilespmem:s17+$0xCE40] =	vst v1  }
0x112: {  	v3 =	vmov s24;
	[tilespmem:s17+$0x680] =	vst v1  }
0x113: {  	[tilespmem:s17+$0xCE50] =	vst v1;
	v1 =	vshrl.u32 v3, $0x3  }
0x114: {  	v2 =	vld.idx.msk [tilespmem:v2+s2+$0x0], $0xffff;
	v1 =	vshll.u32 v1, v0  }
0x115: {  	v1 =	vadd.s32 $0x6, v1  }
0x116: {  	v1 =	vbroadcast v1, $0x0;
	_ =	sdelay $0x2  }
0x117: {  	s25 =	simm.s32 $0x7;
	[tilespmem:s17+$0xCE60] =	vst v2  }
0x118: {  	v3 =	vmov s25;
	[tilespmem:s17+$0x690] =	vst v2  }
0x119: {  	[tilespmem:s17+$0xCE70] =	vst v2;
	v2 =	vshrl.u32 v3, $0x3  }
0x11a: {  	v2 =	vshll.u32 v2, v0;
	v1 =	vld.idx.msk [tilespmem:v1+s2+$0x0], $0xffff  }
0x11b: {  	v2 =	vadd.s32 $0x7, v2  }
0x11c: {  	v2 =	vbroadcast v2, $0x0;
	_ =	sdelay $0x2  }
0x11d: {  	[tilespmem:s17+$0x6A0] =	vst v1  }
0x11e: {  	s26 =	simm.s32 $0x8;
	[tilespmem:s17+$0xCE80] =	vst v1  }
0x11f: {  	[tilespmem:s17+$0xCE90] =	vst v1;
	v1 =	vmov s26  }
0x120: {  	v2 =	vld.idx.msk [tilespmem:v2+s2+$0x0], $0xffff;
	v1 =	vshrl.u32 v1, $0x3  }
0x121: {  	v1 =	vshll.u32 v1, v0  }
0x122: {  	v1 =	vbroadcast v1, $0x0;
	_ =	sdelay $0x2  }
0x123: {  	s28 =	simm.s32 $0x9;
	[tilespmem:s17+$0xCEA0] =	vst v2  }
0x124: {  	v3 =	vmov s28;
	[tilespmem:s17+$0x6B0] =	vst v2  }
0x125: {  	[tilespmem:s17+$0xCEB0] =	vst v2;
	v2 =	vshrl.u32 v3, $0x3  }
0x126: {  	v2 =	vshll.u32 v2, v0;
	v1 =	vld.idx.msk [tilespmem:v1+s2+$0x0], $0xffff  }
0x127: {  	v2 =	vadd.s32 $0x1, v2  }
0x128: {  	v2 =	vbroadcast v2, $0x0;
	_ =	sdelay $0x2  }
0x129: {  	s29 =	simm.s32 $0xA;
	[tilespmem:s17+$0x6AD0] =	vst v1  }
0x12a: {  	v3 =	vmov s29;
	[tilespmem:s17+$0x6C0] =	vst v1  }
0x12b: {  	[tilespmem:s17+$0x6AC0] =	vst v1;
	v1 =	vshrl.u32 v3, $0x3  }
0x12c: {  	v2 =	vld.idx.msk [tilespmem:v2+s2+$0x0], $0xffff;
	v1 =	vshll.u32 v1, v0  }
0x12d: {  	v1 =	vadd.s32 $0x2, v1  }
0x12e: {  	v1 =	vbroadcast v1, $0x0;
	_ =	sdelay $0x2  }
0x12f: {  	s30 =	simm.s32 $0xB;
	[tilespmem:s17+$0x6D0] =	vst v2  }
0x130: {  	v3 =	vmov s30;
	[tilespmem:s17+$0x6AE0] =	vst v2  }
0x131: {  	[tilespmem:s17+$0x6AF0] =	vst v2;
	v2 =	vshrl.u32 v3, $0x3  }
0x132: {  	v2 =	vshll.u32 v2, v0;
	v1 =	vld.idx.msk [tilespmem:v1+s2+$0x0], $0xffff  }
0x133: {  	v2 =	vadd.s32 $0x3, v2  }
0x134: {  	v2 =	vbroadcast v2, $0x0;
	_ =	sdelay $0x2  }
0x135: {  	s31 =	simm.s32 $0xC;
	[tilespmem:s17+$0x6B00] =	vst v1  }
0x136: {  	v3 =	vmov s31;
	[tilespmem:s17+$0x6E0] =	vst v1  }
0x137: {  	[tilespmem:s17+$0x6B10] =	vst v1;
	v1 =	vshrl.u32 v3, $0x3  }
0x138: {  	v2 =	vld.idx.msk [tilespmem:v2+s2+$0x0], $0xffff;
	v1 =	vshll.u32 v1, v0  }
0x139: {  	v1 =	vadd.s32 $0x4, v1  }
0x13a: {  	v3 =	vbroadcast v1, $0x0;
	_ =	sdelay $0x1  }
0x13b: {  	s20 =	simm.s32 $0xD;
	s19 =	simm.s32 $0xE;
	s18 =	simm.s32 $0xF  }
0x13c: {  	v5 =	vmov s20;
	v4 =	vmov s19;
	v1 =	vmov s18;
	[tilespmem:s17+$0x6F0] =	vst v2  }
0x13d: {  	v5 =	vshrl.u32 v5, $0x3;
	v4 =	vshrl.u32 v4, $0x3;
	v1 =	vshrl.u32 v1, $0x3;
	[tilespmem:s17+$0x6B20] =	vst v2  }
0x13e: {  	v1 =	vshll.u32 v1, v0;
	[tilespmem:s17+$0x6B30] =	vst v2;
	v2 =	vshll.u32 v4, v0;
	v4 =	vshll.u32 v5, v0  }
0x13f: {  	s19 =	simm.s32 $0x400;
	v1 =	vadd.s32 $0x7, v1;
	v2 =	vadd.s32 $0x6, v2;
	v4 =	vadd.s32 $0x5, v4;
	v3 =	vld.idx.msk [tilespmem:v3+s2+$0x0], $0xffff  }
.LBB2_4:
0x140: {  	p0 =	sne.s32 s19, $0x18C00  }
0x141: {  	v4 =	vbroadcast v4, $0x0;
	s18 =	sadd.s32 $0x10, s18;
	s20 =	smov.u32 s19;
	s19 =	sadd.s32 $0x400, s19  }
0x142: {  	s21 =	sadd.s32 $0xFFFFFFFF, s18;
	v5 =	vmov s18  }
0x143: {  	v6 =	vmov s21;
	v5 =	vshrl.u32 v5, $0x3  }
0x144: {  	v6 =	vshrl.u32 v6, $0x3;
	v5 =	vshll.u32 v5, v0;
	[tilespmem:s17+$0x700] =	vst v3  }
0x145: {  	v6 =	vshll.u32 v6, v0;
	v5 =	vadd.s32 $0x7, v5;
	[tilespmem:s17+$0xCEC0] =	vst v3  }
0x146: {  	v6 =	vadd.s32 $0x6, v6;
	[tilespmem:s17+$0xCED0] =	vst v3  }
0x147: {  	v3 =	vld.idx.msk [tilespmem:v4+s2+$0x0], $0xffff;
	_ =	sdelay $0x2  }
0x148: {  	v4 =	vbroadcast v2, $0x0;
	v2 =	vmov v6;
	_ =	sdelay $0x2  }
0x149: {  	[tilespmem:s17+$0x710] =	vst v3  }
0x14a: {  	[tilespmem:s17+$0xCEE0] =	vst v3  }
0x14b: {  	[tilespmem:s17+$0xCEF0] =	vst v3  }
0x14c: {  	v3 =	vld.idx.msk [tilespmem:v4+s2+$0x0], $0xffff;
	_ =	sdelay $0x2  }
0x14d: {  	v4 =	vbroadcast v1, $0x0;
	v1 =	vmov v5;
	_ =	sdelay $0x2  }
0x14e: {  	[tilespmem:s17+$0x720] =	vst v3  }
0x14f: {  	[tilespmem:s17+$0xCF00] =	vst v3  }
0x150: {  	s21 =	sadd.s32 $0xFFFFFFF1, s18;
	[tilespmem:s17+$0xCF10] =	vst v3  }
0x151: {  	v3 =	vmov s21;
	v4 =	vld.idx.msk [tilespmem:v4+s2+$0x0], $0xffff  }
0x152: {  	v3 =	vshrl.u32 v3, $0x3  }
0x153: {  	v3 =	vshll.u32 v3, v0  }
0x154: {  	v3 =	vbroadcast v3, $0x0;
	_ =	sdelay $0x2  }
0x155: {  	[tilespmem:s17+$0x730] =	vst v4  }
0x156: {  	s21 =	sadd.s32 $0xFFFFFFF2, s18;
	[tilespmem:s17+$0xCF30] =	vst v4  }
0x157: {  	v5 =	vmov s21;
	[tilespmem:s17+$0xCF20] =	vst v4  }
0x158: {  	v4 =	vshrl.u32 v5, $0x3;
	v3 =	vld.idx.msk [tilespmem:v3+s2+$0x0], $0xffff  }
0x159: {  	v4 =	vshll.u32 v4, v0  }
0x15a: {  	v4 =	vadd.s32 $0x1, v4  }
0x15b: {  	v4 =	vbroadcast v4, $0x0;
	_ =	sdelay $0x1  }
0x15c: {  	s17 =	sshra.s32 s20, $0x2  }
0x15d: {  	[tilespmem:s17+$0x6A50] =	vst v3  }
0x15e: {  	s20 =	sadd.s32 $0xFFFFFFF3, s18;
	[tilespmem:s17+$0x640] =	vst v3  }
0x15f: {  	[tilespmem:s17+$0x6A40] =	vst v3;
	v3 =	vmov s20  }
0x160: {  	v4 =	vld.idx.msk [tilespmem:v4+s2+$0x0], $0xffff;
	v3 =	vshrl.u32 v3, $0x3  }
0x161: {  	v3 =	vshll.u32 v3, v0  }
0x162: {  	v3 =	vadd.s32 $0x2, v3  }
0x163: {  	v3 =	vbroadcast v3, $0x0;
	_ =	sdelay $0x2  }
0x164: {  	[tilespmem:s17+$0x650] =	vst v4  }
0x165: {  	s20 =	sadd.s32 $0xFFFFFFF4, s18;
	[tilespmem:s17+$0x6A60] =	vst v4  }
0x166: {  	[tilespmem:s17+$0x6A70] =	vst v4;
	v4 =	vmov s20  }
0x167: {  	v3 =	vld.idx.msk [tilespmem:v3+s2+$0x0], $0xffff;
	v4 =	vshrl.u32 v4, $0x3  }
0x168: {  	v4 =	vshll.u32 v4, v0  }
0x169: {  	v4 =	vadd.s32 $0x3, v4  }
0x16a: {  	v4 =	vbroadcast v4, $0x0;
	_ =	sdelay $0x2  }
0x16b: {  	[tilespmem:s17+$0x660] =	vst v3  }
0x16c: {  	s20 =	sadd.s32 $0xFFFFFFF5, s18;
	[tilespmem:s17+$0x6A80] =	vst v3  }
0x16d: {  	[tilespmem:s17+$0x6A90] =	vst v3;
	v3 =	vmov s20  }
0x16e: {  	v4 =	vld.idx.msk [tilespmem:v4+s2+$0x0], $0xffff;
	v3 =	vshrl.u32 v3, $0x3  }
0x16f: {  	v3 =	vshll.u32 v3, v0  }
0x170: {  	v3 =	vadd.s32 $0x4, v3  }
0x171: {  	v3 =	vbroadcast v3, $0x0;
	_ =	sdelay $0x2  }
0x172: {  	[tilespmem:s17+$0x6AA0] =	vst v4  }
0x173: {  	s20 =	sadd.s32 $0xFFFFFFF6, s18;
	[tilespmem:s17+$0x670] =	vst v4  }
0x174: {  	[tilespmem:s17+$0x6AB0] =	vst v4;
	v4 =	vmov s20  }
0x175: {  	v3 =	vld.idx.msk [tilespmem:v3+s2+$0x0], $0xffff;
	v4 =	vshrl.u32 v4, $0x3  }
0x176: {  	v4 =	vshll.u32 v4, v0  }
0x177: {  	v4 =	vadd.s32 $0x5, v4  }
0x178: {  	v4 =	vbroadcast v4, $0x0;
	_ =	sdelay $0x2  }
0x179: {  	[tilespmem:s17+$0xCE40] =	vst v3  }
0x17a: {  	s20 =	sadd.s32 $0xFFFFFFF7, s18;
	[tilespmem:s17+$0x680] =	vst v3  }
0x17b: {  	[tilespmem:s17+$0xCE50] =	vst v3;
	v3 =	vmov s20  }
0x17c: {  	v4 =	vld.idx.msk [tilespmem:v4+s2+$0x0], $0xffff;
	v3 =	vshrl.u32 v3, $0x3  }
0x17d: {  	v3 =	vshll.u32 v3, v0  }
0x17e: {  	v3 =	vadd.s32 $0x6, v3  }
0x17f: {  	v3 =	vbroadcast v3, $0x0;
	_ =	sdelay $0x2  }
0x180: {  	[tilespmem:s17+$0xCE60] =	vst v4  }
0x181: {  	s20 =	sadd.s32 $0xFFFFFFF8, s18;
	[tilespmem:s17+$0x690] =	vst v4  }
0x182: {  	[tilespmem:s17+$0xCE70] =	vst v4;
	v4 =	vmov s20  }
0x183: {  	v3 =	vld.idx.msk [tilespmem:v3+s2+$0x0], $0xffff;
	v4 =	vshrl.u32 v4, $0x3  }
0x184: {  	v4 =	vshll.u32 v4, v0  }
0x185: {  	v4 =	vadd.s32 $0x7, v4  }
0x186: {  	v4 =	vbroadcast v4, $0x0;
	_ =	sdelay $0x2  }
0x187: {  	[tilespmem:s17+$0x6A0] =	vst v3  }
0x188: {  	[tilespmem:s17+$0xCE80] =	vst v3  }
0x189: {  	s20 =	sadd.s32 $0xFFFFFFF9, s18;
	[tilespmem:s17+$0xCE90] =	vst v3  }
0x18a: {  	v3 =	vld.idx.msk [tilespmem:v4+s2+$0x0], $0xffff;
	v4 =	vmov s20  }
0x18b: {  	v4 =	vshrl.u32 v4, $0x3  }
0x18c: {  	v4 =	vshll.u32 v4, v0  }
0x18d: {  	v4 =	vbroadcast v4, $0x0;
	_ =	sdelay $0x2  }
0x18e: {  	[tilespmem:s17+$0xCEA0] =	vst v3  }
0x18f: {  	s20 =	sadd.s32 $0xFFFFFFFA, s18;
	[tilespmem:s17+$0x6B0] =	vst v3  }
0x190: {  	[tilespmem:s17+$0xCEB0] =	vst v3;
	v3 =	vmov s20  }
0x191: {  	v4 =	vld.idx.msk [tilespmem:v4+s2+$0x0], $0xffff;
	v3 =	vshrl.u32 v3, $0x3  }
0x192: {  	v3 =	vshll.u32 v3, v0  }
0x193: {  	v3 =	vadd.s32 $0x1, v3  }
0x194: {  	v3 =	vbroadcast v3, $0x0;
	_ =	sdelay $0x2  }
0x195: {  	[tilespmem:s17+$0x6AD0] =	vst v4  }
0x196: {  	s20 =	sadd.s32 $0xFFFFFFFB, s18;
	[tilespmem:s17+$0x6C0] =	vst v4  }
0x197: {  	[tilespmem:s17+$0x6AC0] =	vst v4;
	v4 =	vmov s20  }
0x198: {  	v3 =	vld.idx.msk [tilespmem:v3+s2+$0x0], $0xffff;
	v4 =	vshrl.u32 v4, $0x3  }
0x199: {  	v4 =	vshll.u32 v4, v0  }
0x19a: {  	v4 =	vadd.s32 $0x2, v4  }
0x19b: {  	v4 =	vbroadcast v4, $0x0;
	_ =	sdelay $0x2  }
0x19c: {  	[tilespmem:s17+$0x6D0] =	vst v3  }
0x19d: {  	s20 =	sadd.s32 $0xFFFFFFFC, s18;
	[tilespmem:s17+$0x6AE0] =	vst v3  }
0x19e: {  	[tilespmem:s17+$0x6AF0] =	vst v3;
	v3 =	vmov s20  }
0x19f: {  	v4 =	vld.idx.msk [tilespmem:v4+s2+$0x0], $0xffff;
	v3 =	vshrl.u32 v3, $0x3  }
0x1a0: {  	v3 =	vshll.u32 v3, v0  }
0x1a1: {  	v3 =	vadd.s32 $0x3, v3  }
0x1a2: {  	v3 =	vbroadcast v3, $0x0;
	_ =	sdelay $0x2  }
0x1a3: {  	[tilespmem:s17+$0x6B00] =	vst v4  }
0x1a4: {  	s20 =	sadd.s32 $0xFFFFFFFD, s18;
	[tilespmem:s17+$0x6E0] =	vst v4  }
0x1a5: {  	[tilespmem:s17+$0x6B10] =	vst v4;
	v4 =	vmov s20  }
0x1a6: {  	v3 =	vld.idx.msk [tilespmem:v3+s2+$0x0], $0xffff;
	v4 =	vshrl.u32 v4, $0x3  }
0x1a7: {  	v4 =	vshll.u32 v4, v0  }
0x1a8: {  	v4 =	vadd.s32 $0x4, v4  }
0x1a9: {  	v4 =	vbroadcast v4, $0x0;
	_ =	sdelay $0x2  }
0x1aa: {  	[tilespmem:s17+$0x6F0] =	vst v3  }
.Ltmp1:
0x1ab: {  	s20 =	sadd.s32 $0xFFFFFFFE, s18;
	[tilespmem:s17+$0x6B20] =	vst v3;
	(pc) =	sbr.rel @p0 .LBB2_4-.Ltmp1, $4  }
0x1ac: {  	v5 =	vmov s20;
	[tilespmem:s17+$0x6B30] =	vst v3  }
0x1ad: {  	v3 =	vld.idx.msk [tilespmem:v4+s2+$0x0], $0xffff;
	v4 =	vshrl.u32 v5, $0x3  }
0x1ae: {  	v4 =	vshll.u32 v4, v0  }
0x1af: {  	v4 =	vadd.s32 $0x5, v4  }
0x1b0: {  	v4 =	vbroadcast v4, $0x0;
	_ =	sdelay $0x2  }
0x1b1: {  	[tilespmem:s17+$0x700] =	vst v3  }
0x1b2: {  	[tilespmem:s17+$0xCEC0] =	vst v3  }
0x1b3: {  	[tilespmem:s17+$0xCED0] =	vst v3  }
0x1b4: {  	v3 =	vld.idx.msk [tilespmem:v4+s2+$0x0], $0xffff;
	_ =	sdelay $0x1  }
0x1b5: {  	v2 =	vbroadcast v2, $0x0;
	_ =	sdelay $0x2  }
0x1b6: {  	[tilespmem:s17+$0x710] =	vst v3  }
0x1b7: {  	[tilespmem:s17+$0xCEE0] =	vst v3  }
0x1b8: {  	[tilespmem:s17+$0xCEF0] =	vst v3  }
0x1b9: {  	v2 =	vld.idx.msk [tilespmem:v2+s2+$0x0], $0xffff;
	_ =	sdelay $0x1  }
0x1ba: {  	v1 =	vbroadcast v1, $0x0;
	_ =	sdelay $0x2  }
0x1bb: {  	[tilespmem:s17+$0x720] =	vst v2  }
0x1bc: {  	[tilespmem:s17+$0xCF00] =	vst v2  }
0x1bd: {  	[tilespmem:s17+$0xCF10] =	vst v2  }
0x1be: {  	v1 =	vld.idx.msk [tilespmem:v1+s2+$0x0], $0xffff;
	_ =	sdelay $0x4  }
0x1bf: {  	[tilespmem:s17+$0x730] =	vst v1  }
0x1c0: {  	[tilespmem:s17+$0xCF30] =	vst v1  }
0x1c1: {  	[tilespmem:s17+$0xCF20] =	vst v1  }
0x1c2: {  	[hbm4b:s8+s2] =	stream.linear.scatter [tilespmem:s13], [sflag:$0x1], $0x6400, $0x38;
	[tilespmem:$0x13240] =	vst v63  }
0x1c3: {  	_ =	swait.ge [sflag:s12], $0x6400  }
0x1c4: {  	[sflag:s12] =	ssyncset.done $0x0  }
0x1c5: {  	[sflag:s12] =	ssyncadd.s32 $0xFFFF9C00  }
0x1c6: {  	[hbm4b:s9+s2] =	stream.linear.scatter [tilespmem:s14], [sflag:$0x1], $0x6400, $0x38;
	[tilespmem:$0x13240] =	vst v63  }
0x1c7: {  	s16 =	sadd.s32 $0x1, s16;
	_ =	swait.ge [sflag:s12], $0x6400  }
0x1c8: {  	p0 =	sne.s32 s16, s11;
	[sflag:s12] =	ssyncset.done $0x0  }
.Ltmp2:
0x1c9: {  	[sflag:s12] =	ssyncadd.s32 $0xFFFF9C00;
	(pc) =	sbr.rel @p0 .LBB2_1-.Ltmp2, $4  }
0x1ca: {  	[hbm4b:s10+s2] =	stream.linear.scatter [tilespmem:s15], [sflag:$0x1], $0x6400, $0x38;
	[tilespmem:$0x13240] =	vst v63  }
0x1cb: {  	_ =	swait.ge [sflag:s12], $0x6400  }
0x1cc: {  	[sflag:s12] =	ssyncset.done $0x0  }
0x1cd: {  	[sflag:s12] =	ssyncadd.s32 $0xFFFF9C00  }
0x1ce: {  	_ =	sfence.sel $0x180000  }
0x1cf: {  	[bflag:$0x0] =	sbarrier.arrive $0xFFFF  }
0x1d0: {  	p0 =	sne.s32 s1, $0x0;
	_ =	strace $0x9000004D  }
0x1d1: {  	s0 =	sadd.s32 @!p0 $0x100000, s0;
	[bflag:$0x2] =	sbarrier.arrive $0xFFFF  }
0x1d2: {  	[sflag:s0] =	ssyncadd.tile.s32 @!p0 $0x1;
	_ =	shalt  }
.Lfunc_end2:
_tile_overlayer_lowered:
.L_overlay_start_2:
0x1d3: {  	(tag) =	ssettag $0x2  }
0x1d4: {  	s0 =	rddreg [dreg:$0x0];
	s2 =	stileid.u32  }
0x1d5: {  	s1 =	rddreg [dreg:$0x1];
	p0 =	sne.s32 s2, $0x0  }
0x1d6: {  	s3 =	rddreg [dreg:$0x2];
	[bflag:$0x3] =	sbarrier.arrive $0xFFFF;
	s2 =	simm.s32 @!p0 $0x1C01  }
0x1d7: {  	[timem:s3], [sflag:s2] =	dma.local @!p0 [hbm:s0], s1  }
0x1d8: {  	s0 =	simm.s32 @!p0 $0x1  }
0x1d9: {  	_ =	swait.ge @!p0 [sflag:s0], s1  }
0x1da: {  	s1 =	ssub.s32 @!p0 $0x0, s1;
	[sflag:s0] =	ssyncset.done @!p0 $0x0  }
0x1db: {  	[sflag:s0] =	ssyncadd.s32 @!p0 s1  }
0x1dc: {  	[bflag:$0x3] =	sbarrier.arrive $0xFFFF  }
0x1dd: {  	_ =	shalt  }

// kernel: kernel.16.cloned.1.call-start
scs
__scs_entry_jumppad:
0x0: {  	(pc) =	sbr.rel $0x88, $3  }
0x1: {  	(tag) =	ssettag $0x0;
	lr =	simm.s32 $0x1  }
0x2: {  	[smem:$0x3F9B] =	sst lr;
	_ =	strace $0xD0000000  }
0x3: {  	_ = 	snop  }
0x4: {  	_ = 	snop  }
0x5: {  	_ = 	snop  }
0x6: {  	_ = 	snop  }
0x7: {  	_ = 	snop  }
__scs_overlays_trampoline_lowered:
0x8: {  	[smem:$0x3FAA] =	sst s0  }
0x9: {  	[smem:$0x3FAB] =	sst s1  }
0xa: {  	[smem:$0x3FAC] =	sst s2  }
0xb: {  	[smem:$0x3FAD] =	sst s3  }
0xc: {  	[smem:$0x3FAE] =	sst s4  }
0xd: {  	[smem:$0x3FAF] =	sst s5  }
0xe: {  	[smem:$0x3FB0] =	sst s6  }
0xf: {  	[smem:$0x3FB1] =	sst s7  }
0x10: {  	[smem:$0x3FB2] =	sst s8  }
0x11: {  	[smem:$0x3FB3] =	sst s9;
	s0 =	simm.s32 @!p0 $0x0  }
0x12: {  	s1 =	sld [smem:$0x3F99];
	s0 =	simm.s32 @p0 $0x1  }
0x13: {  	[smem:$0x3FB4] =	sst s0;
	s0 =	simm.s32 @!p1 $0x0  }
0x14: {  	s2 =	sld [smem:$0x3F98];
	s0 =	simm.s32 @p1 $0x1  }
0x15: {  	[smem:$0x3FB5] =	sst s0;
	s0 =	simm.s32 @!p2 $0x0  }
0x16: {  	s3 =	sld [smem:$0x3FDB];
	s0 =	simm.s32 @p2 $0x1  }
0x17: {  	s4 =	simm.s32 $0x1BF5;
	[smem:$0x3FB7] =	sst s0  }
0x18: {  	s0 =	sld [smem:$0x3F9A];
	_ =	swait.ge [sflag:s4], $0x0  }
0x19: {  	s7 =	sld [smem:$0x3F9B]  }
0x1a: {  	s8 =	sadd.s32 $0xFFFFE003, lr  }
0x1b: {  	s9 =	sadd.s32 $0xFFFFFEF7, lr;
	s5 =	simm.s32 $0xFFFFFFFF;
	p2 =	slt.u32 s8, $0xFFFFF086  }
0x1c: {  	p1 =	slt.u32 s9, $0xF7A;
	s5 =	simm.s32 @!p2 $0x0  }
0x1d: {  	s5 =	simm.s32 @p1 $0x1;
	p0 =	seq.s32 s7, s2  }
0x1e: {  	s7 =	smul.u32 @!p0 $0xF7A, s2;
	p2 =	seq.s32 @!p0 s5, $0x0  }
0x1f: {  	s9 =	smul.u32 $0xF7A, s1;
	s8 =	simm.s32 @!p0 $0x1BF5;
	p2 =	por !p2, p0  }
0x20: {  	[sflag:s8] =	ssyncset.s32 @!p0 $0xFFFFF086;
	s6 =	sadd.s32 @!p0 s3, s7;
	s7 =	simm.s32 @!p0 $0x108  }
0x21: {  	s3 =	sadd.s32 s3, s9;
	s6 =	sadd.s32 @!p0 $0x88, s6;
	s7 =	simm.s32 @p2 $0x1082  }
0x22: {  	[simem:s7], [sflag:s8] =	dma.local @!p0 [hbm:s6], $0xF7A  }
0x23: {  	s9 =	sor.u32 $0xD0000000, s2;
	s6 =	simm.s32 $0x108;
	_ =	swait.ge @!p0 [sflag:s8], $0x0  }
0x24: {  	s3 =	sadd.s32 $0x88, s3;
	s6 =	simm.s32 @!p1 $0x1082;
	[sflag:s4] =	ssyncset.s32 $0xFFFFF086  }
0x25: {  	[simem:s6], [sflag:s4] =	dma.local [hbm:s3], $0xF7A  }
0x26: {  	[smem:$0x3F9B] =	sst s1;
	(tag) =	ssettag s2;
	_ =	strace s9  }
0x27: {  	s1 =	sld [smem:$0x3FAB]  }
0x28: {  	s2 =	sld [smem:$0x3FAC]  }
0x29: {  	s4 =	sld [smem:$0x3FAE]  }
0x2a: {  	p0 =	seq.s32 s5, $0x0;
	s5 =	sld [smem:$0x3FAF]  }
0x2b: {  	s6 =	sld [smem:$0x3FB0]  }
0x2c: {  	s7 =	sld [smem:$0x3FB1]  }
0x2d: {  	s3 =	simm.s32 $0x108;
	s8 =	sld [smem:$0x3FB2]  }
0x2e: {  	s3 =	simm.s32 @!p0 $0x1082;
	s9 =	sld [smem:$0x3FB3]  }
0x2f: {  	lr =	sadd.s32 s0, s3;
	s0 =	sld [smem:$0x3FAA]  }
0x30: {  	s3 =	sld [smem:$0x3FAD]  }
0x31: {  	[smem:$0x3FB6] =	sst s10  }
0x32: {  	s10 =	sld [smem:$0x3FB4];
	_ =	sdelay $0x3  }
0x33: {  	p0 =	seq.s32 s10, $0x1;
	s10 =	sld [smem:$0x3FB6];
	_ =	sdelay $0x3  }
0x34: {  	[smem:$0x3FB6] =	sst s10  }
0x35: {  	s10 =	sld [smem:$0x3FB5];
	_ =	sdelay $0x3  }
0x36: {  	p1 =	seq.s32 s10, $0x1;
	s10 =	sld [smem:$0x3FB6];
	_ =	sdelay $0x3  }
0x37: {  	[smem:$0x3FB6] =	sst s10  }
0x38: {  	s10 =	sld [smem:$0x3FB7]  }
0x39: {  	_ = 	snop;
	(pc) =	sbr.ind lr, $3  }
0x3a: {  	_ = 	snop  }
0x3b: {  	_ = 	snop  }
0x3c: {  	p2 =	seq.s32 s10, $0x1;
	s10 =	sld [smem:$0x3FB6]  }
0x3d: {  	_ =	shalt  }
0x3e: {  	_ =	shalt  }
0x3f: {  	_ =	shalt  }
0x40: {  	_ =	shalt  }
0x41: {  	_ =	shalt  }
0x42: {  	_ =	shalt  }
0x43: {  	_ =	shalt  }
0x44: {  	_ =	shalt  }
0x45: {  	_ =	shalt  }
0x46: {  	_ =	shalt  }
0x47: {  	_ =	shalt  }
0x48: {  	_ =	shalt  }
0x49: {  	_ =	shalt  }
0x4a: {  	_ =	shalt  }
0x4b: {  	_ =	shalt  }
0x4c: {  	_ =	shalt  }
0x4d: {  	_ =	shalt  }
0x4e: {  	_ =	shalt  }
0x4f: {  	_ =	shalt  }
0x50: {  	_ =	shalt  }
0x51: {  	_ =	shalt  }
0x52: {  	_ =	shalt  }
0x53: {  	_ =	shalt  }
0x54: {  	_ =	shalt  }
0x55: {  	_ =	shalt  }
0x56: {  	_ =	shalt  }
0x57: {  	_ =	shalt  }
0x58: {  	_ =	shalt  }
0x59: {  	_ =	shalt  }
0x5a: {  	_ =	shalt  }
0x5b: {  	_ =	shalt  }
0x5c: {  	_ =	shalt  }
0x5d: {  	_ =	shalt  }
0x5e: {  	_ =	shalt  }
0x5f: {  	_ =	shalt  }
0x60: {  	_ =	shalt  }
0x61: {  	_ =	shalt  }
0x62: {  	_ =	shalt  }
0x63: {  	_ =	shalt  }
0x64: {  	_ =	shalt  }
0x65: {  	_ =	shalt  }
0x66: {  	_ =	shalt  }
0x67: {  	_ =	shalt  }
0x68: {  	_ =	shalt  }
0x69: {  	_ =	shalt  }
0x6a: {  	_ =	shalt  }
0x6b: {  	_ =	shalt  }
0x6c: {  	_ =	shalt  }
0x6d: {  	_ =	shalt  }
0x6e: {  	_ =	shalt  }
0x6f: {  	_ =	shalt  }
0x70: {  	_ =	shalt  }
0x71: {  	_ =	shalt  }
0x72: {  	_ =	shalt  }
0x73: {  	_ =	shalt  }
0x74: {  	_ =	shalt  }
0x75: {  	_ =	shalt  }
0x76: {  	_ =	shalt  }
0x77: {  	_ =	shalt  }
0x78: {  	_ =	shalt  }
0x79: {  	_ =	shalt  }
0x7a: {  	_ =	shalt  }
0x7b: {  	_ =	shalt  }
0x7c: {  	_ =	shalt  }
0x7d: {  	_ =	shalt  }
0x7e: {  	_ =	shalt  }
0x7f: {  	_ =	shalt  }
0x80: {  	_ =	shalt  }
0x81: {  	_ =	shalt  }
0x82: {  	_ =	shalt  }
0x83: {  	_ =	shalt  }
0x84: {  	_ =	shalt  }
0x85: {  	_ =	shalt  }
0x86: {  	_ =	shalt  }
0x87: {  	_ =	shalt  }
.Lfunc_end0:
.L_simem_size_0:
called_computation.2_lowered:
.L_overlay_start_0:
0x88: {  	s2 =	sld [smem:$0x3FD9]  }
0x89: {  	s3 =	sld [smem:$0x3FFE];
	_ =	sdelay $0x1  }
0x8a: {  	s1 =	srdreg.scid  }
0x8b: {  	s0 =	sand.u32 $0x1, s1  }
0x8c: {  	s16 =	sshll.u32 s0, $0xA;
	s2 =	sadd.s32 s3, s2  }
0x8d: {  	s2 =	sadd.s32 s2, s16  }
0x8e: {  	[smem:$0x3FC2] =	sst s2  }
0x8f: {  	_ = 	snop  }
0x90: {  	(tm) =	ssettm $0x1  }
0x91: {  	s17 =	sld [smem:$0x3FFB];
	_ =	sdelay $0x3  }
0x92: {  	_ =	strace s17  }
0x93: {  	s2 =	sld [smem:$0x3FFC];
	_ =	sdelay $0x3  }
0x94: {  	_ =	strace s2  }
0x95: {  	s2 =	sld [smem:$0x3FFD];
	_ =	sdelay $0x3  }
0x96: {  	_ =	strace s2  }
0x97: {  	_ =	strace $0x8FFFFFFF  }
0x98: {  	s18 =	sld [smem:$0x3FDB];
	_ =	sdelay $0x1  }
0x99: {  	s19 =	simm.s32 $_scs_section_size  }
0x9a: {  	s4 =	simm.s32 $_size__tile_overlayer_lowered;
	s5 =	simm.s32 $_tile_overlayer_lowered  }
0x9b: {  	s22 =	simm.s32 $0x1BFF;
	s21 =	sshll.u32 s5, $0x1;
	s2 =	sadd.s32 s19, s18  }
0x9c: {  	s6 =	simm.s32 $0x0;
	s20 =	sshll.u32 s4, $0x1;
	s4 =	sadd.s32 s21, s2  }
0x9d: {  	[timem:s6], [sflag:s22] =	dma.local [hbm:s4], s20  }
0x9e: {  	_ =	swait.ge [sflag:s22], s20  }
0x9f: {  	s3 =	ssub.s32 $0x0, s20;
	[sflag:s22] =	ssyncset.done $0x0  }
0xa0: {  	[sflag:s22] =	ssyncadd.s32 s3;
	_ =	sdelay $0x1  }
0xa1: {  	s23 =	simm.s32 $0x1B8B  }
0xa2: {  	_ =	swait.ge [sflag:s23], $0x1  }
0xa3: {  	[sflag:s23] =	ssyncset.done $0x0  }
0xa4: {  	s25 =	simm.s32 $0x1B8E;
	s24 =	sld [smem:$0x3FFE];
	[sflag:s23] =	ssyncadd.s32 $0xFFFFFFFF  }
0xa5: {  	s26 =	simm.s32 $execute0_lowered;
	[smem:$0x3FD2] =	sst s25  }
0xa6: {  	s4 =	sshll.u32 s26, $0x1;
	_ =	strace $0x80000049;
	[dreg:$0x1] =	wrdreg $0xFFFFFFFF  }
0xa7: {  	s28 =	simm.s32 $_size_execute0_lowered;
	s2 =	sadd.s32 s2, s4;
	[dreg:$0x0] =	wrdreg $0x0  }
0xa8: {  	s4 =	sshll.u32 s28, $0x1;
	[dreg:$0x2] =	wrdreg s2  }
0xa9: {  	[dreg:$0x3] =	wrdreg s4  }
0xaa: {  	[dreg:$0x4] =	wrdreg $0xC0  }
0xab: {  	_ =	task [dreg:s6], $0x5FFFF  }
0xac: {  	[dreg:$0x1] =	wrdreg $0xFFFFFFFF  }
0xad: {  	[dreg:$0x0] =	wrdreg $0x60  }
0xae: {  	[dreg:$0x2] =	wrdreg s24  }
0xaf: {  	[dreg:$0x3] =	wrdreg $0x48000  }
0xb0: {  	[dreg:$0x4] =	wrdreg $0xA  }
0xb1: {  	_ =	task.clear_ibuf [dreg:s6], $0x5FFFF;
	_ =	strace $0x90000049  }
0xb2: {  	s29 =	simm.s32 $0xA;
	_ =	strace $0x8000004B  }
0xb3: {  	_ =	swait.ge [sflag:s29], $0x1  }
0xb4: {  	[sflag:s29] =	ssyncadd.s32 $0xFFFFFFFF  }
0xb5: {  	_ =	strace $0x9000004B  }
0xb6: {  	_ =	sfence  }
0xb7: {  	s30 =	sld [smem:$0x0];
	_ =	sdelay $0x2  }
0xb8: {  	s31 =	sshll.u32 s1, $0xD;
	s1 =	sshrl.u32 s1, $0x2  }
0xb9: {  	s3 =	sand.u32 $0x4000, s31;
	s1 =	sadd.s32 s1, s30  }
0xba: {  	s0 =	sor.u32 s3, s0;
	s1 =	sshll.u32 s1, $0x11  }
0xbb: {  	s0 =	sor.u32 s1, s0  }
0xbc: {  	s0 =	sadd.s32 $0x8F2B, s0  }
0xbd: {  	[sflag:s0] =	ssyncadd.remote.s32 $0x1  }
0xbe: {  	_ =	sfence.sel $0xFFFF  }
0xbf: {  	[dreg:$0x0] =	wrdreg $0xFFFFFFFF;
	(pc) =	sbr.abs _section_cstart, $3  }
0xc0: {  	[dreg:$0x1] =	wrdreg $0xFFFFFFFF  }
0xc1: {  	_ =	task.clear_ibuf [dreg:s6], $0x2FFFF;
	_ =	strace $0x9FFFFFFF  }
0xc2: {  	(tm) =	ssettm $0x7FFFFFFF  }
0xc3: {  	_ =	shalt  }
tec
execute0_lowered:
.L_overlay_start_1:
0x0: {  	(tag) =	ssettag $0x1  }
0x1: {  	s0 =	rddreg [dreg:$0x0]  }
0x2: {  	s2 =	rddreg [dreg:$0x1];
	s3 =	simm.s32 $0x0;
	s13 =	stileid.u32  }
0x3: {  	s1 =	srdreg.scid;
	s28 =	simm.s32 $0x2800;
	s30 =	simm.s32 $0x3000  }
0x4: {  	s31 =	simm.s32 $0x0;
	[smem:$0x7FF] =	sst s3;
	s5 =	smul.u32 $0x19000, s13  }
0x5: {  	s1 =	sand.u32 $0x1, s1;
	s7 =	sadd.s32 $0x97800, s0;
	s8 =	sadd.s32 $0x2800, s0  }
0x6: {  	s4 =	sadd.s32 $0x33800, s0;
	s18 =	sshll.u32 s13, $0x6;
	s24 =	smul.u32 $0x1880, s13  }
0x7: {  	_ =	strace $0x8000004A;
	s6 =	smul.u32 $0x190000, s1;
	s10 =	sshll.u32 s1, $0x4  }
0x8: {  	s11 =	ssub.s32 $0x2, s1;
	s21 =	smul.u32 $0x18800, s1;
	s9 =	sshrl.u32 s5, $0x3  }
0x9: {  	s10 =	sor.u32 s13, s10;
	s16 =	sshrl.u32 s11, $0x1;
	s9 =	sadd.s32 s9, s0  }
0xa: {  	s6 =	sadd.s32 s5, s6;
	s12 =	smul.u32 $0x1880, s10;
	s17 =	ssub.s32 s11, s16  }
0xb: {  	s5 =	sadd.s32 s5, s2;
	s26 =	sadd.s32 s21, s8;
	s16 =	simm.s32 $0x4  }
0xc: {  	s6 =	sshrl.u32 s6, $0x3;
	s9 =	sadd.s32 $0x65800, s9;
	s22 =	smax.u32 s17, $0x1  }
0xd: {  	s29 =	sadd.s32 s24, s26;
	s15 =	sshrl.u32 s5, $0x3;
	s26 =	simm.s32 $0x600  }
0xe: {  	s0 =	sadd.s32 s6, s0;
	[dreg:$0x3] =	wrdreg s9;
	s6 =	sor.u32 $0x1C04, s18  }
0xf: {  	s19 =	sadd.s32 s7, s12;
	s20 =	sadd.s32 s8, s12;
	[dreg:$0x7] =	wrdreg s22  }
0x10: {  	s23 =	sor.u32 $0x40, s12;
	s13 =	sadd.s32 $0x80, s29;
	[dreg:$0x4] =	wrdreg s19  }
0x11: {  	s18 =	simm.s32 $0x80;
	[dreg:$0x5] =	wrdreg s20;
	s0 =	sadd.s32 $0x258800, s0  }
0x12: {  	s22 =	simm.s32 $0x1800;
	s25 =	sadd.s32 s7, s23;
	[dreg:$0x6] =	wrdreg s0  }
0x13: {  	s1 =	sadd.s32 s8, s23;
	s23 =	simm.s32 $0x2;
	[dreg:$0x8] =	wrdreg s25  }
0x14: {  	s0 =	sadd.s32 s21, s7;
	[dreg:$0x9] =	wrdreg s1;
	s25 =	simm.s32 $0x200  }
0x15: {  	s21 =	simm.s32 $0x4000;
	s1 =	simm.s32 $0x3;
	s0 =	sadd.s32 s24, s0  }
0x16: {  	s24 =	simm.s32 $0x2000;
	s14 =	sadd.s32 $0x80, s0;
	s0 =	simm.s32 $0x3800  }
.LBB2_1:
0x17: {  	s5 =	rddreg [dreg:$0x3]  }
0x18: {  	[spmem:s15], [sflag:s6] =	dma.local [hbm:s5], $0x3200  }
0x19: {  	_ =	swait.ge [sflag:s16], $0x3200  }
0x1a: {  	[sflag:s16] =	ssyncset.done $0x0  }
0x1b: {  	[sflag:s16] =	ssyncadd.s32 $0xFFFFCE00  }
0x1c: {  	[bflag:$0x0] =	sbarrier.arrive $0xFFFF  }
0x1d: {  	s12 =	rddreg [dreg:$0x4]  }
0x1e: {  	[tilespmem:s3], [sflag:$0x4] =	stream.linear.gather [hbm4b:s12+s3], $0x200, $0x38;
	[tilespmem:$0x1D800] =	vst v63  }
0x1f: {  	_ =	swait.ge [sflag:s16], $0x200  }
0x20: {  	[sflag:s16] =	ssyncset.done $0x0  }
0x21: {  	s7 =	simm.s32 $0x400;
	s17 =	rddreg [dreg:$0x5];
	[sflag:s16] =	ssyncadd.s32 $0xFFFFFE00  }
0x22: {  	[tilespmem:s7], [sflag:$0x4] =	stream.linear.gather [hbm4b:s17+s3], $0x200, $0x38;
	[tilespmem:$0x1D800] =	vst v63  }
0x23: {  	_ =	swait.ge [sflag:s16], $0x200  }
0x24: {  	[sflag:s16] =	ssyncset.done $0x0  }
0x25: {  	s8 =	simm.s32 $0x800;
	[sflag:s16] =	ssyncadd.s32 $0xFFFFFE00  }
0x26: {  	[tilespmem:s8], [sflag:$0x1] =	stream.indirect.gather [hbm4b:s4+s18], $0x10, s3, s18, $0xb8;
	[tilespmem:$0x1D800] =	vst v63  }
0x27: {  	s9 =	simm.s32 $0x1000  }
0x28: {  	[tilespmem:s9], [sflag:$0x1] =	stream.indirect.gather [hbm4b:s4+s18], $0x10, s18, s18, $0xb8;
	[tilespmem:$0x1D800] =	vst v63  }
0x29: {  	s19 =	simm.s32 $0x100  }
0x2a: {  	[tilespmem:s22], [sflag:$0x1] =	stream.indirect.gather [hbm4b:s4+s18], $0x10, s19, s18, $0xb8;
	[tilespmem:$0x1D800] =	vst v63  }
0x2b: {  	s20 =	simm.s32 $0x180  }
0x2c: {  	[tilespmem:s24], [sflag:$0x1] =	stream.indirect.gather [hbm4b:s4+s18], $0x10, s20, s18, $0xb8;
	[tilespmem:$0x1D800] =	vst v63  }
0x2d: {  	s10 =	rddreg [dreg:$0x8]  }
0x2e: {  	[tilespmem:s25], [sflag:$0x4] =	stream.linear.gather [hbm4b:s10+s3], $0x200, $0x38;
	[tilespmem:$0x1D800] =	vst v63  }
0x2f: {  	_ =	swait.ge [sflag:s16], $0x200  }
0x30: {  	[sflag:s16] =	ssyncset.done $0x0  }
0x31: {  	s11 =	rddreg [dreg:$0x9];
	[sflag:s16] =	ssyncadd.s32 $0xFFFFFE00  }
0x32: {  	[tilespmem:s26], [sflag:$0x4] =	stream.linear.gather [hbm4b:s11+s3], $0x200, $0x38;
	[tilespmem:$0x1D800] =	vst v63  }
0x33: {  	_ =	swait.ge [sflag:s16], $0x200  }
0x34: {  	[sflag:s16] =	ssyncset.done $0x0  }
0x35: {  	[sflag:s16] =	ssyncadd.s32 $0xFFFFFE00  }
0x36: {  	[tilespmem:s28], [sflag:$0x2] =	stream.indirect.gather [hbm4b:s4+s18], $0x10, s25, s18, $0xb8;
	[tilespmem:$0x1D800] =	vst v63  }
0x37: {  	s12 =	simm.s32 $0x280  }
0x38: {  	[tilespmem:s30], [sflag:$0x2] =	stream.indirect.gather [hbm4b:s4+s18], $0x10, s12, s18, $0xb8;
	[tilespmem:$0x1D800] =	vst v63  }
0x39: {  	s17 =	simm.s32 $0x300  }
0x3a: {  	[tilespmem:s0], [sflag:$0x2] =	stream.indirect.gather [hbm4b:s4+s18], $0x10, s17, s18, $0xb8;
	[tilespmem:$0x1D800] =	vst v63  }
0x3b: {  	s19 =	simm.s32 $0x380;
	s20 =	simm.s32 $0x1  }
0x3c: {  	[tilespmem:s21], [sflag:$0x2] =	stream.indirect.gather [hbm4b:s4+s18], $0x10, s19, s18, $0xb8;
	[tilespmem:$0x1D800] =	vst v63  }
0x3d: {  	_ =	swait.ge [sflag:s20], $0x800  }
0x3e: {  	[sflag:s20] =	ssyncset.done $0x0  }
0x3f: {  	[sflag:s20] =	ssyncadd.s32 $0xFFFFF800  }
0x40: {  	[spmem:s2] =	stream.indirect.scatter.add.f32 [tilespmem:s8], [sflag:$0x3], $0x10, s7, s18, $0xb8;
	[tilespmem:$0x1D800] =	vst v63  }
0x41: {  	_ =	swait.ge [sflag:s20], $0x800  }
0x42: {  	[sflag:s20] =	ssyncset.done $0x0  }
0x43: {  	s8 =	simm.s32 $0x480;
	[sflag:s20] =	ssyncadd.s32 $0xFFFFF800  }
0x44: {  	[spmem:s2] =	stream.indirect.scatter.add.f32 [tilespmem:s9], [sflag:$0x3], $0x10, s8, s18, $0xb8;
	[tilespmem:$0x1D800] =	vst v63  }
0x45: {  	_ =	swait.ge [sflag:s20], $0x800  }
0x46: {  	[sflag:s20] =	ssyncset.done $0x0  }
0x47: {  	s9 =	simm.s32 $0x500;
	[sflag:s20] =	ssyncadd.s32 $0xFFFFF800  }
0x48: {  	[spmem:s2] =	stream.indirect.scatter.add.f32 [tilespmem:s22], [sflag:$0x3], $0x10, s9, s18, $0xb8;
	[tilespmem:$0x1D800] =	vst v63  }
0x49: {  	_ =	swait.ge [sflag:s20], $0x800  }
0x4a: {  	[sflag:s20] =	ssyncset.done $0x0  }
0x4b: {  	s10 =	simm.s32 $0x580;
	[sflag:s20] =	ssyncadd.s32 $0xFFFFF800  }
0x4c: {  	[spmem:s2] =	stream.indirect.scatter.add.f32 [tilespmem:s24], [sflag:$0x3], $0x10, s10, s18, $0xb8;
	[tilespmem:$0x1D800] =	vst v63  }
0x4d: {  	_ =	swait.ge [sflag:s1], $0x800  }
0x4e: {  	[sflag:s1] =	ssyncset.done $0x0  }
0x4f: {  	[sflag:s1] =	ssyncadd.s32 $0xFFFFF800  }
0x50: {  	_ =	swait.ge [sflag:s1], $0x800  }
0x51: {  	[sflag:s1] =	ssyncset.done $0x0  }
0x52: {  	[sflag:s1] =	ssyncadd.s32 $0xFFFFF800  }
0x53: {  	_ =	swait.ge [sflag:s1], $0x800  }
0x54: {  	[sflag:s1] =	ssyncset.done $0x0  }
0x55: {  	[sflag:s1] =	ssyncadd.s32 $0xFFFFF800  }
0x56: {  	s5 =	sand.u32 $0x1, s20;
	_ =	swait.ge [sflag:s1], $0x800  }
0x57: {  	s11 =	sxor.u32 $0x1, s5;
	[sflag:s1] =	ssyncset.done $0x0  }
0x58: {  	s12 =	sshll.u32 s11, $0x9;
	[sflag:s1] =	ssyncadd.s32 $0xFFFFF800  }
0x59: {  	[tilespmem:s12], [sflag:$0x4] =	stream.linear.gather [hbm4b:s14+s3], $0x200, $0x38;
	[tilespmem:$0x1D800] =	vst v63  }
0x5a: {  	_ =	swait.ge [sflag:s16], $0x200  }
0x5b: {  	[sflag:s16] =	ssyncset.done $0x0  }
0x5c: {  	s17 =	sor.u32 $0x400, s12;
	[sflag:s16] =	ssyncadd.s32 $0xFFFFFE00  }
0x5d: {  	[tilespmem:s17], [sflag:$0x4] =	stream.linear.gather [hbm4b:s13+s3], $0x200, $0x38;
	[tilespmem:$0x1D800] =	vst v63  }
0x5e: {  	_ =	swait.ge [sflag:s16], $0x200  }
0x5f: {  	s19 =	sshll.u32 s11, $0xD;
	[sflag:s16] =	ssyncset.done $0x0  }
0x60: {  	s29 =	sor.u32 $0x800, s19;
	s7 =	sadd.s32 $0x1, s11;
	[sflag:s16] =	ssyncadd.s32 $0xFFFFFE00  }
0x61: {  	[tilespmem:s29], [sflag:s7] =	stream.indirect.gather [hbm4b:s4+s18], $0x10, s12, s18, $0xb8;
	[tilespmem:$0x1D800] =	vst v63  }
0x62: {  	s10 =	sor.u32 $0x80, s12;
	s29 =	sor.u32 $0x1000, s19  }
0x63: {  	[tilespmem:s29], [sflag:s7] =	stream.indirect.gather [hbm4b:s4+s18], $0x10, s10, s18, $0xb8;
	[tilespmem:$0x1D800] =	vst v63  }
0x64: {  	s20 =	sor.u32 $0x1800, s19;
	s29 =	sor.u32 $0x100, s12  }
0x65: {  	[tilespmem:s20], [sflag:s7] =	stream.indirect.gather [hbm4b:s4+s18], $0x10, s29, s18, $0xb8;
	[tilespmem:$0x1D800] =	vst v63  }
0x66: {  	s8 =	sor.u32 $0x180, s12;
	s9 =	sadd.s32 $0x2000, s19;
	s10 =	sadd.s32 $0x1, s5  }
0x67: {  	[tilespmem:s9], [sflag:s7] =	stream.indirect.gather [hbm4b:s4+s18], $0x10, s8, s18, $0xb8;
	[tilespmem:$0x1D800] =	vst v63  }
0x68: {  	_ =	swait.ge [sflag:s10], $0x800  }
0x69: {  	s8 =	sshll.u32 s5, $0xD;
	s9 =	sshll.u32 s5, $0x9;
	[sflag:s10] =	ssyncset.done $0x0  }
0x6a: {  	s7 =	sor.u32 $0x800, s8;
	s11 =	sor.u32 $0x400, s9;
	[sflag:s10] =	ssyncadd.s32 $0xFFFFF800  }
0x6b: {  	[spmem:s2] =	stream.indirect.scatter.add.f32 [tilespmem:s7], [sflag:$0x3], $0x10, s11, s18, $0xb8;
	[tilespmem:$0x1D800] =	vst v63  }
0x6c: {  	_ =	swait.ge [sflag:s10], $0x800  }
0x6d: {  	[sflag:s10] =	ssyncset.done $0x0  }
0x6e: {  	s12 =	sor.u32 $0x1000, s8;
	s17 =	sor.u32 $0x480, s9;
	[sflag:s10] =	ssyncadd.s32 $0xFFFFF800  }
0x6f: {  	[spmem:s2] =	stream.indirect.scatter.add.f32 [tilespmem:s12], [sflag:$0x3], $0x10, s17, s18, $0xb8;
	[tilespmem:$0x1D800] =	vst v63  }
0x70: {  	_ =	swait.ge [sflag:s10], $0x800  }
0x71: {  	[sflag:s10] =	ssyncset.done $0x0  }
0x72: {  	s19 =	sor.u32 $0x1800, s8;
	s20 =	sor.u32 $0x500, s9;
	[sflag:s10] =	ssyncadd.s32 $0xFFFFF800  }
0x73: {  	[spmem:s2] =	stream.indirect.scatter.add.f32 [tilespmem:s19], [sflag:$0x3], $0x10, s20, s18, $0xb8;
	[tilespmem:$0x1D800] =	vst v63  }
0x74: {  	s29 =	simm.s32 $0x2;
	_ =	swait.ge [sflag:s10], $0x800  }
0x75: {  	s5 =	sadd.s32 $0x40, s13;
	s8 =	sadd.s32 $0x2000, s8;
	[sflag:s10] =	ssyncset.done $0x0  }
0x76: {  	s9 =	sor.u32 $0x580, s9;
	s7 =	sadd.s32 $0x40, s14;
	[sflag:s10] =	ssyncadd.s32 $0xFFFFF800  }
.LBB2_2:
0x77: {  	[spmem:s2] =	stream.indirect.scatter.add.f32 [tilespmem:s8], [sflag:$0x3], $0x10, s9, s18, $0xb8;
	[tilespmem:$0x1D800] =	vst v63  }
0x78: {  	s8 =	smov.u32 s29  }
0x79: {  	p0 =	sne.s32 s29, $0x60;
	s29 =	sadd.s32 $0x1, s29;
	_ =	swait.ge [sflag:s1], $0x800  }
0x7a: {  	[sflag:s1] =	ssyncset.done $0x0  }
0x7b: {  	[sflag:s1] =	ssyncadd.s32 $0xFFFFF800  }
0x7c: {  	_ =	swait.ge [sflag:s1], $0x800  }
0x7d: {  	[sflag:s1] =	ssyncset.done $0x0  }
0x7e: {  	[sflag:s1] =	ssyncadd.s32 $0xFFFFF800  }
0x7f: {  	_ =	swait.ge [sflag:s1], $0x800  }
0x80: {  	[sflag:s1] =	ssyncset.done $0x0  }
0x81: {  	[sflag:s1] =	ssyncadd.s32 $0xFFFFF800  }
0x82: {  	s10 =	sand.u32 $0x1, s8;
	_ =	swait.ge [sflag:s1], $0x800  }
0x83: {  	s11 =	sxor.u32 $0x1, s10;
	s8 =	sshll.u32 s10, $0xD;
	[sflag:s1] =	ssyncset.done $0x0  }
0x84: {  	s12 =	sshll.u32 s11, $0x9;
	s17 =	sshll.u32 s11, $0xD;
	[sflag:s1] =	ssyncadd.s32 $0xFFFFF800  }
0x85: {  	[tilespmem:s12], [sflag:$0x4] =	stream.linear.gather [hbm4b:s7+s3], $0x200, $0x38;
	[tilespmem:$0x1D800] =	vst v63  }
0x86: {  	s9 =	sshll.u32 s10, $0x9;
	_ =	swait.ge [sflag:s16], $0x200  }
0x87: {  	[sflag:s16] =	ssyncset.done $0x0  }
0x88: {  	s19 =	sor.u32 $0x400, s12;
	[sflag:s16] =	ssyncadd.s32 $0xFFFFFE00  }
0x89: {  	[tilespmem:s19], [sflag:$0x4] =	stream.linear.gather [hbm4b:s5+s3], $0x200, $0x38;
	[tilespmem:$0x1D800] =	vst v63  }
0x8a: {  	_ =	swait.ge [sflag:s16], $0x200  }
0x8b: {  	[sflag:s16] =	ssyncset.done $0x0  }
0x8c: {  	s11 =	sadd.s32 $0x1, s11;
	s19 =	sor.u32 $0x800, s17;
	[sflag:s16] =	ssyncadd.s32 $0xFFFFFE00  }
0x8d: {  	[tilespmem:s19], [sflag:s11] =	stream.indirect.gather [hbm4b:s4+s18], $0x10, s12, s18, $0xb8;
	[tilespmem:$0x1D800] =	vst v63  }
0x8e: {  	s20 =	sor.u32 $0x80, s12;
	s19 =	sor.u32 $0x1000, s17  }
0x8f: {  	[tilespmem:s19], [sflag:s11] =	stream.indirect.gather [hbm4b:s4+s18], $0x10, s20, s18, $0xb8;
	[tilespmem:$0x1D800] =	vst v63  }
0x90: {  	s19 =	sor.u32 $0x1800, s17;
	s20 =	sor.u32 $0x100, s12  }
0x91: {  	[tilespmem:s19], [sflag:s11] =	stream.indirect.gather [hbm4b:s4+s18], $0x10, s20, s18, $0xb8;
	[tilespmem:$0x1D800] =	vst v63  }
0x92: {  	s10 =	sadd.s32 $0x1, s10;
	s17 =	sadd.s32 $0x2000, s17;
	s12 =	sor.u32 $0x180, s12  }
0x93: {  	[tilespmem:s17], [sflag:s11] =	stream.indirect.gather [hbm4b:s4+s18], $0x10, s12, s18, $0xb8;
	[tilespmem:$0x1D800] =	vst v63  }
0x94: {  	_ =	swait.ge [sflag:s10], $0x800  }
0x95: {  	[sflag:s10] =	ssyncset.done $0x0  }
0x96: {  	s11 =	sor.u32 $0x800, s8;
	s12 =	sor.u32 $0x400, s9;
	[sflag:s10] =	ssyncadd.s32 $0xFFFFF800  }
0x97: {  	[spmem:s2] =	stream.indirect.scatter.add.f32 [tilespmem:s11], [sflag:$0x3], $0x10, s12, s18, $0xb8;
	[tilespmem:$0x1D800] =	vst v63  }
0x98: {  	_ =	swait.ge [sflag:s10], $0x800  }
0x99: {  	[sflag:s10] =	ssyncset.done $0x0  }
0x9a: {  	s11 =	sor.u32 $0x1000, s8;
	s12 =	sor.u32 $0x480, s9;
	[sflag:s10] =	ssyncadd.s32 $0xFFFFF800  }
0x9b: {  	[spmem:s2] =	stream.indirect.scatter.add.f32 [tilespmem:s11], [sflag:$0x3], $0x10, s12, s18, $0xb8;
	[tilespmem:$0x1D800] =	vst v63  }
0x9c: {  	_ =	swait.ge [sflag:s10], $0x800  }
0x9d: {  	s11 =	sor.u32 $0x1800, s8;
	[sflag:s10] =	ssyncset.done $0x0  }
.Ltmp0:
0x9e: {  	s12 =	sor.u32 $0x500, s9;
	[sflag:s10] =	ssyncadd.s32 $0xFFFFF800;
	(pc) =	sbr.rel @p0 .LBB2_2-.Ltmp0, $4  }
0x9f: {  	[spmem:s2] =	stream.indirect.scatter.add.f32 [tilespmem:s11], [sflag:$0x3], $0x10, s12, s18, $0xb8;
	[tilespmem:$0x1D800] =	vst v63  }
0xa0: {  	_ =	swait.ge [sflag:s10], $0x800  }
0xa1: {  	s7 =	sadd.s32 $0x40, s7;
	s5 =	sadd.s32 $0x40, s5;
	[sflag:s10] =	ssyncset.done $0x0  }
0xa2: {  	s8 =	sadd.s32 $0x2000, s8;
	s9 =	sor.u32 $0x580, s9;
	[sflag:s10] =	ssyncadd.s32 $0xFFFFF800  }
0xa3: {  	[spmem:s2] =	stream.indirect.scatter.add.f32 [tilespmem:s8], [sflag:$0x3], $0x10, s9, s18, $0xb8;
	[tilespmem:$0x1D800] =	vst v63  }
0xa4: {  	_ =	swait.ge [sflag:s1], $0x800  }
0xa5: {  	[sflag:s1] =	ssyncset.done $0x0  }
0xa6: {  	[sflag:s1] =	ssyncadd.s32 $0xFFFFF800  }
0xa7: {  	_ =	swait.ge [sflag:s1], $0x800  }
0xa8: {  	[sflag:s1] =	ssyncset.done $0x0  }
0xa9: {  	[sflag:s1] =	ssyncadd.s32 $0xFFFFF800  }
0xaa: {  	_ =	swait.ge [sflag:s1], $0x800  }
0xab: {  	[sflag:s1] =	ssyncset.done $0x0  }
0xac: {  	[sflag:s1] =	ssyncadd.s32 $0xFFFFF800  }
0xad: {  	_ =	swait.ge [sflag:s1], $0x800  }
0xae: {  	[sflag:s1] =	ssyncset.done $0x0  }
0xaf: {  	[sflag:s1] =	ssyncadd.s32 $0xFFFFF800  }
0xb0: {  	_ =	swait.ge [sflag:s23], $0x800  }
0xb1: {  	[sflag:s23] =	ssyncset.done $0x0  }
0xb2: {  	[sflag:s23] =	ssyncadd.s32 $0xFFFFF800  }
0xb3: {  	[spmem:s2] =	stream.indirect.scatter.add.f32 [tilespmem:s28], [sflag:$0x3], $0x10, s26, s18, $0xb8;
	[tilespmem:$0x1D800] =	vst v63  }
0xb4: {  	_ =	swait.ge [sflag:s23], $0x800  }
0xb5: {  	[sflag:s23] =	ssyncset.done $0x0  }
0xb6: {  	s5 =	simm.s32 $0x680;
	[sflag:s23] =	ssyncadd.s32 $0xFFFFF800  }
0xb7: {  	[spmem:s2] =	stream.indirect.scatter.add.f32 [tilespmem:s30], [sflag:$0x3], $0x10, s5, s18, $0xb8;
	[tilespmem:$0x1D800] =	vst v63  }
0xb8: {  	_ =	swait.ge [sflag:s23], $0x800  }
0xb9: {  	[sflag:s23] =	ssyncset.done $0x0  }
0xba: {  	s17 =	simm.s32 $0x700;
	[sflag:s23] =	ssyncadd.s32 $0xFFFFF800  }
0xbb: {  	[spmem:s2] =	stream.indirect.scatter.add.f32 [tilespmem:s0], [sflag:$0x3], $0x10, s17, s18, $0xb8;
	[tilespmem:$0x1D800] =	vst v63  }
0xbc: {  	_ =	swait.ge [sflag:s23], $0x800  }
0xbd: {  	[sflag:s23] =	ssyncset.done $0x0  }
0xbe: {  	s19 =	simm.s32 $0x780;
	[sflag:s23] =	ssyncadd.s32 $0xFFFFF800  }
0xbf: {  	[spmem:s2] =	stream.indirect.scatter.add.f32 [tilespmem:s21], [sflag:$0x3], $0x10, s19, s18, $0xb8;
	[tilespmem:$0x1D800] =	vst v63  }
0xc0: {  	_ =	swait.ge [sflag:s1], $0x800  }
0xc1: {  	[sflag:s1] =	ssyncset.done $0x0  }
0xc2: {  	[sflag:s1] =	ssyncadd.s32 $0xFFFFF800  }
0xc3: {  	_ =	swait.ge [sflag:s1], $0x800  }
0xc4: {  	[sflag:s1] =	ssyncset.done $0x0  }
0xc5: {  	[sflag:s1] =	ssyncadd.s32 $0xFFFFF800  }
0xc6: {  	_ =	swait.ge [sflag:s1], $0x800  }
0xc7: {  	[sflag:s1] =	ssyncset.done $0x0  }
0xc8: {  	[sflag:s1] =	ssyncadd.s32 $0xFFFFF800  }
0xc9: {  	_ =	swait.ge [sflag:s1], $0x800  }
0xca: {  	[sflag:s1] =	ssyncset.done $0x0  }
0xcb: {  	[sflag:s1] =	ssyncadd.s32 $0xFFFFF800  }
0xcc: {  	[bflag:$0x0] =	sbarrier.arrive $0xFFFF  }
0xcd: {  	s20 =	rddreg [dreg:$0x6]  }
0xce: {  	[hbm:s20], [sflag:s6] =	dma.local [spmem:s15], $0x3200  }
0xcf: {  	_ =	swait.ge [sflag:s16], $0x3200  }
0xd0: {  	s31 =	sadd.s32 $0x1, s31;
	s29 =	rddreg [dreg:$0x7]  }
0xd1: {  	p0 =	sne.s32 s31, s29  }
.Ltmp1:
0xd2: {  	_ = 	snop;
	(pc) =	sbr.rel @p0 .LBB2_1-.Ltmp1, $3  }
0xd3: {  	_ =	sdelay $0x1  }
0xd4: {  	[sflag:s16] =	ssyncset.done $0x0  }
0xd5: {  	[sflag:s16] =	ssyncadd.s32 $0xFFFFCE00  }
0xd6: {  	_ =	sfence.sel $0x180000  }
0xd7: {  	[bflag:$0x0] =	sbarrier.arrive $0xFFFF  }
0xd8: {  	_ =	strace $0x9000004A  }
0xd9: {  	s0 =	stileid.u32;
	[bflag:$0x2] =	sbarrier.arrive $0xFFFF  }
0xda: {  	p0 =	sne.s32 s0, $0x0;
	s0 =	rddreg [dreg:$0x2]  }
0xdb: {  	s0 =	sadd.s32 @!p0 $0x100000, s0  }
0xdc: {  	[sflag:s0] =	ssyncadd.tile.s32 @!p0 $0x1;
	_ =	shalt  }
.Lfunc_end2:
_tile_overlayer_lowered:
.L_overlay_start_2:
0xdd: {  	(tag) =	ssettag $0x2  }
0xde: {  	s0 =	rddreg [dreg:$0x0];
	s2 =	stileid.u32  }
0xdf: {  	s1 =	rddreg [dreg:$0x1];
	p0 =	sne.s32 s2, $0x0  }
0xe0: {  	s3 =	rddreg [dreg:$0x2];
	[bflag:$0x3] =	sbarrier.arrive $0xFFFF;
	s2 =	simm.s32 @!p0 $0x1C04  }
0xe1: {  	[timem:s3], [sflag:s2] =	dma.local @!p0 [hbm:s0], s1  }
0xe2: {  	s0 =	simm.s32 @!p0 $0x4  }
0xe3: {  	_ =	swait.ge @!p0 [sflag:s0], s1  }
0xe4: {  	s1 =	ssub.s32 @!p0 $0x0, s1;
	[sflag:s0] =	ssyncset.done @!p0 $0x0  }
0xe5: {  	[sflag:s0] =	ssyncadd.s32 @!p0 s1  }
0xe6: {  	[bflag:$0x3] =	sbarrier.arrive $0xFFFF  }
0xe7: {  	_ =	shalt  }

// kernel: kernel.19.cloned.1.call-start
scs
__scs_entry_jumppad:
0x0: {  	(pc) =	sbr.rel $0x88, $3  }
0x1: {  	(tag) =	ssettag $0x0;
	lr =	simm.s32 $0x1  }
0x2: {  	[smem:$0x3F9B] =	sst lr;
	_ =	strace $0xD0000000  }
0x3: {  	_ = 	snop  }
0x4: {  	_ = 	snop  }
0x5: {  	_ = 	snop  }
0x6: {  	_ = 	snop  }
0x7: {  	_ = 	snop  }
__scs_overlays_trampoline_lowered:
0x8: {  	[smem:$0x3FAA] =	sst s0  }
0x9: {  	[smem:$0x3FAB] =	sst s1  }
0xa: {  	[smem:$0x3FAC] =	sst s2  }
0xb: {  	[smem:$0x3FAD] =	sst s3  }
0xc: {  	[smem:$0x3FAE] =	sst s4  }
0xd: {  	[smem:$0x3FAF] =	sst s5  }
0xe: {  	[smem:$0x3FB0] =	sst s6  }
0xf: {  	[smem:$0x3FB1] =	sst s7  }
0x10: {  	[smem:$0x3FB2] =	sst s8  }
0x11: {  	[smem:$0x3FB3] =	sst s9;
	s0 =	simm.s32 @!p0 $0x0  }
0x12: {  	s1 =	sld [smem:$0x3F99];
	s0 =	simm.s32 @p0 $0x1  }
0x13: {  	[smem:$0x3FB4] =	sst s0;
	s0 =	simm.s32 @!p1 $0x0  }
0x14: {  	s2 =	sld [smem:$0x3F98];
	s0 =	simm.s32 @p1 $0x1  }
0x15: {  	[smem:$0x3FB5] =	sst s0;
	s0 =	simm.s32 @!p2 $0x0  }
0x16: {  	s3 =	sld [smem:$0x3FDB];
	s0 =	simm.s32 @p2 $0x1  }
0x17: {  	s4 =	simm.s32 $0x1BF5;
	[smem:$0x3FB7] =	sst s0  }
0x18: {  	s0 =	sld [smem:$0x3F9A];
	_ =	swait.ge [sflag:s4], $0x0  }
0x19: {  	s7 =	sld [smem:$0x3F9B]  }
0x1a: {  	s8 =	sadd.s32 $0xFFFFE003, lr  }
0x1b: {  	s9 =	sadd.s32 $0xFFFFFEF7, lr;
	s5 =	simm.s32 $0xFFFFFFFF;
	p2 =	slt.u32 s8, $0xFFFFF086  }
0x1c: {  	p1 =	slt.u32 s9, $0xF7A;
	s5 =	simm.s32 @!p2 $0x0  }
0x1d: {  	s5 =	simm.s32 @p1 $0x1;
	p0 =	seq.s32 s7, s2  }
0x1e: {  	s7 =	smul.u32 @!p0 $0xF7A, s2;
	p2 =	seq.s32 @!p0 s5, $0x0  }
0x1f: {  	s9 =	smul.u32 $0xF7A, s1;
	s8 =	simm.s32 @!p0 $0x1BF5;
	p2 =	por !p2, p0  }
0x20: {  	[sflag:s8] =	ssyncset.s32 @!p0 $0xFFFFF086;
	s6 =	sadd.s32 @!p0 s3, s7;
	s7 =	simm.s32 @!p0 $0x108  }
0x21: {  	s3 =	sadd.s32 s3, s9;
	s6 =	sadd.s32 @!p0 $0x88, s6;
	s7 =	simm.s32 @p2 $0x1082  }
0x22: {  	[simem:s7], [sflag:s8] =	dma.local @!p0 [hbm:s6], $0xF7A  }
0x23: {  	s9 =	sor.u32 $0xD0000000, s2;
	s6 =	simm.s32 $0x108;
	_ =	swait.ge @!p0 [sflag:s8], $0x0  }
0x24: {  	s3 =	sadd.s32 $0x88, s3;
	s6 =	simm.s32 @!p1 $0x1082;
	[sflag:s4] =	ssyncset.s32 $0xFFFFF086  }
0x25: {  	[simem:s6], [sflag:s4] =	dma.local [hbm:s3], $0xF7A  }
0x26: {  	[smem:$0x3F9B] =	sst s1;
	(tag) =	ssettag s2;
	_ =	strace s9  }
0x27: {  	s1 =	sld [smem:$0x3FAB]  }
0x28: {  	s2 =	sld [smem:$0x3FAC]  }
0x29: {  	s4 =	sld [smem:$0x3FAE]  }
0x2a: {  	p0 =	seq.s32 s5, $0x0;
	s5 =	sld [smem:$0x3FAF]  }
0x2b: {  	s6 =	sld [smem:$0x3FB0]  }
0x2c: {  	s7 =	sld [smem:$0x3FB1]  }
0x2d: {  	s3 =	simm.s32 $0x108;
	s8 =	sld [smem:$0x3FB2]  }
0x2e: {  	s3 =	simm.s32 @!p0 $0x1082;
	s9 =	sld [smem:$0x3FB3]  }
0x2f: {  	lr =	sadd.s32 s0, s3;
	s0 =	sld [smem:$0x3FAA]  }
0x30: {  	s3 =	sld [smem:$0x3FAD]  }
0x31: {  	[smem:$0x3FB6] =	sst s10  }
0x32: {  	s10 =	sld [smem:$0x3FB4];
	_ =	sdelay $0x3  }
0x33: {  	p0 =	seq.s32 s10, $0x1;
	s10 =	sld [smem:$0x3FB6];
	_ =	sdelay $0x3  }
0x34: {  	[smem:$0x3FB6] =	sst s10  }
0x35: {  	s10 =	sld [smem:$0x3FB5];
	_ =	sdelay $0x3  }
0x36: {  	p1 =	seq.s32 s10, $0x1;
	s10 =	sld [smem:$0x3FB6];
	_ =	sdelay $0x3  }
0x37: {  	[smem:$0x3FB6] =	sst s10  }
0x38: {  	s10 =	sld [smem:$0x3FB7]  }
0x39: {  	_ = 	snop;
	(pc) =	sbr.ind lr, $3  }
0x3a: {  	_ = 	snop  }
0x3b: {  	_ = 	snop  }
0x3c: {  	p2 =	seq.s32 s10, $0x1;
	s10 =	sld [smem:$0x3FB6]  }
0x3d: {  	_ =	shalt  }
0x3e: {  	_ =	shalt  }
0x3f: {  	_ =	shalt  }
0x40: {  	_ =	shalt  }
0x41: {  	_ =	shalt  }
0x42: {  	_ =	shalt  }
0x43: {  	_ =	shalt  }
0x44: {  	_ =	shalt  }
0x45: {  	_ =	shalt  }
0x46: {  	_ =	shalt  }
0x47: {  	_ =	shalt  }
0x48: {  	_ =	shalt  }
0x49: {  	_ =	shalt  }
0x4a: {  	_ =	shalt  }
0x4b: {  	_ =	shalt  }
0x4c: {  	_ =	shalt  }
0x4d: {  	_ =	shalt  }
0x4e: {  	_ =	shalt  }
0x4f: {  	_ =	shalt  }
0x50: {  	_ =	shalt  }
0x51: {  	_ =	shalt  }
0x52: {  	_ =	shalt  }
0x53: {  	_ =	shalt  }
0x54: {  	_ =	shalt  }
0x55: {  	_ =	shalt  }
0x56: {  	_ =	shalt  }
0x57: {  	_ =	shalt  }
0x58: {  	_ =	shalt  }
0x59: {  	_ =	shalt  }
0x5a: {  	_ =	shalt  }
0x5b: {  	_ =	shalt  }
0x5c: {  	_ =	shalt  }
0x5d: {  	_ =	shalt  }
0x5e: {  	_ =	shalt  }
0x5f: {  	_ =	shalt  }
0x60: {  	_ =	shalt  }
0x61: {  	_ =	shalt  }
0x62: {  	_ =	shalt  }
0x63: {  	_ =	shalt  }
0x64: {  	_ =	shalt  }
0x65: {  	_ =	shalt  }
0x66: {  	_ =	shalt  }
0x67: {  	_ =	shalt  }
0x68: {  	_ =	shalt  }
0x69: {  	_ =	shalt  }
0x6a: {  	_ =	shalt  }
0x6b: {  	_ =	shalt  }
0x6c: {  	_ =	shalt  }
0x6d: {  	_ =	shalt  }
0x6e: {  	_ =	shalt  }
0x6f: {  	_ =	shalt  }
0x70: {  	_ =	shalt  }
0x71: {  	_ =	shalt  }
0x72: {  	_ =	shalt  }
0x73: {  	_ =	shalt  }
0x74: {  	_ =	shalt  }
0x75: {  	_ =	shalt  }
0x76: {  	_ =	shalt  }
0x77: {  	_ =	shalt  }
0x78: {  	_ =	shalt  }
0x79: {  	_ =	shalt  }
0x7a: {  	_ =	shalt  }
0x7b: {  	_ =	shalt  }
0x7c: {  	_ =	shalt  }
0x7d: {  	_ =	shalt  }
0x7e: {  	_ =	shalt  }
0x7f: {  	_ =	shalt  }
0x80: {  	_ =	shalt  }
0x81: {  	_ =	shalt  }
0x82: {  	_ =	shalt  }
0x83: {  	_ =	shalt  }
0x84: {  	_ =	shalt  }
0x85: {  	_ =	shalt  }
0x86: {  	_ =	shalt  }
0x87: {  	_ =	shalt  }
.Lfunc_end0:
.L_simem_size_0:
called_computation.3_lowered:
.L_overlay_start_0:
0x88: {  	s2 =	sld [smem:$0x3FD9]  }
0x89: {  	s3 =	sld [smem:$0x3FFE];
	_ =	sdelay $0x1  }
0x8a: {  	s1 =	srdreg.scid  }
0x8b: {  	s0 =	sand.u32 $0x1, s1  }
0x8c: {  	s16 =	sshll.u32 s0, $0xA;
	s2 =	sadd.s32 s3, s2  }
0x8d: {  	s2 =	sadd.s32 s2, s16  }
0x8e: {  	[smem:$0x3FC2] =	sst s2  }
0x8f: {  	_ = 	snop  }
0x90: {  	(tm) =	ssettm $0x1  }
0x91: {  	s17 =	sld [smem:$0x3FFB];
	_ =	sdelay $0x3  }
0x92: {  	_ =	strace s17  }
0x93: {  	s2 =	sld [smem:$0x3FFC];
	_ =	sdelay $0x3  }
0x94: {  	_ =	strace s2  }
0x95: {  	s2 =	sld [smem:$0x3FFD];
	_ =	sdelay $0x3  }
0x96: {  	_ =	strace s2  }
0x97: {  	_ =	strace $0x8FFFFFFF  }
0x98: {  	s18 =	sld [smem:$0x3FDB];
	_ =	sdelay $0x1  }
0x99: {  	s19 =	simm.s32 $_scs_section_size  }
0x9a: {  	s4 =	simm.s32 $_size__tile_overlayer_lowered;
	s5 =	simm.s32 $_tile_overlayer_lowered  }
0x9b: {  	s22 =	simm.s32 $0x1BFF;
	s21 =	sshll.u32 s5, $0x1;
	s2 =	sadd.s32 s19, s18  }
0x9c: {  	s6 =	simm.s32 $0x0;
	s20 =	sshll.u32 s4, $0x1;
	s4 =	sadd.s32 s21, s2  }
0x9d: {  	[timem:s6], [sflag:s22] =	dma.local [hbm:s4], s20  }
0x9e: {  	_ =	swait.ge [sflag:s22], s20  }
0x9f: {  	s3 =	ssub.s32 $0x0, s20;
	[sflag:s22] =	ssyncset.done $0x0  }
0xa0: {  	[sflag:s22] =	ssyncadd.s32 s3;
	_ =	sdelay $0x1  }
0xa1: {  	s23 =	simm.s32 $0x1B8B  }
0xa2: {  	_ =	swait.ge [sflag:s23], $0x1  }
0xa3: {  	[sflag:s23] =	ssyncset.done $0x0  }
0xa4: {  	s25 =	simm.s32 $0x1B8E;
	s24 =	sld [smem:$0x3FFE];
	[sflag:s23] =	ssyncadd.s32 $0xFFFFFFFF  }
0xa5: {  	s26 =	simm.s32 $execute0_lowered;
	[smem:$0x3FD2] =	sst s25  }
0xa6: {  	s4 =	sshll.u32 s26, $0x1;
	_ =	strace $0x8000004F;
	[dreg:$0x1] =	wrdreg $0xFFFFFFFF  }
0xa7: {  	s28 =	simm.s32 $_size_execute0_lowered;
	s2 =	sadd.s32 s2, s4;
	[dreg:$0x0] =	wrdreg $0x0  }
0xa8: {  	s4 =	sshll.u32 s28, $0x1;
	[dreg:$0x2] =	wrdreg s2  }
0xa9: {  	[dreg:$0x3] =	wrdreg s4  }
0xaa: {  	[dreg:$0x4] =	wrdreg $0xC0  }
0xab: {  	_ =	task [dreg:s6], $0x5FFFF  }
0xac: {  	[dreg:$0x1] =	wrdreg $0xFFFFFFFF  }
0xad: {  	[dreg:$0x0] =	wrdreg $0x60  }
0xae: {  	[dreg:$0x2] =	wrdreg s24  }
0xaf: {  	[dreg:$0x3] =	wrdreg $0x48000  }
0xb0: {  	[dreg:$0x4] =	wrdreg $0x9  }
0xb1: {  	_ =	task.clear_ibuf [dreg:s6], $0x5FFFF;
	_ =	strace $0x9000004F  }
0xb2: {  	s29 =	simm.s32 $0x9;
	_ =	strace $0x80000051  }
0xb3: {  	_ =	swait.ge [sflag:s29], $0x1  }
0xb4: {  	[sflag:s29] =	ssyncadd.s32 $0xFFFFFFFF  }
0xb5: {  	_ =	strace $0x90000051  }
0xb6: {  	_ =	sfence  }
0xb7: {  	s30 =	sld [smem:$0x0];
	_ =	sdelay $0x2  }
0xb8: {  	s31 =	sshll.u32 s1, $0xD;
	s1 =	sshrl.u32 s1, $0x2  }
0xb9: {  	s3 =	sand.u32 $0x4000, s31;
	s1 =	sadd.s32 s1, s30  }
0xba: {  	s0 =	sor.u32 s3, s0;
	s1 =	sshll.u32 s1, $0x11  }
0xbb: {  	s0 =	sor.u32 s1, s0  }
0xbc: {  	s0 =	sadd.s32 $0x8F2B, s0  }
0xbd: {  	[sflag:s0] =	ssyncadd.remote.s32 $0x1  }
0xbe: {  	_ =	sfence.sel $0xFFFF  }
0xbf: {  	[dreg:$0x0] =	wrdreg $0xFFFFFFFF;
	(pc) =	sbr.abs _section_cstart, $3  }
0xc0: {  	[dreg:$0x1] =	wrdreg $0xFFFFFFFF  }
0xc1: {  	_ =	task.clear_ibuf [dreg:s6], $0x2FFFF;
	_ =	strace $0x9FFFFFFF  }
0xc2: {  	(tm) =	ssettm $0x7FFFFFFF  }
0xc3: {  	_ =	shalt  }
tec
execute0_lowered:
.L_overlay_start_1:
0x0: {  	(tag) =	ssettag $0x1  }
0x1: {  	s0 =	rddreg [dreg:$0x0]  }
0x2: {  	s2 =	rddreg [dreg:$0x1];
	s3 =	simm.s32 $0x0;
	s13 =	stileid.u32  }
0x3: {  	s1 =	srdreg.scid;
	s28 =	simm.s32 $0x2800;
	s30 =	simm.s32 $0x3000  }
0x4: {  	s31 =	simm.s32 $0x0;
	[smem:$0x7FF] =	sst s3;
	s5 =	smul.u32 $0x19000, s13  }
0x5: {  	s1 =	sand.u32 $0x1, s1;
	s7 =	sadd.s32 $0x97800, s0;
	s8 =	sadd.s32 $0x2800, s0  }
0x6: {  	s4 =	sadd.s32 $0x33800, s0;
	s18 =	sshll.u32 s13, $0x6;
	s24 =	smul.u32 $0x1880, s13  }
0x7: {  	_ =	strace $0x80000050;
	s6 =	smul.u32 $0x190000, s1;
	s10 =	sshll.u32 s1, $0x4  }
0x8: {  	s11 =	ssub.s32 $0x2, s1;
	s21 =	smul.u32 $0x18800, s1;
	s9 =	sshrl.u32 s5, $0x3  }
0x9: {  	s10 =	sor.u32 s13, s10;
	s16 =	sshrl.u32 s11, $0x1;
	s9 =	sadd.s32 s9, s0  }
0xa: {  	s6 =	sadd.s32 s5, s6;
	s12 =	smul.u32 $0x1880, s10;
	s17 =	ssub.s32 s11, s16  }
0xb: {  	s5 =	sadd.s32 s5, s2;
	s26 =	sadd.s32 s21, s8;
	s16 =	simm.s32 $0x4  }
0xc: {  	s6 =	sshrl.u32 s6, $0x3;
	s9 =	sadd.s32 $0x65800, s9;
	s22 =	smax.u32 s17, $0x1  }
0xd: {  	s29 =	sadd.s32 s24, s26;
	s15 =	sshrl.u32 s5, $0x3;
	s26 =	simm.s32 $0x600  }
0xe: {  	s0 =	sadd.s32 s6, s0;
	[dreg:$0x3] =	wrdreg s9;
	s6 =	sor.u32 $0x1C04, s18  }
0xf: {  	s19 =	sadd.s32 s7, s12;
	s20 =	sadd.s32 s8, s12;
	[dreg:$0x7] =	wrdreg s22  }
0x10: {  	s23 =	sor.u32 $0x40, s12;
	s13 =	sadd.s32 $0x80, s29;
	[dreg:$0x4] =	wrdreg s19  }
0x11: {  	s18 =	simm.s32 $0x80;
	[dreg:$0x5] =	wrdreg s20;
	s0 =	sadd.s32 $0xC8800, s0  }
0x12: {  	s22 =	simm.s32 $0x1800;
	s25 =	sadd.s32 s7, s23;
	[dreg:$0x6] =	wrdreg s0  }
0x13: {  	s1 =	sadd.s32 s8, s23;
	s23 =	simm.s32 $0x2;
	[dreg:$0x8] =	wrdreg s25  }
0x14: {  	s0 =	sadd.s32 s21, s7;
	[dreg:$0x9] =	wrdreg s1;
	s25 =	simm.s32 $0x200  }
0x15: {  	s21 =	simm.s32 $0x4000;
	s1 =	simm.s32 $0x3;
	s0 =	sadd.s32 s24, s0  }
0x16: {  	s24 =	simm.s32 $0x2000;
	s14 =	sadd.s32 $0x80, s0;
	s0 =	simm.s32 $0x3800  }
.LBB2_1:
0x17: {  	s5 =	rddreg [dreg:$0x3]  }
0x18: {  	[spmem:s15], [sflag:s6] =	dma.local [hbm:s5], $0x3200  }
0x19: {  	_ =	swait.ge [sflag:s16], $0x3200  }
0x1a: {  	[sflag:s16] =	ssyncset.done $0x0  }
0x1b: {  	[sflag:s16] =	ssyncadd.s32 $0xFFFFCE00  }
0x1c: {  	[bflag:$0x0] =	sbarrier.arrive $0xFFFF  }
0x1d: {  	s12 =	rddreg [dreg:$0x4]  }
0x1e: {  	[tilespmem:s3], [sflag:$0x4] =	stream.linear.gather [hbm4b:s12+s3], $0x200, $0x38;
	[tilespmem:$0x1D800] =	vst v63  }
0x1f: {  	_ =	swait.ge [sflag:s16], $0x200  }
0x20: {  	[sflag:s16] =	ssyncset.done $0x0  }
0x21: {  	s7 =	simm.s32 $0x400;
	s17 =	rddreg [dreg:$0x5];
	[sflag:s16] =	ssyncadd.s32 $0xFFFFFE00  }
0x22: {  	[tilespmem:s7], [sflag:$0x4] =	stream.linear.gather [hbm4b:s17+s3], $0x200, $0x38;
	[tilespmem:$0x1D800] =	vst v63  }
0x23: {  	_ =	swait.ge [sflag:s16], $0x200  }
0x24: {  	[sflag:s16] =	ssyncset.done $0x0  }
0x25: {  	s8 =	simm.s32 $0x800;
	[sflag:s16] =	ssyncadd.s32 $0xFFFFFE00  }
0x26: {  	[tilespmem:s8], [sflag:$0x1] =	stream.indirect.gather [hbm4b:s4+s18], $0x10, s3, s18, $0xb8;
	[tilespmem:$0x1D800] =	vst v63  }
0x27: {  	s9 =	simm.s32 $0x1000  }
0x28: {  	[tilespmem:s9], [sflag:$0x1] =	stream.indirect.gather [hbm4b:s4+s18], $0x10, s18, s18, $0xb8;
	[tilespmem:$0x1D800] =	vst v63  }
0x29: {  	s19 =	simm.s32 $0x100  }
0x2a: {  	[tilespmem:s22], [sflag:$0x1] =	stream.indirect.gather [hbm4b:s4+s18], $0x10, s19, s18, $0xb8;
	[tilespmem:$0x1D800] =	vst v63  }
0x2b: {  	s20 =	simm.s32 $0x180  }
0x2c: {  	[tilespmem:s24], [sflag:$0x1] =	stream.indirect.gather [hbm4b:s4+s18], $0x10, s20, s18, $0xb8;
	[tilespmem:$0x1D800] =	vst v63  }
0x2d: {  	s10 =	rddreg [dreg:$0x8]  }
0x2e: {  	[tilespmem:s25], [sflag:$0x4] =	stream.linear.gather [hbm4b:s10+s3], $0x200, $0x38;
	[tilespmem:$0x1D800] =	vst v63  }
0x2f: {  	_ =	swait.ge [sflag:s16], $0x200  }
0x30: {  	[sflag:s16] =	ssyncset.done $0x0  }
0x31: {  	s11 =	rddreg [dreg:$0x9];
	[sflag:s16] =	ssyncadd.s32 $0xFFFFFE00  }
0x32: {  	[tilespmem:s26], [sflag:$0x4] =	stream.linear.gather [hbm4b:s11+s3], $0x200, $0x38;
	[tilespmem:$0x1D800] =	vst v63  }
0x33: {  	_ =	swait.ge [sflag:s16], $0x200  }
0x34: {  	[sflag:s16] =	ssyncset.done $0x0  }
0x35: {  	[sflag:s16] =	ssyncadd.s32 $0xFFFFFE00  }
0x36: {  	[tilespmem:s28], [sflag:$0x2] =	stream.indirect.gather [hbm4b:s4+s18], $0x10, s25, s18, $0xb8;
	[tilespmem:$0x1D800] =	vst v63  }
0x37: {  	s12 =	simm.s32 $0x280  }
0x38: {  	[tilespmem:s30], [sflag:$0x2] =	stream.indirect.gather [hbm4b:s4+s18], $0x10, s12, s18, $0xb8;
	[tilespmem:$0x1D800] =	vst v63  }
0x39: {  	s17 =	simm.s32 $0x300  }
0x3a: {  	[tilespmem:s0], [sflag:$0x2] =	stream.indirect.gather [hbm4b:s4+s18], $0x10, s17, s18, $0xb8;
	[tilespmem:$0x1D800] =	vst v63  }
0x3b: {  	s19 =	simm.s32 $0x380;
	s20 =	simm.s32 $0x1  }
0x3c: {  	[tilespmem:s21], [sflag:$0x2] =	stream.indirect.gather [hbm4b:s4+s18], $0x10, s19, s18, $0xb8;
	[tilespmem:$0x1D800] =	vst v63  }
0x3d: {  	_ =	swait.ge [sflag:s20], $0x800  }
0x3e: {  	[sflag:s20] =	ssyncset.done $0x0  }
0x3f: {  	[sflag:s20] =	ssyncadd.s32 $0xFFFFF800  }
0x40: {  	[spmem:s2] =	stream.indirect.scatter.add.f32 [tilespmem:s8], [sflag:$0x3], $0x10, s7, s18, $0xb8;
	[tilespmem:$0x1D800] =	vst v63  }
0x41: {  	_ =	swait.ge [sflag:s20], $0x800  }
0x42: {  	[sflag:s20] =	ssyncset.done $0x0  }
0x43: {  	s8 =	simm.s32 $0x480;
	[sflag:s20] =	ssyncadd.s32 $0xFFFFF800  }
0x44: {  	[spmem:s2] =	stream.indirect.scatter.add.f32 [tilespmem:s9], [sflag:$0x3], $0x10, s8, s18, $0xb8;
	[tilespmem:$0x1D800] =	vst v63  }
0x45: {  	_ =	swait.ge [sflag:s20], $0x800  }
0x46: {  	[sflag:s20] =	ssyncset.done $0x0  }
0x47: {  	s9 =	simm.s32 $0x500;
	[sflag:s20] =	ssyncadd.s32 $0xFFFFF800  }
0x48: {  	[spmem:s2] =	stream.indirect.scatter.add.f32 [tilespmem:s22], [sflag:$0x3], $0x10, s9, s18, $0xb8;
	[tilespmem:$0x1D800] =	vst v63  }
0x49: {  	_ =	swait.ge [sflag:s20], $0x800  }
0x4a: {  	[sflag:s20] =	ssyncset.done $0x0  }
0x4b: {  	s10 =	simm.s32 $0x580;
	[sflag:s20] =	ssyncadd.s32 $0xFFFFF800  }
0x4c: {  	[spmem:s2] =	stream.indirect.scatter.add.f32 [tilespmem:s24], [sflag:$0x3], $0x10, s10, s18, $0xb8;
	[tilespmem:$0x1D800] =	vst v63  }
0x4d: {  	_ =	swait.ge [sflag:s1], $0x800  }
0x4e: {  	[sflag:s1] =	ssyncset.done $0x0  }
0x4f: {  	[sflag:s1] =	ssyncadd.s32 $0xFFFFF800  }
0x50: {  	_ =	swait.ge [sflag:s1], $0x800  }
0x51: {  	[sflag:s1] =	ssyncset.done $0x0  }
0x52: {  	[sflag:s1] =	ssyncadd.s32 $0xFFFFF800  }
0x53: {  	_ =	swait.ge [sflag:s1], $0x800  }
0x54: {  	[sflag:s1] =	ssyncset.done $0x0  }
0x55: {  	[sflag:s1] =	ssyncadd.s32 $0xFFFFF800  }
0x56: {  	s5 =	sand.u32 $0x1, s20;
	_ =	swait.ge [sflag:s1], $0x800  }
0x57: {  	s11 =	sxor.u32 $0x1, s5;
	[sflag:s1] =	ssyncset.done $0x0  }
0x58: {  	s12 =	sshll.u32 s11, $0x9;
	[sflag:s1] =	ssyncadd.s32 $0xFFFFF800  }
0x59: {  	[tilespmem:s12], [sflag:$0x4] =	stream.linear.gather [hbm4b:s14+s3], $0x200, $0x38;
	[tilespmem:$0x1D800] =	vst v63  }
0x5a: {  	_ =	swait.ge [sflag:s16], $0x200  }
0x5b: {  	[sflag:s16] =	ssyncset.done $0x0  }
0x5c: {  	s17 =	sor.u32 $0x400, s12;
	[sflag:s16] =	ssyncadd.s32 $0xFFFFFE00  }
0x5d: {  	[tilespmem:s17], [sflag:$0x4] =	stream.linear.gather [hbm4b:s13+s3], $0x200, $0x38;
	[tilespmem:$0x1D800] =	vst v63  }
0x5e: {  	_ =	swait.ge [sflag:s16], $0x200  }
0x5f: {  	s19 =	sshll.u32 s11, $0xD;
	[sflag:s16] =	ssyncset.done $0x0  }
0x60: {  	s29 =	sor.u32 $0x800, s19;
	s7 =	sadd.s32 $0x1, s11;
	[sflag:s16] =	ssyncadd.s32 $0xFFFFFE00  }
0x61: {  	[tilespmem:s29], [sflag:s7] =	stream.indirect.gather [hbm4b:s4+s18], $0x10, s12, s18, $0xb8;
	[tilespmem:$0x1D800] =	vst v63  }
0x62: {  	s10 =	sor.u32 $0x80, s12;
	s29 =	sor.u32 $0x1000, s19  }
0x63: {  	[tilespmem:s29], [sflag:s7] =	stream.indirect.gather [hbm4b:s4+s18], $0x10, s10, s18, $0xb8;
	[tilespmem:$0x1D800] =	vst v63  }
0x64: {  	s20 =	sor.u32 $0x1800, s19;
	s29 =	sor.u32 $0x100, s12  }
0x65: {  	[tilespmem:s20], [sflag:s7] =	stream.indirect.gather [hbm4b:s4+s18], $0x10, s29, s18, $0xb8;
	[tilespmem:$0x1D800] =	vst v63  }
0x66: {  	s8 =	sor.u32 $0x180, s12;
	s9 =	sadd.s32 $0x2000, s19;
	s10 =	sadd.s32 $0x1, s5  }
0x67: {  	[tilespmem:s9], [sflag:s7] =	stream.indirect.gather [hbm4b:s4+s18], $0x10, s8, s18, $0xb8;
	[tilespmem:$0x1D800] =	vst v63  }
0x68: {  	_ =	swait.ge [sflag:s10], $0x800  }
0x69: {  	s8 =	sshll.u32 s5, $0xD;
	s9 =	sshll.u32 s5, $0x9;
	[sflag:s10] =	ssyncset.done $0x0  }
0x6a: {  	s7 =	sor.u32 $0x800, s8;
	s11 =	sor.u32 $0x400, s9;
	[sflag:s10] =	ssyncadd.s32 $0xFFFFF800  }
0x6b: {  	[spmem:s2] =	stream.indirect.scatter.add.f32 [tilespmem:s7], [sflag:$0x3], $0x10, s11, s18, $0xb8;
	[tilespmem:$0x1D800] =	vst v63  }
0x6c: {  	_ =	swait.ge [sflag:s10], $0x800  }
0x6d: {  	[sflag:s10] =	ssyncset.done $0x0  }
0x6e: {  	s12 =	sor.u32 $0x1000, s8;
	s17 =	sor.u32 $0x480, s9;
	[sflag:s10] =	ssyncadd.s32 $0xFFFFF800  }
0x6f: {  	[spmem:s2] =	stream.indirect.scatter.add.f32 [tilespmem:s12], [sflag:$0x3], $0x10, s17, s18, $0xb8;
	[tilespmem:$0x1D800] =	vst v63  }
0x70: {  	_ =	swait.ge [sflag:s10], $0x800  }
0x71: {  	[sflag:s10] =	ssyncset.done $0x0  }
0x72: {  	s19 =	sor.u32 $0x1800, s8;
	s20 =	sor.u32 $0x500, s9;
	[sflag:s10] =	ssyncadd.s32 $0xFFFFF800  }
0x73: {  	[spmem:s2] =	stream.indirect.scatter.add.f32 [tilespmem:s19], [sflag:$0x3], $0x10, s20, s18, $0xb8;
	[tilespmem:$0x1D800] =	vst v63  }
0x74: {  	s29 =	simm.s32 $0x2;
	_ =	swait.ge [sflag:s10], $0x800  }
0x75: {  	s5 =	sadd.s32 $0x40, s13;
	s8 =	sadd.s32 $0x2000, s8;
	[sflag:s10] =	ssyncset.done $0x0  }
0x76: {  	s9 =	sor.u32 $0x580, s9;
	s7 =	sadd.s32 $0x40, s14;
	[sflag:s10] =	ssyncadd.s32 $0xFFFFF800  }
.LBB2_2:
0x77: {  	[spmem:s2] =	stream.indirect.scatter.add.f32 [tilespmem:s8], [sflag:$0x3], $0x10, s9, s18, $0xb8;
	[tilespmem:$0x1D800] =	vst v63  }
0x78: {  	s8 =	smov.u32 s29  }
0x79: {  	p0 =	sne.s32 s29, $0x60;
	s29 =	sadd.s32 $0x1, s29;
	_ =	swait.ge [sflag:s1], $0x800  }
0x7a: {  	[sflag:s1] =	ssyncset.done $0x0  }
0x7b: {  	[sflag:s1] =	ssyncadd.s32 $0xFFFFF800  }
0x7c: {  	_ =	swait.ge [sflag:s1], $0x800  }
0x7d: {  	[sflag:s1] =	ssyncset.done $0x0  }
0x7e: {  	[sflag:s1] =	ssyncadd.s32 $0xFFFFF800  }
0x7f: {  	_ =	swait.ge [sflag:s1], $0x800  }
0x80: {  	[sflag:s1] =	ssyncset.done $0x0  }
0x81: {  	[sflag:s1] =	ssyncadd.s32 $0xFFFFF800  }
0x82: {  	s10 =	sand.u32 $0x1, s8;
	_ =	swait.ge [sflag:s1], $0x800  }
0x83: {  	s11 =	sxor.u32 $0x1, s10;
	s8 =	sshll.u32 s10, $0xD;
	[sflag:s1] =	ssyncset.done $0x0  }
0x84: {  	s12 =	sshll.u32 s11, $0x9;
	s17 =	sshll.u32 s11, $0xD;
	[sflag:s1] =	ssyncadd.s32 $0xFFFFF800  }
0x85: {  	[tilespmem:s12], [sflag:$0x4] =	stream.linear.gather [hbm4b:s7+s3], $0x200, $0x38;
	[tilespmem:$0x1D800] =	vst v63  }
0x86: {  	s9 =	sshll.u32 s10, $0x9;
	_ =	swait.ge [sflag:s16], $0x200  }
0x87: {  	[sflag:s16] =	ssyncset.done $0x0  }
0x88: {  	s19 =	sor.u32 $0x400, s12;
	[sflag:s16] =	ssyncadd.s32 $0xFFFFFE00  }
0x89: {  	[tilespmem:s19], [sflag:$0x4] =	stream.linear.gather [hbm4b:s5+s3], $0x200, $0x38;
	[tilespmem:$0x1D800] =	vst v63  }
0x8a: {  	_ =	swait.ge [sflag:s16], $0x200  }
0x8b: {  	[sflag:s16] =	ssyncset.done $0x0  }
0x8c: {  	s11 =	sadd.s32 $0x1, s11;
	s19 =	sor.u32 $0x800, s17;
	[sflag:s16] =	ssyncadd.s32 $0xFFFFFE00  }
0x8d: {  	[tilespmem:s19], [sflag:s11] =	stream.indirect.gather [hbm4b:s4+s18], $0x10, s12, s18, $0xb8;
	[tilespmem:$0x1D800] =	vst v63  }
0x8e: {  	s20 =	sor.u32 $0x80, s12;
	s19 =	sor.u32 $0x1000, s17  }
0x8f: {  	[tilespmem:s19], [sflag:s11] =	stream.indirect.gather [hbm4b:s4+s18], $0x10, s20, s18, $0xb8;
	[tilespmem:$0x1D800] =	vst v63  }
0x90: {  	s19 =	sor.u32 $0x1800, s17;
	s20 =	sor.u32 $0x100, s12  }
0x91: {  	[tilespmem:s19], [sflag:s11] =	stream.indirect.gather [hbm4b:s4+s18], $0x10, s20, s18, $0xb8;
	[tilespmem:$0x1D800] =	vst v63  }
0x92: {  	s10 =	sadd.s32 $0x1, s10;
	s17 =	sadd.s32 $0x2000, s17;
	s12 =	sor.u32 $0x180, s12  }
0x93: {  	[tilespmem:s17], [sflag:s11] =	stream.indirect.gather [hbm4b:s4+s18], $0x10, s12, s18, $0xb8;
	[tilespmem:$0x1D800] =	vst v63  }
0x94: {  	_ =	swait.ge [sflag:s10], $0x800  }
0x95: {  	[sflag:s10] =	ssyncset.done $0x0  }
0x96: {  	s11 =	sor.u32 $0x800, s8;
	s12 =	sor.u32 $0x400, s9;
	[sflag:s10] =	ssyncadd.s32 $0xFFFFF800  }
0x97: {  	[spmem:s2] =	stream.indirect.scatter.add.f32 [tilespmem:s11], [sflag:$0x3], $0x10, s12, s18, $0xb8;
	[tilespmem:$0x1D800] =	vst v63  }
0x98: {  	_ =	swait.ge [sflag:s10], $0x800  }
0x99: {  	[sflag:s10] =	ssyncset.done $0x0  }
0x9a: {  	s11 =	sor.u32 $0x1000, s8;
	s12 =	sor.u32 $0x480, s9;
	[sflag:s10] =	ssyncadd.s32 $0xFFFFF800  }
0x9b: {  	[spmem:s2] =	stream.indirect.scatter.add.f32 [tilespmem:s11], [sflag:$0x3], $0x10, s12, s18, $0xb8;
	[tilespmem:$0x1D800] =	vst v63  }
0x9c: {  	_ =	swait.ge [sflag:s10], $0x800  }
0x9d: {  	s11 =	sor.u32 $0x1800, s8;
	[sflag:s10] =	ssyncset.done $0x0  }
.Ltmp0:
0x9e: {  	s12 =	sor.u32 $0x500, s9;
	[sflag:s10] =	ssyncadd.s32 $0xFFFFF800;
	(pc) =	sbr.rel @p0 .LBB2_2-.Ltmp0, $4  }
0x9f: {  	[spmem:s2] =	stream.indirect.scatter.add.f32 [tilespmem:s11], [sflag:$0x3], $0x10, s12, s18, $0xb8;
	[tilespmem:$0x1D800] =	vst v63  }
0xa0: {  	_ =	swait.ge [sflag:s10], $0x800  }
0xa1: {  	s7 =	sadd.s32 $0x40, s7;
	s5 =	sadd.s32 $0x40, s5;
	[sflag:s10] =	ssyncset.done $0x0  }
0xa2: {  	s8 =	sadd.s32 $0x2000, s8;
	s9 =	sor.u32 $0x580, s9;
	[sflag:s10] =	ssyncadd.s32 $0xFFFFF800  }
0xa3: {  	[spmem:s2] =	stream.indirect.scatter.add.f32 [tilespmem:s8], [sflag:$0x3], $0x10, s9, s18, $0xb8;
	[tilespmem:$0x1D800] =	vst v63  }
0xa4: {  	_ =	swait.ge [sflag:s1], $0x800  }
0xa5: {  	[sflag:s1] =	ssyncset.done $0x0  }
0xa6: {  	[sflag:s1] =	ssyncadd.s32 $0xFFFFF800  }
0xa7: {  	_ =	swait.ge [sflag:s1], $0x800  }
0xa8: {  	[sflag:s1] =	ssyncset.done $0x0  }
0xa9: {  	[sflag:s1] =	ssyncadd.s32 $0xFFFFF800  }
0xaa: {  	_ =	swait.ge [sflag:s1], $0x800  }
0xab: {  	[sflag:s1] =	ssyncset.done $0x0  }
0xac: {  	[sflag:s1] =	ssyncadd.s32 $0xFFFFF800  }
0xad: {  	_ =	swait.ge [sflag:s1], $0x800  }
0xae: {  	[sflag:s1] =	ssyncset.done $0x0  }
0xaf: {  	[sflag:s1] =	ssyncadd.s32 $0xFFFFF800  }
0xb0: {  	_ =	swait.ge [sflag:s23], $0x800  }
0xb1: {  	[sflag:s23] =	ssyncset.done $0x0  }
0xb2: {  	[sflag:s23] =	ssyncadd.s32 $0xFFFFF800  }
0xb3: {  	[spmem:s2] =	stream.indirect.scatter.add.f32 [tilespmem:s28], [sflag:$0x3], $0x10, s26, s18, $0xb8;
	[tilespmem:$0x1D800] =	vst v63  }
0xb4: {  	_ =	swait.ge [sflag:s23], $0x800  }
0xb5: {  	[sflag:s23] =	ssyncset.done $0x0  }
0xb6: {  	s5 =	simm.s32 $0x680;
	[sflag:s23] =	ssyncadd.s32 $0xFFFFF800  }
0xb7: {  	[spmem:s2] =	stream.indirect.scatter.add.f32 [tilespmem:s30], [sflag:$0x3], $0x10, s5, s18, $0xb8;
	[tilespmem:$0x1D800] =	vst v63  }
0xb8: {  	_ =	swait.ge [sflag:s23], $0x800  }
0xb9: {  	[sflag:s23] =	ssyncset.done $0x0  }
0xba: {  	s17 =	simm.s32 $0x700;
	[sflag:s23] =	ssyncadd.s32 $0xFFFFF800  }
0xbb: {  	[spmem:s2] =	stream.indirect.scatter.add.f32 [tilespmem:s0], [sflag:$0x3], $0x10, s17, s18, $0xb8;
	[tilespmem:$0x1D800] =	vst v63  }
0xbc: {  	_ =	swait.ge [sflag:s23], $0x800  }
0xbd: {  	[sflag:s23] =	ssyncset.done $0x0  }
0xbe: {  	s19 =	simm.s32 $0x780;
	[sflag:s23] =	ssyncadd.s32 $0xFFFFF800  }
0xbf: {  	[spmem:s2] =	stream.indirect.scatter.add.f32 [tilespmem:s21], [sflag:$0x3], $0x10, s19, s18, $0xb8;
	[tilespmem:$0x1D800] =	vst v63  }
0xc0: {  	_ =	swait.ge [sflag:s1], $0x800  }
0xc1: {  	[sflag:s1] =	ssyncset.done $0x0  }
0xc2: {  	[sflag:s1] =	ssyncadd.s32 $0xFFFFF800  }
0xc3: {  	_ =	swait.ge [sflag:s1], $0x800  }
0xc4: {  	[sflag:s1] =	ssyncset.done $0x0  }
0xc5: {  	[sflag:s1] =	ssyncadd.s32 $0xFFFFF800  }
0xc6: {  	_ =	swait.ge [sflag:s1], $0x800  }
0xc7: {  	[sflag:s1] =	ssyncset.done $0x0  }
0xc8: {  	[sflag:s1] =	ssyncadd.s32 $0xFFFFF800  }
0xc9: {  	_ =	swait.ge [sflag:s1], $0x800  }
0xca: {  	[sflag:s1] =	ssyncset.done $0x0  }
0xcb: {  	[sflag:s1] =	ssyncadd.s32 $0xFFFFF800  }
0xcc: {  	[bflag:$0x0] =	sbarrier.arrive $0xFFFF  }
0xcd: {  	s20 =	rddreg [dreg:$0x6]  }
0xce: {  	[hbm:s20], [sflag:s6] =	dma.local [spmem:s15], $0x3200  }
0xcf: {  	_ =	swait.ge [sflag:s16], $0x3200  }
0xd0: {  	s31 =	sadd.s32 $0x1, s31;
	s29 =	rddreg [dreg:$0x7]  }
0xd1: {  	p0 =	sne.s32 s31, s29  }
.Ltmp1:
0xd2: {  	_ = 	snop;
	(pc) =	sbr.rel @p0 .LBB2_1-.Ltmp1, $3  }
0xd3: {  	_ =	sdelay $0x1  }
0xd4: {  	[sflag:s16] =	ssyncset.done $0x0  }
0xd5: {  	[sflag:s16] =	ssyncadd.s32 $0xFFFFCE00  }
0xd6: {  	_ =	sfence.sel $0x180000  }
0xd7: {  	[bflag:$0x0] =	sbarrier.arrive $0xFFFF  }
0xd8: {  	_ =	strace $0x90000050  }
0xd9: {  	s0 =	stileid.u32;
	[bflag:$0x2] =	sbarrier.arrive $0xFFFF  }
0xda: {  	p0 =	sne.s32 s0, $0x0;
	s0 =	rddreg [dreg:$0x2]  }
0xdb: {  	s0 =	sadd.s32 @!p0 $0x100000, s0  }
0xdc: {  	[sflag:s0] =	ssyncadd.tile.s32 @!p0 $0x1;
	_ =	shalt  }
.Lfunc_end2:
_tile_overlayer_lowered:
.L_overlay_start_2:
0xdd: {  	(tag) =	ssettag $0x2  }
0xde: {  	s0 =	rddreg [dreg:$0x0];
	s2 =	stileid.u32  }
0xdf: {  	s1 =	rddreg [dreg:$0x1];
	p0 =	sne.s32 s2, $0x0  }
0xe0: {  	s3 =	rddreg [dreg:$0x2];
	[bflag:$0x3] =	sbarrier.arrive $0xFFFF;
	s2 =	simm.s32 @!p0 $0x1C04  }
0xe1: {  	[timem:s3], [sflag:s2] =	dma.local @!p0 [hbm:s0], s1  }
0xe2: {  	s0 =	simm.s32 @!p0 $0x4  }
0xe3: {  	_ =	swait.ge @!p0 [sflag:s0], s1  }
0xe4: {  	s1 =	ssub.s32 @!p0 $0x0, s1;
	[sflag:s0] =	ssyncset.done @!p0 $0x0  }
0xe5: {  	[sflag:s0] =	ssyncadd.s32 @!p0 s1  }
0xe6: {  	[bflag:$0x3] =	sbarrier.arrive $0xFFFF  }
0xe7: {  	_ =	shalt  }

</sc_bundles>
